<compile_context>
chip_gen: v7x
topology: tpu7x:2x2x1
jax: 0.10.2.dev20260603
libtpu: 0.0.44.dev20260713+nightly
codegen_flags: <defaults>
</compile_context>

<pallas_src>
import functools

import jax
import jax.numpy as jnp
from jax import lax
from jax.experimental import pallas as pl
from jax.experimental.pallas import tpu as pltpu
from jax.experimental.pallas import tpu_sc as plsc

N = 10000
E = 320000
D = 128
H = 128
ID_DIM = 16
G = 64

NC = 2
NS = 16
NW = NC * NS

K = 80
NBUF = 4
SGC = 8
SG = 2 * (-(-E // (NW * K * SGC * 2)))
CH = SG * SGC
PT = CH * K
E_PAD = NW * PT
N_SP = 10112
ROWZ = N_SP // NS

_f32 = jnp.float32


def _sc_mesh():
    return plsc.VectorSubcoreMesh(
        core_axis_name="c", subcore_axis_name="s", num_cores=NC, num_subcores=NS
    )


@functools.partial(
    pl.kernel,
    out_type=jax.ShapeDtypeStruct((NC, N_SP, H), _f32),
    mesh=_sc_mesh(),
    scratch_types=[
        pltpu.VMEM((2, SGC, K), jnp.int32),
        pltpu.VMEM((2, SGC, K), jnp.int32),
        pltpu.VMEM((K, H), _f32),
        pltpu.VMEM((K, H), _f32),
        pltpu.VMEM((K, H), _f32),
        pltpu.VMEM((K, H), _f32),
        pltpu.VMEM_SHARED((N_SP, H), _f32),
        pltpu.SemaphoreType.DMA,
        pltpu.SemaphoreType.DMA,
        pltpu.SemaphoreType.DMA,
        pltpu.SemaphoreType.DMA,
        pltpu.SemaphoreType.DMA,
        pltpu.SemaphoreType.DMA,
    ],
)
def _sc_agg(z_hbm, sd_hbm, zeros_hbm, out_hbm,
            idx0, idx1, rv0, rv1, rv2, rv3, agg_sh, s0, s1, s2, s3, i0, i1):
    rows_v = (rv0, rv1, rv2, rv3)
    sems = (s0, s1, s2, s3)
    idx = (idx0, idx1)
    isems = (i0, i1)
    cid = lax.axis_index("c")
    sid = lax.axis_index("s")
    wid = cid * NS + sid
    pltpu.sync_copy(zeros_hbm, agg_sh.at[pl.ds(sid * ROWZ, ROWZ)])
    plsc.subcore_barrier()

    pltpu.async_copy(sd_hbm.at[wid, 0], idx0, i0).wait()
    for b in range(NBUF):
        pltpu.async_copy(z_hbm.at[idx0.at[0, b]], rows_v[b], sems[b])
    pltpu.async_copy(sd_hbm.at[wid, 1], idx1, i1)

    def window(i, carry):
        nxt = jnp.minimum(2 * i + 2, SG - 1)
        for half in range(2):
            cur = idx[half]
            oth = idx[1 - half]
            for c in range(SGC):
                b = c % NBUF
                pltpu.make_async_copy(
                    z_hbm.at[pl.ds(0, K)], rows_v[b], sems[b]).wait()
                pltpu.sync_copy(rows_v[b], agg_sh.at[cur.at[1, c]], add=True)
                if c + NBUF < SGC:
                    pltpu.async_copy(
                        z_hbm.at[cur.at[0, c + NBUF]], rows_v[b], sems[b])
                else:
                    cn = c + NBUF - SGC
                    if half == 0:
                        if cn == 0:
                            pltpu.make_async_copy(
                                sd_hbm.at[wid, 0], oth, isems[1]).wait()
                        pltpu.async_copy(
                            z_hbm.at[oth.at[0, cn]], rows_v[b], sems[b])
                    else:

                        @pl.when(i < SG // 2 - 1)
                        def _():
                            if cn == 0:
                                pltpu.make_async_copy(
                                    sd_hbm.at[wid, 0], oth, isems[0]).wait()
                            pltpu.async_copy(
                                z_hbm.at[oth.at[0, cn]], rows_v[b], sems[b])
            if half == 0:
                @pl.when(i < SG // 2 - 1)
                def _():
                    pltpu.async_copy(sd_hbm.at[wid, nxt], idx0, i0)

        @pl.when(i < SG // 2 - 1)
        def _():
            pltpu.async_copy(sd_hbm.at[wid, nxt + 1], idx1, i1)

        return carry

    lax.fori_loop(0, SG // 2, window, 0)
    plsc.subcore_barrier()
    pltpu.sync_copy(agg_sh.at[pl.ds(sid * ROWZ, ROWZ)],
                    out_hbm.at[cid, pl.ds(sid * ROWZ, ROWZ)])


def _mlp_bn(t, w2, b2, gamma, beta):
    h2 = jnp.dot(t, w2, preferred_element_type=_f32) + b2
    mean = jnp.mean(h2, axis=0, keepdims=True)
    cen = h2 - mean
    var = jnp.mean(cen * cen, axis=0, keepdims=True)
    return jnp.maximum(cen * lax.rsqrt(var + 1e-5) * gamma + beta, 0.0)


def _pool(h, bid):
    gid = lax.broadcasted_iota(jnp.int32, (G, N), 0)
    mask = (gid == bid).astype(_f32)
    return jnp.dot(mask, h, preferred_element_type=_f32,
                   precision=lax.Precision.HIGHEST)


def _layer0_body(x_ref, p_ref, b_ref, w1_ref, b1_ref, w2_ref, b2_ref,
                 g_ref, be_ref, h_ref, u16_ref, g_out_ref):
    pre = x_ref[...] + p_ref[0, :N] + p_ref[1, :N]
    t = jnp.maximum(jnp.dot(pre, w1_ref[...], preferred_element_type=_f32)
                    + b1_ref[...], 0.0)
    h = _mlp_bn(t, w2_ref[...], b2_ref[...], g_ref[...], be_ref[...])
    h_ref[...] = h
    u16_ref[...] = pre[:, :ID_DIM]
    g_out_ref[...] = _pool(h, b_ref[...])


_tc_layer0 = pl.pallas_call(
    _layer0_body,
    out_shape=(jax.ShapeDtypeStruct((N, H), _f32),
               jax.ShapeDtypeStruct((N, ID_DIM), _f32),
               jax.ShapeDtypeStruct((G, H), _f32)))


def _layer_body(u16_ref, h_ref, p_ref, b_ref, w1a_ref, w1b_ref, b1_ref,
                w2_ref, b2_ref, g_ref, be_ref, o_ref, g_out_ref):
    pre = h_ref[...] + p_ref[0, :N] + p_ref[1, :N]
    t = jnp.maximum(
        jnp.dot(u16_ref[...], w1a_ref[...], preferred_element_type=_f32)
        + jnp.dot(pre, w1b_ref[...], preferred_element_type=_f32)
        + b1_ref[...], 0.0)
    h = _mlp_bn(t, w2_ref[...], b2_ref[...], g_ref[...], be_ref[...])
    o_ref[...] = h
    g_out_ref[...] = _pool(h, b_ref[...])


_tc_layer = pl.pallas_call(
    _layer_body, out_shape=(jax.ShapeDtypeStruct((N, H), _f32),
                            jax.ShapeDtypeStruct((G, H), _f32)))


def kernel(x, edge_index, batch, params):
    src = edge_index[0]
    dst = edge_index[1]
    pad = jnp.arange(E_PAD - E, dtype=jnp.int32)
    src_p = jnp.concatenate([src, pad % N]).reshape(NW, SG, SGC, K)
    dst_p = jnp.concatenate([dst, pad % (N_SP - N) + N]).reshape(NW, SG, SGC, K)
    sd_p = jnp.stack([src_p, dst_p], axis=2)
    zeros = jnp.zeros((ROWZ, H), _f32)

    def vec(v):
        return v.reshape(1, H)

    bmat = batch.reshape(1, N)
    p = _sc_agg(x, sd_p, zeros)
    pm = params[0]
    h, u16, g = _tc_layer0(x, p, bmat, pm["W1"], vec(pm["b1"]), pm["W2"],
                           vec(pm["b2"]), vec(pm["gamma"]), vec(pm["beta"]))
    hs, gs = [h], [g]
    for l in (1, 2):
        p = _sc_agg(h, sd_p, zeros)
        pm = params[l]
        h, g = _tc_layer(u16, h, p, bmat, pm["W1"][:ID_DIM], pm["W1"][ID_DIM:],
                         vec(pm["b1"]), pm["W2"], vec(pm["b2"]),
                         vec(pm["gamma"]), vec(pm["beta"]))
        hs.append(h)
        gs.append(g)

    z_out = jnp.concatenate(hs, axis=1)
    g_out = jnp.concatenate(gs, axis=1)
    return (z_out, g_out)

# --- scband reference (transcript-rebuilt; emitter-appended) ---
"""Pipeline reference for scband-graph-gsn-6571299963189 (READ-ONLY COPY).

The authoritative reference and input builder live on the scoring server;
editing this copy changes nothing except your own understanding.
"""

import jax, jax.numpy as jnp
import numpy as np

N = 10000
E = 320000
D = 128
H = 128
ID_DIM = 16
L = 3
G = 64


def _make_params(key):
    params = []
    for i in range(L):
        din = D if i == 0 else H + ID_DIM
        k = jax.random.fold_in(key, 100 + i)
        kk = jax.random.split(k, 2)
        W1 = jax.random.normal(kk[0], (din, H), dtype=jnp.float32) / np.sqrt(din)
        b1 = jnp.zeros((H,), dtype=jnp.float32)
        W2 = jax.random.normal(kk[1], (H, H), dtype=jnp.float32) / np.sqrt(H)
        b2 = jnp.zeros((H,), dtype=jnp.float32)
        gamma = jnp.ones((H,), dtype=jnp.float32)
        beta = jnp.zeros((H,), dtype=jnp.float32)
        params.append({"W1": W1, "b1": b1, "W2": W2, "b2": b2, "gamma": gamma, "beta": beta})
    return params


def setup_inputs(seed: int = 0):
    key = jax.random.key(seed)
    kx, ke, kb = jax.random.split(key, 3)
    x = jax.random.normal(kx, (N, D), dtype=jnp.float32)
    edge_index = jax.random.randint(ke, (2, E), 0, N, dtype=jnp.int32)
    batch = jnp.sort(jax.random.randint(kb, (N,), 0, G, dtype=jnp.int32))
    params = _make_params(key)
    return {"x": x, "edge_index": edge_index, "batch": batch, "params": params}


def _gin_layer(z, edge_index, p):
    # GINConv with eps=0: h_i = MLP((1+eps)*z_i + sum_{j in N(i)} z_j)
    src = edge_index[0]
    dst = edge_index[1]
    agg = jax.ops.segment_sum(z[src], dst, num_segments=N)
    h = z + agg
    h = jnp.maximum(h @ p["W1"] + p["b1"], 0.0)
    h = h @ p["W2"] + p["b2"]
    # BatchNorm1d in training mode: batch statistics, biased variance
    mean = jnp.mean(h, axis=0)
    var = jnp.var(h, axis=0)
    h = (h - mean) / jnp.sqrt(var + 1e-5) * p["gamma"] + p["beta"]
    return jnp.maximum(h, 0.0)


def reference(x, edge_index, batch, params):
    z = x
    zs = []
    for i in range(L):
        if i != 0:
            z = jnp.concatenate([x[:, :ID_DIM], z], axis=1)
        z = _gin_layer(z, edge_index, params[i])
        zs.append(z)
    gs = [jax.ops.segment_sum(zz, batch, num_segments=G) for zz in zs]
    z_out = jnp.concatenate(zs, axis=1)
    g_out = jnp.concatenate(gs, axis=1)
    return (z_out, g_out)

if __name__ == "__main__":
    import jax
    _d = setup_inputs()
    print(jax.jit(kernel)(*tuple(_d.values())))

</pallas_src>

<mosaic_0001>
#map = affine_map<(d0, d1) -> (0, 0)>
#map1 = affine_map<(d0, d1) -> (0, 0, 0, 0, 0)>
#map2 = affine_map<(d0, d1) -> (0, 0, 0)>
module attributes {stable_mosaic.version = 14 : i64} {
  func.func @_sc_agg(%arg0: i32, %arg1: i32, %arg2: memref<10000x128xf32, #tpu.memory_space<hbm>>, %arg3: memref<32x16x2x8x80xi32, #tpu.memory_space<hbm>>, %arg4: memref<632x128xf32, #tpu.memory_space<hbm>>, %arg5: memref<2x10112x128xf32, #tpu.memory_space<hbm>>, %arg6: memref<2x8x80xi32, #tpu.memory_space<vmem>>, %arg7: memref<2x8x80xi32, #tpu.memory_space<vmem>>, %arg8: memref<80x128xf32, #tpu.memory_space<vmem>>, %arg9: memref<80x128xf32, #tpu.memory_space<vmem>>, %arg10: memref<80x128xf32, #tpu.memory_space<vmem>>, %arg11: memref<80x128xf32, #tpu.memory_space<vmem>>, %arg12: memref<10112x128xf32, #tpu.memory_space<vmem_shared>>, %arg13: memref<!tpu.dma_semaphore, #tpu.memory_space<semaphore_mem>>, %arg14: memref<!tpu.dma_semaphore, #tpu.memory_space<semaphore_mem>>, %arg15: memref<!tpu.dma_semaphore, #tpu.memory_space<semaphore_mem>>, %arg16: memref<!tpu.dma_semaphore, #tpu.memory_space<semaphore_mem>>, %arg17: memref<!tpu.dma_semaphore, #tpu.memory_space<semaphore_mem>>, %arg18: memref<!tpu.dma_semaphore, #tpu.memory_space<semaphore_mem>>) attributes {dimension_semantics = [#tpu.dimension_semantics<core_parallel>, #tpu.dimension_semantics<subcore_parallel>], iteration_bounds = array<i64: 2, 16>, scalar_prefetch = 0 : i64, scratch_operands = 13 : i64, tpu.core_type = #tpu.core_type<sc_vector_subcore>, window_params = [{transform_indices = #map}, {transform_indices = #map1}, {transform_indices = #map}, {transform_indices = #map2}]} {
    %mul3A = arith.constant 16 : i32
    %mul3A_0 = arith.muli %arg0, %mul3A : i32
    %add3A = arith.addi %mul3A_0, %arg1 : i32
    %mul3A_1 = arith.constant 632 : i32
    %mul3A_2 = arith.muli %arg1, %mul3A_1 : i32
    "tpu.region"() ({
      %run_scoped3A = tpu.sem_alloc : memref<!tpu.dma_semaphore, #tpu.memory_space<semaphore_mem>>
      %dma_start3A_76 = arith.constant 0 : i32
      %dma_start3A_77 = tpu.memref_slice %arg12[%mul3A_2, %dma_start3A_76] : memref<10112x128xf32, #tpu.memory_space<vmem_shared>> -> memref<632x128xf32, #tpu.memory_space<vmem_shared>>
      tpu.enqueue_dma source(%arg4 : memref<632x128xf32, #tpu.memory_space<hbm>>) target(%dma_start3A_77 : memref<632x128xf32, #tpu.memory_space<vmem_shared>>) target_semaphore(%run_scoped3A : memref<!tpu.dma_semaphore, #tpu.memory_space<semaphore_mem>>)
      %dma_wait3A_78 = arith.constant 0 : i32
      %dma_wait3A_79 = tpu.memref_slice %arg12[%mul3A_2, %dma_wait3A_78] : memref<10112x128xf32, #tpu.memory_space<vmem_shared>> -> memref<632x128xf32, #tpu.memory_space<vmem_shared>>
      tpu.wait_dma2 semaphore(%run_scoped3A : memref<!tpu.dma_semaphore, #tpu.memory_space<semaphore_mem>>) src(%arg4 : memref<632x128xf32, #tpu.memory_space<hbm>>) dst(%dma_wait3A_79 : memref<632x128xf32, #tpu.memory_space<vmem_shared>>)
      tpu.yield
    }) : () -> ()
    %barrier3A = arith.constant 0 : index
    tpu.barrier barrier_id(%barrier3A)
    %dma_start3A = arith.constant 0 : i32
    %dma_start3A_3 = arith.constant 0 : i32
    %dma_start3A_4 = arith.constant 0 : i32
    %dma_start3A_5 = arith.constant 0 : i32
    %dma_start3A_6 = tpu.memref_slice %arg3[%add3A, %dma_start3A, %dma_start3A_3, %dma_start3A_4, %dma_start3A_5] : memref<32x16x2x8x80xi32, #tpu.memory_space<hbm>> -> memref<1x1x2x8x80xi32, #tpu.memory_space<hbm>>
    %dma_start3A_7 = tpu.memref_squeeze %dma_start3A_6 : memref<1x1x2x8x80xi32, #tpu.memory_space<hbm>> -> memref<2x8x80xi32, #tpu.memory_space<hbm>>
    %dma_start3A_8 = arith.constant 0 : i32
    %dma_start3A_9 = arith.constant 0 : i32
    %dma_start3A_10 = arith.constant 0 : i32
    %dma_start3A_11 = tpu.memref_slice %arg3[%add3A, %dma_start3A, %dma_start3A_8, %dma_start3A_9, %dma_start3A_10] : memref<32x16x2x8x80xi32, #tpu.memory_space<hbm>> -> memref<1x1x2x8x80xi32, #tpu.memory_space<hbm>>
    %dma_start3A_12 = tpu.memref_squeeze %dma_start3A_11 : memref<1x1x2x8x80xi32, #tpu.memory_space<hbm>> -> memref<2x8x80xi32, #tpu.memory_space<hbm>>
    tpu.enqueue_dma source(%dma_start3A_12 : memref<2x8x80xi32, #tpu.memory_space<hbm>>) target(%arg6 : memref<2x8x80xi32, #tpu.memory_space<vmem>>) target_semaphore(%arg17 : memref<!tpu.dma_semaphore, #tpu.memory_space<semaphore_mem>>)
    %dma_wait3A = arith.constant 0 : i32
    %dma_wait3A_13 = arith.constant 0 : i32
    %dma_wait3A_14 = arith.constant 0 : i32
    %dma_wait3A_15 = arith.constant 0 : i32
    %dma_wait3A_16 = tpu.memref_slice %arg3[%add3A, %dma_wait3A, %dma_wait3A_13, %dma_wait3A_14, %dma_wait3A_15] : memref<32x16x2x8x80xi32, #tpu.memory_space<hbm>> -> memref<1x1x2x8x80xi32, #tpu.memory_space<hbm>>
    %dma_wait3A_17 = tpu.memref_squeeze %dma_wait3A_16 : memref<1x1x2x8x80xi32, #tpu.memory_space<hbm>> -> memref<2x8x80xi32, #tpu.memory_space<hbm>>
    %dma_wait3A_18 = arith.constant 0 : i32
    %dma_wait3A_19 = arith.constant 0 : i32
    %dma_wait3A_20 = arith.constant 0 : i32
    %dma_wait3A_21 = tpu.memref_slice %arg3[%add3A, %dma_wait3A, %dma_wait3A_18, %dma_wait3A_19, %dma_wait3A_20] : memref<32x16x2x8x80xi32, #tpu.memory_space<hbm>> -> memref<1x1x2x8x80xi32, #tpu.memory_space<hbm>>
    %dma_wait3A_22 = tpu.memref_squeeze %dma_wait3A_21 : memref<1x1x2x8x80xi32, #tpu.memory_space<hbm>> -> memref<2x8x80xi32, #tpu.memory_space<hbm>>
    tpu.wait_dma2 semaphore(%arg17 : memref<!tpu.dma_semaphore, #tpu.memory_space<semaphore_mem>>) src(%dma_wait3A_22 : memref<2x8x80xi32, #tpu.memory_space<hbm>>) dst(%arg6 : memref<2x8x80xi32, #tpu.memory_space<vmem>>)
    %dma_start3A_23 = arith.constant 0 : i32
    %dma_start3A_24 = arith.constant 0 : i32
    %dma_start3A_25 = arith.constant 0 : i32
    %dma_start3A_26 = tpu.memref_slice %arg6[%dma_start3A_23, %dma_start3A_24, %dma_start3A_25] : memref<2x8x80xi32, #tpu.memory_space<vmem>> -> memref<1x1x80xi32, #tpu.memory_space<vmem>>
    %dma_start3A_27 = tpu.memref_squeeze %dma_start3A_26 : memref<1x1x80xi32, #tpu.memory_space<vmem>> -> memref<80xi32, #tpu.memory_space<vmem>>
    %dma_start3A_28 = arith.constant 0 : i32
    %dma_start3A_29 = arith.constant 0 : i32
    %dma_start3A_30 = tpu.memref_slice %arg2[%dma_start3A_28, %dma_start3A_29] : memref<10000x128xf32, #tpu.memory_space<hbm>> -> memref<10000x128xf32, #tpu.memory_space<hbm>>
    tpu.enqueue_indirect_dma source(%dma_start3A_30 : memref<10000x128xf32, #tpu.memory_space<hbm>>) target(%arg8 : memref<80x128xf32, #tpu.memory_space<vmem>>) offsets(%dma_start3A_27 : memref<80xi32, #tpu.memory_space<vmem>>) semaphore(%arg13 : memref<!tpu.dma_semaphore, #tpu.memory_space<semaphore_mem>>)
    %dma_start3A_31 = arith.constant 0 : i32
    %dma_start3A_32 = arith.constant 1 : i32
    %dma_start3A_33 = arith.constant 0 : i32
    %dma_start3A_34 = tpu.memref_slice %arg6[%dma_start3A_31, %dma_start3A_32, %dma_start3A_33] : memref<2x8x80xi32, #tpu.memory_space<vmem>> -> memref<1x1x80xi32, #tpu.memory_space<vmem>>
    %dma_start3A_35 = tpu.memref_squeeze %dma_start3A_34 : memref<1x1x80xi32, #tpu.memory_space<vmem>> -> memref<80xi32, #tpu.memory_space<vmem>>
    %dma_start3A_36 = arith.constant 0 : i32
    %dma_start3A_37 = arith.constant 0 : i32
    %dma_start3A_38 = tpu.memref_slice %arg2[%dma_start3A_36, %dma_start3A_37] : memref<10000x128xf32, #tpu.memory_space<hbm>> -> memref<10000x128xf32, #tpu.memory_space<hbm>>
    tpu.enqueue_indirect_dma source(%dma_start3A_38 : memref<10000x128xf32, #tpu.memory_space<hbm>>) target(%arg9 : memref<80x128xf32, #tpu.memory_space<vmem>>) offsets(%dma_start3A_35 : memref<80xi32, #tpu.memory_space<vmem>>) semaphore(%arg14 : memref<!tpu.dma_semaphore, #tpu.memory_space<semaphore_mem>>)
    %dma_start3A_39 = arith.constant 0 : i32
    %dma_start3A_40 = arith.constant 2 : i32
    %dma_start3A_41 = arith.constant 0 : i32
    %dma_start3A_42 = tpu.memref_slice %arg6[%dma_start3A_39, %dma_start3A_40, %dma_start3A_41] : memref<2x8x80xi32, #tpu.memory_space<vmem>> -> memref<1x1x80xi32, #tpu.memory_space<vmem>>
    %dma_start3A_43 = tpu.memref_squeeze %dma_start3A_42 : memref<1x1x80xi32, #tpu.memory_space<vmem>> -> memref<80xi32, #tpu.memory_space<vmem>>
    %dma_start3A_44 = arith.constant 0 : i32
    %dma_start3A_45 = arith.constant 0 : i32
    %dma_start3A_46 = tpu.memref_slice %arg2[%dma_start3A_44, %dma_start3A_45] : memref<10000x128xf32, #tpu.memory_space<hbm>> -> memref<10000x128xf32, #tpu.memory_space<hbm>>
    tpu.enqueue_indirect_dma source(%dma_start3A_46 : memref<10000x128xf32, #tpu.memory_space<hbm>>) target(%arg10 : memref<80x128xf32, #tpu.memory_space<vmem>>) offsets(%dma_start3A_43 : memref<80xi32, #tpu.memory_space<vmem>>) semaphore(%arg15 : memref<!tpu.dma_semaphore, #tpu.memory_space<semaphore_mem>>)
    %dma_start3A_47 = arith.constant 0 : i32
    %dma_start3A_48 = arith.constant 3 : i32
    %dma_start3A_49 = arith.constant 0 : i32
    %dma_start3A_50 = tpu.memref_slice %arg6[%dma_start3A_47, %dma_start3A_48, %dma_start3A_49] : memref<2x8x80xi32, #tpu.memory_space<vmem>> -> memref<1x1x80xi32, #tpu.memory_space<vmem>>
    %dma_start3A_51 = tpu.memref_squeeze %dma_start3A_50 : memref<1x1x80xi32, #tpu.memory_space<vmem>> -> memref<80xi32, #tpu.memory_space<vmem>>
    %dma_start3A_52 = arith.constant 0 : i32
    %dma_start3A_53 = arith.constant 0 : i32
    %dma_start3A_54 = tpu.memref_slice %arg2[%dma_start3A_52, %dma_start3A_53] : memref<10000x128xf32, #tpu.memory_space<hbm>> -> memref<10000x128xf32, #tpu.memory_space<hbm>>
    tpu.enqueue_indirect_dma source(%dma_start3A_54 : memref<10000x128xf32, #tpu.memory_space<hbm>>) target(%arg11 : memref<80x128xf32, #tpu.memory_space<vmem>>) offsets(%dma_start3A_51 : memref<80xi32, #tpu.memory_space<vmem>>) semaphore(%arg16 : memref<!tpu.dma_semaphore, #tpu.memory_space<semaphore_mem>>)
    %dma_start3A_55 = arith.constant 1 : i32
    %dma_start3A_56 = arith.constant 0 : i32
    %dma_start3A_57 = arith.constant 0 : i32
    %dma_start3A_58 = arith.constant 0 : i32
    %dma_start3A_59 = tpu.memref_slice %arg3[%add3A, %dma_start3A_55, %dma_start3A_56, %dma_start3A_57, %dma_start3A_58] : memref<32x16x2x8x80xi32, #tpu.memory_space<hbm>> -> memref<1x1x2x8x80xi32, #tpu.memory_space<hbm>>
    %dma_start3A_60 = tpu.memref_squeeze %dma_start3A_59 : memref<1x1x2x8x80xi32, #tpu.memory_space<hbm>> -> memref<2x8x80xi32, #tpu.memory_space<hbm>>
    %dma_start3A_61 = arith.constant 0 : i32
    %dma_start3A_62 = arith.constant 0 : i32
    %dma_start3A_63 = arith.constant 0 : i32
    %dma_start3A_64 = tpu.memref_slice %arg3[%add3A, %dma_start3A_55, %dma_start3A_61, %dma_start3A_62, %dma_start3A_63] : memref<32x16x2x8x80xi32, #tpu.memory_space<hbm>> -> memref<1x1x2x8x80xi32, #tpu.memory_space<hbm>>
    %dma_start3A_65 = tpu.memref_squeeze %dma_start3A_64 : memref<1x1x2x8x80xi32, #tpu.memory_space<hbm>> -> memref<2x8x80xi32, #tpu.memory_space<hbm>>
    tpu.enqueue_dma source(%dma_start3A_65 : memref<2x8x80xi32, #tpu.memory_space<hbm>>) target(%arg7 : memref<2x8x80xi32, #tpu.memory_space<vmem>>) target_semaphore(%arg18 : memref<!tpu.dma_semaphore, #tpu.memory_space<semaphore_mem>>)
    %scan3A = arith.constant 0 : i32
    %scan3A_66 = arith.constant 0 : i32
    %scan3A_67 = arith.constant 8 : i32
    %scan3A_68 = arith.addi %scan3A_66, %scan3A_67 : i32
    %scan3A_69 = arith.constant 1 : i32
    scf.for %scan3A_76 = %scan3A_66 to %scan3A_68 step %scan3A_69  : i32 {
      %mul3A_77 = arith.constant 2 : i32
      %mul3A_78 = arith.muli %mul3A_77, %scan3A_76 : i32
      %add3A_79 = arith.constant 2 : i32
      %add3A_80 = arith.addi %mul3A_78, %add3A_79 : i32
      %min3A = arith.constant 15 : i32
      %min3A_81 = arith.minsi %add3A_80, %min3A : i32
      %dma_wait3A_82 = arith.constant 0 : i32
      %dma_wait3A_83 = arith.constant 0 : i32
      %dma_wait3A_84 = tpu.memref_slice %arg2[%dma_wait3A_82, %dma_wait3A_83] : memref<10000x128xf32, #tpu.memory_space<hbm>> -> memref<80x128xf32, #tpu.memory_space<hbm>>
      %dma_wait3A_85 = arith.constant 0 : i32
      %dma_wait3A_86 = arith.constant 0 : i32
      %dma_wait3A_87 = tpu.memref_slice %arg2[%dma_wait3A_85, %dma_wait3A_86] : memref<10000x128xf32, #tpu.memory_space<hbm>> -> memref<80x128xf32, #tpu.memory_space<hbm>>
      tpu.wait_dma2 semaphore(%arg13 : memref<!tpu.dma_semaphore, #tpu.memory_space<semaphore_mem>>) src(%dma_wait3A_87 : memref<80x128xf32, #tpu.memory_space<hbm>>) dst(%arg8 : memref<80x128xf32, #tpu.memory_space<vmem>>)
      %run_scoped3A = arith.constant 1 : i32
      %run_scoped3A_88 = arith.constant 0 : i32
      "tpu.region"() ({
        %run_scoped3A_343 = tpu.sem_alloc : memref<!tpu.dma_semaphore, #tpu.memory_space<semaphore_mem>>
        %dma_start3A_344 = arith.constant 0 : i32
        %dma_start3A_345 = tpu.memref_slice %arg6[%run_scoped3A, %run_scoped3A_88, %dma_start3A_344] : memref<2x8x80xi32, #tpu.memory_space<vmem>> -> memref<1x1x80xi32, #tpu.memory_space<vmem>>
        %dma_start3A_346 = tpu.memref_squeeze %dma_start3A_345 : memref<1x1x80xi32, #tpu.memory_space<vmem>> -> memref<80xi32, #tpu.memory_space<vmem>>
        %dma_start3A_347 = arith.constant 0 : i32
        %dma_start3A_348 = arith.constant 0 : i32
        %dma_start3A_349 = tpu.memref_slice %arg12[%dma_start3A_347, %dma_start3A_348] : memref<10112x128xf32, #tpu.memory_space<vmem_shared>> -> memref<10112x128xf32, #tpu.memory_space<vmem_shared>>
        tpu.enqueue_indirect_dma source(%arg8 : memref<80x128xf32, #tpu.memory_space<vmem>>) target(%dma_start3A_349 : memref<10112x128xf32, #tpu.memory_space<vmem_shared>>) offsets(%dma_start3A_346 : memref<80xi32, #tpu.memory_space<vmem>>) semaphore(%run_scoped3A_343 : memref<!tpu.dma_semaphore, #tpu.memory_space<semaphore_mem>>) {add = true}
        %dma_wait3A_350 = arith.constant 0 : i32
        %dma_wait3A_351 = tpu.memref_slice %arg6[%run_scoped3A, %run_scoped3A_88, %dma_wait3A_350] : memref<2x8x80xi32, #tpu.memory_space<vmem>> -> memref<1x1x80xi32, #tpu.memory_space<vmem>>
        %dma_wait3A_352 = tpu.memref_squeeze %dma_wait3A_351 : memref<1x1x80xi32, #tpu.memory_space<vmem>> -> memref<80xi32, #tpu.memory_space<vmem>>
        %dma_wait3A_353 = arith.constant 0 : i32
        %dma_wait3A_354 = arith.constant 0 : i32
        %dma_wait3A_355 = tpu.memref_slice %arg12[%dma_wait3A_353, %dma_wait3A_354] : memref<10112x128xf32, #tpu.memory_space<vmem_shared>> -> memref<10112x128xf32, #tpu.memory_space<vmem_shared>>
        tpu.wait_indirect_dma semaphore(%run_scoped3A_343 : memref<!tpu.dma_semaphore, #tpu.memory_space<semaphore_mem>>) src(%arg8 : memref<80x128xf32, #tpu.memory_space<vmem>>) dst(%dma_wait3A_355 : memref<10112x128xf32, #tpu.memory_space<vmem_shared>>)
        tpu.yield
      }) : () -> ()
      %dma_start3A_89 = arith.constant 0 : i32
      %dma_start3A_90 = arith.constant 4 : i32
      %dma_start3A_91 = arith.constant 0 : i32
      %dma_start3A_92 = tpu.memref_slice %arg6[%dma_start3A_89, %dma_start3A_90, %dma_start3A_91] : memref<2x8x80xi32, #tpu.memory_space<vmem>> -> memref<1x1x80xi32, #tpu.memory_space<vmem>>
      %dma_start3A_93 = tpu.memref_squeeze %dma_start3A_92 : memref<1x1x80xi32, #tpu.memory_space<vmem>> -> memref<80xi32, #tpu.memory_space<vmem>>
      %dma_start3A_94 = arith.constant 0 : i32
      %dma_start3A_95 = arith.constant 0 : i32
      %dma_start3A_96 = tpu.memref_slice %arg2[%dma_start3A_94, %dma_start3A_95] : memref<10000x128xf32, #tpu.memory_space<hbm>> -> memref<10000x128xf32, #tpu.memory_space<hbm>>
      tpu.enqueue_indirect_dma source(%dma_start3A_96 : memref<10000x128xf32, #tpu.memory_space<hbm>>) target(%arg8 : memref<80x128xf32, #tpu.memory_space<vmem>>) offsets(%dma_start3A_93 : memref<80xi32, #tpu.memory_space<vmem>>) semaphore(%arg13 : memref<!tpu.dma_semaphore, #tpu.memory_space<semaphore_mem>>)
      %dma_wait3A_97 = arith.constant 0 : i32
      %dma_wait3A_98 = arith.constant 0 : i32
      %dma_wait3A_99 = tpu.memref_slice %arg2[%dma_wait3A_97, %dma_wait3A_98] : memref<10000x128xf32, #tpu.memory_space<hbm>> -> memref<80x128xf32, #tpu.memory_space<hbm>>
      %dma_wait3A_100 = arith.constant 0 : i32
      %dma_wait3A_101 = arith.constant 0 : i32
      %dma_wait3A_102 = tpu.memref_slice %arg2[%dma_wait3A_100, %dma_wait3A_101] : memref<10000x128xf32, #tpu.memory_space<hbm>> -> memref<80x128xf32, #tpu.memory_space<hbm>>
      tpu.wait_dma2 semaphore(%arg14 : memref<!tpu.dma_semaphore, #tpu.memory_space<semaphore_mem>>) src(%dma_wait3A_102 : memref<80x128xf32, #tpu.memory_space<hbm>>) dst(%arg9 : memref<80x128xf32, #tpu.memory_space<vmem>>)
      %run_scoped3A_103 = arith.constant 1 : i32
      %run_scoped3A_104 = arith.constant 1 : i32
      "tpu.region"() ({
        %run_scoped3A_343 = tpu.sem_alloc : memref<!tpu.dma_semaphore, #tpu.memory_space<semaphore_mem>>
        %dma_start3A_344 = arith.constant 0 : i32
        %dma_start3A_345 = tpu.memref_slice %arg6[%run_scoped3A_103, %run_scoped3A_104, %dma_start3A_344] : memref<2x8x80xi32, #tpu.memory_space<vmem>> -> memref<1x1x80xi32, #tpu.memory_space<vmem>>
        %dma_start3A_346 = tpu.memref_squeeze %dma_start3A_345 : memref<1x1x80xi32, #tpu.memory_space<vmem>> -> memref<80xi32, #tpu.memory_space<vmem>>
        %dma_start3A_347 = arith.constant 0 : i32
        %dma_start3A_348 = arith.constant 0 : i32
        %dma_start3A_349 = tpu.memref_slice %arg12[%dma_start3A_347, %dma_start3A_348] : memref<10112x128xf32, #tpu.memory_space<vmem_shared>> -> memref<10112x128xf32, #tpu.memory_space<vmem_shared>>
        tpu.enqueue_indirect_dma source(%arg9 : memref<80x128xf32, #tpu.memory_space<vmem>>) target(%dma_start3A_349 : memref<10112x128xf32, #tpu.memory_space<vmem_shared>>) offsets(%dma_start3A_346 : memref<80xi32, #tpu.memory_space<vmem>>) semaphore(%run_scoped3A_343 : memref<!tpu.dma_semaphore, #tpu.memory_space<semaphore_mem>>) {add = true}
        %dma_wait3A_350 = arith.constant 0 : i32
        %dma_wait3A_351 = tpu.memref_slice %arg6[%run_scoped3A_103, %run_scoped3A_104, %dma_wait3A_350] : memref<2x8x80xi32, #tpu.memory_space<vmem>> -> memref<1x1x80xi32, #tpu.memory_space<vmem>>
        %dma_wait3A_352 = tpu.memref_squeeze %dma_wait3A_351 : memref<1x1x80xi32, #tpu.memory_space<vmem>> -> memref<80xi32, #tpu.memory_space<vmem>>
        %dma_wait3A_353 = arith.constant 0 : i32
        %dma_wait3A_354 = arith.constant 0 : i32
        %dma_wait3A_355 = tpu.memref_slice %arg12[%dma_wait3A_353, %dma_wait3A_354] : memref<10112x128xf32, #tpu.memory_space<vmem_shared>> -> memref<10112x128xf32, #tpu.memory_space<vmem_shared>>
        tpu.wait_indirect_dma semaphore(%run_scoped3A_343 : memref<!tpu.dma_semaphore, #tpu.memory_space<semaphore_mem>>) src(%arg9 : memref<80x128xf32, #tpu.memory_space<vmem>>) dst(%dma_wait3A_355 : memref<10112x128xf32, #tpu.memory_space<vmem_shared>>)
        tpu.yield
      }) : () -> ()
      %dma_start3A_105 = arith.constant 0 : i32
      %dma_start3A_106 = arith.constant 5 : i32
      %dma_start3A_107 = arith.constant 0 : i32
      %dma_start3A_108 = tpu.memref_slice %arg6[%dma_start3A_105, %dma_start3A_106, %dma_start3A_107] : memref<2x8x80xi32, #tpu.memory_space<vmem>> -> memref<1x1x80xi32, #tpu.memory_space<vmem>>
      %dma_start3A_109 = tpu.memref_squeeze %dma_start3A_108 : memref<1x1x80xi32, #tpu.memory_space<vmem>> -> memref<80xi32, #tpu.memory_space<vmem>>
      %dma_start3A_110 = arith.constant 0 : i32
      %dma_start3A_111 = arith.constant 0 : i32
      %dma_start3A_112 = tpu.memref_slice %arg2[%dma_start3A_110, %dma_start3A_111] : memref<10000x128xf32, #tpu.memory_space<hbm>> -> memref<10000x128xf32, #tpu.memory_space<hbm>>
      tpu.enqueue_indirect_dma source(%dma_start3A_112 : memref<10000x128xf32, #tpu.memory_space<hbm>>) target(%arg9 : memref<80x128xf32, #tpu.memory_space<vmem>>) offsets(%dma_start3A_109 : memref<80xi32, #tpu.memory_space<vmem>>) semaphore(%arg14 : memref<!tpu.dma_semaphore, #tpu.memory_space<semaphore_mem>>)
      %dma_wait3A_113 = arith.constant 0 : i32
      %dma_wait3A_114 = arith.constant 0 : i32
      %dma_wait3A_115 = tpu.memref_slice %arg2[%dma_wait3A_113, %dma_wait3A_114] : memref<10000x128xf32, #tpu.memory_space<hbm>> -> memref<80x128xf32, #tpu.memory_space<hbm>>
      %dma_wait3A_116 = arith.constant 0 : i32
      %dma_wait3A_117 = arith.constant 0 : i32
      %dma_wait3A_118 = tpu.memref_slice %arg2[%dma_wait3A_116, %dma_wait3A_117] : memref<10000x128xf32, #tpu.memory_space<hbm>> -> memref<80x128xf32, #tpu.memory_space<hbm>>
      tpu.wait_dma2 semaphore(%arg15 : memref<!tpu.dma_semaphore, #tpu.memory_space<semaphore_mem>>) src(%dma_wait3A_118 : memref<80x128xf32, #tpu.memory_space<hbm>>) dst(%arg10 : memref<80x128xf32, #tpu.memory_space<vmem>>)
      %run_scoped3A_119 = arith.constant 1 : i32
      %run_scoped3A_120 = arith.constant 2 : i32
      "tpu.region"() ({
        %run_scoped3A_343 = tpu.sem_alloc : memref<!tpu.dma_semaphore, #tpu.memory_space<semaphore_mem>>
        %dma_start3A_344 = arith.constant 0 : i32
        %dma_start3A_345 = tpu.memref_slice %arg6[%run_scoped3A_119, %run_scoped3A_120, %dma_start3A_344] : memref<2x8x80xi32, #tpu.memory_space<vmem>> -> memref<1x1x80xi32, #tpu.memory_space<vmem>>
        %dma_start3A_346 = tpu.memref_squeeze %dma_start3A_345 : memref<1x1x80xi32, #tpu.memory_space<vmem>> -> memref<80xi32, #tpu.memory_space<vmem>>
        %dma_start3A_347 = arith.constant 0 : i32
        %dma_start3A_348 = arith.constant 0 : i32
        %dma_start3A_349 = tpu.memref_slice %arg12[%dma_start3A_347, %dma_start3A_348] : memref<10112x128xf32, #tpu.memory_space<vmem_shared>> -> memref<10112x128xf32, #tpu.memory_space<vmem_shared>>
        tpu.enqueue_indirect_dma source(%arg10 : memref<80x128xf32, #tpu.memory_space<vmem>>) target(%dma_start3A_349 : memref<10112x128xf32, #tpu.memory_space<vmem_shared>>) offsets(%dma_start3A_346 : memref<80xi32, #tpu.memory_space<vmem>>) semaphore(%run_scoped3A_343 : memref<!tpu.dma_semaphore, #tpu.memory_space<semaphore_mem>>) {add = true}
        %dma_wait3A_350 = arith.constant 0 : i32
        %dma_wait3A_351 = tpu.memref_slice %arg6[%run_scoped3A_119, %run_scoped3A_120, %dma_wait3A_350] : memref<2x8x80xi32, #tpu.memory_space<vmem>> -> memref<1x1x80xi32, #tpu.memory_space<vmem>>
        %dma_wait3A_352 = tpu.memref_squeeze %dma_wait3A_351 : memref<1x1x80xi32, #tpu.memory_space<vmem>> -> memref<80xi32, #tpu.memory_space<vmem>>
        %dma_wait3A_353 = arith.constant 0 : i32
        %dma_wait3A_354 = arith.constant 0 : i32
        %dma_wait3A_355 = tpu.memref_slice %arg12[%dma_wait3A_353, %dma_wait3A_354] : memref<10112x128xf32, #tpu.memory_space<vmem_shared>> -> memref<10112x128xf32, #tpu.memory_space<vmem_shared>>
        tpu.wait_indirect_dma semaphore(%run_scoped3A_343 : memref<!tpu.dma_semaphore, #tpu.memory_space<semaphore_mem>>) src(%arg10 : memref<80x128xf32, #tpu.memory_space<vmem>>) dst(%dma_wait3A_355 : memref<10112x128xf32, #tpu.memory_space<vmem_shared>>)
        tpu.yield
      }) : () -> ()
      %dma_start3A_121 = arith.constant 0 : i32
      %dma_start3A_122 = arith.constant 6 : i32
      %dma_start3A_123 = arith.constant 0 : i32
      %dma_start3A_124 = tpu.memref_slice %arg6[%dma_start3A_121, %dma_start3A_122, %dma_start3A_123] : memref<2x8x80xi32, #tpu.memory_space<vmem>> -> memref<1x1x80xi32, #tpu.memory_space<vmem>>
      %dma_start3A_125 = tpu.memref_squeeze %dma_start3A_124 : memref<1x1x80xi32, #tpu.memory_space<vmem>> -> memref<80xi32, #tpu.memory_space<vmem>>
      %dma_start3A_126 = arith.constant 0 : i32
      %dma_start3A_127 = arith.constant 0 : i32
      %dma_start3A_128 = tpu.memref_slice %arg2[%dma_start3A_126, %dma_start3A_127] : memref<10000x128xf32, #tpu.memory_space<hbm>> -> memref<10000x128xf32, #tpu.memory_space<hbm>>
      tpu.enqueue_indirect_dma source(%dma_start3A_128 : memref<10000x128xf32, #tpu.memory_space<hbm>>) target(%arg10 : memref<80x128xf32, #tpu.memory_space<vmem>>) offsets(%dma_start3A_125 : memref<80xi32, #tpu.memory_space<vmem>>) semaphore(%arg15 : memref<!tpu.dma_semaphore, #tpu.memory_space<semaphore_mem>>)
      %dma_wait3A_129 = arith.constant 0 : i32
      %dma_wait3A_130 = arith.constant 0 : i32
      %dma_wait3A_131 = tpu.memref_slice %arg2[%dma_wait3A_129, %dma_wait3A_130] : memref<10000x128xf32, #tpu.memory_space<hbm>> -> memref<80x128xf32, #tpu.memory_space<hbm>>
      %dma_wait3A_132 = arith.constant 0 : i32
      %dma_wait3A_133 = arith.constant 0 : i32
      %dma_wait3A_134 = tpu.memref_slice %arg2[%dma_wait3A_132, %dma_wait3A_133] : memref<10000x128xf32, #tpu.memory_space<hbm>> -> memref<80x128xf32, #tpu.memory_space<hbm>>
      tpu.wait_dma2 semaphore(%arg16 : memref<!tpu.dma_semaphore, #tpu.memory_space<semaphore_mem>>) src(%dma_wait3A_134 : memref<80x128xf32, #tpu.memory_space<hbm>>) dst(%arg11 : memref<80x128xf32, #tpu.memory_space<vmem>>)
      %run_scoped3A_135 = arith.constant 1 : i32
      %run_scoped3A_136 = arith.constant 3 : i32
      "tpu.region"() ({
        %run_scoped3A_343 = tpu.sem_alloc : memref<!tpu.dma_semaphore, #tpu.memory_space<semaphore_mem>>
        %dma_start3A_344 = arith.constant 0 : i32
        %dma_start3A_345 = tpu.memref_slice %arg6[%run_scoped3A_135, %run_scoped3A_136, %dma_start3A_344] : memref<2x8x80xi32, #tpu.memory_space<vmem>> -> memref<1x1x80xi32, #tpu.memory_space<vmem>>
        %dma_start3A_346 = tpu.memref_squeeze %dma_start3A_345 : memref<1x1x80xi32, #tpu.memory_space<vmem>> -> memref<80xi32, #tpu.memory_space<vmem>>
        %dma_start3A_347 = arith.constant 0 : i32
        %dma_start3A_348 = arith.constant 0 : i32
        %dma_start3A_349 = tpu.memref_slice %arg12[%dma_start3A_347, %dma_start3A_348] : memref<10112x128xf32, #tpu.memory_space<vmem_shared>> -> memref<10112x128xf32, #tpu.memory_space<vmem_shared>>
        tpu.enqueue_indirect_dma source(%arg11 : memref<80x128xf32, #tpu.memory_space<vmem>>) target(%dma_start3A_349 : memref<10112x128xf32, #tpu.memory_space<vmem_shared>>) offsets(%dma_start3A_346 : memref<80xi32, #tpu.memory_space<vmem>>) semaphore(%run_scoped3A_343 : memref<!tpu.dma_semaphore, #tpu.memory_space<semaphore_mem>>) {add = true}
        %dma_wait3A_350 = arith.constant 0 : i32
        %dma_wait3A_351 = tpu.memref_slice %arg6[%run_scoped3A_135, %run_scoped3A_136, %dma_wait3A_350] : memref<2x8x80xi32, #tpu.memory_space<vmem>> -> memref<1x1x80xi32, #tpu.memory_space<vmem>>
        %dma_wait3A_352 = tpu.memref_squeeze %dma_wait3A_351 : memref<1x1x80xi32, #tpu.memory_space<vmem>> -> memref<80xi32, #tpu.memory_space<vmem>>
        %dma_wait3A_353 = arith.constant 0 : i32
        %dma_wait3A_354 = arith.constant 0 : i32
        %dma_wait3A_355 = tpu.memref_slice %arg12[%dma_wait3A_353, %dma_wait3A_354] : memref<10112x128xf32, #tpu.memory_space<vmem_shared>> -> memref<10112x128xf32, #tpu.memory_space<vmem_shared>>
        tpu.wait_indirect_dma semaphore(%run_scoped3A_343 : memref<!tpu.dma_semaphore, #tpu.memory_space<semaphore_mem>>) src(%arg11 : memref<80x128xf32, #tpu.memory_space<vmem>>) dst(%dma_wait3A_355 : memref<10112x128xf32, #tpu.memory_space<vmem_shared>>)
        tpu.yield
      }) : () -> ()
      %dma_start3A_137 = arith.constant 0 : i32
      %dma_start3A_138 = arith.constant 7 : i32
      %dma_start3A_139 = arith.constant 0 : i32
      %dma_start3A_140 = tpu.memref_slice %arg6[%dma_start3A_137, %dma_start3A_138, %dma_start3A_139] : memref<2x8x80xi32, #tpu.memory_space<vmem>> -> memref<1x1x80xi32, #tpu.memory_space<vmem>>
      %dma_start3A_141 = tpu.memref_squeeze %dma_start3A_140 : memref<1x1x80xi32, #tpu.memory_space<vmem>> -> memref<80xi32, #tpu.memory_space<vmem>>
      %dma_start3A_142 = arith.constant 0 : i32
      %dma_start3A_143 = arith.constant 0 : i32
      %dma_start3A_144 = tpu.memref_slice %arg2[%dma_start3A_142, %dma_start3A_143] : memref<10000x128xf32, #tpu.memory_space<hbm>> -> memref<10000x128xf32, #tpu.memory_space<hbm>>
      tpu.enqueue_indirect_dma source(%dma_start3A_144 : memref<10000x128xf32, #tpu.memory_space<hbm>>) target(%arg11 : memref<80x128xf32, #tpu.memory_space<vmem>>) offsets(%dma_start3A_141 : memref<80xi32, #tpu.memory_space<vmem>>) semaphore(%arg16 : memref<!tpu.dma_semaphore, #tpu.memory_space<semaphore_mem>>)
      %dma_wait3A_145 = arith.constant 0 : i32
      %dma_wait3A_146 = arith.constant 0 : i32
      %dma_wait3A_147 = tpu.memref_slice %arg2[%dma_wait3A_145, %dma_wait3A_146] : memref<10000x128xf32, #tpu.memory_space<hbm>> -> memref<80x128xf32, #tpu.memory_space<hbm>>
      %dma_wait3A_148 = arith.constant 0 : i32
      %dma_wait3A_149 = arith.constant 0 : i32
      %dma_wait3A_150 = tpu.memref_slice %arg2[%dma_wait3A_148, %dma_wait3A_149] : memref<10000x128xf32, #tpu.memory_space<hbm>> -> memref<80x128xf32, #tpu.memory_space<hbm>>
      tpu.wait_dma2 semaphore(%arg13 : memref<!tpu.dma_semaphore, #tpu.memory_space<semaphore_mem>>) src(%dma_wait3A_150 : memref<80x128xf32, #tpu.memory_space<hbm>>) dst(%arg8 : memref<80x128xf32, #tpu.memory_space<vmem>>)
      %run_scoped3A_151 = arith.constant 1 : i32
      %run_scoped3A_152 = arith.constant 4 : i32
      "tpu.region"() ({
        %run_scoped3A_343 = tpu.sem_alloc : memref<!tpu.dma_semaphore, #tpu.memory_space<semaphore_mem>>
        %dma_start3A_344 = arith.constant 0 : i32
        %dma_start3A_345 = tpu.memref_slice %arg6[%run_scoped3A_151, %run_scoped3A_152, %dma_start3A_344] : memref<2x8x80xi32, #tpu.memory_space<vmem>> -> memref<1x1x80xi32, #tpu.memory_space<vmem>>
        %dma_start3A_346 = tpu.memref_squeeze %dma_start3A_345 : memref<1x1x80xi32, #tpu.memory_space<vmem>> -> memref<80xi32, #tpu.memory_space<vmem>>
        %dma_start3A_347 = arith.constant 0 : i32
        %dma_start3A_348 = arith.constant 0 : i32
        %dma_start3A_349 = tpu.memref_slice %arg12[%dma_start3A_347, %dma_start3A_348] : memref<10112x128xf32, #tpu.memory_space<vmem_shared>> -> memref<10112x128xf32, #tpu.memory_space<vmem_shared>>
        tpu.enqueue_indirect_dma source(%arg8 : memref<80x128xf32, #tpu.memory_space<vmem>>) target(%dma_start3A_349 : memref<10112x128xf32, #tpu.memory_space<vmem_shared>>) offsets(%dma_start3A_346 : memref<80xi32, #tpu.memory_space<vmem>>) semaphore(%run_scoped3A_343 : memref<!tpu.dma_semaphore, #tpu.memory_space<semaphore_mem>>) {add = true}
        %dma_wait3A_350 = arith.constant 0 : i32
        %dma_wait3A_351 = tpu.memref_slice %arg6[%run_scoped3A_151, %run_scoped3A_152, %dma_wait3A_350] : memref<2x8x80xi32, #tpu.memory_space<vmem>> -> memref<1x1x80xi32, #tpu.memory_space<vmem>>
        %dma_wait3A_352 = tpu.memref_squeeze %dma_wait3A_351 : memref<1x1x80xi32, #tpu.memory_space<vmem>> -> memref<80xi32, #tpu.memory_space<vmem>>
        %dma_wait3A_353 = arith.constant 0 : i32
        %dma_wait3A_354 = arith.constant 0 : i32
        %dma_wait3A_355 = tpu.memref_slice %arg12[%dma_wait3A_353, %dma_wait3A_354] : memref<10112x128xf32, #tpu.memory_space<vmem_shared>> -> memref<10112x128xf32, #tpu.memory_space<vmem_shared>>
        tpu.wait_indirect_dma semaphore(%run_scoped3A_343 : memref<!tpu.dma_semaphore, #tpu.memory_space<semaphore_mem>>) src(%arg8 : memref<80x128xf32, #tpu.memory_space<vmem>>) dst(%dma_wait3A_355 : memref<10112x128xf32, #tpu.memory_space<vmem_shared>>)
        tpu.yield
      }) : () -> ()
      %dma_wait3A_153 = arith.constant 0 : i32
      %dma_wait3A_154 = arith.constant 0 : i32
      %dma_wait3A_155 = arith.constant 0 : i32
      %dma_wait3A_156 = arith.constant 0 : i32
      %dma_wait3A_157 = tpu.memref_slice %arg3[%add3A, %dma_wait3A_153, %dma_wait3A_154, %dma_wait3A_155, %dma_wait3A_156] : memref<32x16x2x8x80xi32, #tpu.memory_space<hbm>> -> memref<1x1x2x8x80xi32, #tpu.memory_space<hbm>>
      %dma_wait3A_158 = tpu.memref_squeeze %dma_wait3A_157 : memref<1x1x2x8x80xi32, #tpu.memory_space<hbm>> -> memref<2x8x80xi32, #tpu.memory_space<hbm>>
      %dma_wait3A_159 = arith.constant 0 : i32
      %dma_wait3A_160 = arith.constant 0 : i32
      %dma_wait3A_161 = arith.constant 0 : i32
      %dma_wait3A_162 = tpu.memref_slice %arg3[%add3A, %dma_wait3A_153, %dma_wait3A_159, %dma_wait3A_160, %dma_wait3A_161] : memref<32x16x2x8x80xi32, #tpu.memory_space<hbm>> -> memref<1x1x2x8x80xi32, #tpu.memory_space<hbm>>
      %dma_wait3A_163 = tpu.memref_squeeze %dma_wait3A_162 : memref<1x1x2x8x80xi32, #tpu.memory_space<hbm>> -> memref<2x8x80xi32, #tpu.memory_space<hbm>>
      tpu.wait_dma2 semaphore(%arg18 : memref<!tpu.dma_semaphore, #tpu.memory_space<semaphore_mem>>) src(%dma_wait3A_163 : memref<2x8x80xi32, #tpu.memory_space<hbm>>) dst(%arg7 : memref<2x8x80xi32, #tpu.memory_space<vmem>>)
      %dma_start3A_164 = arith.constant 0 : i32
      %dma_start3A_165 = arith.constant 0 : i32
      %dma_start3A_166 = arith.constant 0 : i32
      %dma_start3A_167 = tpu.memref_slice %arg7[%dma_start3A_164, %dma_start3A_165, %dma_start3A_166] : memref<2x8x80xi32, #tpu.memory_space<vmem>> -> memref<1x1x80xi32, #tpu.memory_space<vmem>>
      %dma_start3A_168 = tpu.memref_squeeze %dma_start3A_167 : memref<1x1x80xi32, #tpu.memory_space<vmem>> -> memref<80xi32, #tpu.memory_space<vmem>>
      %dma_start3A_169 = arith.constant 0 : i32
      %dma_start3A_170 = arith.constant 0 : i32
      %dma_start3A_171 = tpu.memref_slice %arg2[%dma_start3A_169, %dma_start3A_170] : memref<10000x128xf32, #tpu.memory_space<hbm>> -> memref<10000x128xf32, #tpu.memory_space<hbm>>
      tpu.enqueue_indirect_dma source(%dma_start3A_171 : memref<10000x128xf32, #tpu.memory_space<hbm>>) target(%arg8 : memref<80x128xf32, #tpu.memory_space<vmem>>) offsets(%dma_start3A_168 : memref<80xi32, #tpu.memory_space<vmem>>) semaphore(%arg13 : memref<!tpu.dma_semaphore, #tpu.memory_space<semaphore_mem>>)
      %dma_wait3A_172 = arith.constant 0 : i32
      %dma_wait3A_173 = arith.constant 0 : i32
      %dma_wait3A_174 = tpu.memref_slice %arg2[%dma_wait3A_172, %dma_wait3A_173] : memref<10000x128xf32, #tpu.memory_space<hbm>> -> memref<80x128xf32, #tpu.memory_space<hbm>>
      %dma_wait3A_175 = arith.constant 0 : i32
      %dma_wait3A_176 = arith.constant 0 : i32
      %dma_wait3A_177 = tpu.memref_slice %arg2[%dma_wait3A_175, %dma_wait3A_176] : memref<10000x128xf32, #tpu.memory_space<hbm>> -> memref<80x128xf32, #tpu.memory_space<hbm>>
      tpu.wait_dma2 semaphore(%arg14 : memref<!tpu.dma_semaphore, #tpu.memory_space<semaphore_mem>>) src(%dma_wait3A_177 : memref<80x128xf32, #tpu.memory_space<hbm>>) dst(%arg9 : memref<80x128xf32, #tpu.memory_space<vmem>>)
      %run_scoped3A_178 = arith.constant 1 : i32
      %run_scoped3A_179 = arith.constant 5 : i32
      "tpu.region"() ({
        %run_scoped3A_343 = tpu.sem_alloc : memref<!tpu.dma_semaphore, #tpu.memory_space<semaphore_mem>>
        %dma_start3A_344 = arith.constant 0 : i32
        %dma_start3A_345 = tpu.memref_slice %arg6[%run_scoped3A_178, %run_scoped3A_179, %dma_start3A_344] : memref<2x8x80xi32, #tpu.memory_space<vmem>> -> memref<1x1x80xi32, #tpu.memory_space<vmem>>
        %dma_start3A_346 = tpu.memref_squeeze %dma_start3A_345 : memref<1x1x80xi32, #tpu.memory_space<vmem>> -> memref<80xi32, #tpu.memory_space<vmem>>
        %dma_start3A_347 = arith.constant 0 : i32
        %dma_start3A_348 = arith.constant 0 : i32
        %dma_start3A_349 = tpu.memref_slice %arg12[%dma_start3A_347, %dma_start3A_348] : memref<10112x128xf32, #tpu.memory_space<vmem_shared>> -> memref<10112x128xf32, #tpu.memory_space<vmem_shared>>
        tpu.enqueue_indirect_dma source(%arg9 : memref<80x128xf32, #tpu.memory_space<vmem>>) target(%dma_start3A_349 : memref<10112x128xf32, #tpu.memory_space<vmem_shared>>) offsets(%dma_start3A_346 : memref<80xi32, #tpu.memory_space<vmem>>) semaphore(%run_scoped3A_343 : memref<!tpu.dma_semaphore, #tpu.memory_space<semaphore_mem>>) {add = true}
        %dma_wait3A_350 = arith.constant 0 : i32
        %dma_wait3A_351 = tpu.memref_slice %arg6[%run_scoped3A_178, %run_scoped3A_179, %dma_wait3A_350] : memref<2x8x80xi32, #tpu.memory_space<vmem>> -> memref<1x1x80xi32, #tpu.memory_space<vmem>>
        %dma_wait3A_352 = tpu.memref_squeeze %dma_wait3A_351 : memref<1x1x80xi32, #tpu.memory_space<vmem>> -> memref<80xi32, #tpu.memory_space<vmem>>
        %dma_wait3A_353 = arith.constant 0 : i32
        %dma_wait3A_354 = arith.constant 0 : i32
        %dma_wait3A_355 = tpu.memref_slice %arg12[%dma_wait3A_353, %dma_wait3A_354] : memref<10112x128xf32, #tpu.memory_space<vmem_shared>> -> memref<10112x128xf32, #tpu.memory_space<vmem_shared>>
        tpu.wait_indirect_dma semaphore(%run_scoped3A_343 : memref<!tpu.dma_semaphore, #tpu.memory_space<semaphore_mem>>) src(%arg9 : memref<80x128xf32, #tpu.memory_space<vmem>>) dst(%dma_wait3A_355 : memref<10112x128xf32, #tpu.memory_space<vmem_shared>>)
        tpu.yield
      }) : () -> ()
      %dma_start3A_180 = arith.constant 0 : i32
      %dma_start3A_181 = arith.constant 1 : i32
      %dma_start3A_182 = arith.constant 0 : i32
      %dma_start3A_183 = tpu.memref_slice %arg7[%dma_start3A_180, %dma_start3A_181, %dma_start3A_182] : memref<2x8x80xi32, #tpu.memory_space<vmem>> -> memref<1x1x80xi32, #tpu.memory_space<vmem>>
      %dma_start3A_184 = tpu.memref_squeeze %dma_start3A_183 : memref<1x1x80xi32, #tpu.memory_space<vmem>> -> memref<80xi32, #tpu.memory_space<vmem>>
      %dma_start3A_185 = arith.constant 0 : i32
      %dma_start3A_186 = arith.constant 0 : i32
      %dma_start3A_187 = tpu.memref_slice %arg2[%dma_start3A_185, %dma_start3A_186] : memref<10000x128xf32, #tpu.memory_space<hbm>> -> memref<10000x128xf32, #tpu.memory_space<hbm>>
      tpu.enqueue_indirect_dma source(%dma_start3A_187 : memref<10000x128xf32, #tpu.memory_space<hbm>>) target(%arg9 : memref<80x128xf32, #tpu.memory_space<vmem>>) offsets(%dma_start3A_184 : memref<80xi32, #tpu.memory_space<vmem>>) semaphore(%arg14 : memref<!tpu.dma_semaphore, #tpu.memory_space<semaphore_mem>>)
      %dma_wait3A_188 = arith.constant 0 : i32
      %dma_wait3A_189 = arith.constant 0 : i32
      %dma_wait3A_190 = tpu.memref_slice %arg2[%dma_wait3A_188, %dma_wait3A_189] : memref<10000x128xf32, #tpu.memory_space<hbm>> -> memref<80x128xf32, #tpu.memory_space<hbm>>
      %dma_wait3A_191 = arith.constant 0 : i32
      %dma_wait3A_192 = arith.constant 0 : i32
      %dma_wait3A_193 = tpu.memref_slice %arg2[%dma_wait3A_191, %dma_wait3A_192] : memref<10000x128xf32, #tpu.memory_space<hbm>> -> memref<80x128xf32, #tpu.memory_space<hbm>>
      tpu.wait_dma2 semaphore(%arg15 : memref<!tpu.dma_semaphore, #tpu.memory_space<semaphore_mem>>) src(%dma_wait3A_193 : memref<80x128xf32, #tpu.memory_space<hbm>>) dst(%arg10 : memref<80x128xf32, #tpu.memory_space<vmem>>)
      %run_scoped3A_194 = arith.constant 1 : i32
      %run_scoped3A_195 = arith.constant 6 : i32
      "tpu.region"() ({
        %run_scoped3A_343 = tpu.sem_alloc : memref<!tpu.dma_semaphore, #tpu.memory_space<semaphore_mem>>
        %dma_start3A_344 = arith.constant 0 : i32
        %dma_start3A_345 = tpu.memref_slice %arg6[%run_scoped3A_194, %run_scoped3A_195, %dma_start3A_344] : memref<2x8x80xi32, #tpu.memory_space<vmem>> -> memref<1x1x80xi32, #tpu.memory_space<vmem>>
        %dma_start3A_346 = tpu.memref_squeeze %dma_start3A_345 : memref<1x1x80xi32, #tpu.memory_space<vmem>> -> memref<80xi32, #tpu.memory_space<vmem>>
        %dma_start3A_347 = arith.constant 0 : i32
        %dma_start3A_348 = arith.constant 0 : i32
        %dma_start3A_349 = tpu.memref_slice %arg12[%dma_start3A_347, %dma_start3A_348] : memref<10112x128xf32, #tpu.memory_space<vmem_shared>> -> memref<10112x128xf32, #tpu.memory_space<vmem_shared>>
        tpu.enqueue_indirect_dma source(%arg10 : memref<80x128xf32, #tpu.memory_space<vmem>>) target(%dma_start3A_349 : memref<10112x128xf32, #tpu.memory_space<vmem_shared>>) offsets(%dma_start3A_346 : memref<80xi32, #tpu.memory_space<vmem>>) semaphore(%run_scoped3A_343 : memref<!tpu.dma_semaphore, #tpu.memory_space<semaphore_mem>>) {add = true}
        %dma_wait3A_350 = arith.constant 0 : i32
        %dma_wait3A_351 = tpu.memref_slice %arg6[%run_scoped3A_194, %run_scoped3A_195, %dma_wait3A_350] : memref<2x8x80xi32, #tpu.memory_space<vmem>> -> memref<1x1x80xi32, #tpu.memory_space<vmem>>
        %dma_wait3A_352 = tpu.memref_squeeze %dma_wait3A_351 : memref<1x1x80xi32, #tpu.memory_space<vmem>> -> memref<80xi32, #tpu.memory_space<vmem>>
        %dma_wait3A_353 = arith.constant 0 : i32
        %dma_wait3A_354 = arith.constant 0 : i32
        %dma_wait3A_355 = tpu.memref_slice %arg12[%dma_wait3A_353, %dma_wait3A_354] : memref<10112x128xf32, #tpu.memory_space<vmem_shared>> -> memref<10112x128xf32, #tpu.memory_space<vmem_shared>>
        tpu.wait_indirect_dma semaphore(%run_scoped3A_343 : memref<!tpu.dma_semaphore, #tpu.memory_space<semaphore_mem>>) src(%arg10 : memref<80x128xf32, #tpu.memory_space<vmem>>) dst(%dma_wait3A_355 : memref<10112x128xf32, #tpu.memory_space<vmem_shared>>)
        tpu.yield
      }) : () -> ()
      %dma_start3A_196 = arith.constant 0 : i32
      %dma_start3A_197 = arith.constant 2 : i32
      %dma_start3A_198 = arith.constant 0 : i32
      %dma_start3A_199 = tpu.memref_slice %arg7[%dma_start3A_196, %dma_start3A_197, %dma_start3A_198] : memref<2x8x80xi32, #tpu.memory_space<vmem>> -> memref<1x1x80xi32, #tpu.memory_space<vmem>>
      %dma_start3A_200 = tpu.memref_squeeze %dma_start3A_199 : memref<1x1x80xi32, #tpu.memory_space<vmem>> -> memref<80xi32, #tpu.memory_space<vmem>>
      %dma_start3A_201 = arith.constant 0 : i32
      %dma_start3A_202 = arith.constant 0 : i32
      %dma_start3A_203 = tpu.memref_slice %arg2[%dma_start3A_201, %dma_start3A_202] : memref<10000x128xf32, #tpu.memory_space<hbm>> -> memref<10000x128xf32, #tpu.memory_space<hbm>>
      tpu.enqueue_indirect_dma source(%dma_start3A_203 : memref<10000x128xf32, #tpu.memory_space<hbm>>) target(%arg10 : memref<80x128xf32, #tpu.memory_space<vmem>>) offsets(%dma_start3A_200 : memref<80xi32, #tpu.memory_space<vmem>>) semaphore(%arg15 : memref<!tpu.dma_semaphore, #tpu.memory_space<semaphore_mem>>)
      %dma_wait3A_204 = arith.constant 0 : i32
      %dma_wait3A_205 = arith.constant 0 : i32
      %dma_wait3A_206 = tpu.memref_slice %arg2[%dma_wait3A_204, %dma_wait3A_205] : memref<10000x128xf32, #tpu.memory_space<hbm>> -> memref<80x128xf32, #tpu.memory_space<hbm>>
      %dma_wait3A_207 = arith.constant 0 : i32
      %dma_wait3A_208 = arith.constant 0 : i32
      %dma_wait3A_209 = tpu.memref_slice %arg2[%dma_wait3A_207, %dma_wait3A_208] : memref<10000x128xf32, #tpu.memory_space<hbm>> -> memref<80x128xf32, #tpu.memory_space<hbm>>
      tpu.wait_dma2 semaphore(%arg16 : memref<!tpu.dma_semaphore, #tpu.memory_space<semaphore_mem>>) src(%dma_wait3A_209 : memref<80x128xf32, #tpu.memory_space<hbm>>) dst(%arg11 : memref<80x128xf32, #tpu.memory_space<vmem>>)
      %run_scoped3A_210 = arith.constant 1 : i32
      %run_scoped3A_211 = arith.constant 7 : i32
      "tpu.region"() ({
        %run_scoped3A_343 = tpu.sem_alloc : memref<!tpu.dma_semaphore, #tpu.memory_space<semaphore_mem>>
        %dma_start3A_344 = arith.constant 0 : i32
        %dma_start3A_345 = tpu.memref_slice %arg6[%run_scoped3A_210, %run_scoped3A_211, %dma_start3A_344] : memref<2x8x80xi32, #tpu.memory_space<vmem>> -> memref<1x1x80xi32, #tpu.memory_space<vmem>>
        %dma_start3A_346 = tpu.memref_squeeze %dma_start3A_345 : memref<1x1x80xi32, #tpu.memory_space<vmem>> -> memref<80xi32, #tpu.memory_space<vmem>>
        %dma_start3A_347 = arith.constant 0 : i32
        %dma_start3A_348 = arith.constant 0 : i32
        %dma_start3A_349 = tpu.memref_slice %arg12[%dma_start3A_347, %dma_start3A_348] : memref<10112x128xf32, #tpu.memory_space<vmem_shared>> -> memref<10112x128xf32, #tpu.memory_space<vmem_shared>>
        tpu.enqueue_indirect_dma source(%arg11 : memref<80x128xf32, #tpu.memory_space<vmem>>) target(%dma_start3A_349 : memref<10112x128xf32, #tpu.memory_space<vmem_shared>>) offsets(%dma_start3A_346 : memref<80xi32, #tpu.memory_space<vmem>>) semaphore(%run_scoped3A_343 : memref<!tpu.dma_semaphore, #tpu.memory_space<semaphore_mem>>) {add = true}
        %dma_wait3A_350 = arith.constant 0 : i32
        %dma_wait3A_351 = tpu.memref_slice %arg6[%run_scoped3A_210, %run_scoped3A_211, %dma_wait3A_350] : memref<2x8x80xi32, #tpu.memory_space<vmem>> -> memref<1x1x80xi32, #tpu.memory_space<vmem>>
        %dma_wait3A_352 = tpu.memref_squeeze %dma_wait3A_351 : memref<1x1x80xi32, #tpu.memory_space<vmem>> -> memref<80xi32, #tpu.memory_space<vmem>>
        %dma_wait3A_353 = arith.constant 0 : i32
        %dma_wait3A_354 = arith.constant 0 : i32
        %dma_wait3A_355 = tpu.memref_slice %arg12[%dma_wait3A_353, %dma_wait3A_354] : memref<10112x128xf32, #tpu.memory_space<vmem_shared>> -> memref<10112x128xf32, #tpu.memory_space<vmem_shared>>
        tpu.wait_indirect_dma semaphore(%run_scoped3A_343 : memref<!tpu.dma_semaphore, #tpu.memory_space<semaphore_mem>>) src(%arg11 : memref<80x128xf32, #tpu.memory_space<vmem>>) dst(%dma_wait3A_355 : memref<10112x128xf32, #tpu.memory_space<vmem_shared>>)
        tpu.yield
      }) : () -> ()
      %dma_start3A_212 = arith.constant 0 : i32
      %dma_start3A_213 = arith.constant 3 : i32
      %dma_start3A_214 = arith.constant 0 : i32
      %dma_start3A_215 = tpu.memref_slice %arg7[%dma_start3A_212, %dma_start3A_213, %dma_start3A_214] : memref<2x8x80xi32, #tpu.memory_space<vmem>> -> memref<1x1x80xi32, #tpu.memory_space<vmem>>
      %dma_start3A_216 = tpu.memref_squeeze %dma_start3A_215 : memref<1x1x80xi32, #tpu.memory_space<vmem>> -> memref<80xi32, #tpu.memory_space<vmem>>
      %dma_start3A_217 = arith.constant 0 : i32
      %dma_start3A_218 = arith.constant 0 : i32
      %dma_start3A_219 = tpu.memref_slice %arg2[%dma_start3A_217, %dma_start3A_218] : memref<10000x128xf32, #tpu.memory_space<hbm>> -> memref<10000x128xf32, #tpu.memory_space<hbm>>
      tpu.enqueue_indirect_dma source(%dma_start3A_219 : memref<10000x128xf32, #tpu.memory_space<hbm>>) target(%arg11 : memref<80x128xf32, #tpu.memory_space<vmem>>) offsets(%dma_start3A_216 : memref<80xi32, #tpu.memory_space<vmem>>) semaphore(%arg16 : memref<!tpu.dma_semaphore, #tpu.memory_space<semaphore_mem>>)
      %lt3A = arith.constant 7 : i32
      %lt3A_220 = arith.cmpi slt, %scan3A_76, %lt3A : i32
      %convert_element_type3A = arith.extui %lt3A_220 : i1 to i32
      %cond3A = arith.constant 0 : i32
      %cond3A_221 = arith.cmpi ne, %convert_element_type3A, %cond3A : i32
      scf.if %cond3A_221 {
        %dma_start3A_343 = arith.constant 0 : i32
        %dma_start3A_344 = arith.constant 0 : i32
        %dma_start3A_345 = arith.constant 0 : i32
        %dma_start3A_346 = tpu.memref_slice %arg3[%add3A, %min3A_81, %dma_start3A_343, %dma_start3A_344, %dma_start3A_345] : memref<32x16x2x8x80xi32, #tpu.memory_space<hbm>> -> memref<1x1x2x8x80xi32, #tpu.memory_space<hbm>>
        %dma_start3A_347 = tpu.memref_squeeze %dma_start3A_346 : memref<1x1x2x8x80xi32, #tpu.memory_space<hbm>> -> memref<2x8x80xi32, #tpu.memory_space<hbm>>
        %dma_start3A_348 = arith.constant 0 : i32
        %dma_start3A_349 = arith.constant 0 : i32
        %dma_start3A_350 = arith.constant 0 : i32
        %dma_start3A_351 = tpu.memref_slice %arg3[%add3A, %min3A_81, %dma_start3A_348, %dma_start3A_349, %dma_start3A_350] : memref<32x16x2x8x80xi32, #tpu.memory_space<hbm>> -> memref<1x1x2x8x80xi32, #tpu.memory_space<hbm>>
        %dma_start3A_352 = tpu.memref_squeeze %dma_start3A_351 : memref<1x1x2x8x80xi32, #tpu.memory_space<hbm>> -> memref<2x8x80xi32, #tpu.memory_space<hbm>>
        tpu.enqueue_dma source(%dma_start3A_352 : memref<2x8x80xi32, #tpu.memory_space<hbm>>) target(%arg6 : memref<2x8x80xi32, #tpu.memory_space<vmem>>) target_semaphore(%arg17 : memref<!tpu.dma_semaphore, #tpu.memory_space<semaphore_mem>>)
      } else {
      }
      %dma_wait3A_222 = arith.constant 0 : i32
      %dma_wait3A_223 = arith.constant 0 : i32
      %dma_wait3A_224 = tpu.memref_slice %arg2[%dma_wait3A_222, %dma_wait3A_223] : memref<10000x128xf32, #tpu.memory_space<hbm>> -> memref<80x128xf32, #tpu.memory_space<hbm>>
      %dma_wait3A_225 = arith.constant 0 : i32
      %dma_wait3A_226 = arith.constant 0 : i32
      %dma_wait3A_227 = tpu.memref_slice %arg2[%dma_wait3A_225, %dma_wait3A_226] : memref<10000x128xf32, #tpu.memory_space<hbm>> -> memref<80x128xf32, #tpu.memory_space<hbm>>
      tpu.wait_dma2 semaphore(%arg13 : memref<!tpu.dma_semaphore, #tpu.memory_space<semaphore_mem>>) src(%dma_wait3A_227 : memref<80x128xf32, #tpu.memory_space<hbm>>) dst(%arg8 : memref<80x128xf32, #tpu.memory_space<vmem>>)
      %run_scoped3A_228 = arith.constant 1 : i32
      %run_scoped3A_229 = arith.constant 0 : i32
      "tpu.region"() ({
        %run_scoped3A_343 = tpu.sem_alloc : memref<!tpu.dma_semaphore, #tpu.memory_space<semaphore_mem>>
        %dma_start3A_344 = arith.constant 0 : i32
        %dma_start3A_345 = tpu.memref_slice %arg7[%run_scoped3A_228, %run_scoped3A_229, %dma_start3A_344] : memref<2x8x80xi32, #tpu.memory_space<vmem>> -> memref<1x1x80xi32, #tpu.memory_space<vmem>>
        %dma_start3A_346 = tpu.memref_squeeze %dma_start3A_345 : memref<1x1x80xi32, #tpu.memory_space<vmem>> -> memref<80xi32, #tpu.memory_space<vmem>>
        %dma_start3A_347 = arith.constant 0 : i32
        %dma_start3A_348 = arith.constant 0 : i32
        %dma_start3A_349 = tpu.memref_slice %arg12[%dma_start3A_347, %dma_start3A_348] : memref<10112x128xf32, #tpu.memory_space<vmem_shared>> -> memref<10112x128xf32, #tpu.memory_space<vmem_shared>>
        tpu.enqueue_indirect_dma source(%arg8 : memref<80x128xf32, #tpu.memory_space<vmem>>) target(%dma_start3A_349 : memref<10112x128xf32, #tpu.memory_space<vmem_shared>>) offsets(%dma_start3A_346 : memref<80xi32, #tpu.memory_space<vmem>>) semaphore(%run_scoped3A_343 : memref<!tpu.dma_semaphore, #tpu.memory_space<semaphore_mem>>) {add = true}
        %dma_wait3A_350 = arith.constant 0 : i32
        %dma_wait3A_351 = tpu.memref_slice %arg7[%run_scoped3A_228, %run_scoped3A_229, %dma_wait3A_350] : memref<2x8x80xi32, #tpu.memory_space<vmem>> -> memref<1x1x80xi32, #tpu.memory_space<vmem>>
        %dma_wait3A_352 = tpu.memref_squeeze %dma_wait3A_351 : memref<1x1x80xi32, #tpu.memory_space<vmem>> -> memref<80xi32, #tpu.memory_space<vmem>>
        %dma_wait3A_353 = arith.constant 0 : i32
        %dma_wait3A_354 = arith.constant 0 : i32
        %dma_wait3A_355 = tpu.memref_slice %arg12[%dma_wait3A_353, %dma_wait3A_354] : memref<10112x128xf32, #tpu.memory_space<vmem_shared>> -> memref<10112x128xf32, #tpu.memory_space<vmem_shared>>
        tpu.wait_indirect_dma semaphore(%run_scoped3A_343 : memref<!tpu.dma_semaphore, #tpu.memory_space<semaphore_mem>>) src(%arg8 : memref<80x128xf32, #tpu.memory_space<vmem>>) dst(%dma_wait3A_355 : memref<10112x128xf32, #tpu.memory_space<vmem_shared>>)
        tpu.yield
      }) : () -> ()
      %dma_start3A_230 = arith.constant 0 : i32
      %dma_start3A_231 = arith.constant 4 : i32
      %dma_start3A_232 = arith.constant 0 : i32
      %dma_start3A_233 = tpu.memref_slice %arg7[%dma_start3A_230, %dma_start3A_231, %dma_start3A_232] : memref<2x8x80xi32, #tpu.memory_space<vmem>> -> memref<1x1x80xi32, #tpu.memory_space<vmem>>
      %dma_start3A_234 = tpu.memref_squeeze %dma_start3A_233 : memref<1x1x80xi32, #tpu.memory_space<vmem>> -> memref<80xi32, #tpu.memory_space<vmem>>
      %dma_start3A_235 = arith.constant 0 : i32
      %dma_start3A_236 = arith.constant 0 : i32
      %dma_start3A_237 = tpu.memref_slice %arg2[%dma_start3A_235, %dma_start3A_236] : memref<10000x128xf32, #tpu.memory_space<hbm>> -> memref<10000x128xf32, #tpu.memory_space<hbm>>
      tpu.enqueue_indirect_dma source(%dma_start3A_237 : memref<10000x128xf32, #tpu.memory_space<hbm>>) target(%arg8 : memref<80x128xf32, #tpu.memory_space<vmem>>) offsets(%dma_start3A_234 : memref<80xi32, #tpu.memory_space<vmem>>) semaphore(%arg13 : memref<!tpu.dma_semaphore, #tpu.memory_space<semaphore_mem>>)
      %dma_wait3A_238 = arith.constant 0 : i32
      %dma_wait3A_239 = arith.constant 0 : i32
      %dma_wait3A_240 = tpu.memref_slice %arg2[%dma_wait3A_238, %dma_wait3A_239] : memref<10000x128xf32, #tpu.memory_space<hbm>> -> memref<80x128xf32, #tpu.memory_space<hbm>>
      %dma_wait3A_241 = arith.constant 0 : i32
      %dma_wait3A_242 = arith.constant 0 : i32
      %dma_wait3A_243 = tpu.memref_slice %arg2[%dma_wait3A_241, %dma_wait3A_242] : memref<10000x128xf32, #tpu.memory_space<hbm>> -> memref<80x128xf32, #tpu.memory_space<hbm>>
      tpu.wait_dma2 semaphore(%arg14 : memref<!tpu.dma_semaphore, #tpu.memory_space<semaphore_mem>>) src(%dma_wait3A_243 : memref<80x128xf32, #tpu.memory_space<hbm>>) dst(%arg9 : memref<80x128xf32, #tpu.memory_space<vmem>>)
      %run_scoped3A_244 = arith.constant 1 : i32
      %run_scoped3A_245 = arith.constant 1 : i32
      "tpu.region"() ({
        %run_scoped3A_343 = tpu.sem_alloc : memref<!tpu.dma_semaphore, #tpu.memory_space<semaphore_mem>>
        %dma_start3A_344 = arith.constant 0 : i32
        %dma_start3A_345 = tpu.memref_slice %arg7[%run_scoped3A_244, %run_scoped3A_245, %dma_start3A_344] : memref<2x8x80xi32, #tpu.memory_space<vmem>> -> memref<1x1x80xi32, #tpu.memory_space<vmem>>
        %dma_start3A_346 = tpu.memref_squeeze %dma_start3A_345 : memref<1x1x80xi32, #tpu.memory_space<vmem>> -> memref<80xi32, #tpu.memory_space<vmem>>
        %dma_start3A_347 = arith.constant 0 : i32
        %dma_start3A_348 = arith.constant 0 : i32
        %dma_start3A_349 = tpu.memref_slice %arg12[%dma_start3A_347, %dma_start3A_348] : memref<10112x128xf32, #tpu.memory_space<vmem_shared>> -> memref<10112x128xf32, #tpu.memory_space<vmem_shared>>
        tpu.enqueue_indirect_dma source(%arg9 : memref<80x128xf32, #tpu.memory_space<vmem>>) target(%dma_start3A_349 : memref<10112x128xf32, #tpu.memory_space<vmem_shared>>) offsets(%dma_start3A_346 : memref<80xi32, #tpu.memory_space<vmem>>) semaphore(%run_scoped3A_343 : memref<!tpu.dma_semaphore, #tpu.memory_space<semaphore_mem>>) {add = true}
        %dma_wait3A_350 = arith.constant 0 : i32
        %dma_wait3A_351 = tpu.memref_slice %arg7[%run_scoped3A_244, %run_scoped3A_245, %dma_wait3A_350] : memref<2x8x80xi32, #tpu.memory_space<vmem>> -> memref<1x1x80xi32, #tpu.memory_space<vmem>>
        %dma_wait3A_352 = tpu.memref_squeeze %dma_wait3A_351 : memref<1x1x80xi32, #tpu.memory_space<vmem>> -> memref<80xi32, #tpu.memory_space<vmem>>
        %dma_wait3A_353 = arith.constant 0 : i32
        %dma_wait3A_354 = arith.constant 0 : i32
        %dma_wait3A_355 = tpu.memref_slice %arg12[%dma_wait3A_353, %dma_wait3A_354] : memref<10112x128xf32, #tpu.memory_space<vmem_shared>> -> memref<10112x128xf32, #tpu.memory_space<vmem_shared>>
        tpu.wait_indirect_dma semaphore(%run_scoped3A_343 : memref<!tpu.dma_semaphore, #tpu.memory_space<semaphore_mem>>) src(%arg9 : memref<80x128xf32, #tpu.memory_space<vmem>>) dst(%dma_wait3A_355 : memref<10112x128xf32, #tpu.memory_space<vmem_shared>>)
        tpu.yield
      }) : () -> ()
      %dma_start3A_246 = arith.constant 0 : i32
      %dma_start3A_247 = arith.constant 5 : i32
      %dma_start3A_248 = arith.constant 0 : i32
      %dma_start3A_249 = tpu.memref_slice %arg7[%dma_start3A_246, %dma_start3A_247, %dma_start3A_248] : memref<2x8x80xi32, #tpu.memory_space<vmem>> -> memref<1x1x80xi32, #tpu.memory_space<vmem>>
      %dma_start3A_250 = tpu.memref_squeeze %dma_start3A_249 : memref<1x1x80xi32, #tpu.memory_space<vmem>> -> memref<80xi32, #tpu.memory_space<vmem>>
      %dma_start3A_251 = arith.constant 0 : i32
      %dma_start3A_252 = arith.constant 0 : i32
      %dma_start3A_253 = tpu.memref_slice %arg2[%dma_start3A_251, %dma_start3A_252] : memref<10000x128xf32, #tpu.memory_space<hbm>> -> memref<10000x128xf32, #tpu.memory_space<hbm>>
      tpu.enqueue_indirect_dma source(%dma_start3A_253 : memref<10000x128xf32, #tpu.memory_space<hbm>>) target(%arg9 : memref<80x128xf32, #tpu.memory_space<vmem>>) offsets(%dma_start3A_250 : memref<80xi32, #tpu.memory_space<vmem>>) semaphore(%arg14 : memref<!tpu.dma_semaphore, #tpu.memory_space<semaphore_mem>>)
      %dma_wait3A_254 = arith.constant 0 : i32
      %dma_wait3A_255 = arith.constant 0 : i32
      %dma_wait3A_256 = tpu.memref_slice %arg2[%dma_wait3A_254, %dma_wait3A_255] : memref<10000x128xf32, #tpu.memory_space<hbm>> -> memref<80x128xf32, #tpu.memory_space<hbm>>
      %dma_wait3A_257 = arith.constant 0 : i32
      %dma_wait3A_258 = arith.constant 0 : i32
      %dma_wait3A_259 = tpu.memref_slice %arg2[%dma_wait3A_257, %dma_wait3A_258] : memref<10000x128xf32, #tpu.memory_space<hbm>> -> memref<80x128xf32, #tpu.memory_space<hbm>>
      tpu.wait_dma2 semaphore(%arg15 : memref<!tpu.dma_semaphore, #tpu.memory_space<semaphore_mem>>) src(%dma_wait3A_259 : memref<80x128xf32, #tpu.memory_space<hbm>>) dst(%arg10 : memref<80x128xf32, #tpu.memory_space<vmem>>)
      %run_scoped3A_260 = arith.constant 1 : i32
      %run_scoped3A_261 = arith.constant 2 : i32
      "tpu.region"() ({
        %run_scoped3A_343 = tpu.sem_alloc : memref<!tpu.dma_semaphore, #tpu.memory_space<semaphore_mem>>
        %dma_start3A_344 = arith.constant 0 : i32
        %dma_start3A_345 = tpu.memref_slice %arg7[%run_scoped3A_260, %run_scoped3A_261, %dma_start3A_344] : memref<2x8x80xi32, #tpu.memory_space<vmem>> -> memref<1x1x80xi32, #tpu.memory_space<vmem>>
        %dma_start3A_346 = tpu.memref_squeeze %dma_start3A_345 : memref<1x1x80xi32, #tpu.memory_space<vmem>> -> memref<80xi32, #tpu.memory_space<vmem>>
        %dma_start3A_347 = arith.constant 0 : i32
        %dma_start3A_348 = arith.constant 0 : i32
        %dma_start3A_349 = tpu.memref_slice %arg12[%dma_start3A_347, %dma_start3A_348] : memref<10112x128xf32, #tpu.memory_space<vmem_shared>> -> memref<10112x128xf32, #tpu.memory_space<vmem_shared>>
        tpu.enqueue_indirect_dma source(%arg10 : memref<80x128xf32, #tpu.memory_space<vmem>>) target(%dma_start3A_349 : memref<10112x128xf32, #tpu.memory_space<vmem_shared>>) offsets(%dma_start3A_346 : memref<80xi32, #tpu.memory_space<vmem>>) semaphore(%run_scoped3A_343 : memref<!tpu.dma_semaphore, #tpu.memory_space<semaphore_mem>>) {add = true}
        %dma_wait3A_350 = arith.constant 0 : i32
        %dma_wait3A_351 = tpu.memref_slice %arg7[%run_scoped3A_260, %run_scoped3A_261, %dma_wait3A_350] : memref<2x8x80xi32, #tpu.memory_space<vmem>> -> memref<1x1x80xi32, #tpu.memory_space<vmem>>
        %dma_wait3A_352 = tpu.memref_squeeze %dma_wait3A_351 : memref<1x1x80xi32, #tpu.memory_space<vmem>> -> memref<80xi32, #tpu.memory_space<vmem>>
        %dma_wait3A_353 = arith.constant 0 : i32
        %dma_wait3A_354 = arith.constant 0 : i32
        %dma_wait3A_355 = tpu.memref_slice %arg12[%dma_wait3A_353, %dma_wait3A_354] : memref<10112x128xf32, #tpu.memory_space<vmem_shared>> -> memref<10112x128xf32, #tpu.memory_space<vmem_shared>>
        tpu.wait_indirect_dma semaphore(%run_scoped3A_343 : memref<!tpu.dma_semaphore, #tpu.memory_space<semaphore_mem>>) src(%arg10 : memref<80x128xf32, #tpu.memory_space<vmem>>) dst(%dma_wait3A_355 : memref<10112x128xf32, #tpu.memory_space<vmem_shared>>)
        tpu.yield
      }) : () -> ()
      %dma_start3A_262 = arith.constant 0 : i32
      %dma_start3A_263 = arith.constant 6 : i32
      %dma_start3A_264 = arith.constant 0 : i32
      %dma_start3A_265 = tpu.memref_slice %arg7[%dma_start3A_262, %dma_start3A_263, %dma_start3A_264] : memref<2x8x80xi32, #tpu.memory_space<vmem>> -> memref<1x1x80xi32, #tpu.memory_space<vmem>>
      %dma_start3A_266 = tpu.memref_squeeze %dma_start3A_265 : memref<1x1x80xi32, #tpu.memory_space<vmem>> -> memref<80xi32, #tpu.memory_space<vmem>>
      %dma_start3A_267 = arith.constant 0 : i32
      %dma_start3A_268 = arith.constant 0 : i32
      %dma_start3A_269 = tpu.memref_slice %arg2[%dma_start3A_267, %dma_start3A_268] : memref<10000x128xf32, #tpu.memory_space<hbm>> -> memref<10000x128xf32, #tpu.memory_space<hbm>>
      tpu.enqueue_indirect_dma source(%dma_start3A_269 : memref<10000x128xf32, #tpu.memory_space<hbm>>) target(%arg10 : memref<80x128xf32, #tpu.memory_space<vmem>>) offsets(%dma_start3A_266 : memref<80xi32, #tpu.memory_space<vmem>>) semaphore(%arg15 : memref<!tpu.dma_semaphore, #tpu.memory_space<semaphore_mem>>)
      %dma_wait3A_270 = arith.constant 0 : i32
      %dma_wait3A_271 = arith.constant 0 : i32
      %dma_wait3A_272 = tpu.memref_slice %arg2[%dma_wait3A_270, %dma_wait3A_271] : memref<10000x128xf32, #tpu.memory_space<hbm>> -> memref<80x128xf32, #tpu.memory_space<hbm>>
      %dma_wait3A_273 = arith.constant 0 : i32
      %dma_wait3A_274 = arith.constant 0 : i32
      %dma_wait3A_275 = tpu.memref_slice %arg2[%dma_wait3A_273, %dma_wait3A_274] : memref<10000x128xf32, #tpu.memory_space<hbm>> -> memref<80x128xf32, #tpu.memory_space<hbm>>
      tpu.wait_dma2 semaphore(%arg16 : memref<!tpu.dma_semaphore, #tpu.memory_space<semaphore_mem>>) src(%dma_wait3A_275 : memref<80x128xf32, #tpu.memory_space<hbm>>) dst(%arg11 : memref<80x128xf32, #tpu.memory_space<vmem>>)
      %run_scoped3A_276 = arith.constant 1 : i32
      %run_scoped3A_277 = arith.constant 3 : i32
      "tpu.region"() ({
        %run_scoped3A_343 = tpu.sem_alloc : memref<!tpu.dma_semaphore, #tpu.memory_space<semaphore_mem>>
        %dma_start3A_344 = arith.constant 0 : i32
        %dma_start3A_345 = tpu.memref_slice %arg7[%run_scoped3A_276, %run_scoped3A_277, %dma_start3A_344] : memref<2x8x80xi32, #tpu.memory_space<vmem>> -> memref<1x1x80xi32, #tpu.memory_space<vmem>>
        %dma_start3A_346 = tpu.memref_squeeze %dma_start3A_345 : memref<1x1x80xi32, #tpu.memory_space<vmem>> -> memref<80xi32, #tpu.memory_space<vmem>>
        %dma_start3A_347 = arith.constant 0 : i32
        %dma_start3A_348 = arith.constant 0 : i32
        %dma_start3A_349 = tpu.memref_slice %arg12[%dma_start3A_347, %dma_start3A_348] : memref<10112x128xf32, #tpu.memory_space<vmem_shared>> -> memref<10112x128xf32, #tpu.memory_space<vmem_shared>>
        tpu.enqueue_indirect_dma source(%arg11 : memref<80x128xf32, #tpu.memory_space<vmem>>) target(%dma_start3A_349 : memref<10112x128xf32, #tpu.memory_space<vmem_shared>>) offsets(%dma_start3A_346 : memref<80xi32, #tpu.memory_space<vmem>>) semaphore(%run_scoped3A_343 : memref<!tpu.dma_semaphore, #tpu.memory_space<semaphore_mem>>) {add = true}
        %dma_wait3A_350 = arith.constant 0 : i32
        %dma_wait3A_351 = tpu.memref_slice %arg7[%run_scoped3A_276, %run_scoped3A_277, %dma_wait3A_350] : memref<2x8x80xi32, #tpu.memory_space<vmem>> -> memref<1x1x80xi32, #tpu.memory_space<vmem>>
        %dma_wait3A_352 = tpu.memref_squeeze %dma_wait3A_351 : memref<1x1x80xi32, #tpu.memory_space<vmem>> -> memref<80xi32, #tpu.memory_space<vmem>>
        %dma_wait3A_353 = arith.constant 0 : i32
        %dma_wait3A_354 = arith.constant 0 : i32
        %dma_wait3A_355 = tpu.memref_slice %arg12[%dma_wait3A_353, %dma_wait3A_354] : memref<10112x128xf32, #tpu.memory_space<vmem_shared>> -> memref<10112x128xf32, #tpu.memory_space<vmem_shared>>
        tpu.wait_indirect_dma semaphore(%run_scoped3A_343 : memref<!tpu.dma_semaphore, #tpu.memory_space<semaphore_mem>>) src(%arg11 : memref<80x128xf32, #tpu.memory_space<vmem>>) dst(%dma_wait3A_355 : memref<10112x128xf32, #tpu.memory_space<vmem_shared>>)
        tpu.yield
      }) : () -> ()
      %dma_start3A_278 = arith.constant 0 : i32
      %dma_start3A_279 = arith.constant 7 : i32
      %dma_start3A_280 = arith.constant 0 : i32
      %dma_start3A_281 = tpu.memref_slice %arg7[%dma_start3A_278, %dma_start3A_279, %dma_start3A_280] : memref<2x8x80xi32, #tpu.memory_space<vmem>> -> memref<1x1x80xi32, #tpu.memory_space<vmem>>
      %dma_start3A_282 = tpu.memref_squeeze %dma_start3A_281 : memref<1x1x80xi32, #tpu.memory_space<vmem>> -> memref<80xi32, #tpu.memory_space<vmem>>
      %dma_start3A_283 = arith.constant 0 : i32
      %dma_start3A_284 = arith.constant 0 : i32
      %dma_start3A_285 = tpu.memref_slice %arg2[%dma_start3A_283, %dma_start3A_284] : memref<10000x128xf32, #tpu.memory_space<hbm>> -> memref<10000x128xf32, #tpu.memory_space<hbm>>
      tpu.enqueue_indirect_dma source(%dma_start3A_285 : memref<10000x128xf32, #tpu.memory_space<hbm>>) target(%arg11 : memref<80x128xf32, #tpu.memory_space<vmem>>) offsets(%dma_start3A_282 : memref<80xi32, #tpu.memory_space<vmem>>) semaphore(%arg16 : memref<!tpu.dma_semaphore, #tpu.memory_space<semaphore_mem>>)
      %dma_wait3A_286 = arith.constant 0 : i32
      %dma_wait3A_287 = arith.constant 0 : i32
      %dma_wait3A_288 = tpu.memref_slice %arg2[%dma_wait3A_286, %dma_wait3A_287] : memref<10000x128xf32, #tpu.memory_space<hbm>> -> memref<80x128xf32, #tpu.memory_space<hbm>>
      %dma_wait3A_289 = arith.constant 0 : i32
      %dma_wait3A_290 = arith.constant 0 : i32
      %dma_wait3A_291 = tpu.memref_slice %arg2[%dma_wait3A_289, %dma_wait3A_290] : memref<10000x128xf32, #tpu.memory_space<hbm>> -> memref<80x128xf32, #tpu.memory_space<hbm>>
      tpu.wait_dma2 semaphore(%arg13 : memref<!tpu.dma_semaphore, #tpu.memory_space<semaphore_mem>>) src(%dma_wait3A_291 : memref<80x128xf32, #tpu.memory_space<hbm>>) dst(%arg8 : memref<80x128xf32, #tpu.memory_space<vmem>>)
      %run_scoped3A_292 = arith.constant 1 : i32
      %run_scoped3A_293 = arith.constant 4 : i32
      "tpu.region"() ({
        %run_scoped3A_343 = tpu.sem_alloc : memref<!tpu.dma_semaphore, #tpu.memory_space<semaphore_mem>>
        %dma_start3A_344 = arith.constant 0 : i32
        %dma_start3A_345 = tpu.memref_slice %arg7[%run_scoped3A_292, %run_scoped3A_293, %dma_start3A_344] : memref<2x8x80xi32, #tpu.memory_space<vmem>> -> memref<1x1x80xi32, #tpu.memory_space<vmem>>
        %dma_start3A_346 = tpu.memref_squeeze %dma_start3A_345 : memref<1x1x80xi32, #tpu.memory_space<vmem>> -> memref<80xi32, #tpu.memory_space<vmem>>
        %dma_start3A_347 = arith.constant 0 : i32
        %dma_start3A_348 = arith.constant 0 : i32
        %dma_start3A_349 = tpu.memref_slice %arg12[%dma_start3A_347, %dma_start3A_348] : memref<10112x128xf32, #tpu.memory_space<vmem_shared>> -> memref<10112x128xf32, #tpu.memory_space<vmem_shared>>
        tpu.enqueue_indirect_dma source(%arg8 : memref<80x128xf32, #tpu.memory_space<vmem>>) target(%dma_start3A_349 : memref<10112x128xf32, #tpu.memory_space<vmem_shared>>) offsets(%dma_start3A_346 : memref<80xi32, #tpu.memory_space<vmem>>) semaphore(%run_scoped3A_343 : memref<!tpu.dma_semaphore, #tpu.memory_space<semaphore_mem>>) {add = true}
        %dma_wait3A_350 = arith.constant 0 : i32
        %dma_wait3A_351 = tpu.memref_slice %arg7[%run_scoped3A_292, %run_scoped3A_293, %dma_wait3A_350] : memref<2x8x80xi32, #tpu.memory_space<vmem>> -> memref<1x1x80xi32, #tpu.memory_space<vmem>>
        %dma_wait3A_352 = tpu.memref_squeeze %dma_wait3A_351 : memref<1x1x80xi32, #tpu.memory_space<vmem>> -> memref<80xi32, #tpu.memory_space<vmem>>
        %dma_wait3A_353 = arith.constant 0 : i32
        %dma_wait3A_354 = arith.constant 0 : i32
        %dma_wait3A_355 = tpu.memref_slice %arg12[%dma_wait3A_353, %dma_wait3A_354] : memref<10112x128xf32, #tpu.memory_space<vmem_shared>> -> memref<10112x128xf32, #tpu.memory_space<vmem_shared>>
        tpu.wait_indirect_dma semaphore(%run_scoped3A_343 : memref<!tpu.dma_semaphore, #tpu.memory_space<semaphore_mem>>) src(%arg8 : memref<80x128xf32, #tpu.memory_space<vmem>>) dst(%dma_wait3A_355 : memref<10112x128xf32, #tpu.memory_space<vmem_shared>>)
        tpu.yield
      }) : () -> ()
      %lt3A_294 = arith.constant 7 : i32
      %lt3A_295 = arith.cmpi slt, %scan3A_76, %lt3A_294 : i32
      %convert_element_type3A_296 = arith.extui %lt3A_295 : i1 to i32
      %cond3A_297 = arith.constant 0 : i32
      %cond3A_298 = arith.cmpi ne, %convert_element_type3A_296, %cond3A_297 : i32
      scf.if %cond3A_298 {
        %dma_wait3A_343 = arith.constant 0 : i32
        %dma_wait3A_344 = arith.constant 0 : i32
        %dma_wait3A_345 = arith.constant 0 : i32
        %dma_wait3A_346 = arith.constant 0 : i32
        %dma_wait3A_347 = tpu.memref_slice %arg3[%add3A, %dma_wait3A_343, %dma_wait3A_344, %dma_wait3A_345, %dma_wait3A_346] : memref<32x16x2x8x80xi32, #tpu.memory_space<hbm>> -> memref<1x1x2x8x80xi32, #tpu.memory_space<hbm>>
        %dma_wait3A_348 = tpu.memref_squeeze %dma_wait3A_347 : memref<1x1x2x8x80xi32, #tpu.memory_space<hbm>> -> memref<2x8x80xi32, #tpu.memory_space<hbm>>
        %dma_wait3A_349 = arith.constant 0 : i32
        %dma_wait3A_350 = arith.constant 0 : i32
        %dma_wait3A_351 = arith.constant 0 : i32
        %dma_wait3A_352 = tpu.memref_slice %arg3[%add3A, %dma_wait3A_343, %dma_wait3A_349, %dma_wait3A_350, %dma_wait3A_351] : memref<32x16x2x8x80xi32, #tpu.memory_space<hbm>> -> memref<1x1x2x8x80xi32, #tpu.memory_space<hbm>>
        %dma_wait3A_353 = tpu.memref_squeeze %dma_wait3A_352 : memref<1x1x2x8x80xi32, #tpu.memory_space<hbm>> -> memref<2x8x80xi32, #tpu.memory_space<hbm>>
        tpu.wait_dma2 semaphore(%arg17 : memref<!tpu.dma_semaphore, #tpu.memory_space<semaphore_mem>>) src(%dma_wait3A_353 : memref<2x8x80xi32, #tpu.memory_space<hbm>>) dst(%arg6 : memref<2x8x80xi32, #tpu.memory_space<vmem>>)
        %dma_start3A_354 = arith.constant 0 : i32
        %dma_start3A_355 = arith.constant 0 : i32
        %dma_start3A_356 = arith.constant 0 : i32
        %dma_start3A_357 = tpu.memref_slice %arg6[%dma_start3A_354, %dma_start3A_355, %dma_start3A_356] : memref<2x8x80xi32, #tpu.memory_space<vmem>> -> memref<1x1x80xi32, #tpu.memory_space<vmem>>
        %dma_start3A_358 = tpu.memref_squeeze %dma_start3A_357 : memref<1x1x80xi32, #tpu.memory_space<vmem>> -> memref<80xi32, #tpu.memory_space<vmem>>
        %dma_start3A_359 = arith.constant 0 : i32
        %dma_start3A_360 = arith.constant 0 : i32
        %dma_start3A_361 = tpu.memref_slice %arg2[%dma_start3A_359, %dma_start3A_360] : memref<10000x128xf32, #tpu.memory_space<hbm>> -> memref<10000x128xf32, #tpu.memory_space<hbm>>
        tpu.enqueue_indirect_dma source(%dma_start3A_361 : memref<10000x128xf32, #tpu.memory_space<hbm>>) target(%arg8 : memref<80x128xf32, #tpu.memory_space<vmem>>) offsets(%dma_start3A_358 : memref<80xi32, #tpu.memory_space<vmem>>) semaphore(%arg13 : memref<!tpu.dma_semaphore, #tpu.memory_space<semaphore_mem>>)
      } else {
      }
      %dma_wait3A_299 = arith.constant 0 : i32
      %dma_wait3A_300 = arith.constant 0 : i32
      %dma_wait3A_301 = tpu.memref_slice %arg2[%dma_wait3A_299, %dma_wait3A_300] : memref<10000x128xf32, #tpu.memory_space<hbm>> -> memref<80x128xf32, #tpu.memory_space<hbm>>
      %dma_wait3A_302 = arith.constant 0 : i32
      %dma_wait3A_303 = arith.constant 0 : i32
      %dma_wait3A_304 = tpu.memref_slice %arg2[%dma_wait3A_302, %dma_wait3A_303] : memref<10000x128xf32, #tpu.memory_space<hbm>> -> memref<80x128xf32, #tpu.memory_space<hbm>>
      tpu.wait_dma2 semaphore(%arg14 : memref<!tpu.dma_semaphore, #tpu.memory_space<semaphore_mem>>) src(%dma_wait3A_304 : memref<80x128xf32, #tpu.memory_space<hbm>>) dst(%arg9 : memref<80x128xf32, #tpu.memory_space<vmem>>)
      %run_scoped3A_305 = arith.constant 1 : i32
      %run_scoped3A_306 = arith.constant 5 : i32
      "tpu.region"() ({
        %run_scoped3A_343 = tpu.sem_alloc : memref<!tpu.dma_semaphore, #tpu.memory_space<semaphore_mem>>
        %dma_start3A_344 = arith.constant 0 : i32
        %dma_start3A_345 = tpu.memref_slice %arg7[%run_scoped3A_305, %run_scoped3A_306, %dma_start3A_344] : memref<2x8x80xi32, #tpu.memory_space<vmem>> -> memref<1x1x80xi32, #tpu.memory_space<vmem>>
        %dma_start3A_346 = tpu.memref_squeeze %dma_start3A_345 : memref<1x1x80xi32, #tpu.memory_space<vmem>> -> memref<80xi32, #tpu.memory_space<vmem>>
        %dma_start3A_347 = arith.constant 0 : i32
        %dma_start3A_348 = arith.constant 0 : i32
        %dma_start3A_349 = tpu.memref_slice %arg12[%dma_start3A_347, %dma_start3A_348] : memref<10112x128xf32, #tpu.memory_space<vmem_shared>> -> memref<10112x128xf32, #tpu.memory_space<vmem_shared>>
        tpu.enqueue_indirect_dma source(%arg9 : memref<80x128xf32, #tpu.memory_space<vmem>>) target(%dma_start3A_349 : memref<10112x128xf32, #tpu.memory_space<vmem_shared>>) offsets(%dma_start3A_346 : memref<80xi32, #tpu.memory_space<vmem>>) semaphore(%run_scoped3A_343 : memref<!tpu.dma_semaphore, #tpu.memory_space<semaphore_mem>>) {add = true}
        %dma_wait3A_350 = arith.constant 0 : i32
        %dma_wait3A_351 = tpu.memref_slice %arg7[%run_scoped3A_305, %run_scoped3A_306, %dma_wait3A_350] : memref<2x8x80xi32, #tpu.memory_space<vmem>> -> memref<1x1x80xi32, #tpu.memory_space<vmem>>
        %dma_wait3A_352 = tpu.memref_squeeze %dma_wait3A_351 : memref<1x1x80xi32, #tpu.memory_space<vmem>> -> memref<80xi32, #tpu.memory_space<vmem>>
        %dma_wait3A_353 = arith.constant 0 : i32
        %dma_wait3A_354 = arith.constant 0 : i32
        %dma_wait3A_355 = tpu.memref_slice %arg12[%dma_wait3A_353, %dma_wait3A_354] : memref<10112x128xf32, #tpu.memory_space<vmem_shared>> -> memref<10112x128xf32, #tpu.memory_space<vmem_shared>>
        tpu.wait_indirect_dma semaphore(%run_scoped3A_343 : memref<!tpu.dma_semaphore, #tpu.memory_space<semaphore_mem>>) src(%arg9 : memref<80x128xf32, #tpu.memory_space<vmem>>) dst(%dma_wait3A_355 : memref<10112x128xf32, #tpu.memory_space<vmem_shared>>)
        tpu.yield
      }) : () -> ()
      %lt3A_307 = arith.constant 7 : i32
      %lt3A_308 = arith.cmpi slt, %scan3A_76, %lt3A_307 : i32
      %convert_element_type3A_309 = arith.extui %lt3A_308 : i1 to i32
      %cond3A_310 = arith.constant 0 : i32
      %cond3A_311 = arith.cmpi ne, %convert_element_type3A_309, %cond3A_310 : i32
      scf.if %cond3A_311 {
        %dma_start3A_343 = arith.constant 0 : i32
        %dma_start3A_344 = arith.constant 1 : i32
        %dma_start3A_345 = arith.constant 0 : i32
        %dma_start3A_346 = tpu.memref_slice %arg6[%dma_start3A_343, %dma_start3A_344, %dma_start3A_345] : memref<2x8x80xi32, #tpu.memory_space<vmem>> -> memref<1x1x80xi32, #tpu.memory_space<vmem>>
        %dma_start3A_347 = tpu.memref_squeeze %dma_start3A_346 : memref<1x1x80xi32, #tpu.memory_space<vmem>> -> memref<80xi32, #tpu.memory_space<vmem>>
        %dma_start3A_348 = arith.constant 0 : i32
        %dma_start3A_349 = arith.constant 0 : i32
        %dma_start3A_350 = tpu.memref_slice %arg2[%dma_start3A_348, %dma_start3A_349] : memref<10000x128xf32, #tpu.memory_space<hbm>> -> memref<10000x128xf32, #tpu.memory_space<hbm>>
        tpu.enqueue_indirect_dma source(%dma_start3A_350 : memref<10000x128xf32, #tpu.memory_space<hbm>>) target(%arg9 : memref<80x128xf32, #tpu.memory_space<vmem>>) offsets(%dma_start3A_347 : memref<80xi32, #tpu.memory_space<vmem>>) semaphore(%arg14 : memref<!tpu.dma_semaphore, #tpu.memory_space<semaphore_mem>>)
      } else {
      }
      %dma_wait3A_312 = arith.constant 0 : i32
      %dma_wait3A_313 = arith.constant 0 : i32
      %dma_wait3A_314 = tpu.memref_slice %arg2[%dma_wait3A_312, %dma_wait3A_313] : memref<10000x128xf32, #tpu.memory_space<hbm>> -> memref<80x128xf32, #tpu.memory_space<hbm>>
      %dma_wait3A_315 = arith.constant 0 : i32
      %dma_wait3A_316 = arith.constant 0 : i32
      %dma_wait3A_317 = tpu.memref_slice %arg2[%dma_wait3A_315, %dma_wait3A_316] : memref<10000x128xf32, #tpu.memory_space<hbm>> -> memref<80x128xf32, #tpu.memory_space<hbm>>
      tpu.wait_dma2 semaphore(%arg15 : memref<!tpu.dma_semaphore, #tpu.memory_space<semaphore_mem>>) src(%dma_wait3A_317 : memref<80x128xf32, #tpu.memory_space<hbm>>) dst(%arg10 : memref<80x128xf32, #tpu.memory_space<vmem>>)
      %run_scoped3A_318 = arith.constant 1 : i32
      %run_scoped3A_319 = arith.constant 6 : i32
      "tpu.region"() ({
        %run_scoped3A_343 = tpu.sem_alloc : memref<!tpu.dma_semaphore, #tpu.memory_space<semaphore_mem>>
        %dma_start3A_344 = arith.constant 0 : i32
        %dma_start3A_345 = tpu.memref_slice %arg7[%run_scoped3A_318, %run_scoped3A_319, %dma_start3A_344] : memref<2x8x80xi32, #tpu.memory_space<vmem>> -> memref<1x1x80xi32, #tpu.memory_space<vmem>>
        %dma_start3A_346 = tpu.memref_squeeze %dma_start3A_345 : memref<1x1x80xi32, #tpu.memory_space<vmem>> -> memref<80xi32, #tpu.memory_space<vmem>>
        %dma_start3A_347 = arith.constant 0 : i32
        %dma_start3A_348 = arith.constant 0 : i32
        %dma_start3A_349 = tpu.memref_slice %arg12[%dma_start3A_347, %dma_start3A_348] : memref<10112x128xf32, #tpu.memory_space<vmem_shared>> -> memref<10112x128xf32, #tpu.memory_space<vmem_shared>>
        tpu.enqueue_indirect_dma source(%arg10 : memref<80x128xf32, #tpu.memory_space<vmem>>) target(%dma_start3A_349 : memref<10112x128xf32, #tpu.memory_space<vmem_shared>>) offsets(%dma_start3A_346 : memref<80xi32, #tpu.memory_space<vmem>>) semaphore(%run_scoped3A_343 : memref<!tpu.dma_semaphore, #tpu.memory_space<semaphore_mem>>) {add = true}
        %dma_wait3A_350 = arith.constant 0 : i32
        %dma_wait3A_351 = tpu.memref_slice %arg7[%run_scoped3A_318, %run_scoped3A_319, %dma_wait3A_350] : memref<2x8x80xi32, #tpu.memory_space<vmem>> -> memref<1x1x80xi32, #tpu.memory_space<vmem>>
        %dma_wait3A_352 = tpu.memref_squeeze %dma_wait3A_351 : memref<1x1x80xi32, #tpu.memory_space<vmem>> -> memref<80xi32, #tpu.memory_space<vmem>>
        %dma_wait3A_353 = arith.constant 0 : i32
        %dma_wait3A_354 = arith.constant 0 : i32
        %dma_wait3A_355 = tpu.memref_slice %arg12[%dma_wait3A_353, %dma_wait3A_354] : memref<10112x128xf32, #tpu.memory_space<vmem_shared>> -> memref<10112x128xf32, #tpu.memory_space<vmem_shared>>
        tpu.wait_indirect_dma semaphore(%run_scoped3A_343 : memref<!tpu.dma_semaphore, #tpu.memory_space<semaphore_mem>>) src(%arg10 : memref<80x128xf32, #tpu.memory_space<vmem>>) dst(%dma_wait3A_355 : memref<10112x128xf32, #tpu.memory_space<vmem_shared>>)
        tpu.yield
      }) : () -> ()
      %lt3A_320 = arith.constant 7 : i32
      %lt3A_321 = arith.cmpi slt, %scan3A_76, %lt3A_320 : i32
      %convert_element_type3A_322 = arith.extui %lt3A_321 : i1 to i32
      %cond3A_323 = arith.constant 0 : i32
      %cond3A_324 = arith.cmpi ne, %convert_element_type3A_322, %cond3A_323 : i32
      scf.if %cond3A_324 {
        %dma_start3A_343 = arith.constant 0 : i32
        %dma_start3A_344 = arith.constant 2 : i32
        %dma_start3A_345 = arith.constant 0 : i32
        %dma_start3A_346 = tpu.memref_slice %arg6[%dma_start3A_343, %dma_start3A_344, %dma_start3A_345] : memref<2x8x80xi32, #tpu.memory_space<vmem>> -> memref<1x1x80xi32, #tpu.memory_space<vmem>>
        %dma_start3A_347 = tpu.memref_squeeze %dma_start3A_346 : memref<1x1x80xi32, #tpu.memory_space<vmem>> -> memref<80xi32, #tpu.memory_space<vmem>>
        %dma_start3A_348 = arith.constant 0 : i32
        %dma_start3A_349 = arith.constant 0 : i32
        %dma_start3A_350 = tpu.memref_slice %arg2[%dma_start3A_348, %dma_start3A_349] : memref<10000x128xf32, #tpu.memory_space<hbm>> -> memref<10000x128xf32, #tpu.memory_space<hbm>>
        tpu.enqueue_indirect_dma source(%dma_start3A_350 : memref<10000x128xf32, #tpu.memory_space<hbm>>) target(%arg10 : memref<80x128xf32, #tpu.memory_space<vmem>>) offsets(%dma_start3A_347 : memref<80xi32, #tpu.memory_space<vmem>>) semaphore(%arg15 : memref<!tpu.dma_semaphore, #tpu.memory_space<semaphore_mem>>)
      } else {
      }
      %dma_wait3A_325 = arith.constant 0 : i32
      %dma_wait3A_326 = arith.constant 0 : i32
      %dma_wait3A_327 = tpu.memref_slice %arg2[%dma_wait3A_325, %dma_wait3A_326] : memref<10000x128xf32, #tpu.memory_space<hbm>> -> memref<80x128xf32, #tpu.memory_space<hbm>>
      %dma_wait3A_328 = arith.constant 0 : i32
      %dma_wait3A_329 = arith.constant 0 : i32
      %dma_wait3A_330 = tpu.memref_slice %arg2[%dma_wait3A_328, %dma_wait3A_329] : memref<10000x128xf32, #tpu.memory_space<hbm>> -> memref<80x128xf32, #tpu.memory_space<hbm>>
      tpu.wait_dma2 semaphore(%arg16 : memref<!tpu.dma_semaphore, #tpu.memory_space<semaphore_mem>>) src(%dma_wait3A_330 : memref<80x128xf32, #tpu.memory_space<hbm>>) dst(%arg11 : memref<80x128xf32, #tpu.memory_space<vmem>>)
      %run_scoped3A_331 = arith.constant 1 : i32
      %run_scoped3A_332 = arith.constant 7 : i32
      "tpu.region"() ({
        %run_scoped3A_343 = tpu.sem_alloc : memref<!tpu.dma_semaphore, #tpu.memory_space<semaphore_mem>>
        %dma_start3A_344 = arith.constant 0 : i32
        %dma_start3A_345 = tpu.memref_slice %arg7[%run_scoped3A_331, %run_scoped3A_332, %dma_start3A_344] : memref<2x8x80xi32, #tpu.memory_space<vmem>> -> memref<1x1x80xi32, #tpu.memory_space<vmem>>
        %dma_start3A_346 = tpu.memref_squeeze %dma_start3A_345 : memref<1x1x80xi32, #tpu.memory_space<vmem>> -> memref<80xi32, #tpu.memory_space<vmem>>
        %dma_start3A_347 = arith.constant 0 : i32
        %dma_start3A_348 = arith.constant 0 : i32
        %dma_start3A_349 = tpu.memref_slice %arg12[%dma_start3A_347, %dma_start3A_348] : memref<10112x128xf32, #tpu.memory_space<vmem_shared>> -> memref<10112x128xf32, #tpu.memory_space<vmem_shared>>
        tpu.enqueue_indirect_dma source(%arg11 : memref<80x128xf32, #tpu.memory_space<vmem>>) target(%dma_start3A_349 : memref<10112x128xf32, #tpu.memory_space<vmem_shared>>) offsets(%dma_start3A_346 : memref<80xi32, #tpu.memory_space<vmem>>) semaphore(%run_scoped3A_343 : memref<!tpu.dma_semaphore, #tpu.memory_space<semaphore_mem>>) {add = true}
        %dma_wait3A_350 = arith.constant 0 : i32
        %dma_wait3A_351 = tpu.memref_slice %arg7[%run_scoped3A_331, %run_scoped3A_332, %dma_wait3A_350] : memref<2x8x80xi32, #tpu.memory_space<vmem>> -> memref<1x1x80xi32, #tpu.memory_space<vmem>>
        %dma_wait3A_352 = tpu.memref_squeeze %dma_wait3A_351 : memref<1x1x80xi32, #tpu.memory_space<vmem>> -> memref<80xi32, #tpu.memory_space<vmem>>
        %dma_wait3A_353 = arith.constant 0 : i32
        %dma_wait3A_354 = arith.constant 0 : i32
        %dma_wait3A_355 = tpu.memref_slice %arg12[%dma_wait3A_353, %dma_wait3A_354] : memref<10112x128xf32, #tpu.memory_space<vmem_shared>> -> memref<10112x128xf32, #tpu.memory_space<vmem_shared>>
        tpu.wait_indirect_dma semaphore(%run_scoped3A_343 : memref<!tpu.dma_semaphore, #tpu.memory_space<semaphore_mem>>) src(%arg11 : memref<80x128xf32, #tpu.memory_space<vmem>>) dst(%dma_wait3A_355 : memref<10112x128xf32, #tpu.memory_space<vmem_shared>>)
        tpu.yield
      }) : () -> ()
      %lt3A_333 = arith.constant 7 : i32
      %lt3A_334 = arith.cmpi slt, %scan3A_76, %lt3A_333 : i32
      %convert_element_type3A_335 = arith.extui %lt3A_334 : i1 to i32
      %cond3A_336 = arith.constant 0 : i32
      %cond3A_337 = arith.cmpi ne, %convert_element_type3A_335, %cond3A_336 : i32
      scf.if %cond3A_337 {
        %dma_start3A_343 = arith.constant 0 : i32
        %dma_start3A_344 = arith.constant 3 : i32
        %dma_start3A_345 = arith.constant 0 : i32
        %dma_start3A_346 = tpu.memref_slice %arg6[%dma_start3A_343, %dma_start3A_344, %dma_start3A_345] : memref<2x8x80xi32, #tpu.memory_space<vmem>> -> memref<1x1x80xi32, #tpu.memory_space<vmem>>
        %dma_start3A_347 = tpu.memref_squeeze %dma_start3A_346 : memref<1x1x80xi32, #tpu.memory_space<vmem>> -> memref<80xi32, #tpu.memory_space<vmem>>
        %dma_start3A_348 = arith.constant 0 : i32
        %dma_start3A_349 = arith.constant 0 : i32
        %dma_start3A_350 = tpu.memref_slice %arg2[%dma_start3A_348, %dma_start3A_349] : memref<10000x128xf32, #tpu.memory_space<hbm>> -> memref<10000x128xf32, #tpu.memory_space<hbm>>
        tpu.enqueue_indirect_dma source(%dma_start3A_350 : memref<10000x128xf32, #tpu.memory_space<hbm>>) target(%arg11 : memref<80x128xf32, #tpu.memory_space<vmem>>) offsets(%dma_start3A_347 : memref<80xi32, #tpu.memory_space<vmem>>) semaphore(%arg16 : memref<!tpu.dma_semaphore, #tpu.memory_space<semaphore_mem>>)
      } else {
      }
      %lt3A_338 = arith.constant 7 : i32
      %lt3A_339 = arith.cmpi slt, %scan3A_76, %lt3A_338 : i32
      %convert_element_type3A_340 = arith.extui %lt3A_339 : i1 to i32
      %cond3A_341 = arith.constant 0 : i32
      %cond3A_342 = arith.cmpi ne, %convert_element_type3A_340, %cond3A_341 : i32
      scf.if %cond3A_342 {
        %add3A_343 = arith.constant 1 : i32
        %add3A_344 = arith.addi %min3A_81, %add3A_343 : i32
        %dma_start3A_345 = arith.constant 0 : i32
        %dma_start3A_346 = arith.constant 0 : i32
        %dma_start3A_347 = arith.constant 0 : i32
        %dma_start3A_348 = tpu.memref_slice %arg3[%add3A, %add3A_344, %dma_start3A_345, %dma_start3A_346, %dma_start3A_347] : memref<32x16x2x8x80xi32, #tpu.memory_space<hbm>> -> memref<1x1x2x8x80xi32, #tpu.memory_space<hbm>>
        %dma_start3A_349 = tpu.memref_squeeze %dma_start3A_348 : memref<1x1x2x8x80xi32, #tpu.memory_space<hbm>> -> memref<2x8x80xi32, #tpu.memory_space<hbm>>
        %dma_start3A_350 = arith.constant 0 : i32
        %dma_start3A_351 = arith.constant 0 : i32
        %dma_start3A_352 = arith.constant 0 : i32
        %dma_start3A_353 = tpu.memref_slice %arg3[%add3A, %add3A_344, %dma_start3A_350, %dma_start3A_351, %dma_start3A_352] : memref<32x16x2x8x80xi32, #tpu.memory_space<hbm>> -> memref<1x1x2x8x80xi32, #tpu.memory_space<hbm>>
        %dma_start3A_354 = tpu.memref_squeeze %dma_start3A_353 : memref<1x1x2x8x80xi32, #tpu.memory_space<hbm>> -> memref<2x8x80xi32, #tpu.memory_space<hbm>>
        tpu.enqueue_dma source(%dma_start3A_354 : memref<2x8x80xi32, #tpu.memory_space<hbm>>) target(%arg7 : memref<2x8x80xi32, #tpu.memory_space<vmem>>) target_semaphore(%arg18 : memref<!tpu.dma_semaphore, #tpu.memory_space<semaphore_mem>>)
      } else {
      }
    }
    %scan3A_70 = arith.constant 8 : i32
    %barrier3A_71 = arith.constant 0 : index
    tpu.barrier barrier_id(%barrier3A_71)
    %mul3A_72 = arith.constant 632 : i32
    %mul3A_73 = arith.muli %arg1, %mul3A_72 : i32
    %mul3A_74 = arith.constant 632 : i32
    %mul3A_75 = arith.muli %arg1, %mul3A_74 : i32
    "tpu.region"() ({
      %run_scoped3A = tpu.sem_alloc : memref<!tpu.dma_semaphore, #tpu.memory_space<semaphore_mem>>
      %dma_start3A_76 = arith.constant 0 : i32
      %dma_start3A_77 = tpu.memref_slice %arg5[%arg0, %mul3A_75, %dma_start3A_76] : memref<2x10112x128xf32, #tpu.memory_space<hbm>> -> memref<1x632x128xf32, #tpu.memory_space<hbm>>
      %dma_start3A_78 = tpu.memref_squeeze %dma_start3A_77 : memref<1x632x128xf32, #tpu.memory_space<hbm>> -> memref<632x128xf32, #tpu.memory_space<hbm>>
      %dma_start3A_79 = arith.constant 0 : i32
      %dma_start3A_80 = tpu.memref_slice %arg12[%mul3A_73, %dma_start3A_79] : memref<10112x128xf32, #tpu.memory_space<vmem_shared>> -> memref<632x128xf32, #tpu.memory_space<vmem_shared>>
      tpu.enqueue_dma source(%dma_start3A_80 : memref<632x128xf32, #tpu.memory_space<vmem_shared>>) target(%dma_start3A_78 : memref<632x128xf32, #tpu.memory_space<hbm>>) target_semaphore(%run_scoped3A : memref<!tpu.dma_semaphore, #tpu.memory_space<semaphore_mem>>)
      %dma_wait3A_81 = arith.constant 0 : i32
      %dma_wait3A_82 = tpu.memref_slice %arg5[%arg0, %mul3A_75, %dma_wait3A_81] : memref<2x10112x128xf32, #tpu.memory_space<hbm>> -> memref<1x632x128xf32, #tpu.memory_space<hbm>>
      %dma_wait3A_83 = tpu.memref_squeeze %dma_wait3A_82 : memref<1x632x128xf32, #tpu.memory_space<hbm>> -> memref<632x128xf32, #tpu.memory_space<hbm>>
      %dma_wait3A_84 = arith.constant 0 : i32
      %dma_wait3A_85 = tpu.memref_slice %arg12[%mul3A_73, %dma_wait3A_84] : memref<10112x128xf32, #tpu.memory_space<vmem_shared>> -> memref<632x128xf32, #tpu.memory_space<vmem_shared>>
      tpu.wait_dma2 semaphore(%run_scoped3A : memref<!tpu.dma_semaphore, #tpu.memory_space<semaphore_mem>>) src(%dma_wait3A_85 : memref<632x128xf32, #tpu.memory_space<vmem_shared>>) dst(%dma_wait3A_83 : memref<632x128xf32, #tpu.memory_space<hbm>>)
      tpu.yield
    }) : () -> ()
    return
  }
}

#map = affine_map<(d0, d1) -> (0, 0)>
#map1 = affine_map<(d0, d1) -> (0, 0, 0, 0, 0)>
#map2 = affine_map<(d0, d1) -> (0, 0, 0)>
module attributes {stable_mosaic.version = 14 : i64} {
  func.func @_sc_agg(%arg0: i32, %arg1: i32, %arg2: memref<10000x128xf32, #tpu.memory_space<hbm>>, %arg3: memref<32x16x2x8x80xi32, #tpu.memory_space<hbm>>, %arg4: memref<632x128xf32, #tpu.memory_space<hbm>>, %arg5: memref<2x10112x128xf32, #tpu.memory_space<hbm>>, %arg6: memref<2x8x80xi32, #tpu.memory_space<vmem>>, %arg7: memref<2x8x80xi32, #tpu.memory_space<vmem>>, %arg8: memref<80x128xf32, #tpu.memory_space<vmem>>, %arg9: memref<80x128xf32, #tpu.memory_space<vmem>>, %arg10: memref<80x128xf32, #tpu.memory_space<vmem>>, %arg11: memref<80x128xf32, #tpu.memory_space<vmem>>, %arg12: memref<10112x128xf32, #tpu.memory_space<vmem_shared>>, %arg13: memref<!tpu.dma_semaphore, #tpu.memory_space<semaphore_mem>>, %arg14: memref<!tpu.dma_semaphore, #tpu.memory_space<semaphore_mem>>, %arg15: memref<!tpu.dma_semaphore, #tpu.memory_space<semaphore_mem>>, %arg16: memref<!tpu.dma_semaphore, #tpu.memory_space<semaphore_mem>>, %arg17: memref<!tpu.dma_semaphore, #tpu.memory_space<semaphore_mem>>, %arg18: memref<!tpu.dma_semaphore, #tpu.memory_space<semaphore_mem>>) attributes {dimension_semantics = [#tpu.dimension_semantics<core_parallel>, #tpu.dimension_semantics<subcore_parallel>], iteration_bounds = array<i64: 2, 16>, scalar_prefetch = 0 : i64, scratch_operands = 13 : i64, tpu.core_type = #tpu.core_type<sc_vector_subcore>, window_params = [{transform_indices = #map}, {transform_indices = #map1}, {transform_indices = #map}, {transform_indices = #map2}]} {
    %mul3A = arith.constant 16 : i32
    %mul3A_0 = arith.muli %arg0, %mul3A : i32
    %add3A = arith.addi %mul3A_0, %arg1 : i32
    %mul3A_1 = arith.constant 632 : i32
    %mul3A_2 = arith.muli %arg1, %mul3A_1 : i32
    "tpu.region"() ({
      %run_scoped3A = tpu.sem_alloc : memref<!tpu.dma_semaphore, #tpu.memory_space<semaphore_mem>>
      %dma_start3A_76 = arith.constant 0 : i32
      %dma_start3A_77 = tpu.memref_slice %arg12[%mul3A_2, %dma_start3A_76] : memref<10112x128xf32, #tpu.memory_space<vmem_shared>> -> memref<632x128xf32, #tpu.memory_space<vmem_shared>>
      tpu.enqueue_dma source(%arg4 : memref<632x128xf32, #tpu.memory_space<hbm>>) target(%dma_start3A_77 : memref<632x128xf32, #tpu.memory_space<vmem_shared>>) target_semaphore(%run_scoped3A : memref<!tpu.dma_semaphore, #tpu.memory_space<semaphore_mem>>)
      %dma_wait3A_78 = arith.constant 0 : i32
      %dma_wait3A_79 = tpu.memref_slice %arg12[%mul3A_2, %dma_wait3A_78] : memref<10112x128xf32, #tpu.memory_space<vmem_shared>> -> memref<632x128xf32, #tpu.memory_space<vmem_shared>>
      tpu.wait_dma2 semaphore(%run_scoped3A : memref<!tpu.dma_semaphore, #tpu.memory_space<semaphore_mem>>) src(%arg4 : memref<632x128xf32, #tpu.memory_space<hbm>>) dst(%dma_wait3A_79 : memref<632x128xf32, #tpu.memory_space<vmem_shared>>)
      tpu.yield
    }) : () -> ()
    %barrier3A = arith.constant 0 : index
    tpu.barrier barrier_id(%barrier3A)
    %dma_start3A = arith.constant 0 : i32
    %dma_start3A_3 = arith.constant 0 : i32
    %dma_start3A_4 = arith.constant 0 : i32
    %dma_start3A_5 = arith.constant 0 : i32
    %dma_start3A_6 = tpu.memref_slice %arg3[%add3A, %dma_start3A, %dma_start3A_3, %dma_start3A_4, %dma_start3A_5] : memref<32x16x2x8x80xi32, #tpu.memory_space<hbm>> -> memref<1x1x2x8x80xi32, #tpu.memory_space<hbm>>
    %dma_start3A_7 = tpu.memref_squeeze %dma_start3A_6 : memref<1x1x2x8x80xi32, #tpu.memory_space<hbm>> -> memref<2x8x80xi32, #tpu.memory_space<hbm>>
    %dma_start3A_8 = arith.constant 0 : i32
    %dma_start3A_9 = arith.constant 0 : i32
    %dma_start3A_10 = arith.constant 0 : i32
    %dma_start3A_11 = tpu.memref_slice %arg3[%add3A, %dma_start3A, %dma_start3A_8, %dma_start3A_9, %dma_start3A_10] : memref<32x16x2x8x80xi32, #tpu.memory_space<hbm>> -> memref<1x1x2x8x80xi32, #tpu.memory_space<hbm>>
    %dma_start3A_12 = tpu.memref_squeeze %dma_start3A_11 : memref<1x1x2x8x80xi32, #tpu.memory_space<hbm>> -> memref<2x8x80xi32, #tpu.memory_space<hbm>>
    tpu.enqueue_dma source(%dma_start3A_12 : memref<2x8x80xi32, #tpu.memory_space<hbm>>) target(%arg6 : memref<2x8x80xi32, #tpu.memory_space<vmem>>) target_semaphore(%arg17 : memref<!tpu.dma_semaphore, #tpu.memory_space<semaphore_mem>>)
    %dma_wait3A = arith.constant 0 : i32
    %dma_wait3A_13 = arith.constant 0 : i32
    %dma_wait3A_14 = arith.constant 0 : i32
    %dma_wait3A_15 = arith.constant 0 : i32
    %dma_wait3A_16 = tpu.memref_slice %arg3[%add3A, %dma_wait3A, %dma_wait3A_13, %dma_wait3A_14, %dma_wait3A_15] : memref<32x16x2x8x80xi32, #tpu.memory_space<hbm>> -> memref<1x1x2x8x80xi32, #tpu.memory_space<hbm>>
    %dma_wait3A_17 = tpu.memref_squeeze %dma_wait3A_16 : memref<1x1x2x8x80xi32, #tpu.memory_space<hbm>> -> memref<2x8x80xi32, #tpu.memory_space<hbm>>
    %dma_wait3A_18 = arith.constant 0 : i32
    %dma_wait3A_19 = arith.constant 0 : i32
    %dma_wait3A_20 = arith.constant 0 : i32
    %dma_wait3A_21 = tpu.memref_slice %arg3[%add3A, %dma_wait3A, %dma_wait3A_18, %dma_wait3A_19, %dma_wait3A_20] : memref<32x16x2x8x80xi32, #tpu.memory_space<hbm>> -> memref<1x1x2x8x80xi32, #tpu.memory_space<hbm>>
    %dma_wait3A_22 = tpu.memref_squeeze %dma_wait3A_21 : memref<1x1x2x8x80xi32, #tpu.memory_space<hbm>> -> memref<2x8x80xi32, #tpu.memory_space<hbm>>
    tpu.wait_dma2 semaphore(%arg17 : memref<!tpu.dma_semaphore, #tpu.memory_space<semaphore_mem>>) src(%dma_wait3A_22 : memref<2x8x80xi32, #tpu.memory_space<hbm>>) dst(%arg6 : memref<2x8x80xi32, #tpu.memory_space<vmem>>)
    %dma_start3A_23 = arith.constant 0 : i32
    %dma_start3A_24 = arith.constant 0 : i32
    %dma_start3A_25 = arith.constant 0 : i32
    %dma_start3A_26 = tpu.memref_slice %arg6[%dma_start3A_23, %dma_start3A_24, %dma_start3A_25] : memref<2x8x80xi32, #tpu.memory_space<vmem>> -> memref<1x1x80xi32, #tpu.memory_space<vmem>>
    %dma_start3A_27 = tpu.memref_squeeze %dma_start3A_26 : memref<1x1x80xi32, #tpu.memory_space<vmem>> -> memref<80xi32, #tpu.memory_space<vmem>>
    %dma_start3A_28 = arith.constant 0 : i32
    %dma_start3A_29 = arith.constant 0 : i32
    %dma_start3A_30 = tpu.memref_slice %arg2[%dma_start3A_28, %dma_start3A_29] : memref<10000x128xf32, #tpu.memory_space<hbm>> -> memref<10000x128xf32, #tpu.memory_space<hbm>>
    tpu.enqueue_indirect_dma source(%dma_start3A_30 : memref<10000x128xf32, #tpu.memory_space<hbm>>) target(%arg8 : memref<80x128xf32, #tpu.memory_space<vmem>>) offsets(%dma_start3A_27 : memref<80xi32, #tpu.memory_space<vmem>>) semaphore(%arg13 : memref<!tpu.dma_semaphore, #tpu.memory_space<semaphore_mem>>)
    %dma_start3A_31 = arith.constant 0 : i32
    %dma_start3A_32 = arith.constant 1 : i32
    %dma_start3A_33 = arith.constant 0 : i32
    %dma_start3A_34 = tpu.memref_slice %arg6[%dma_start3A_31, %dma_start3A_32, %dma_start3A_33] : memref<2x8x80xi32, #tpu.memory_space<vmem>> -> memref<1x1x80xi32, #tpu.memory_space<vmem>>
    %dma_start3A_35 = tpu.memref_squeeze %dma_start3A_34 : memref<1x1x80xi32, #tpu.memory_space<vmem>> -> memref<80xi32, #tpu.memory_space<vmem>>
    %dma_start3A_36 = arith.constant 0 : i32
    %dma_start3A_37 = arith.constant 0 : i32
    %dma_start3A_38 = tpu.memref_slice %arg2[%dma_start3A_36, %dma_start3A_37] : memref<10000x128xf32, #tpu.memory_space<hbm>> -> memref<10000x128xf32, #tpu.memory_space<hbm>>
    tpu.enqueue_indirect_dma source(%dma_start3A_38 : memref<10000x128xf32, #tpu.memory_space<hbm>>) target(%arg9 : memref<80x128xf32, #tpu.memory_space<vmem>>) offsets(%dma_start3A_35 : memref<80xi32, #tpu.memory_space<vmem>>) semaphore(%arg14 : memref<!tpu.dma_semaphore, #tpu.memory_space<semaphore_mem>>)
    %dma_start3A_39 = arith.constant 0 : i32
    %dma_start3A_40 = arith.constant 2 : i32
    %dma_start3A_41 = arith.constant 0 : i32
    %dma_start3A_42 = tpu.memref_slice %arg6[%dma_start3A_39, %dma_start3A_40, %dma_start3A_41] : memref<2x8x80xi32, #tpu.memory_space<vmem>> -> memref<1x1x80xi32, #tpu.memory_space<vmem>>
    %dma_start3A_43 = tpu.memref_squeeze %dma_start3A_42 : memref<1x1x80xi32, #tpu.memory_space<vmem>> -> memref<80xi32, #tpu.memory_space<vmem>>
    %dma_start3A_44 = arith.constant 0 : i32
    %dma_start3A_45 = arith.constant 0 : i32
    %dma_start3A_46 = tpu.memref_slice %arg2[%dma_start3A_44, %dma_start3A_45] : memref<10000x128xf32, #tpu.memory_space<hbm>> -> memref<10000x128xf32, #tpu.memory_space<hbm>>
    tpu.enqueue_indirect_dma source(%dma_start3A_46 : memref<10000x128xf32, #tpu.memory_space<hbm>>) target(%arg10 : memref<80x128xf32, #tpu.memory_space<vmem>>) offsets(%dma_start3A_43 : memref<80xi32, #tpu.memory_space<vmem>>) semaphore(%arg15 : memref<!tpu.dma_semaphore, #tpu.memory_space<semaphore_mem>>)
    %dma_start3A_47 = arith.constant 0 : i32
    %dma_start3A_48 = arith.constant 3 : i32
    %dma_start3A_49 = arith.constant 0 : i32
    %dma_start3A_50 = tpu.memref_slice %arg6[%dma_start3A_47, %dma_start3A_48, %dma_start3A_49] : memref<2x8x80xi32, #tpu.memory_space<vmem>> -> memref<1x1x80xi32, #tpu.memory_space<vmem>>
    %dma_start3A_51 = tpu.memref_squeeze %dma_start3A_50 : memref<1x1x80xi32, #tpu.memory_space<vmem>> -> memref<80xi32, #tpu.memory_space<vmem>>
    %dma_start3A_52 = arith.constant 0 : i32
    %dma_start3A_53 = arith.constant 0 : i32
    %dma_start3A_54 = tpu.memref_slice %arg2[%dma_start3A_52, %dma_start3A_53] : memref<10000x128xf32, #tpu.memory_space<hbm>> -> memref<10000x128xf32, #tpu.memory_space<hbm>>
    tpu.enqueue_indirect_dma source(%dma_start3A_54 : memref<10000x128xf32, #tpu.memory_space<hbm>>) target(%arg11 : memref<80x128xf32, #tpu.memory_space<vmem>>) offsets(%dma_start3A_51 : memref<80xi32, #tpu.memory_space<vmem>>) semaphore(%arg16 : memref<!tpu.dma_semaphore, #tpu.memory_space<semaphore_mem>>)
    %dma_start3A_55 = arith.constant 1 : i32
    %dma_start3A_56 = arith.constant 0 : i32
    %dma_start3A_57 = arith.constant 0 : i32
    %dma_start3A_58 = arith.constant 0 : i32
    %dma_start3A_59 = tpu.memref_slice %arg3[%add3A, %dma_start3A_55, %dma_start3A_56, %dma_start3A_57, %dma_start3A_58] : memref<32x16x2x8x80xi32, #tpu.memory_space<hbm>> -> memref<1x1x2x8x80xi32, #tpu.memory_space<hbm>>
    %dma_start3A_60 = tpu.memref_squeeze %dma_start3A_59 : memref<1x1x2x8x80xi32, #tpu.memory_space<hbm>> -> memref<2x8x80xi32, #tpu.memory_space<hbm>>
    %dma_start3A_61 = arith.constant 0 : i32
    %dma_start3A_62 = arith.constant 0 : i32
    %dma_start3A_63 = arith.constant 0 : i32
    %dma_start3A_64 = tpu.memref_slice %arg3[%add3A, %dma_start3A_55, %dma_start3A_61, %dma_start3A_62, %dma_start3A_63] : memref<32x16x2x8x80xi32, #tpu.memory_space<hbm>> -> memref<1x1x2x8x80xi32, #tpu.memory_space<hbm>>
    %dma_start3A_65 = tpu.memref_squeeze %dma_start3A_64 : memref<1x1x2x8x80xi32, #tpu.memory_space<hbm>> -> memref<2x8x80xi32, #tpu.memory_space<hbm>>
    tpu.enqueue_dma source(%dma_start3A_65 : memref<2x8x80xi32, #tpu.memory_space<hbm>>) target(%arg7 : memref<2x8x80xi32, #tpu.memory_space<vmem>>) target_semaphore(%arg18 : memref<!tpu.dma_semaphore, #tpu.memory_space<semaphore_mem>>)
    %scan3A = arith.constant 0 : i32
    %scan3A_66 = arith.constant 0 : i32
    %scan3A_67 = arith.constant 8 : i32
    %scan3A_68 = arith.addi %scan3A_66, %scan3A_67 : i32
    %scan3A_69 = arith.constant 1 : i32
    scf.for %scan3A_76 = %scan3A_66 to %scan3A_68 step %scan3A_69  : i32 {
      %mul3A_77 = arith.constant 2 : i32
      %mul3A_78 = arith.muli %mul3A_77, %scan3A_76 : i32
      %add3A_79 = arith.constant 2 : i32
      %add3A_80 = arith.addi %mul3A_78, %add3A_79 : i32
      %min3A = arith.constant 15 : i32
      %min3A_81 = arith.minsi %add3A_80, %min3A : i32
      %dma_wait3A_82 = arith.constant 0 : i32
      %dma_wait3A_83 = arith.constant 0 : i32
      %dma_wait3A_84 = tpu.memref_slice %arg2[%dma_wait3A_82, %dma_wait3A_83] : memref<10000x128xf32, #tpu.memory_space<hbm>> -> memref<80x128xf32, #tpu.memory_space<hbm>>
      %dma_wait3A_85 = arith.constant 0 : i32
      %dma_wait3A_86 = arith.constant 0 : i32
      %dma_wait3A_87 = tpu.memref_slice %arg2[%dma_wait3A_85, %dma_wait3A_86] : memref<10000x128xf32, #tpu.memory_space<hbm>> -> memref<80x128xf32, #tpu.memory_space<hbm>>
      tpu.wait_dma2 semaphore(%arg13 : memref<!tpu.dma_semaphore, #tpu.memory_space<semaphore_mem>>) src(%dma_wait3A_87 : memref<80x128xf32, #tpu.memory_space<hbm>>) dst(%arg8 : memref<80x128xf32, #tpu.memory_space<vmem>>)
      %run_scoped3A = arith.constant 1 : i32
      %run_scoped3A_88 = arith.constant 0 : i32
      "tpu.region"() ({
        %run_scoped3A_343 = tpu.sem_alloc : memref<!tpu.dma_semaphore, #tpu.memory_space<semaphore_mem>>
        %dma_start3A_344 = arith.constant 0 : i32
        %dma_start3A_345 = tpu.memref_slice %arg6[%run_scoped3A, %run_scoped3A_88, %dma_start3A_344] : memref<2x8x80xi32, #tpu.memory_space<vmem>> -> memref<1x1x80xi32, #tpu.memory_space<vmem>>
        %dma_start3A_346 = tpu.memref_squeeze %dma_start3A_345 : memref<1x1x80xi32, #tpu.memory_space<vmem>> -> memref<80xi32, #tpu.memory_space<vmem>>
        %dma_start3A_347 = arith.constant 0 : i32
        %dma_start3A_348 = arith.constant 0 : i32
        %dma_start3A_349 = tpu.memref_slice %arg12[%dma_start3A_347, %dma_start3A_348] : memref<10112x128xf32, #tpu.memory_space<vmem_shared>> -> memref<10112x128xf32, #tpu.memory_space<vmem_shared>>
        tpu.enqueue_indirect_dma source(%arg8 : memref<80x128xf32, #tpu.memory_space<vmem>>) target(%dma_start3A_349 : memref<10112x128xf32, #tpu.memory_space<vmem_shared>>) offsets(%dma_start3A_346 : memref<80xi32, #tpu.memory_space<vmem>>) semaphore(%run_scoped3A_343 : memref<!tpu.dma_semaphore, #tpu.memory_space<semaphore_mem>>) {add = true}
        %dma_wait3A_350 = arith.constant 0 : i32
        %dma_wait3A_351 = tpu.memref_slice %arg6[%run_scoped3A, %run_scoped3A_88, %dma_wait3A_350] : memref<2x8x80xi32, #tpu.memory_space<vmem>> -> memref<1x1x80xi32, #tpu.memory_space<vmem>>
        %dma_wait3A_352 = tpu.memref_squeeze %dma_wait3A_351 : memref<1x1x80xi32, #tpu.memory_space<vmem>> -> memref<80xi32, #tpu.memory_space<vmem>>
        %dma_wait3A_353 = arith.constant 0 : i32
        %dma_wait3A_354 = arith.constant 0 : i32
        %dma_wait3A_355 = tpu.memref_slice %arg12[%dma_wait3A_353, %dma_wait3A_354] : memref<10112x128xf32, #tpu.memory_space<vmem_shared>> -> memref<10112x128xf32, #tpu.memory_space<vmem_shared>>
        tpu.wait_indirect_dma semaphore(%run_scoped3A_343 : memref<!tpu.dma_semaphore, #tpu.memory_space<semaphore_mem>>) src(%arg8 : memref<80x128xf32, #tpu.memory_space<vmem>>) dst(%dma_wait3A_355 : memref<10112x128xf32, #tpu.memory_space<vmem_shared>>)
        tpu.yield
      }) : () -> ()
      %dma_start3A_89 = arith.constant 0 : i32
      %dma_start3A_90 = arith.constant 4 : i32
      %dma_start3A_91 = arith.constant 0 : i32
      %dma_start3A_92 = tpu.memref_slice %arg6[%dma_start3A_89, %dma_start3A_90, %dma_start3A_91] : memref<2x8x80xi32, #tpu.memory_space<vmem>> -> memref<1x1x80xi32, #tpu.memory_space<vmem>>
      %dma_start3A_93 = tpu.memref_squeeze %dma_start3A_92 : memref<1x1x80xi32, #tpu.memory_space<vmem>> -> memref<80xi32, #tpu.memory_space<vmem>>
      %dma_start3A_94 = arith.constant 0 : i32
      %dma_start3A_95 = arith.constant 0 : i32
      %dma_start3A_96 = tpu.memref_slice %arg2[%dma_start3A_94, %dma_start3A_95] : memref<10000x128xf32, #tpu.memory_space<hbm>> -> memref<10000x128xf32, #tpu.memory_space<hbm>>
      tpu.enqueue_indirect_dma source(%dma_start3A_96 : memref<10000x128xf32, #tpu.memory_space<hbm>>) target(%arg8 : memref<80x128xf32, #tpu.memory_space<vmem>>) offsets(%dma_start3A_93 : memref<80xi32, #tpu.memory_space<vmem>>) semaphore(%arg13 : memref<!tpu.dma_semaphore, #tpu.memory_space<semaphore_mem>>)
      %dma_wait3A_97 = arith.constant 0 : i32
      %dma_wait3A_98 = arith.constant 0 : i32
      %dma_wait3A_99 = tpu.memref_slice %arg2[%dma_wait3A_97, %dma_wait3A_98] : memref<10000x128xf32, #tpu.memory_space<hbm>> -> memref<80x128xf32, #tpu.memory_space<hbm>>
      %dma_wait3A_100 = arith.constant 0 : i32
      %dma_wait3A_101 = arith.constant 0 : i32
      %dma_wait3A_102 = tpu.memref_slice %arg2[%dma_wait3A_100, %dma_wait3A_101] : memref<10000x128xf32, #tpu.memory_space<hbm>> -> memref<80x128xf32, #tpu.memory_space<hbm>>
      tpu.wait_dma2 semaphore(%arg14 : memref<!tpu.dma_semaphore, #tpu.memory_space<semaphore_mem>>) src(%dma_wait3A_102 : memref<80x128xf32, #tpu.memory_space<hbm>>) dst(%arg9 : memref<80x128xf32, #tpu.memory_space<vmem>>)
      %run_scoped3A_103 = arith.constant 1 : i32
      %run_scoped3A_104 = arith.constant 1 : i32
      "tpu.region"() ({
        %run_scoped3A_343 = tpu.sem_alloc : memref<!tpu.dma_semaphore, #tpu.memory_space<semaphore_mem>>
        %dma_start3A_344 = arith.constant 0 : i32
        %dma_start3A_345 = tpu.memref_slice %arg6[%run_scoped3A_103, %run_scoped3A_104, %dma_start3A_344] : memref<2x8x80xi32, #tpu.memory_space<vmem>> -> memref<1x1x80xi32, #tpu.memory_space<vmem>>
        %dma_start3A_346 = tpu.memref_squeeze %dma_start3A_345 : memref<1x1x80xi32, #tpu.memory_space<vmem>> -> memref<80xi32, #tpu.memory_space<vmem>>
        %dma_start3A_347 = arith.constant 0 : i32
        %dma_start3A_348 = arith.constant 0 : i32
        %dma_start3A_349 = tpu.memref_slice %arg12[%dma_start3A_347, %dma_start3A_348] : memref<10112x128xf32, #tpu.memory_space<vmem_shared>> -> memref<10112x128xf32, #tpu.memory_space<vmem_shared>>
        tpu.enqueue_indirect_dma source(%arg9 : memref<80x128xf32, #tpu.memory_space<vmem>>) target(%dma_start3A_349 : memref<10112x128xf32, #tpu.memory_space<vmem_shared>>) offsets(%dma_start3A_346 : memref<80xi32, #tpu.memory_space<vmem>>) semaphore(%run_scoped3A_343 : memref<!tpu.dma_semaphore, #tpu.memory_space<semaphore_mem>>) {add = true}
        %dma_wait3A_350 = arith.constant 0 : i32
        %dma_wait3A_351 = tpu.memref_slice %arg6[%run_scoped3A_103, %run_scoped3A_104, %dma_wait3A_350] : memref<2x8x80xi32, #tpu.memory_space<vmem>> -> memref<1x1x80xi32, #tpu.memory_space<vmem>>
        %dma_wait3A_352 = tpu.memref_squeeze %dma_wait3A_351 : memref<1x1x80xi32, #tpu.memory_space<vmem>> -> memref<80xi32, #tpu.memory_space<vmem>>
        %dma_wait3A_353 = arith.constant 0 : i32
        %dma_wait3A_354 = arith.constant 0 : i32
        %dma_wait3A_355 = tpu.memref_slice %arg12[%dma_wait3A_353, %dma_wait3A_354] : memref<10112x128xf32, #tpu.memory_space<vmem_shared>> -> memref<10112x128xf32, #tpu.memory_space<vmem_shared>>
        tpu.wait_indirect_dma semaphore(%run_scoped3A_343 : memref<!tpu.dma_semaphore, #tpu.memory_space<semaphore_mem>>) src(%arg9 : memref<80x128xf32, #tpu.memory_space<vmem>>) dst(%dma_wait3A_355 : memref<10112x128xf32, #tpu.memory_space<vmem_shared>>)
        tpu.yield
      }) : () -> ()
      %dma_start3A_105 = arith.constant 0 : i32
      %dma_start3A_106 = arith.constant 5 : i32
      %dma_start3A_107 = arith.constant 0 : i32
      %dma_start3A_108 = tpu.memref_slice %arg6[%dma_start3A_105, %dma_start3A_106, %dma_start3A_107] : memref<2x8x80xi32, #tpu.memory_space<vmem>> -> memref<1x1x80xi32, #tpu.memory_space<vmem>>
      %dma_start3A_109 = tpu.memref_squeeze %dma_start3A_108 : memref<1x1x80xi32, #tpu.memory_space<vmem>> -> memref<80xi32, #tpu.memory_space<vmem>>
      %dma_start3A_110 = arith.constant 0 : i32
      %dma_start3A_111 = arith.constant 0 : i32
      %dma_start3A_112 = tpu.memref_slice %arg2[%dma_start3A_110, %dma_start3A_111] : memref<10000x128xf32, #tpu.memory_space<hbm>> -> memref<10000x128xf32, #tpu.memory_space<hbm>>
      tpu.enqueue_indirect_dma source(%dma_start3A_112 : memref<10000x128xf32, #tpu.memory_space<hbm>>) target(%arg9 : memref<80x128xf32, #tpu.memory_space<vmem>>) offsets(%dma_start3A_109 : memref<80xi32, #tpu.memory_space<vmem>>) semaphore(%arg14 : memref<!tpu.dma_semaphore, #tpu.memory_space<semaphore_mem>>)
      %dma_wait3A_113 = arith.constant 0 : i32
      %dma_wait3A_114 = arith.constant 0 : i32
      %dma_wait3A_115 = tpu.memref_slice %arg2[%dma_wait3A_113, %dma_wait3A_114] : memref<10000x128xf32, #tpu.memory_space<hbm>> -> memref<80x128xf32, #tpu.memory_space<hbm>>
      %dma_wait3A_116 = arith.constant 0 : i32
      %dma_wait3A_117 = arith.constant 0 : i32
      %dma_wait3A_118 = tpu.memref_slice %arg2[%dma_wait3A_116, %dma_wait3A_117] : memref<10000x128xf32, #tpu.memory_space<hbm>> -> memref<80x128xf32, #tpu.memory_space<hbm>>
      tpu.wait_dma2 semaphore(%arg15 : memref<!tpu.dma_semaphore, #tpu.memory_space<semaphore_mem>>) src(%dma_wait3A_118 : memref<80x128xf32, #tpu.memory_space<hbm>>) dst(%arg10 : memref<80x128xf32, #tpu.memory_space<vmem>>)
      %run_scoped3A_119 = arith.constant 1 : i32
      %run_scoped3A_120 = arith.constant 2 : i32
      "tpu.region"() ({
        %run_scoped3A_343 = tpu.sem_alloc : memref<!tpu.dma_semaphore, #tpu.memory_space<semaphore_mem>>
        %dma_start3A_344 = arith.constant 0 : i32
        %dma_start3A_345 = tpu.memref_slice %arg6[%run_scoped3A_119, %run_scoped3A_120, %dma_start3A_344] : memref<2x8x80xi32, #tpu.memory_space<vmem>> -> memref<1x1x80xi32, #tpu.memory_space<vmem>>
        %dma_start3A_346 = tpu.memref_squeeze %dma_start3A_345 : memref<1x1x80xi32, #tpu.memory_space<vmem>> -> memref<80xi32, #tpu.memory_space<vmem>>
        %dma_start3A_347 = arith.constant 0 : i32
        %dma_start3A_348 = arith.constant 0 : i32
        %dma_start3A_349 = tpu.memref_slice %arg12[%dma_start3A_347, %dma_start3A_348] : memref<10112x128xf32, #tpu.memory_space<vmem_shared>> -> memref<10112x128xf32, #tpu.memory_space<vmem_shared>>
        tpu.enqueue_indirect_dma source(%arg10 : memref<80x128xf32, #tpu.memory_space<vmem>>) target(%dma_start3A_349 : memref<10112x128xf32, #tpu.memory_space<vmem_shared>>) offsets(%dma_start3A_346 : memref<80xi32, #tpu.memory_space<vmem>>) semaphore(%run_scoped3A_343 : memref<!tpu.dma_semaphore, #tpu.memory_space<semaphore_mem>>) {add = true}
        %dma_wait3A_350 = arith.constant 0 : i32
        %dma_wait3A_351 = tpu.memref_slice %arg6[%run_scoped3A_119, %run_scoped3A_120, %dma_wait3A_350] : memref<2x8x80xi32, #tpu.memory_space<vmem>> -> memref<1x1x80xi32, #tpu.memory_space<vmem>>
        %dma_wait3A_352 = tpu.memref_squeeze %dma_wait3A_351 : memref<1x1x80xi32, #tpu.memory_space<vmem>> -> memref<80xi32, #tpu.memory_space<vmem>>
        %dma_wait3A_353 = arith.constant 0 : i32
        %dma_wait3A_354 = arith.constant 0 : i32
        %dma_wait3A_355 = tpu.memref_slice %arg12[%dma_wait3A_353, %dma_wait3A_354] : memref<10112x128xf32, #tpu.memory_space<vmem_shared>> -> memref<10112x128xf32, #tpu.memory_space<vmem_shared>>
        tpu.wait_indirect_dma semaphore(%run_scoped3A_343 : memref<!tpu.dma_semaphore, #tpu.memory_space<semaphore_mem>>) src(%arg10 : memref<80x128xf32, #tpu.memory_space<vmem>>) dst(%dma_wait3A_355 : memref<10112x128xf32, #tpu.memory_space<vmem_shared>>)
        tpu.yield
      }) : () -> ()
      %dma_start3A_121 = arith.constant 0 : i32
      %dma_start3A_122 = arith.constant 6 : i32
      %dma_start3A_123 = arith.constant 0 : i32
      %dma_start3A_124 = tpu.memref_slice %arg6[%dma_start3A_121, %dma_start3A_122, %dma_start3A_123] : memref<2x8x80xi32, #tpu.memory_space<vmem>> -> memref<1x1x80xi32, #tpu.memory_space<vmem>>
      %dma_start3A_125 = tpu.memref_squeeze %dma_start3A_124 : memref<1x1x80xi32, #tpu.memory_space<vmem>> -> memref<80xi32, #tpu.memory_space<vmem>>
      %dma_start3A_126 = arith.constant 0 : i32
      %dma_start3A_127 = arith.constant 0 : i32
      %dma_start3A_128 = tpu.memref_slice %arg2[%dma_start3A_126, %dma_start3A_127] : memref<10000x128xf32, #tpu.memory_space<hbm>> -> memref<10000x128xf32, #tpu.memory_space<hbm>>
      tpu.enqueue_indirect_dma source(%dma_start3A_128 : memref<10000x128xf32, #tpu.memory_space<hbm>>) target(%arg10 : memref<80x128xf32, #tpu.memory_space<vmem>>) offsets(%dma_start3A_125 : memref<80xi32, #tpu.memory_space<vmem>>) semaphore(%arg15 : memref<!tpu.dma_semaphore, #tpu.memory_space<semaphore_mem>>)
      %dma_wait3A_129 = arith.constant 0 : i32
      %dma_wait3A_130 = arith.constant 0 : i32
      %dma_wait3A_131 = tpu.memref_slice %arg2[%dma_wait3A_129, %dma_wait3A_130] : memref<10000x128xf32, #tpu.memory_space<hbm>> -> memref<80x128xf32, #tpu.memory_space<hbm>>
      %dma_wait3A_132 = arith.constant 0 : i32
      %dma_wait3A_133 = arith.constant 0 : i32
      %dma_wait3A_134 = tpu.memref_slice %arg2[%dma_wait3A_132, %dma_wait3A_133] : memref<10000x128xf32, #tpu.memory_space<hbm>> -> memref<80x128xf32, #tpu.memory_space<hbm>>
      tpu.wait_dma2 semaphore(%arg16 : memref<!tpu.dma_semaphore, #tpu.memory_space<semaphore_mem>>) src(%dma_wait3A_134 : memref<80x128xf32, #tpu.memory_space<hbm>>) dst(%arg11 : memref<80x128xf32, #tpu.memory_space<vmem>>)
      %run_scoped3A_135 = arith.constant 1 : i32
      %run_scoped3A_136 = arith.constant 3 : i32
      "tpu.region"() ({
        %run_scoped3A_343 = tpu.sem_alloc : memref<!tpu.dma_semaphore, #tpu.memory_space<semaphore_mem>>
        %dma_start3A_344 = arith.constant 0 : i32
        %dma_start3A_345 = tpu.memref_slice %arg6[%run_scoped3A_135, %run_scoped3A_136, %dma_start3A_344] : memref<2x8x80xi32, #tpu.memory_space<vmem>> -> memref<1x1x80xi32, #tpu.memory_space<vmem>>
        %dma_start3A_346 = tpu.memref_squeeze %dma_start3A_345 : memref<1x1x80xi32, #tpu.memory_space<vmem>> -> memref<80xi32, #tpu.memory_space<vmem>>
        %dma_start3A_347 = arith.constant 0 : i32
        %dma_start3A_348 = arith.constant 0 : i32
        %dma_start3A_349 = tpu.memref_slice %arg12[%dma_start3A_347, %dma_start3A_348] : memref<10112x128xf32, #tpu.memory_space<vmem_shared>> -> memref<10112x128xf32, #tpu.memory_space<vmem_shared>>
        tpu.enqueue_indirect_dma source(%arg11 : memref<80x128xf32, #tpu.memory_space<vmem>>) target(%dma_start3A_349 : memref<10112x128xf32, #tpu.memory_space<vmem_shared>>) offsets(%dma_start3A_346 : memref<80xi32, #tpu.memory_space<vmem>>) semaphore(%run_scoped3A_343 : memref<!tpu.dma_semaphore, #tpu.memory_space<semaphore_mem>>) {add = true}
        %dma_wait3A_350 = arith.constant 0 : i32
        %dma_wait3A_351 = tpu.memref_slice %arg6[%run_scoped3A_135, %run_scoped3A_136, %dma_wait3A_350] : memref<2x8x80xi32, #tpu.memory_space<vmem>> -> memref<1x1x80xi32, #tpu.memory_space<vmem>>
        %dma_wait3A_352 = tpu.memref_squeeze %dma_wait3A_351 : memref<1x1x80xi32, #tpu.memory_space<vmem>> -> memref<80xi32, #tpu.memory_space<vmem>>
        %dma_wait3A_353 = arith.constant 0 : i32
        %dma_wait3A_354 = arith.constant 0 : i32
        %dma_wait3A_355 = tpu.memref_slice %arg12[%dma_wait3A_353, %dma_wait3A_354] : memref<10112x128xf32, #tpu.memory_space<vmem_shared>> -> memref<10112x128xf32, #tpu.memory_space<vmem_shared>>
        tpu.wait_indirect_dma semaphore(%run_scoped3A_343 : memref<!tpu.dma_semaphore, #tpu.memory_space<semaphore_mem>>) src(%arg11 : memref<80x128xf32, #tpu.memory_space<vmem>>) dst(%dma_wait3A_355 : memref<10112x128xf32, #tpu.memory_space<vmem_shared>>)
        tpu.yield
      }) : () -> ()
      %dma_start3A_137 = arith.constant 0 : i32
      %dma_start3A_138 = arith.constant 7 : i32
      %dma_start3A_139 = arith.constant 0 : i32
      %dma_start3A_140 = tpu.memref_slice %arg6[%dma_start3A_137, %dma_start3A_138, %dma_start3A_139] : memref<2x8x80xi32, #tpu.memory_space<vmem>> -> memref<1x1x80xi32, #tpu.memory_space<vmem>>
      %dma_start3A_141 = tpu.memref_squeeze %dma_start3A_140 : memref<1x1x80xi32, #tpu.memory_space<vmem>> -> memref<80xi32, #tpu.memory_space<vmem>>
      %dma_start3A_142 = arith.constant 0 : i32
      %dma_start3A_143 = arith.constant 0 : i32
      %dma_start3A_144 = tpu.memref_slice %arg2[%dma_start3A_142, %dma_start3A_143] : memref<10000x128xf32, #tpu.memory_space<hbm>> -> memref<10000x128xf32, #tpu.memory_space<hbm>>
      tpu.enqueue_indirect_dma source(%dma_start3A_144 : memref<10000x128xf32, #tpu.memory_space<hbm>>) target(%arg11 : memref<80x128xf32, #tpu.memory_space<vmem>>) offsets(%dma_start3A_141 : memref<80xi32, #tpu.memory_space<vmem>>) semaphore(%arg16 : memref<!tpu.dma_semaphore, #tpu.memory_space<semaphore_mem>>)
      %dma_wait3A_145 = arith.constant 0 : i32
      %dma_wait3A_146 = arith.constant 0 : i32
      %dma_wait3A_147 = tpu.memref_slice %arg2[%dma_wait3A_145, %dma_wait3A_146] : memref<10000x128xf32, #tpu.memory_space<hbm>> -> memref<80x128xf32, #tpu.memory_space<hbm>>
      %dma_wait3A_148 = arith.constant 0 : i32
      %dma_wait3A_149 = arith.constant 0 : i32
      %dma_wait3A_150 = tpu.memref_slice %arg2[%dma_wait3A_148, %dma_wait3A_149] : memref<10000x128xf32, #tpu.memory_space<hbm>> -> memref<80x128xf32, #tpu.memory_space<hbm>>
      tpu.wait_dma2 semaphore(%arg13 : memref<!tpu.dma_semaphore, #tpu.memory_space<semaphore_mem>>) src(%dma_wait3A_150 : memref<80x128xf32, #tpu.memory_space<hbm>>) dst(%arg8 : memref<80x128xf32, #tpu.memory_space<vmem>>)
      %run_scoped3A_151 = arith.constant 1 : i32
      %run_scoped3A_152 = arith.constant 4 : i32
      "tpu.region"() ({
        %run_scoped3A_343 = tpu.sem_alloc : memref<!tpu.dma_semaphore, #tpu.memory_space<semaphore_mem>>
        %dma_start3A_344 = arith.constant 0 : i32
        %dma_start3A_345 = tpu.memref_slice %arg6[%run_scoped3A_151, %run_scoped3A_152, %dma_start3A_344] : memref<2x8x80xi32, #tpu.memory_space<vmem>> -> memref<1x1x80xi32, #tpu.memory_space<vmem>>
        %dma_start3A_346 = tpu.memref_squeeze %dma_start3A_345 : memref<1x1x80xi32, #tpu.memory_space<vmem>> -> memref<80xi32, #tpu.memory_space<vmem>>
        %dma_start3A_347 = arith.constant 0 : i32
        %dma_start3A_348 = arith.constant 0 : i32
        %dma_start3A_349 = tpu.memref_slice %arg12[%dma_start3A_347, %dma_start3A_348] : memref<10112x128xf32, #tpu.memory_space<vmem_shared>> -> memref<10112x128xf32, #tpu.memory_space<vmem_shared>>
        tpu.enqueue_indirect_dma source(%arg8 : memref<80x128xf32, #tpu.memory_space<vmem>>) target(%dma_start3A_349 : memref<10112x128xf32, #tpu.memory_space<vmem_shared>>) offsets(%dma_start3A_346 : memref<80xi32, #tpu.memory_space<vmem>>) semaphore(%run_scoped3A_343 : memref<!tpu.dma_semaphore, #tpu.memory_space<semaphore_mem>>) {add = true}
        %dma_wait3A_350 = arith.constant 0 : i32
        %dma_wait3A_351 = tpu.memref_slice %arg6[%run_scoped3A_151, %run_scoped3A_152, %dma_wait3A_350] : memref<2x8x80xi32, #tpu.memory_space<vmem>> -> memref<1x1x80xi32, #tpu.memory_space<vmem>>
        %dma_wait3A_352 = tpu.memref_squeeze %dma_wait3A_351 : memref<1x1x80xi32, #tpu.memory_space<vmem>> -> memref<80xi32, #tpu.memory_space<vmem>>
        %dma_wait3A_353 = arith.constant 0 : i32
        %dma_wait3A_354 = arith.constant 0 : i32
        %dma_wait3A_355 = tpu.memref_slice %arg12[%dma_wait3A_353, %dma_wait3A_354] : memref<10112x128xf32, #tpu.memory_space<vmem_shared>> -> memref<10112x128xf32, #tpu.memory_space<vmem_shared>>
        tpu.wait_indirect_dma semaphore(%run_scoped3A_343 : memref<!tpu.dma_semaphore, #tpu.memory_space<semaphore_mem>>) src(%arg8 : memref<80x128xf32, #tpu.memory_space<vmem>>) dst(%dma_wait3A_355 : memref<10112x128xf32, #tpu.memory_space<vmem_shared>>)
        tpu.yield
      }) : () -> ()
      %dma_wait3A_153 = arith.constant 0 : i32
      %dma_wait3A_154 = arith.constant 0 : i32
      %dma_wait3A_155 = arith.constant 0 : i32
      %dma_wait3A_156 = arith.constant 0 : i32
      %dma_wait3A_157 = tpu.memref_slice %arg3[%add3A, %dma_wait3A_153, %dma_wait3A_154, %dma_wait3A_155, %dma_wait3A_156] : memref<32x16x2x8x80xi32, #tpu.memory_space<hbm>> -> memref<1x1x2x8x80xi32, #tpu.memory_space<hbm>>
      %dma_wait3A_158 = tpu.memref_squeeze %dma_wait3A_157 : memref<1x1x2x8x80xi32, #tpu.memory_space<hbm>> -> memref<2x8x80xi32, #tpu.memory_space<hbm>>
      %dma_wait3A_159 = arith.constant 0 : i32
      %dma_wait3A_160 = arith.constant 0 : i32
      %dma_wait3A_161 = arith.constant 0 : i32
      %dma_wait3A_162 = tpu.memref_slice %arg3[%add3A, %dma_wait3A_153, %dma_wait3A_159, %dma_wait3A_160, %dma_wait3A_161] : memref<32x16x2x8x80xi32, #tpu.memory_space<hbm>> -> memref<1x1x2x8x80xi32, #tpu.memory_space<hbm>>
      %dma_wait3A_163 = tpu.memref_squeeze %dma_wait3A_162 : memref<1x1x2x8x80xi32, #tpu.memory_space<hbm>> -> memref<2x8x80xi32, #tpu.memory_space<hbm>>
      tpu.wait_dma2 semaphore(%arg18 : memref<!tpu.dma_semaphore, #tpu.memory_space<semaphore_mem>>) src(%dma_wait3A_163 : memref<2x8x80xi32, #tpu.memory_space<hbm>>) dst(%arg7 : memref<2x8x80xi32, #tpu.memory_space<vmem>>)
      %dma_start3A_164 = arith.constant 0 : i32
      %dma_start3A_165 = arith.constant 0 : i32
      %dma_start3A_166 = arith.constant 0 : i32
      %dma_start3A_167 = tpu.memref_slice %arg7[%dma_start3A_164, %dma_start3A_165, %dma_start3A_166] : memref<2x8x80xi32, #tpu.memory_space<vmem>> -> memref<1x1x80xi32, #tpu.memory_space<vmem>>
      %dma_start3A_168 = tpu.memref_squeeze %dma_start3A_167 : memref<1x1x80xi32, #tpu.memory_space<vmem>> -> memref<80xi32, #tpu.memory_space<vmem>>
      %dma_start3A_169 = arith.constant 0 : i32
      %dma_start3A_170 = arith.constant 0 : i32
      %dma_start3A_171 = tpu.memref_slice %arg2[%dma_start3A_169, %dma_start3A_170] : memref<10000x128xf32, #tpu.memory_space<hbm>> -> memref<10000x128xf32, #tpu.memory_space<hbm>>
      tpu.enqueue_indirect_dma source(%dma_start3A_171 : memref<10000x128xf32, #tpu.memory_space<hbm>>) target(%arg8 : memref<80x128xf32, #tpu.memory_space<vmem>>) offsets(%dma_start3A_168 : memref<80xi32, #tpu.memory_space<vmem>>) semaphore(%arg13 : memref<!tpu.dma_semaphore, #tpu.memory_space<semaphore_mem>>)
      %dma_wait3A_172 = arith.constant 0 : i32
      %dma_wait3A_173 = arith.constant 0 : i32
      %dma_wait3A_174 = tpu.memref_slice %arg2[%dma_wait3A_172, %dma_wait3A_173] : memref<10000x128xf32, #tpu.memory_space<hbm>> -> memref<80x128xf32, #tpu.memory_space<hbm>>
      %dma_wait3A_175 = arith.constant 0 : i32
      %dma_wait3A_176 = arith.constant 0 : i32
      %dma_wait3A_177 = tpu.memref_slice %arg2[%dma_wait3A_175, %dma_wait3A_176] : memref<10000x128xf32, #tpu.memory_space<hbm>> -> memref<80x128xf32, #tpu.memory_space<hbm>>
      tpu.wait_dma2 semaphore(%arg14 : memref<!tpu.dma_semaphore, #tpu.memory_space<semaphore_mem>>) src(%dma_wait3A_177 : memref<80x128xf32, #tpu.memory_space<hbm>>) dst(%arg9 : memref<80x128xf32, #tpu.memory_space<vmem>>)
      %run_scoped3A_178 = arith.constant 1 : i32
      %run_scoped3A_179 = arith.constant 5 : i32
      "tpu.region"() ({
        %run_scoped3A_343 = tpu.sem_alloc : memref<!tpu.dma_semaphore, #tpu.memory_space<semaphore_mem>>
        %dma_start3A_344 = arith.constant 0 : i32
        %dma_start3A_345 = tpu.memref_slice %arg6[%run_scoped3A_178, %run_scoped3A_179, %dma_start3A_344] : memref<2x8x80xi32, #tpu.memory_space<vmem>> -> memref<1x1x80xi32, #tpu.memory_space<vmem>>
        %dma_start3A_346 = tpu.memref_squeeze %dma_start3A_345 : memref<1x1x80xi32, #tpu.memory_space<vmem>> -> memref<80xi32, #tpu.memory_space<vmem>>
        %dma_start3A_347 = arith.constant 0 : i32
        %dma_start3A_348 = arith.constant 0 : i32
        %dma_start3A_349 = tpu.memref_slice %arg12[%dma_start3A_347, %dma_start3A_348] : memref<10112x128xf32, #tpu.memory_space<vmem_shared>> -> memref<10112x128xf32, #tpu.memory_space<vmem_shared>>
        tpu.enqueue_indirect_dma source(%arg9 : memref<80x128xf32, #tpu.memory_space<vmem>>) target(%dma_start3A_349 : memref<10112x128xf32, #tpu.memory_space<vmem_shared>>) offsets(%dma_start3A_346 : memref<80xi32, #tpu.memory_space<vmem>>) semaphore(%run_scoped3A_343 : memref<!tpu.dma_semaphore, #tpu.memory_space<semaphore_mem>>) {add = true}
        %dma_wait3A_350 = arith.constant 0 : i32
        %dma_wait3A_351 = tpu.memref_slice %arg6[%run_scoped3A_178, %run_scoped3A_179, %dma_wait3A_350] : memref<2x8x80xi32, #tpu.memory_space<vmem>> -> memref<1x1x80xi32, #tpu.memory_space<vmem>>
        %dma_wait3A_352 = tpu.memref_squeeze %dma_wait3A_351 : memref<1x1x80xi32, #tpu.memory_space<vmem>> -> memref<80xi32, #tpu.memory_space<vmem>>
        %dma_wait3A_353 = arith.constant 0 : i32
        %dma_wait3A_354 = arith.constant 0 : i32
        %dma_wait3A_355 = tpu.memref_slice %arg12[%dma_wait3A_353, %dma_wait3A_354] : memref<10112x128xf32, #tpu.memory_space<vmem_shared>> -> memref<10112x128xf32, #tpu.memory_space<vmem_shared>>
        tpu.wait_indirect_dma semaphore(%run_scoped3A_343 : memref<!tpu.dma_semaphore, #tpu.memory_space<semaphore_mem>>) src(%arg9 : memref<80x128xf32, #tpu.memory_space<vmem>>) dst(%dma_wait3A_355 : memref<10112x128xf32, #tpu.memory_space<vmem_shared>>)
        tpu.yield
      }) : () -> ()
      %dma_start3A_180 = arith.constant 0 : i32
      %dma_start3A_181 = arith.constant 1 : i32
      %dma_start3A_182 = arith.constant 0 : i32
      %dma_start3A_183 = tpu.memref_slice %arg7[%dma_start3A_180, %dma_start3A_181, %dma_start3A_182] : memref<2x8x80xi32, #tpu.memory_space<vmem>> -> memref<1x1x80xi32, #tpu.memory_space<vmem>>
      %dma_start3A_184 = tpu.memref_squeeze %dma_start3A_183 : memref<1x1x80xi32, #tpu.memory_space<vmem>> -> memref<80xi32, #tpu.memory_space<vmem>>
      %dma_start3A_185 = arith.constant 0 : i32
      %dma_start3A_186 = arith.constant 0 : i32
      %dma_start3A_187 = tpu.memref_slice %arg2[%dma_start3A_185, %dma_start3A_186] : memref<10000x128xf32, #tpu.memory_space<hbm>> -> memref<10000x128xf32, #tpu.memory_space<hbm>>
      tpu.enqueue_indirect_dma source(%dma_start3A_187 : memref<10000x128xf32, #tpu.memory_space<hbm>>) target(%arg9 : memref<80x128xf32, #tpu.memory_space<vmem>>) offsets(%dma_start3A_184 : memref<80xi32, #tpu.memory_space<vmem>>) semaphore(%arg14 : memref<!tpu.dma_semaphore, #tpu.memory_space<semaphore_mem>>)
      %dma_wait3A_188 = arith.constant 0 : i32
      %dma_wait3A_189 = arith.constant 0 : i32
      %dma_wait3A_190 = tpu.memref_slice %arg2[%dma_wait3A_188, %dma_wait3A_189] : memref<10000x128xf32, #tpu.memory_space<hbm>> -> memref<80x128xf32, #tpu.memory_space<hbm>>
      %dma_wait3A_191 = arith.constant 0 : i32
      %dma_wait3A_192 = arith.constant 0 : i32
      %dma_wait3A_193 = tpu.memref_slice %arg2[%dma_wait3A_191, %dma_wait3A_192] : memref<10000x128xf32, #tpu.memory_space<hbm>> -> memref<80x128xf32, #tpu.memory_space<hbm>>
      tpu.wait_dma2 semaphore(%arg15 : memref<!tpu.dma_semaphore, #tpu.memory_space<semaphore_mem>>) src(%dma_wait3A_193 : memref<80x128xf32, #tpu.memory_space<hbm>>) dst(%arg10 : memref<80x128xf32, #tpu.memory_space<vmem>>)
      %run_scoped3A_194 = arith.constant 1 : i32
      %run_scoped3A_195 = arith.constant 6 : i32
      "tpu.region"() ({
        %run_scoped3A_343 = tpu.sem_alloc : memref<!tpu.dma_semaphore, #tpu.memory_space<semaphore_mem>>
        %dma_start3A_344 = arith.constant 0 : i32
        %dma_start3A_345 = tpu.memref_slice %arg6[%run_scoped3A_194, %run_scoped3A_195, %dma_start3A_344] : memref<2x8x80xi32, #tpu.memory_space<vmem>> -> memref<1x1x80xi32, #tpu.memory_space<vmem>>
        %dma_start3A_346 = tpu.memref_squeeze %dma_start3A_345 : memref<1x1x80xi32, #tpu.memory_space<vmem>> -> memref<80xi32, #tpu.memory_space<vmem>>
        %dma_start3A_347 = arith.constant 0 : i32
        %dma_start3A_348 = arith.constant 0 : i32
        %dma_start3A_349 = tpu.memref_slice %arg12[%dma_start3A_347, %dma_start3A_348] : memref<10112x128xf32, #tpu.memory_space<vmem_shared>> -> memref<10112x128xf32, #tpu.memory_space<vmem_shared>>
        tpu.enqueue_indirect_dma source(%arg10 : memref<80x128xf32, #tpu.memory_space<vmem>>) target(%dma_start3A_349 : memref<10112x128xf32, #tpu.memory_space<vmem_shared>>) offsets(%dma_start3A_346 : memref<80xi32, #tpu.memory_space<vmem>>) semaphore(%run_scoped3A_343 : memref<!tpu.dma_semaphore, #tpu.memory_space<semaphore_mem>>) {add = true}
        %dma_wait3A_350 = arith.constant 0 : i32
        %dma_wait3A_351 = tpu.memref_slice %arg6[%run_scoped3A_194, %run_scoped3A_195, %dma_wait3A_350] : memref<2x8x80xi32, #tpu.memory_space<vmem>> -> memref<1x1x80xi32, #tpu.memory_space<vmem>>
        %dma_wait3A_352 = tpu.memref_squeeze %dma_wait3A_351 : memref<1x1x80xi32, #tpu.memory_space<vmem>> -> memref<80xi32, #tpu.memory_space<vmem>>
        %dma_wait3A_353 = arith.constant 0 : i32
        %dma_wait3A_354 = arith.constant 0 : i32
        %dma_wait3A_355 = tpu.memref_slice %arg12[%dma_wait3A_353, %dma_wait3A_354] : memref<10112x128xf32, #tpu.memory_space<vmem_shared>> -> memref<10112x128xf32, #tpu.memory_space<vmem_shared>>
        tpu.wait_indirect_dma semaphore(%run_scoped3A_343 : memref<!tpu.dma_semaphore, #tpu.memory_space<semaphore_mem>>) src(%arg10 : memref<80x128xf32, #tpu.memory_space<vmem>>) dst(%dma_wait3A_355 : memref<10112x128xf32, #tpu.memory_space<vmem_shared>>)
        tpu.yield
      }) : () -> ()
      %dma_start3A_196 = arith.constant 0 : i32
      %dma_start3A_197 = arith.constant 2 : i32
      %dma_start3A_198 = arith.constant 0 : i32
      %dma_start3A_199 = tpu.memref_slice %arg7[%dma_start3A_196, %dma_start3A_197, %dma_start3A_198] : memref<2x8x80xi32, #tpu.memory_space<vmem>> -> memref<1x1x80xi32, #tpu.memory_space<vmem>>
      %dma_start3A_200 = tpu.memref_squeeze %dma_start3A_199 : memref<1x1x80xi32, #tpu.memory_space<vmem>> -> memref<80xi32, #tpu.memory_space<vmem>>
      %dma_start3A_201 = arith.constant 0 : i32
      %dma_start3A_202 = arith.constant 0 : i32
      %dma_start3A_203 = tpu.memref_slice %arg2[%dma_start3A_201, %dma_start3A_202] : memref<10000x128xf32, #tpu.memory_space<hbm>> -> memref<10000x128xf32, #tpu.memory_space<hbm>>
      tpu.enqueue_indirect_dma source(%dma_start3A_203 : memref<10000x128xf32, #tpu.memory_space<hbm>>) target(%arg10 : memref<80x128xf32, #tpu.memory_space<vmem>>) offsets(%dma_start3A_200 : memref<80xi32, #tpu.memory_space<vmem>>) semaphore(%arg15 : memref<!tpu.dma_semaphore, #tpu.memory_space<semaphore_mem>>)
      %dma_wait3A_204 = arith.constant 0 : i32
      %dma_wait3A_205 = arith.constant 0 : i32
      %dma_wait3A_206 = tpu.memref_slice %arg2[%dma_wait3A_204, %dma_wait3A_205] : memref<10000x128xf32, #tpu.memory_space<hbm>> -> memref<80x128xf32, #tpu.memory_space<hbm>>
      %dma_wait3A_207 = arith.constant 0 : i32
      %dma_wait3A_208 = arith.constant 0 : i32
      %dma_wait3A_209 = tpu.memref_slice %arg2[%dma_wait3A_207, %dma_wait3A_208] : memref<10000x128xf32, #tpu.memory_space<hbm>> -> memref<80x128xf32, #tpu.memory_space<hbm>>
      tpu.wait_dma2 semaphore(%arg16 : memref<!tpu.dma_semaphore, #tpu.memory_space<semaphore_mem>>) src(%dma_wait3A_209 : memref<80x128xf32, #tpu.memory_space<hbm>>) dst(%arg11 : memref<80x128xf32, #tpu.memory_space<vmem>>)
      %run_scoped3A_210 = arith.constant 1 : i32
      %run_scoped3A_211 = arith.constant 7 : i32
      "tpu.region"() ({
        %run_scoped3A_343 = tpu.sem_alloc : memref<!tpu.dma_semaphore, #tpu.memory_space<semaphore_mem>>
        %dma_start3A_344 = arith.constant 0 : i32
        %dma_start3A_345 = tpu.memref_slice %arg6[%run_scoped3A_210, %run_scoped3A_211, %dma_start3A_344] : memref<2x8x80xi32, #tpu.memory_space<vmem>> -> memref<1x1x80xi32, #tpu.memory_space<vmem>>
        %dma_start3A_346 = tpu.memref_squeeze %dma_start3A_345 : memref<1x1x80xi32, #tpu.memory_space<vmem>> -> memref<80xi32, #tpu.memory_space<vmem>>
        %dma_start3A_347 = arith.constant 0 : i32
        %dma_start3A_348 = arith.constant 0 : i32
        %dma_start3A_349 = tpu.memref_slice %arg12[%dma_start3A_347, %dma_start3A_348] : memref<10112x128xf32, #tpu.memory_space<vmem_shared>> -> memref<10112x128xf32, #tpu.memory_space<vmem_shared>>
        tpu.enqueue_indirect_dma source(%arg11 : memref<80x128xf32, #tpu.memory_space<vmem>>) target(%dma_start3A_349 : memref<10112x128xf32, #tpu.memory_space<vmem_shared>>) offsets(%dma_start3A_346 : memref<80xi32, #tpu.memory_space<vmem>>) semaphore(%run_scoped3A_343 : memref<!tpu.dma_semaphore, #tpu.memory_space<semaphore_mem>>) {add = true}
        %dma_wait3A_350 = arith.constant 0 : i32
        %dma_wait3A_351 = tpu.memref_slice %arg6[%run_scoped3A_210, %run_scoped3A_211, %dma_wait3A_350] : memref<2x8x80xi32, #tpu.memory_space<vmem>> -> memref<1x1x80xi32, #tpu.memory_space<vmem>>
        %dma_wait3A_352 = tpu.memref_squeeze %dma_wait3A_351 : memref<1x1x80xi32, #tpu.memory_space<vmem>> -> memref<80xi32, #tpu.memory_space<vmem>>
        %dma_wait3A_353 = arith.constant 0 : i32
        %dma_wait3A_354 = arith.constant 0 : i32
        %dma_wait3A_355 = tpu.memref_slice %arg12[%dma_wait3A_353, %dma_wait3A_354] : memref<10112x128xf32, #tpu.memory_space<vmem_shared>> -> memref<10112x128xf32, #tpu.memory_space<vmem_shared>>
        tpu.wait_indirect_dma semaphore(%run_scoped3A_343 : memref<!tpu.dma_semaphore, #tpu.memory_space<semaphore_mem>>) src(%arg11 : memref<80x128xf32, #tpu.memory_space<vmem>>) dst(%dma_wait3A_355 : memref<10112x128xf32, #tpu.memory_space<vmem_shared>>)
        tpu.yield
      }) : () -> ()
      %dma_start3A_212 = arith.constant 0 : i32
      %dma_start3A_213 = arith.constant 3 : i32
      %dma_start3A_214 = arith.constant 0 : i32
      %dma_start3A_215 = tpu.memref_slice %arg7[%dma_start3A_212, %dma_start3A_213, %dma_start3A_214] : memref<2x8x80xi32, #tpu.memory_space<vmem>> -> memref<1x1x80xi32, #tpu.memory_space<vmem>>
      %dma_start3A_216 = tpu.memref_squeeze %dma_start3A_215 : memref<1x1x80xi32, #tpu.memory_space<vmem>> -> memref<80xi32, #tpu.memory_space<vmem>>
      %dma_start3A_217 = arith.constant 0 : i32
      %dma_start3A_218 = arith.constant 0 : i32
      %dma_start3A_219 = tpu.memref_slice %arg2[%dma_start3A_217, %dma_start3A_218] : memref<10000x128xf32, #tpu.memory_space<hbm>> -> memref<10000x128xf32, #tpu.memory_space<hbm>>
      tpu.enqueue_indirect_dma source(%dma_start3A_219 : memref<10000x128xf32, #tpu.memory_space<hbm>>) target(%arg11 : memref<80x128xf32, #tpu.memory_space<vmem>>) offsets(%dma_start3A_216 : memref<80xi32, #tpu.memory_space<vmem>>) semaphore(%arg16 : memref<!tpu.dma_semaphore, #tpu.memory_space<semaphore_mem>>)
      %lt3A = arith.constant 7 : i32
      %lt3A_220 = arith.cmpi slt, %scan3A_76, %lt3A : i32
      %convert_element_type3A = arith.extui %lt3A_220 : i1 to i32
      %cond3A = arith.constant 0 : i32
      %cond3A_221 = arith.cmpi ne, %convert_element_type3A, %cond3A : i32
      scf.if %cond3A_221 {
        %dma_start3A_343 = arith.constant 0 : i32
        %dma_start3A_344 = arith.constant 0 : i32
        %dma_start3A_345 = arith.constant 0 : i32
        %dma_start3A_346 = tpu.memref_slice %arg3[%add3A, %min3A_81, %dma_start3A_343, %dma_start3A_344, %dma_start3A_345] : memref<32x16x2x8x80xi32, #tpu.memory_space<hbm>> -> memref<1x1x2x8x80xi32, #tpu.memory_space<hbm>>
        %dma_start3A_347 = tpu.memref_squeeze %dma_start3A_346 : memref<1x1x2x8x80xi32, #tpu.memory_space<hbm>> -> memref<2x8x80xi32, #tpu.memory_space<hbm>>
        %dma_start3A_348 = arith.constant 0 : i32
        %dma_start3A_349 = arith.constant 0 : i32
        %dma_start3A_350 = arith.constant 0 : i32
        %dma_start3A_351 = tpu.memref_slice %arg3[%add3A, %min3A_81, %dma_start3A_348, %dma_start3A_349, %dma_start3A_350] : memref<32x16x2x8x80xi32, #tpu.memory_space<hbm>> -> memref<1x1x2x8x80xi32, #tpu.memory_space<hbm>>
        %dma_start3A_352 = tpu.memref_squeeze %dma_start3A_351 : memref<1x1x2x8x80xi32, #tpu.memory_space<hbm>> -> memref<2x8x80xi32, #tpu.memory_space<hbm>>
        tpu.enqueue_dma source(%dma_start3A_352 : memref<2x8x80xi32, #tpu.memory_space<hbm>>) target(%arg6 : memref<2x8x80xi32, #tpu.memory_space<vmem>>) target_semaphore(%arg17 : memref<!tpu.dma_semaphore, #tpu.memory_space<semaphore_mem>>)
      } else {
      }
      %dma_wait3A_222 = arith.constant 0 : i32
      %dma_wait3A_223 = arith.constant 0 : i32
      %dma_wait3A_224 = tpu.memref_slice %arg2[%dma_wait3A_222, %dma_wait3A_223] : memref<10000x128xf32, #tpu.memory_space<hbm>> -> memref<80x128xf32, #tpu.memory_space<hbm>>
      %dma_wait3A_225 = arith.constant 0 : i32
      %dma_wait3A_226 = arith.constant 0 : i32
      %dma_wait3A_227 = tpu.memref_slice %arg2[%dma_wait3A_225, %dma_wait3A_226] : memref<10000x128xf32, #tpu.memory_space<hbm>> -> memref<80x128xf32, #tpu.memory_space<hbm>>
      tpu.wait_dma2 semaphore(%arg13 : memref<!tpu.dma_semaphore, #tpu.memory_space<semaphore_mem>>) src(%dma_wait3A_227 : memref<80x128xf32, #tpu.memory_space<hbm>>) dst(%arg8 : memref<80x128xf32, #tpu.memory_space<vmem>>)
      %run_scoped3A_228 = arith.constant 1 : i32
      %run_scoped3A_229 = arith.constant 0 : i32
      "tpu.region"() ({
        %run_scoped3A_343 = tpu.sem_alloc : memref<!tpu.dma_semaphore, #tpu.memory_space<semaphore_mem>>
        %dma_start3A_344 = arith.constant 0 : i32
        %dma_start3A_345 = tpu.memref_slice %arg7[%run_scoped3A_228, %run_scoped3A_229, %dma_start3A_344] : memref<2x8x80xi32, #tpu.memory_space<vmem>> -> memref<1x1x80xi32, #tpu.memory_space<vmem>>
        %dma_start3A_346 = tpu.memref_squeeze %dma_start3A_345 : memref<1x1x80xi32, #tpu.memory_space<vmem>> -> memref<80xi32, #tpu.memory_space<vmem>>
        %dma_start3A_347 = arith.constant 0 : i32
        %dma_start3A_348 = arith.constant 0 : i32
        %dma_start3A_349 = tpu.memref_slice %arg12[%dma_start3A_347, %dma_start3A_348] : memref<10112x128xf32, #tpu.memory_space<vmem_shared>> -> memref<10112x128xf32, #tpu.memory_space<vmem_shared>>
        tpu.enqueue_indirect_dma source(%arg8 : memref<80x128xf32, #tpu.memory_space<vmem>>) target(%dma_start3A_349 : memref<10112x128xf32, #tpu.memory_space<vmem_shared>>) offsets(%dma_start3A_346 : memref<80xi32, #tpu.memory_space<vmem>>) semaphore(%run_scoped3A_343 : memref<!tpu.dma_semaphore, #tpu.memory_space<semaphore_mem>>) {add = true}
        %dma_wait3A_350 = arith.constant 0 : i32
        %dma_wait3A_351 = tpu.memref_slice %arg7[%run_scoped3A_228, %run_scoped3A_229, %dma_wait3A_350] : memref<2x8x80xi32, #tpu.memory_space<vmem>> -> memref<1x1x80xi32, #tpu.memory_space<vmem>>
        %dma_wait3A_352 = tpu.memref_squeeze %dma_wait3A_351 : memref<1x1x80xi32, #tpu.memory_space<vmem>> -> memref<80xi32, #tpu.memory_space<vmem>>
        %dma_wait3A_353 = arith.constant 0 : i32
        %dma_wait3A_354 = arith.constant 0 : i32
        %dma_wait3A_355 = tpu.memref_slice %arg12[%dma_wait3A_353, %dma_wait3A_354] : memref<10112x128xf32, #tpu.memory_space<vmem_shared>> -> memref<10112x128xf32, #tpu.memory_space<vmem_shared>>
        tpu.wait_indirect_dma semaphore(%run_scoped3A_343 : memref<!tpu.dma_semaphore, #tpu.memory_space<semaphore_mem>>) src(%arg8 : memref<80x128xf32, #tpu.memory_space<vmem>>) dst(%dma_wait3A_355 : memref<10112x128xf32, #tpu.memory_space<vmem_shared>>)
        tpu.yield
      }) : () -> ()
      %dma_start3A_230 = arith.constant 0 : i32
      %dma_start3A_231 = arith.constant 4 : i32
      %dma_start3A_232 = arith.constant 0 : i32
      %dma_start3A_233 = tpu.memref_slice %arg7[%dma_start3A_230, %dma_start3A_231, %dma_start3A_232] : memref<2x8x80xi32, #tpu.memory_space<vmem>> -> memref<1x1x80xi32, #tpu.memory_space<vmem>>
      %dma_start3A_234 = tpu.memref_squeeze %dma_start3A_233 : memref<1x1x80xi32, #tpu.memory_space<vmem>> -> memref<80xi32, #tpu.memory_space<vmem>>
      %dma_start3A_235 = arith.constant 0 : i32
      %dma_start3A_236 = arith.constant 0 : i32
      %dma_start3A_237 = tpu.memref_slice %arg2[%dma_start3A_235, %dma_start3A_236] : memref<10000x128xf32, #tpu.memory_space<hbm>> -> memref<10000x128xf32, #tpu.memory_space<hbm>>
      tpu.enqueue_indirect_dma source(%dma_start3A_237 : memref<10000x128xf32, #tpu.memory_space<hbm>>) target(%arg8 : memref<80x128xf32, #tpu.memory_space<vmem>>) offsets(%dma_start3A_234 : memref<80xi32, #tpu.memory_space<vmem>>) semaphore(%arg13 : memref<!tpu.dma_semaphore, #tpu.memory_space<semaphore_mem>>)
      %dma_wait3A_238 = arith.constant 0 : i32
      %dma_wait3A_239 = arith.constant 0 : i32
      %dma_wait3A_240 = tpu.memref_slice %arg2[%dma_wait3A_238, %dma_wait3A_239] : memref<10000x128xf32, #tpu.memory_space<hbm>> -> memref<80x128xf32, #tpu.memory_space<hbm>>
      %dma_wait3A_241 = arith.constant 0 : i32
      %dma_wait3A_242 = arith.constant 0 : i32
      %dma_wait3A_243 = tpu.memref_slice %arg2[%dma_wait3A_241, %dma_wait3A_242] : memref<10000x128xf32, #tpu.memory_space<hbm>> -> memref<80x128xf32, #tpu.memory_space<hbm>>
      tpu.wait_dma2 semaphore(%arg14 : memref<!tpu.dma_semaphore, #tpu.memory_space<semaphore_mem>>) src(%dma_wait3A_243 : memref<80x128xf32, #tpu.memory_space<hbm>>) dst(%arg9 : memref<80x128xf32, #tpu.memory_space<vmem>>)
      %run_scoped3A_244 = arith.constant 1 : i32
      %run_scoped3A_245 = arith.constant 1 : i32
      "tpu.region"() ({
        %run_scoped3A_343 = tpu.sem_alloc : memref<!tpu.dma_semaphore, #tpu.memory_space<semaphore_mem>>
        %dma_start3A_344 = arith.constant 0 : i32
        %dma_start3A_345 = tpu.memref_slice %arg7[%run_scoped3A_244, %run_scoped3A_245, %dma_start3A_344] : memref<2x8x80xi32, #tpu.memory_space<vmem>> -> memref<1x1x80xi32, #tpu.memory_space<vmem>>
        %dma_start3A_346 = tpu.memref_squeeze %dma_start3A_345 : memref<1x1x80xi32, #tpu.memory_space<vmem>> -> memref<80xi32, #tpu.memory_space<vmem>>
        %dma_start3A_347 = arith.constant 0 : i32
        %dma_start3A_348 = arith.constant 0 : i32
        %dma_start3A_349 = tpu.memref_slice %arg12[%dma_start3A_347, %dma_start3A_348] : memref<10112x128xf32, #tpu.memory_space<vmem_shared>> -> memref<10112x128xf32, #tpu.memory_space<vmem_shared>>
        tpu.enqueue_indirect_dma source(%arg9 : memref<80x128xf32, #tpu.memory_space<vmem>>) target(%dma_start3A_349 : memref<10112x128xf32, #tpu.memory_space<vmem_shared>>) offsets(%dma_start3A_346 : memref<80xi32, #tpu.memory_space<vmem>>) semaphore(%run_scoped3A_343 : memref<!tpu.dma_semaphore, #tpu.memory_space<semaphore_mem>>) {add = true}
        %dma_wait3A_350 = arith.constant 0 : i32
        %dma_wait3A_351 = tpu.memref_slice %arg7[%run_scoped3A_244, %run_scoped3A_245, %dma_wait3A_350] : memref<2x8x80xi32, #tpu.memory_space<vmem>> -> memref<1x1x80xi32, #tpu.memory_space<vmem>>
        %dma_wait3A_352 = tpu.memref_squeeze %dma_wait3A_351 : memref<1x1x80xi32, #tpu.memory_space<vmem>> -> memref<80xi32, #tpu.memory_space<vmem>>
        %dma_wait3A_353 = arith.constant 0 : i32
        %dma_wait3A_354 = arith.constant 0 : i32
        %dma_wait3A_355 = tpu.memref_slice %arg12[%dma_wait3A_353, %dma_wait3A_354] : memref<10112x128xf32, #tpu.memory_space<vmem_shared>> -> memref<10112x128xf32, #tpu.memory_space<vmem_shared>>
        tpu.wait_indirect_dma semaphore(%run_scoped3A_343 : memref<!tpu.dma_semaphore, #tpu.memory_space<semaphore_mem>>) src(%arg9 : memref<80x128xf32, #tpu.memory_space<vmem>>) dst(%dma_wait3A_355 : memref<10112x128xf32, #tpu.memory_space<vmem_shared>>)
        tpu.yield
      }) : () -> ()
      %dma_start3A_246 = arith.constant 0 : i32
      %dma_start3A_247 = arith.constant 5 : i32
      %dma_start3A_248 = arith.constant 0 : i32
      %dma_start3A_249 = tpu.memref_slice %arg7[%dma_start3A_246, %dma_start3A_247, %dma_start3A_248] : memref<2x8x80xi32, #tpu.memory_space<vmem>> -> memref<1x1x80xi32, #tpu.memory_space<vmem>>
      %dma_start3A_250 = tpu.memref_squeeze %dma_start3A_249 : memref<1x1x80xi32, #tpu.memory_space<vmem>> -> memref<80xi32, #tpu.memory_space<vmem>>
      %dma_start3A_251 = arith.constant 0 : i32
      %dma_start3A_252 = arith.constant 0 : i32
      %dma_start3A_253 = tpu.memref_slice %arg2[%dma_start3A_251, %dma_start3A_252] : memref<10000x128xf32, #tpu.memory_space<hbm>> -> memref<10000x128xf32, #tpu.memory_space<hbm>>
      tpu.enqueue_indirect_dma source(%dma_start3A_253 : memref<10000x128xf32, #tpu.memory_space<hbm>>) target(%arg9 : memref<80x128xf32, #tpu.memory_space<vmem>>) offsets(%dma_start3A_250 : memref<80xi32, #tpu.memory_space<vmem>>) semaphore(%arg14 : memref<!tpu.dma_semaphore, #tpu.memory_space<semaphore_mem>>)
      %dma_wait3A_254 = arith.constant 0 : i32
      %dma_wait3A_255 = arith.constant 0 : i32
      %dma_wait3A_256 = tpu.memref_slice %arg2[%dma_wait3A_254, %dma_wait3A_255] : memref<10000x128xf32, #tpu.memory_space<hbm>> -> memref<80x128xf32, #tpu.memory_space<hbm>>
      %dma_wait3A_257 = arith.constant 0 : i32
      %dma_wait3A_258 = arith.constant 0 : i32
      %dma_wait3A_259 = tpu.memref_slice %arg2[%dma_wait3A_257, %dma_wait3A_258] : memref<10000x128xf32, #tpu.memory_space<hbm>> -> memref<80x128xf32, #tpu.memory_space<hbm>>
      tpu.wait_dma2 semaphore(%arg15 : memref<!tpu.dma_semaphore, #tpu.memory_space<semaphore_mem>>) src(%dma_wait3A_259 : memref<80x128xf32, #tpu.memory_space<hbm>>) dst(%arg10 : memref<80x128xf32, #tpu.memory_space<vmem>>)
      %run_scoped3A_260 = arith.constant 1 : i32
      %run_scoped3A_261 = arith.constant 2 : i32
      "tpu.region"() ({
        %run_scoped3A_343 = tpu.sem_alloc : memref<!tpu.dma_semaphore, #tpu.memory_space<semaphore_mem>>
        %dma_start3A_344 = arith.constant 0 : i32
        %dma_start3A_345 = tpu.memref_slice %arg7[%run_scoped3A_260, %run_scoped3A_261, %dma_start3A_344] : memref<2x8x80xi32, #tpu.memory_space<vmem>> -> memref<1x1x80xi32, #tpu.memory_space<vmem>>
        %dma_start3A_346 = tpu.memref_squeeze %dma_start3A_345 : memref<1x1x80xi32, #tpu.memory_space<vmem>> -> memref<80xi32, #tpu.memory_space<vmem>>
        %dma_start3A_347 = arith.constant 0 : i32
        %dma_start3A_348 = arith.constant 0 : i32
        %dma_start3A_349 = tpu.memref_slice %arg12[%dma_start3A_347, %dma_start3A_348] : memref<10112x128xf32, #tpu.memory_space<vmem_shared>> -> memref<10112x128xf32, #tpu.memory_space<vmem_shared>>
        tpu.enqueue_indirect_dma source(%arg10 : memref<80x128xf32, #tpu.memory_space<vmem>>) target(%dma_start3A_349 : memref<10112x128xf32, #tpu.memory_space<vmem_shared>>) offsets(%dma_start3A_346 : memref<80xi32, #tpu.memory_space<vmem>>) semaphore(%run_scoped3A_343 : memref<!tpu.dma_semaphore, #tpu.memory_space<semaphore_mem>>) {add = true}
        %dma_wait3A_350 = arith.constant 0 : i32
        %dma_wait3A_351 = tpu.memref_slice %arg7[%run_scoped3A_260, %run_scoped3A_261, %dma_wait3A_350] : memref<2x8x80xi32, #tpu.memory_space<vmem>> -> memref<1x1x80xi32, #tpu.memory_space<vmem>>
        %dma_wait3A_352 = tpu.memref_squeeze %dma_wait3A_351 : memref<1x1x80xi32, #tpu.memory_space<vmem>> -> memref<80xi32, #tpu.memory_space<vmem>>
        %dma_wait3A_353 = arith.constant 0 : i32
        %dma_wait3A_354 = arith.constant 0 : i32
        %dma_wait3A_355 = tpu.memref_slice %arg12[%dma_wait3A_353, %dma_wait3A_354] : memref<10112x128xf32, #tpu.memory_space<vmem_shared>> -> memref<10112x128xf32, #tpu.memory_space<vmem_shared>>
        tpu.wait_indirect_dma semaphore(%run_scoped3A_343 : memref<!tpu.dma_semaphore, #tpu.memory_space<semaphore_mem>>) src(%arg10 : memref<80x128xf32, #tpu.memory_space<vmem>>) dst(%dma_wait3A_355 : memref<10112x128xf32, #tpu.memory_space<vmem_shared>>)
        tpu.yield
      }) : () -> ()
      %dma_start3A_262 = arith.constant 0 : i32
      %dma_start3A_263 = arith.constant 6 : i32
      %dma_start3A_264 = arith.constant 0 : i32
      %dma_start3A_265 = tpu.memref_slice %arg7[%dma_start3A_262, %dma_start3A_263, %dma_start3A_264] : memref<2x8x80xi32, #tpu.memory_space<vmem>> -> memref<1x1x80xi32, #tpu.memory_space<vmem>>
      %dma_start3A_266 = tpu.memref_squeeze %dma_start3A_265 : memref<1x1x80xi32, #tpu.memory_space<vmem>> -> memref<80xi32, #tpu.memory_space<vmem>>
      %dma_start3A_267 = arith.constant 0 : i32
      %dma_start3A_268 = arith.constant 0 : i32
      %dma_start3A_269 = tpu.memref_slice %arg2[%dma_start3A_267, %dma_start3A_268] : memref<10000x128xf32, #tpu.memory_space<hbm>> -> memref<10000x128xf32, #tpu.memory_space<hbm>>
      tpu.enqueue_indirect_dma source(%dma_start3A_269 : memref<10000x128xf32, #tpu.memory_space<hbm>>) target(%arg10 : memref<80x128xf32, #tpu.memory_space<vmem>>) offsets(%dma_start3A_266 : memref<80xi32, #tpu.memory_space<vmem>>) semaphore(%arg15 : memref<!tpu.dma_semaphore, #tpu.memory_space<semaphore_mem>>)
      %dma_wait3A_270 = arith.constant 0 : i32
      %dma_wait3A_271 = arith.constant 0 : i32
      %dma_wait3A_272 = tpu.memref_slice %arg2[%dma_wait3A_270, %dma_wait3A_271] : memref<10000x128xf32, #tpu.memory_space<hbm>> -> memref<80x128xf32, #tpu.memory_space<hbm>>
      %dma_wait3A_273 = arith.constant 0 : i32
      %dma_wait3A_274 = arith.constant 0 : i32
      %dma_wait3A_275 = tpu.memref_slice %arg2[%dma_wait3A_273, %dma_wait3A_274] : memref<10000x128xf32, #tpu.memory_space<hbm>> -> memref<80x128xf32, #tpu.memory_space<hbm>>
      tpu.wait_dma2 semaphore(%arg16 : memref<!tpu.dma_semaphore, #tpu.memory_space<semaphore_mem>>) src(%dma_wait3A_275 : memref<80x128xf32, #tpu.memory_space<hbm>>) dst(%arg11 : memref<80x128xf32, #tpu.memory_space<vmem>>)
      %run_scoped3A_276 = arith.constant 1 : i32
      %run_scoped3A_277 = arith.constant 3 : i32
      "tpu.region"() ({
        %run_scoped3A_343 = tpu.sem_alloc : memref<!tpu.dma_semaphore, #tpu.memory_space<semaphore_mem>>
        %dma_start3A_344 = arith.constant 0 : i32
        %dma_start3A_345 = tpu.memref_slice %arg7[%run_scoped3A_276, %run_scoped3A_277, %dma_start3A_344] : memref<2x8x80xi32, #tpu.memory_space<vmem>> -> memref<1x1x80xi32, #tpu.memory_space<vmem>>
        %dma_start3A_346 = tpu.memref_squeeze %dma_start3A_345 : memref<1x1x80xi32, #tpu.memory_space<vmem>> -> memref<80xi32, #tpu.memory_space<vmem>>
        %dma_start3A_347 = arith.constant 0 : i32
        %dma_start3A_348 = arith.constant 0 : i32
        %dma_start3A_349 = tpu.memref_slice %arg12[%dma_start3A_347, %dma_start3A_348] : memref<10112x128xf32, #tpu.memory_space<vmem_shared>> -> memref<10112x128xf32, #tpu.memory_space<vmem_shared>>
        tpu.enqueue_indirect_dma source(%arg11 : memref<80x128xf32, #tpu.memory_space<vmem>>) target(%dma_start3A_349 : memref<10112x128xf32, #tpu.memory_space<vmem_shared>>) offsets(%dma_start3A_346 : memref<80xi32, #tpu.memory_space<vmem>>) semaphore(%run_scoped3A_343 : memref<!tpu.dma_semaphore, #tpu.memory_space<semaphore_mem>>) {add = true}
        %dma_wait3A_350 = arith.constant 0 : i32
        %dma_wait3A_351 = tpu.memref_slice %arg7[%run_scoped3A_276, %run_scoped3A_277, %dma_wait3A_350] : memref<2x8x80xi32, #tpu.memory_space<vmem>> -> memref<1x1x80xi32, #tpu.memory_space<vmem>>
        %dma_wait3A_352 = tpu.memref_squeeze %dma_wait3A_351 : memref<1x1x80xi32, #tpu.memory_space<vmem>> -> memref<80xi32, #tpu.memory_space<vmem>>
        %dma_wait3A_353 = arith.constant 0 : i32
        %dma_wait3A_354 = arith.constant 0 : i32
        %dma_wait3A_355 = tpu.memref_slice %arg12[%dma_wait3A_353, %dma_wait3A_354] : memref<10112x128xf32, #tpu.memory_space<vmem_shared>> -> memref<10112x128xf32, #tpu.memory_space<vmem_shared>>
        tpu.wait_indirect_dma semaphore(%run_scoped3A_343 : memref<!tpu.dma_semaphore, #tpu.memory_space<semaphore_mem>>) src(%arg11 : memref<80x128xf32, #tpu.memory_space<vmem>>) dst(%dma_wait3A_355 : memref<10112x128xf32, #tpu.memory_space<vmem_shared>>)
        tpu.yield
      }) : () -> ()
      %dma_start3A_278 = arith.constant 0 : i32
      %dma_start3A_279 = arith.constant 7 : i32
      %dma_start3A_280 = arith.constant 0 : i32
      %dma_start3A_281 = tpu.memref_slice %arg7[%dma_start3A_278, %dma_start3A_279, %dma_start3A_280] : memref<2x8x80xi32, #tpu.memory_space<vmem>> -> memref<1x1x80xi32, #tpu.memory_space<vmem>>
      %dma_start3A_282 = tpu.memref_squeeze %dma_start3A_281 : memref<1x1x80xi32, #tpu.memory_space<vmem>> -> memref<80xi32, #tpu.memory_space<vmem>>
      %dma_start3A_283 = arith.constant 0 : i32
      %dma_start3A_284 = arith.constant 0 : i32
      %dma_start3A_285 = tpu.memref_slice %arg2[%dma_start3A_283, %dma_start3A_284] : memref<10000x128xf32, #tpu.memory_space<hbm>> -> memref<10000x128xf32, #tpu.memory_space<hbm>>
      tpu.enqueue_indirect_dma source(%dma_start3A_285 : memref<10000x128xf32, #tpu.memory_space<hbm>>) target(%arg11 : memref<80x128xf32, #tpu.memory_space<vmem>>) offsets(%dma_start3A_282 : memref<80xi32, #tpu.memory_space<vmem>>) semaphore(%arg16 : memref<!tpu.dma_semaphore, #tpu.memory_space<semaphore_mem>>)
      %dma_wait3A_286 = arith.constant 0 : i32
      %dma_wait3A_287 = arith.constant 0 : i32
      %dma_wait3A_288 = tpu.memref_slice %arg2[%dma_wait3A_286, %dma_wait3A_287] : memref<10000x128xf32, #tpu.memory_space<hbm>> -> memref<80x128xf32, #tpu.memory_space<hbm>>
      %dma_wait3A_289 = arith.constant 0 : i32
      %dma_wait3A_290 = arith.constant 0 : i32
      %dma_wait3A_291 = tpu.memref_slice %arg2[%dma_wait3A_289, %dma_wait3A_290] : memref<10000x128xf32, #tpu.memory_space<hbm>> -> memref<80x128xf32, #tpu.memory_space<hbm>>
      tpu.wait_dma2 semaphore(%arg13 : memref<!tpu.dma_semaphore, #tpu.memory_space<semaphore_mem>>) src(%dma_wait3A_291 : memref<80x128xf32, #tpu.memory_space<hbm>>) dst(%arg8 : memref<80x128xf32, #tpu.memory_space<vmem>>)
      %run_scoped3A_292 = arith.constant 1 : i32
      %run_scoped3A_293 = arith.constant 4 : i32
      "tpu.region"() ({
        %run_scoped3A_343 = tpu.sem_alloc : memref<!tpu.dma_semaphore, #tpu.memory_space<semaphore_mem>>
        %dma_start3A_344 = arith.constant 0 : i32
        %dma_start3A_345 = tpu.memref_slice %arg7[%run_scoped3A_292, %run_scoped3A_293, %dma_start3A_344] : memref<2x8x80xi32, #tpu.memory_space<vmem>> -> memref<1x1x80xi32, #tpu.memory_space<vmem>>
        %dma_start3A_346 = tpu.memref_squeeze %dma_start3A_345 : memref<1x1x80xi32, #tpu.memory_space<vmem>> -> memref<80xi32, #tpu.memory_space<vmem>>
        %dma_start3A_347 = arith.constant 0 : i32
        %dma_start3A_348 = arith.constant 0 : i32
        %dma_start3A_349 = tpu.memref_slice %arg12[%dma_start3A_347, %dma_start3A_348] : memref<10112x128xf32, #tpu.memory_space<vmem_shared>> -> memref<10112x128xf32, #tpu.memory_space<vmem_shared>>
        tpu.enqueue_indirect_dma source(%arg8 : memref<80x128xf32, #tpu.memory_space<vmem>>) target(%dma_start3A_349 : memref<10112x128xf32, #tpu.memory_space<vmem_shared>>) offsets(%dma_start3A_346 : memref<80xi32, #tpu.memory_space<vmem>>) semaphore(%run_scoped3A_343 : memref<!tpu.dma_semaphore, #tpu.memory_space<semaphore_mem>>) {add = true}
        %dma_wait3A_350 = arith.constant 0 : i32
        %dma_wait3A_351 = tpu.memref_slice %arg7[%run_scoped3A_292, %run_scoped3A_293, %dma_wait3A_350] : memref<2x8x80xi32, #tpu.memory_space<vmem>> -> memref<1x1x80xi32, #tpu.memory_space<vmem>>
        %dma_wait3A_352 = tpu.memref_squeeze %dma_wait3A_351 : memref<1x1x80xi32, #tpu.memory_space<vmem>> -> memref<80xi32, #tpu.memory_space<vmem>>
        %dma_wait3A_353 = arith.constant 0 : i32
        %dma_wait3A_354 = arith.constant 0 : i32
        %dma_wait3A_355 = tpu.memref_slice %arg12[%dma_wait3A_353, %dma_wait3A_354] : memref<10112x128xf32, #tpu.memory_space<vmem_shared>> -> memref<10112x128xf32, #tpu.memory_space<vmem_shared>>
        tpu.wait_indirect_dma semaphore(%run_scoped3A_343 : memref<!tpu.dma_semaphore, #tpu.memory_space<semaphore_mem>>) src(%arg8 : memref<80x128xf32, #tpu.memory_space<vmem>>) dst(%dma_wait3A_355 : memref<10112x128xf32, #tpu.memory_space<vmem_shared>>)
        tpu.yield
      }) : () -> ()
      %lt3A_294 = arith.constant 7 : i32
      %lt3A_295 = arith.cmpi slt, %scan3A_76, %lt3A_294 : i32
      %convert_element_type3A_296 = arith.extui %lt3A_295 : i1 to i32
      %cond3A_297 = arith.constant 0 : i32
      %cond3A_298 = arith.cmpi ne, %convert_element_type3A_296, %cond3A_297 : i32
      scf.if %cond3A_298 {
        %dma_wait3A_343 = arith.constant 0 : i32
        %dma_wait3A_344 = arith.constant 0 : i32
        %dma_wait3A_345 = arith.constant 0 : i32
        %dma_wait3A_346 = arith.constant 0 : i32
        %dma_wait3A_347 = tpu.memref_slice %arg3[%add3A, %dma_wait3A_343, %dma_wait3A_344, %dma_wait3A_345, %dma_wait3A_346] : memref<32x16x2x8x80xi32, #tpu.memory_space<hbm>> -> memref<1x1x2x8x80xi32, #tpu.memory_space<hbm>>
        %dma_wait3A_348 = tpu.memref_squeeze %dma_wait3A_347 : memref<1x1x2x8x80xi32, #tpu.memory_space<hbm>> -> memref<2x8x80xi32, #tpu.memory_space<hbm>>
        %dma_wait3A_349 = arith.constant 0 : i32
        %dma_wait3A_350 = arith.constant 0 : i32
        %dma_wait3A_351 = arith.constant 0 : i32
        %dma_wait3A_352 = tpu.memref_slice %arg3[%add3A, %dma_wait3A_343, %dma_wait3A_349, %dma_wait3A_350, %dma_wait3A_351] : memref<32x16x2x8x80xi32, #tpu.memory_space<hbm>> -> memref<1x1x2x8x80xi32, #tpu.memory_space<hbm>>
        %dma_wait3A_353 = tpu.memref_squeeze %dma_wait3A_352 : memref<1x1x2x8x80xi32, #tpu.memory_space<hbm>> -> memref<2x8x80xi32, #tpu.memory_space<hbm>>
        tpu.wait_dma2 semaphore(%arg17 : memref<!tpu.dma_semaphore, #tpu.memory_space<semaphore_mem>>) src(%dma_wait3A_353 : memref<2x8x80xi32, #tpu.memory_space<hbm>>) dst(%arg6 : memref<2x8x80xi32, #tpu.memory_space<vmem>>)
        %dma_start3A_354 = arith.constant 0 : i32
        %dma_start3A_355 = arith.constant 0 : i32
        %dma_start3A_356 = arith.constant 0 : i32
        %dma_start3A_357 = tpu.memref_slice %arg6[%dma_start3A_354, %dma_start3A_355, %dma_start3A_356] : memref<2x8x80xi32, #tpu.memory_space<vmem>> -> memref<1x1x80xi32, #tpu.memory_space<vmem>>
        %dma_start3A_358 = tpu.memref_squeeze %dma_start3A_357 : memref<1x1x80xi32, #tpu.memory_space<vmem>> -> memref<80xi32, #tpu.memory_space<vmem>>
        %dma_start3A_359 = arith.constant 0 : i32
        %dma_start3A_360 = arith.constant 0 : i32
        %dma_start3A_361 = tpu.memref_slice %arg2[%dma_start3A_359, %dma_start3A_360] : memref<10000x128xf32, #tpu.memory_space<hbm>> -> memref<10000x128xf32, #tpu.memory_space<hbm>>
        tpu.enqueue_indirect_dma source(%dma_start3A_361 : memref<10000x128xf32, #tpu.memory_space<hbm>>) target(%arg8 : memref<80x128xf32, #tpu.memory_space<vmem>>) offsets(%dma_start3A_358 : memref<80xi32, #tpu.memory_space<vmem>>) semaphore(%arg13 : memref<!tpu.dma_semaphore, #tpu.memory_space<semaphore_mem>>)
      } else {
      }
      %dma_wait3A_299 = arith.constant 0 : i32
      %dma_wait3A_300 = arith.constant 0 : i32
      %dma_wait3A_301 = tpu.memref_slice %arg2[%dma_wait3A_299, %dma_wait3A_300] : memref<10000x128xf32, #tpu.memory_space<hbm>> -> memref<80x128xf32, #tpu.memory_space<hbm>>
      %dma_wait3A_302 = arith.constant 0 : i32
      %dma_wait3A_303 = arith.constant 0 : i32
      %dma_wait3A_304 = tpu.memref_slice %arg2[%dma_wait3A_302, %dma_wait3A_303] : memref<10000x128xf32, #tpu.memory_space<hbm>> -> memref<80x128xf32, #tpu.memory_space<hbm>>
      tpu.wait_dma2 semaphore(%arg14 : memref<!tpu.dma_semaphore, #tpu.memory_space<semaphore_mem>>) src(%dma_wait3A_304 : memref<80x128xf32, #tpu.memory_space<hbm>>) dst(%arg9 : memref<80x128xf32, #tpu.memory_space<vmem>>)
      %run_scoped3A_305 = arith.constant 1 : i32
      %run_scoped3A_306 = arith.constant 5 : i32
      "tpu.region"() ({
        %run_scoped3A_343 = tpu.sem_alloc : memref<!tpu.dma_semaphore, #tpu.memory_space<semaphore_mem>>
        %dma_start3A_344 = arith.constant 0 : i32
        %dma_start3A_345 = tpu.memref_slice %arg7[%run_scoped3A_305, %run_scoped3A_306, %dma_start3A_344] : memref<2x8x80xi32, #tpu.memory_space<vmem>> -> memref<1x1x80xi32, #tpu.memory_space<vmem>>
        %dma_start3A_346 = tpu.memref_squeeze %dma_start3A_345 : memref<1x1x80xi32, #tpu.memory_space<vmem>> -> memref<80xi32, #tpu.memory_space<vmem>>
        %dma_start3A_347 = arith.constant 0 : i32
        %dma_start3A_348 = arith.constant 0 : i32
        %dma_start3A_349 = tpu.memref_slice %arg12[%dma_start3A_347, %dma_start3A_348] : memref<10112x128xf32, #tpu.memory_space<vmem_shared>> -> memref<10112x128xf32, #tpu.memory_space<vmem_shared>>
        tpu.enqueue_indirect_dma source(%arg9 : memref<80x128xf32, #tpu.memory_space<vmem>>) target(%dma_start3A_349 : memref<10112x128xf32, #tpu.memory_space<vmem_shared>>) offsets(%dma_start3A_346 : memref<80xi32, #tpu.memory_space<vmem>>) semaphore(%run_scoped3A_343 : memref<!tpu.dma_semaphore, #tpu.memory_space<semaphore_mem>>) {add = true}
        %dma_wait3A_350 = arith.constant 0 : i32
        %dma_wait3A_351 = tpu.memref_slice %arg7[%run_scoped3A_305, %run_scoped3A_306, %dma_wait3A_350] : memref<2x8x80xi32, #tpu.memory_space<vmem>> -> memref<1x1x80xi32, #tpu.memory_space<vmem>>
        %dma_wait3A_352 = tpu.memref_squeeze %dma_wait3A_351 : memref<1x1x80xi32, #tpu.memory_space<vmem>> -> memref<80xi32, #tpu.memory_space<vmem>>
        %dma_wait3A_353 = arith.constant 0 : i32
        %dma_wait3A_354 = arith.constant 0 : i32
        %dma_wait3A_355 = tpu.memref_slice %arg12[%dma_wait3A_353, %dma_wait3A_354] : memref<10112x128xf32, #tpu.memory_space<vmem_shared>> -> memref<10112x128xf32, #tpu.memory_space<vmem_shared>>
        tpu.wait_indirect_dma semaphore(%run_scoped3A_343 : memref<!tpu.dma_semaphore, #tpu.memory_space<semaphore_mem>>) src(%arg9 : memref<80x128xf32, #tpu.memory_space<vmem>>) dst(%dma_wait3A_355 : memref<10112x128xf32, #tpu.memory_space<vmem_shared>>)
        tpu.yield
      }) : () -> ()
      %lt3A_307 = arith.constant 7 : i32
      %lt3A_308 = arith.cmpi slt, %scan3A_76, %lt3A_307 : i32
      %convert_element_type3A_309 = arith.extui %lt3A_308 : i1 to i32
      %cond3A_310 = arith.constant 0 : i32
      %cond3A_311 = arith.cmpi ne, %convert_element_type3A_309, %cond3A_310 : i32
      scf.if %cond3A_311 {
        %dma_start3A_343 = arith.constant 0 : i32
        %dma_start3A_344 = arith.constant 1 : i32
        %dma_start3A_345 = arith.constant 0 : i32
        %dma_start3A_346 = tpu.memref_slice %arg6[%dma_start3A_343, %dma_start3A_344, %dma_start3A_345] : memref<2x8x80xi32, #tpu.memory_space<vmem>> -> memref<1x1x80xi32, #tpu.memory_space<vmem>>
        %dma_start3A_347 = tpu.memref_squeeze %dma_start3A_346 : memref<1x1x80xi32, #tpu.memory_space<vmem>> -> memref<80xi32, #tpu.memory_space<vmem>>
        %dma_start3A_348 = arith.constant 0 : i32
        %dma_start3A_349 = arith.constant 0 : i32
        %dma_start3A_350 = tpu.memref_slice %arg2[%dma_start3A_348, %dma_start3A_349] : memref<10000x128xf32, #tpu.memory_space<hbm>> -> memref<10000x128xf32, #tpu.memory_space<hbm>>
        tpu.enqueue_indirect_dma source(%dma_start3A_350 : memref<10000x128xf32, #tpu.memory_space<hbm>>) target(%arg9 : memref<80x128xf32, #tpu.memory_space<vmem>>) offsets(%dma_start3A_347 : memref<80xi32, #tpu.memory_space<vmem>>) semaphore(%arg14 : memref<!tpu.dma_semaphore, #tpu.memory_space<semaphore_mem>>)
      } else {
      }
      %dma_wait3A_312 = arith.constant 0 : i32
      %dma_wait3A_313 = arith.constant 0 : i32
      %dma_wait3A_314 = tpu.memref_slice %arg2[%dma_wait3A_312, %dma_wait3A_313] : memref<10000x128xf32, #tpu.memory_space<hbm>> -> memref<80x128xf32, #tpu.memory_space<hbm>>
      %dma_wait3A_315 = arith.constant 0 : i32
      %dma_wait3A_316 = arith.constant 0 : i32
      %dma_wait3A_317 = tpu.memref_slice %arg2[%dma_wait3A_315, %dma_wait3A_316] : memref<10000x128xf32, #tpu.memory_space<hbm>> -> memref<80x128xf32, #tpu.memory_space<hbm>>
      tpu.wait_dma2 semaphore(%arg15 : memref<!tpu.dma_semaphore, #tpu.memory_space<semaphore_mem>>) src(%dma_wait3A_317 : memref<80x128xf32, #tpu.memory_space<hbm>>) dst(%arg10 : memref<80x128xf32, #tpu.memory_space<vmem>>)
      %run_scoped3A_318 = arith.constant 1 : i32
      %run_scoped3A_319 = arith.constant 6 : i32
      "tpu.region"() ({
        %run_scoped3A_343 = tpu.sem_alloc : memref<!tpu.dma_semaphore, #tpu.memory_space<semaphore_mem>>
        %dma_start3A_344 = arith.constant 0 : i32
        %dma_start3A_345 = tpu.memref_slice %arg7[%run_scoped3A_318, %run_scoped3A_319, %dma_start3A_344] : memref<2x8x80xi32, #tpu.memory_space<vmem>> -> memref<1x1x80xi32, #tpu.memory_space<vmem>>
        %dma_start3A_346 = tpu.memref_squeeze %dma_start3A_345 : memref<1x1x80xi32, #tpu.memory_space<vmem>> -> memref<80xi32, #tpu.memory_space<vmem>>
        %dma_start3A_347 = arith.constant 0 : i32
        %dma_start3A_348 = arith.constant 0 : i32
        %dma_start3A_349 = tpu.memref_slice %arg12[%dma_start3A_347, %dma_start3A_348] : memref<10112x128xf32, #tpu.memory_space<vmem_shared>> -> memref<10112x128xf32, #tpu.memory_space<vmem_shared>>
        tpu.enqueue_indirect_dma source(%arg10 : memref<80x128xf32, #tpu.memory_space<vmem>>) target(%dma_start3A_349 : memref<10112x128xf32, #tpu.memory_space<vmem_shared>>) offsets(%dma_start3A_346 : memref<80xi32, #tpu.memory_space<vmem>>) semaphore(%run_scoped3A_343 : memref<!tpu.dma_semaphore, #tpu.memory_space<semaphore_mem>>) {add = true}
        %dma_wait3A_350 = arith.constant 0 : i32
        %dma_wait3A_351 = tpu.memref_slice %arg7[%run_scoped3A_318, %run_scoped3A_319, %dma_wait3A_350] : memref<2x8x80xi32, #tpu.memory_space<vmem>> -> memref<1x1x80xi32, #tpu.memory_space<vmem>>
        %dma_wait3A_352 = tpu.memref_squeeze %dma_wait3A_351 : memref<1x1x80xi32, #tpu.memory_space<vmem>> -> memref<80xi32, #tpu.memory_space<vmem>>
        %dma_wait3A_353 = arith.constant 0 : i32
        %dma_wait3A_354 = arith.constant 0 : i32
        %dma_wait3A_355 = tpu.memref_slice %arg12[%dma_wait3A_353, %dma_wait3A_354] : memref<10112x128xf32, #tpu.memory_space<vmem_shared>> -> memref<10112x128xf32, #tpu.memory_space<vmem_shared>>
        tpu.wait_indirect_dma semaphore(%run_scoped3A_343 : memref<!tpu.dma_semaphore, #tpu.memory_space<semaphore_mem>>) src(%arg10 : memref<80x128xf32, #tpu.memory_space<vmem>>) dst(%dma_wait3A_355 : memref<10112x128xf32, #tpu.memory_space<vmem_shared>>)
        tpu.yield
      }) : () -> ()
      %lt3A_320 = arith.constant 7 : i32
      %lt3A_321 = arith.cmpi slt, %scan3A_76, %lt3A_320 : i32
      %convert_element_type3A_322 = arith.extui %lt3A_321 : i1 to i32
      %cond3A_323 = arith.constant 0 : i32
      %cond3A_324 = arith.cmpi ne, %convert_element_type3A_322, %cond3A_323 : i32
      scf.if %cond3A_324 {
        %dma_start3A_343 = arith.constant 0 : i32
        %dma_start3A_344 = arith.constant 2 : i32
        %dma_start3A_345 = arith.constant 0 : i32
        %dma_start3A_346 = tpu.memref_slice %arg6[%dma_start3A_343, %dma_start3A_344, %dma_start3A_345] : memref<2x8x80xi32, #tpu.memory_space<vmem>> -> memref<1x1x80xi32, #tpu.memory_space<vmem>>
        %dma_start3A_347 = tpu.memref_squeeze %dma_start3A_346 : memref<1x1x80xi32, #tpu.memory_space<vmem>> -> memref<80xi32, #tpu.memory_space<vmem>>
        %dma_start3A_348 = arith.constant 0 : i32
        %dma_start3A_349 = arith.constant 0 : i32
        %dma_start3A_350 = tpu.memref_slice %arg2[%dma_start3A_348, %dma_start3A_349] : memref<10000x128xf32, #tpu.memory_space<hbm>> -> memref<10000x128xf32, #tpu.memory_space<hbm>>
        tpu.enqueue_indirect_dma source(%dma_start3A_350 : memref<10000x128xf32, #tpu.memory_space<hbm>>) target(%arg10 : memref<80x128xf32, #tpu.memory_space<vmem>>) offsets(%dma_start3A_347 : memref<80xi32, #tpu.memory_space<vmem>>) semaphore(%arg15 : memref<!tpu.dma_semaphore, #tpu.memory_space<semaphore_mem>>)
      } else {
      }
      %dma_wait3A_325 = arith.constant 0 : i32
      %dma_wait3A_326 = arith.constant 0 : i32
      %dma_wait3A_327 = tpu.memref_slice %arg2[%dma_wait3A_325, %dma_wait3A_326] : memref<10000x128xf32, #tpu.memory_space<hbm>> -> memref<80x128xf32, #tpu.memory_space<hbm>>
      %dma_wait3A_328 = arith.constant 0 : i32
      %dma_wait3A_329 = arith.constant 0 : i32
      %dma_wait3A_330 = tpu.memref_slice %arg2[%dma_wait3A_328, %dma_wait3A_329] : memref<10000x128xf32, #tpu.memory_space<hbm>> -> memref<80x128xf32, #tpu.memory_space<hbm>>
      tpu.wait_dma2 semaphore(%arg16 : memref<!tpu.dma_semaphore, #tpu.memory_space<semaphore_mem>>) src(%dma_wait3A_330 : memref<80x128xf32, #tpu.memory_space<hbm>>) dst(%arg11 : memref<80x128xf32, #tpu.memory_space<vmem>>)
      %run_scoped3A_331 = arith.constant 1 : i32
      %run_scoped3A_332 = arith.constant 7 : i32
      "tpu.region"() ({
        %run_scoped3A_343 = tpu.sem_alloc : memref<!tpu.dma_semaphore, #tpu.memory_space<semaphore_mem>>
        %dma_start3A_344 = arith.constant 0 : i32
        %dma_start3A_345 = tpu.memref_slice %arg7[%run_scoped3A_331, %run_scoped3A_332, %dma_start3A_344] : memref<2x8x80xi32, #tpu.memory_space<vmem>> -> memref<1x1x80xi32, #tpu.memory_space<vmem>>
        %dma_start3A_346 = tpu.memref_squeeze %dma_start3A_345 : memref<1x1x80xi32, #tpu.memory_space<vmem>> -> memref<80xi32, #tpu.memory_space<vmem>>
        %dma_start3A_347 = arith.constant 0 : i32
        %dma_start3A_348 = arith.constant 0 : i32
        %dma_start3A_349 = tpu.memref_slice %arg12[%dma_start3A_347, %dma_start3A_348] : memref<10112x128xf32, #tpu.memory_space<vmem_shared>> -> memref<10112x128xf32, #tpu.memory_space<vmem_shared>>
        tpu.enqueue_indirect_dma source(%arg11 : memref<80x128xf32, #tpu.memory_space<vmem>>) target(%dma_start3A_349 : memref<10112x128xf32, #tpu.memory_space<vmem_shared>>) offsets(%dma_start3A_346 : memref<80xi32, #tpu.memory_space<vmem>>) semaphore(%run_scoped3A_343 : memref<!tpu.dma_semaphore, #tpu.memory_space<semaphore_mem>>) {add = true}
        %dma_wait3A_350 = arith.constant 0 : i32
        %dma_wait3A_351 = tpu.memref_slice %arg7[%run_scoped3A_331, %run_scoped3A_332, %dma_wait3A_350] : memref<2x8x80xi32, #tpu.memory_space<vmem>> -> memref<1x1x80xi32, #tpu.memory_space<vmem>>
        %dma_wait3A_352 = tpu.memref_squeeze %dma_wait3A_351 : memref<1x1x80xi32, #tpu.memory_space<vmem>> -> memref<80xi32, #tpu.memory_space<vmem>>
        %dma_wait3A_353 = arith.constant 0 : i32
        %dma_wait3A_354 = arith.constant 0 : i32
        %dma_wait3A_355 = tpu.memref_slice %arg12[%dma_wait3A_353, %dma_wait3A_354] : memref<10112x128xf32, #tpu.memory_space<vmem_shared>> -> memref<10112x128xf32, #tpu.memory_space<vmem_shared>>
        tpu.wait_indirect_dma semaphore(%run_scoped3A_343 : memref<!tpu.dma_semaphore, #tpu.memory_space<semaphore_mem>>) src(%arg11 : memref<80x128xf32, #tpu.memory_space<vmem>>) dst(%dma_wait3A_355 : memref<10112x128xf32, #tpu.memory_space<vmem_shared>>)
        tpu.yield
      }) : () -> ()
      %lt3A_333 = arith.constant 7 : i32
      %lt3A_334 = arith.cmpi slt, %scan3A_76, %lt3A_333 : i32
      %convert_element_type3A_335 = arith.extui %lt3A_334 : i1 to i32
      %cond3A_336 = arith.constant 0 : i32
      %cond3A_337 = arith.cmpi ne, %convert_element_type3A_335, %cond3A_336 : i32
      scf.if %cond3A_337 {
        %dma_start3A_343 = arith.constant 0 : i32
        %dma_start3A_344 = arith.constant 3 : i32
        %dma_start3A_345 = arith.constant 0 : i32
        %dma_start3A_346 = tpu.memref_slice %arg6[%dma_start3A_343, %dma_start3A_344, %dma_start3A_345] : memref<2x8x80xi32, #tpu.memory_space<vmem>> -> memref<1x1x80xi32, #tpu.memory_space<vmem>>
        %dma_start3A_347 = tpu.memref_squeeze %dma_start3A_346 : memref<1x1x80xi32, #tpu.memory_space<vmem>> -> memref<80xi32, #tpu.memory_space<vmem>>
        %dma_start3A_348 = arith.constant 0 : i32
        %dma_start3A_349 = arith.constant 0 : i32
        %dma_start3A_350 = tpu.memref_slice %arg2[%dma_start3A_348, %dma_start3A_349] : memref<10000x128xf32, #tpu.memory_space<hbm>> -> memref<10000x128xf32, #tpu.memory_space<hbm>>
        tpu.enqueue_indirect_dma source(%dma_start3A_350 : memref<10000x128xf32, #tpu.memory_space<hbm>>) target(%arg11 : memref<80x128xf32, #tpu.memory_space<vmem>>) offsets(%dma_start3A_347 : memref<80xi32, #tpu.memory_space<vmem>>) semaphore(%arg16 : memref<!tpu.dma_semaphore, #tpu.memory_space<semaphore_mem>>)
      } else {
      }
      %lt3A_338 = arith.constant 7 : i32
      %lt3A_339 = arith.cmpi slt, %scan3A_76, %lt3A_338 : i32
      %convert_element_type3A_340 = arith.extui %lt3A_339 : i1 to i32
      %cond3A_341 = arith.constant 0 : i32
      %cond3A_342 = arith.cmpi ne, %convert_element_type3A_340, %cond3A_341 : i32
      scf.if %cond3A_342 {
        %add3A_343 = arith.constant 1 : i32
        %add3A_344 = arith.addi %min3A_81, %add3A_343 : i32
        %dma_start3A_345 = arith.constant 0 : i32
        %dma_start3A_346 = arith.constant 0 : i32
        %dma_start3A_347 = arith.constant 0 : i32
        %dma_start3A_348 = tpu.memref_slice %arg3[%add3A, %add3A_344, %dma_start3A_345, %dma_start3A_346, %dma_start3A_347] : memref<32x16x2x8x80xi32, #tpu.memory_space<hbm>> -> memref<1x1x2x8x80xi32, #tpu.memory_space<hbm>>
        %dma_start3A_349 = tpu.memref_squeeze %dma_start3A_348 : memref<1x1x2x8x80xi32, #tpu.memory_space<hbm>> -> memref<2x8x80xi32, #tpu.memory_space<hbm>>
        %dma_start3A_350 = arith.constant 0 : i32
        %dma_start3A_351 = arith.constant 0 : i32
        %dma_start3A_352 = arith.constant 0 : i32
        %dma_start3A_353 = tpu.memref_slice %arg3[%add3A, %add3A_344, %dma_start3A_350, %dma_start3A_351, %dma_start3A_352] : memref<32x16x2x8x80xi32, #tpu.memory_space<hbm>> -> memref<1x1x2x8x80xi32, #tpu.memory_space<hbm>>
        %dma_start3A_354 = tpu.memref_squeeze %dma_start3A_353 : memref<1x1x2x8x80xi32, #tpu.memory_space<hbm>> -> memref<2x8x80xi32, #tpu.memory_space<hbm>>
        tpu.enqueue_dma source(%dma_start3A_354 : memref<2x8x80xi32, #tpu.memory_space<hbm>>) target(%arg7 : memref<2x8x80xi32, #tpu.memory_space<vmem>>) target_semaphore(%arg18 : memref<!tpu.dma_semaphore, #tpu.memory_space<semaphore_mem>>)
      } else {
      }
    }
    %scan3A_70 = arith.constant 8 : i32
    %barrier3A_71 = arith.constant 0 : index
    tpu.barrier barrier_id(%barrier3A_71)
    %mul3A_72 = arith.constant 632 : i32
    %mul3A_73 = arith.muli %arg1, %mul3A_72 : i32
    %mul3A_74 = arith.constant 632 : i32
    %mul3A_75 = arith.muli %arg1, %mul3A_74 : i32
    "tpu.region"() ({
      %run_scoped3A = tpu.sem_alloc : memref<!tpu.dma_semaphore, #tpu.memory_space<semaphore_mem>>
      %dma_start3A_76 = arith.constant 0 : i32
      %dma_start3A_77 = tpu.memref_slice %arg5[%arg0, %mul3A_75, %dma_start3A_76] : memref<2x10112x128xf32, #tpu.memory_space<hbm>> -> memref<1x632x128xf32, #tpu.memory_space<hbm>>
      %dma_start3A_78 = tpu.memref_squeeze %dma_start3A_77 : memref<1x632x128xf32, #tpu.memory_space<hbm>> -> memref<632x128xf32, #tpu.memory_space<hbm>>
      %dma_start3A_79 = arith.constant 0 : i32
      %dma_start3A_80 = tpu.memref_slice %arg12[%mul3A_73, %dma_start3A_79] : memref<10112x128xf32, #tpu.memory_space<vmem_shared>> -> memref<632x128xf32, #tpu.memory_space<vmem_shared>>
      tpu.enqueue_dma source(%dma_start3A_80 : memref<632x128xf32, #tpu.memory_space<vmem_shared>>) target(%dma_start3A_78 : memref<632x128xf32, #tpu.memory_space<hbm>>) target_semaphore(%run_scoped3A : memref<!tpu.dma_semaphore, #tpu.memory_space<semaphore_mem>>)
      %dma_wait3A_81 = arith.constant 0 : i32
      %dma_wait3A_82 = tpu.memref_slice %arg5[%arg0, %mul3A_75, %dma_wait3A_81] : memref<2x10112x128xf32, #tpu.memory_space<hbm>> -> memref<1x632x128xf32, #tpu.memory_space<hbm>>
      %dma_wait3A_83 = tpu.memref_squeeze %dma_wait3A_82 : memref<1x632x128xf32, #tpu.memory_space<hbm>> -> memref<632x128xf32, #tpu.memory_space<hbm>>
      %dma_wait3A_84 = arith.constant 0 : i32
      %dma_wait3A_85 = tpu.memref_slice %arg12[%mul3A_73, %dma_wait3A_84] : memref<10112x128xf32, #tpu.memory_space<vmem_shared>> -> memref<632x128xf32, #tpu.memory_space<vmem_shared>>
      tpu.wait_dma2 semaphore(%run_scoped3A : memref<!tpu.dma_semaphore, #tpu.memory_space<semaphore_mem>>) src(%dma_wait3A_85 : memref<632x128xf32, #tpu.memory_space<vmem_shared>>) dst(%dma_wait3A_83 : memref<632x128xf32, #tpu.memory_space<hbm>>)
      tpu.yield
    }) : () -> ()
    return
  }
}

#map = affine_map<(d0, d1) -> (0, 0)>
#map1 = affine_map<(d0, d1) -> (0, 0, 0, 0, 0)>
#map2 = affine_map<(d0, d1) -> (0, 0, 0)>
module attributes {stable_mosaic.version = 14 : i64} {
  func.func @_sc_agg(%arg0: i32, %arg1: i32, %arg2: memref<10000x128xf32, #tpu.memory_space<hbm>>, %arg3: memref<32x16x2x8x80xi32, #tpu.memory_space<hbm>>, %arg4: memref<632x128xf32, #tpu.memory_space<hbm>>, %arg5: memref<2x10112x128xf32, #tpu.memory_space<hbm>>, %arg6: memref<2x8x80xi32, #tpu.memory_space<vmem>>, %arg7: memref<2x8x80xi32, #tpu.memory_space<vmem>>, %arg8: memref<80x128xf32, #tpu.memory_space<vmem>>, %arg9: memref<80x128xf32, #tpu.memory_space<vmem>>, %arg10: memref<80x128xf32, #tpu.memory_space<vmem>>, %arg11: memref<80x128xf32, #tpu.memory_space<vmem>>, %arg12: memref<10112x128xf32, #tpu.memory_space<vmem_shared>>, %arg13: memref<!tpu.dma_semaphore, #tpu.memory_space<semaphore_mem>>, %arg14: memref<!tpu.dma_semaphore, #tpu.memory_space<semaphore_mem>>, %arg15: memref<!tpu.dma_semaphore, #tpu.memory_space<semaphore_mem>>, %arg16: memref<!tpu.dma_semaphore, #tpu.memory_space<semaphore_mem>>, %arg17: memref<!tpu.dma_semaphore, #tpu.memory_space<semaphore_mem>>, %arg18: memref<!tpu.dma_semaphore, #tpu.memory_space<semaphore_mem>>) attributes {dimension_semantics = [#tpu.dimension_semantics<core_parallel>, #tpu.dimension_semantics<subcore_parallel>], iteration_bounds = array<i64: 2, 16>, scalar_prefetch = 0 : i64, scratch_operands = 13 : i64, tpu.core_type = #tpu.core_type<sc_vector_subcore>, window_params = [{transform_indices = #map}, {transform_indices = #map1}, {transform_indices = #map}, {transform_indices = #map2}]} {
    %mul3A = arith.constant 16 : i32
    %mul3A_0 = arith.muli %arg0, %mul3A : i32
    %add3A = arith.addi %mul3A_0, %arg1 : i32
    %mul3A_1 = arith.constant 632 : i32
    %mul3A_2 = arith.muli %arg1, %mul3A_1 : i32
    "tpu.region"() ({
      %run_scoped3A = tpu.sem_alloc : memref<!tpu.dma_semaphore, #tpu.memory_space<semaphore_mem>>
      %dma_start3A_76 = arith.constant 0 : i32
      %dma_start3A_77 = tpu.memref_slice %arg12[%mul3A_2, %dma_start3A_76] : memref<10112x128xf32, #tpu.memory_space<vmem_shared>> -> memref<632x128xf32, #tpu.memory_space<vmem_shared>>
      tpu.enqueue_dma source(%arg4 : memref<632x128xf32, #tpu.memory_space<hbm>>) target(%dma_start3A_77 : memref<632x128xf32, #tpu.memory_space<vmem_shared>>) target_semaphore(%run_scoped3A : memref<!tpu.dma_semaphore, #tpu.memory_space<semaphore_mem>>)
      %dma_wait3A_78 = arith.constant 0 : i32
      %dma_wait3A_79 = tpu.memref_slice %arg12[%mul3A_2, %dma_wait3A_78] : memref<10112x128xf32, #tpu.memory_space<vmem_shared>> -> memref<632x128xf32, #tpu.memory_space<vmem_shared>>
      tpu.wait_dma2 semaphore(%run_scoped3A : memref<!tpu.dma_semaphore, #tpu.memory_space<semaphore_mem>>) src(%arg4 : memref<632x128xf32, #tpu.memory_space<hbm>>) dst(%dma_wait3A_79 : memref<632x128xf32, #tpu.memory_space<vmem_shared>>)
      tpu.yield
    }) : () -> ()
    %barrier3A = arith.constant 0 : index
    tpu.barrier barrier_id(%barrier3A)
    %dma_start3A = arith.constant 0 : i32
    %dma_start3A_3 = arith.constant 0 : i32
    %dma_start3A_4 = arith.constant 0 : i32
    %dma_start3A_5 = arith.constant 0 : i32
    %dma_start3A_6 = tpu.memref_slice %arg3[%add3A, %dma_start3A, %dma_start3A_3, %dma_start3A_4, %dma_start3A_5] : memref<32x16x2x8x80xi32, #tpu.memory_space<hbm>> -> memref<1x1x2x8x80xi32, #tpu.memory_space<hbm>>
    %dma_start3A_7 = tpu.memref_squeeze %dma_start3A_6 : memref<1x1x2x8x80xi32, #tpu.memory_space<hbm>> -> memref<2x8x80xi32, #tpu.memory_space<hbm>>
    %dma_start3A_8 = arith.constant 0 : i32
    %dma_start3A_9 = arith.constant 0 : i32
    %dma_start3A_10 = arith.constant 0 : i32
    %dma_start3A_11 = tpu.memref_slice %arg3[%add3A, %dma_start3A, %dma_start3A_8, %dma_start3A_9, %dma_start3A_10] : memref<32x16x2x8x80xi32, #tpu.memory_space<hbm>> -> memref<1x1x2x8x80xi32, #tpu.memory_space<hbm>>
    %dma_start3A_12 = tpu.memref_squeeze %dma_start3A_11 : memref<1x1x2x8x80xi32, #tpu.memory_space<hbm>> -> memref<2x8x80xi32, #tpu.memory_space<hbm>>
    tpu.enqueue_dma source(%dma_start3A_12 : memref<2x8x80xi32, #tpu.memory_space<hbm>>) target(%arg6 : memref<2x8x80xi32, #tpu.memory_space<vmem>>) target_semaphore(%arg17 : memref<!tpu.dma_semaphore, #tpu.memory_space<semaphore_mem>>)
    %dma_wait3A = arith.constant 0 : i32
    %dma_wait3A_13 = arith.constant 0 : i32
    %dma_wait3A_14 = arith.constant 0 : i32
    %dma_wait3A_15 = arith.constant 0 : i32
    %dma_wait3A_16 = tpu.memref_slice %arg3[%add3A, %dma_wait3A, %dma_wait3A_13, %dma_wait3A_14, %dma_wait3A_15] : memref<32x16x2x8x80xi32, #tpu.memory_space<hbm>> -> memref<1x1x2x8x80xi32, #tpu.memory_space<hbm>>
    %dma_wait3A_17 = tpu.memref_squeeze %dma_wait3A_16 : memref<1x1x2x8x80xi32, #tpu.memory_space<hbm>> -> memref<2x8x80xi32, #tpu.memory_space<hbm>>
    %dma_wait3A_18 = arith.constant 0 : i32
    %dma_wait3A_19 = arith.constant 0 : i32
    %dma_wait3A_20 = arith.constant 0 : i32
    %dma_wait3A_21 = tpu.memref_slice %arg3[%add3A, %dma_wait3A, %dma_wait3A_18, %dma_wait3A_19, %dma_wait3A_20] : memref<32x16x2x8x80xi32, #tpu.memory_space<hbm>> -> memref<1x1x2x8x80xi32, #tpu.memory_space<hbm>>
    %dma_wait3A_22 = tpu.memref_squeeze %dma_wait3A_21 : memref<1x1x2x8x80xi32, #tpu.memory_space<hbm>> -> memref<2x8x80xi32, #tpu.memory_space<hbm>>
    tpu.wait_dma2 semaphore(%arg17 : memref<!tpu.dma_semaphore, #tpu.memory_space<semaphore_mem>>) src(%dma_wait3A_22 : memref<2x8x80xi32, #tpu.memory_space<hbm>>) dst(%arg6 : memref<2x8x80xi32, #tpu.memory_space<vmem>>)
    %dma_start3A_23 = arith.constant 0 : i32
    %dma_start3A_24 = arith.constant 0 : i32
    %dma_start3A_25 = arith.constant 0 : i32
    %dma_start3A_26 = tpu.memref_slice %arg6[%dma_start3A_23, %dma_start3A_24, %dma_start3A_25] : memref<2x8x80xi32, #tpu.memory_space<vmem>> -> memref<1x1x80xi32, #tpu.memory_space<vmem>>
    %dma_start3A_27 = tpu.memref_squeeze %dma_start3A_26 : memref<1x1x80xi32, #tpu.memory_space<vmem>> -> memref<80xi32, #tpu.memory_space<vmem>>
    %dma_start3A_28 = arith.constant 0 : i32
    %dma_start3A_29 = arith.constant 0 : i32
    %dma_start3A_30 = tpu.memref_slice %arg2[%dma_start3A_28, %dma_start3A_29] : memref<10000x128xf32, #tpu.memory_space<hbm>> -> memref<10000x128xf32, #tpu.memory_space<hbm>>
    tpu.enqueue_indirect_dma source(%dma_start3A_30 : memref<10000x128xf32, #tpu.memory_space<hbm>>) target(%arg8 : memref<80x128xf32, #tpu.memory_space<vmem>>) offsets(%dma_start3A_27 : memref<80xi32, #tpu.memory_space<vmem>>) semaphore(%arg13 : memref<!tpu.dma_semaphore, #tpu.memory_space<semaphore_mem>>)
    %dma_start3A_31 = arith.constant 0 : i32
    %dma_start3A_32 = arith.constant 1 : i32
    %dma_start3A_33 = arith.constant 0 : i32
    %dma_start3A_34 = tpu.memref_slice %arg6[%dma_start3A_31, %dma_start3A_32, %dma_start3A_33] : memref<2x8x80xi32, #tpu.memory_space<vmem>> -> memref<1x1x80xi32, #tpu.memory_space<vmem>>
    %dma_start3A_35 = tpu.memref_squeeze %dma_start3A_34 : memref<1x1x80xi32, #tpu.memory_space<vmem>> -> memref<80xi32, #tpu.memory_space<vmem>>
    %dma_start3A_36 = arith.constant 0 : i32
    %dma_start3A_37 = arith.constant 0 : i32
    %dma_start3A_38 = tpu.memref_slice %arg2[%dma_start3A_36, %dma_start3A_37] : memref<10000x128xf32, #tpu.memory_space<hbm>> -> memref<10000x128xf32, #tpu.memory_space<hbm>>
    tpu.enqueue_indirect_dma source(%dma_start3A_38 : memref<10000x128xf32, #tpu.memory_space<hbm>>) target(%arg9 : memref<80x128xf32, #tpu.memory_space<vmem>>) offsets(%dma_start3A_35 : memref<80xi32, #tpu.memory_space<vmem>>) semaphore(%arg14 : memref<!tpu.dma_semaphore, #tpu.memory_space<semaphore_mem>>)
    %dma_start3A_39 = arith.constant 0 : i32
    %dma_start3A_40 = arith.constant 2 : i32
    %dma_start3A_41 = arith.constant 0 : i32
    %dma_start3A_42 = tpu.memref_slice %arg6[%dma_start3A_39, %dma_start3A_40, %dma_start3A_41] : memref<2x8x80xi32, #tpu.memory_space<vmem>> -> memref<1x1x80xi32, #tpu.memory_space<vmem>>
    %dma_start3A_43 = tpu.memref_squeeze %dma_start3A_42 : memref<1x1x80xi32, #tpu.memory_space<vmem>> -> memref<80xi32, #tpu.memory_space<vmem>>
    %dma_start3A_44 = arith.constant 0 : i32
    %dma_start3A_45 = arith.constant 0 : i32
    %dma_start3A_46 = tpu.memref_slice %arg2[%dma_start3A_44, %dma_start3A_45] : memref<10000x128xf32, #tpu.memory_space<hbm>> -> memref<10000x128xf32, #tpu.memory_space<hbm>>
    tpu.enqueue_indirect_dma source(%dma_start3A_46 : memref<10000x128xf32, #tpu.memory_space<hbm>>) target(%arg10 : memref<80x128xf32, #tpu.memory_space<vmem>>) offsets(%dma_start3A_43 : memref<80xi32, #tpu.memory_space<vmem>>) semaphore(%arg15 : memref<!tpu.dma_semaphore, #tpu.memory_space<semaphore_mem>>)
    %dma_start3A_47 = arith.constant 0 : i32
    %dma_start3A_48 = arith.constant 3 : i32
    %dma_start3A_49 = arith.constant 0 : i32
    %dma_start3A_50 = tpu.memref_slice %arg6[%dma_start3A_47, %dma_start3A_48, %dma_start3A_49] : memref<2x8x80xi32, #tpu.memory_space<vmem>> -> memref<1x1x80xi32, #tpu.memory_space<vmem>>
    %dma_start3A_51 = tpu.memref_squeeze %dma_start3A_50 : memref<1x1x80xi32, #tpu.memory_space<vmem>> -> memref<80xi32, #tpu.memory_space<vmem>>
    %dma_start3A_52 = arith.constant 0 : i32
    %dma_start3A_53 = arith.constant 0 : i32
    %dma_start3A_54 = tpu.memref_slice %arg2[%dma_start3A_52, %dma_start3A_53] : memref<10000x128xf32, #tpu.memory_space<hbm>> -> memref<10000x128xf32, #tpu.memory_space<hbm>>
    tpu.enqueue_indirect_dma source(%dma_start3A_54 : memref<10000x128xf32, #tpu.memory_space<hbm>>) target(%arg11 : memref<80x128xf32, #tpu.memory_space<vmem>>) offsets(%dma_start3A_51 : memref<80xi32, #tpu.memory_space<vmem>>) semaphore(%arg16 : memref<!tpu.dma_semaphore, #tpu.memory_space<semaphore_mem>>)
    %dma_start3A_55 = arith.constant 1 : i32
    %dma_start3A_56 = arith.constant 0 : i32
    %dma_start3A_57 = arith.constant 0 : i32
    %dma_start3A_58 = arith.constant 0 : i32
    %dma_start3A_59 = tpu.memref_slice %arg3[%add3A, %dma_start3A_55, %dma_start3A_56, %dma_start3A_57, %dma_start3A_58] : memref<32x16x2x8x80xi32, #tpu.memory_space<hbm>> -> memref<1x1x2x8x80xi32, #tpu.memory_space<hbm>>
    %dma_start3A_60 = tpu.memref_squeeze %dma_start3A_59 : memref<1x1x2x8x80xi32, #tpu.memory_space<hbm>> -> memref<2x8x80xi32, #tpu.memory_space<hbm>>
    %dma_start3A_61 = arith.constant 0 : i32
    %dma_start3A_62 = arith.constant 0 : i32
    %dma_start3A_63 = arith.constant 0 : i32
    %dma_start3A_64 = tpu.memref_slice %arg3[%add3A, %dma_start3A_55, %dma_start3A_61, %dma_start3A_62, %dma_start3A_63] : memref<32x16x2x8x80xi32, #tpu.memory_space<hbm>> -> memref<1x1x2x8x80xi32, #tpu.memory_space<hbm>>
    %dma_start3A_65 = tpu.memref_squeeze %dma_start3A_64 : memref<1x1x2x8x80xi32, #tpu.memory_space<hbm>> -> memref<2x8x80xi32, #tpu.memory_space<hbm>>
    tpu.enqueue_dma source(%dma_start3A_65 : memref<2x8x80xi32, #tpu.memory_space<hbm>>) target(%arg7 : memref<2x8x80xi32, #tpu.memory_space<vmem>>) target_semaphore(%arg18 : memref<!tpu.dma_semaphore, #tpu.memory_space<semaphore_mem>>)
    %scan3A = arith.constant 0 : i32
    %scan3A_66 = arith.constant 0 : i32
    %scan3A_67 = arith.constant 8 : i32
    %scan3A_68 = arith.addi %scan3A_66, %scan3A_67 : i32
    %scan3A_69 = arith.constant 1 : i32
    scf.for %scan3A_76 = %scan3A_66 to %scan3A_68 step %scan3A_69  : i32 {
      %mul3A_77 = arith.constant 2 : i32
      %mul3A_78 = arith.muli %mul3A_77, %scan3A_76 : i32
      %add3A_79 = arith.constant 2 : i32
      %add3A_80 = arith.addi %mul3A_78, %add3A_79 : i32
      %min3A = arith.constant 15 : i32
      %min3A_81 = arith.minsi %add3A_80, %min3A : i32
      %dma_wait3A_82 = arith.constant 0 : i32
      %dma_wait3A_83 = arith.constant 0 : i32
      %dma_wait3A_84 = tpu.memref_slice %arg2[%dma_wait3A_82, %dma_wait3A_83] : memref<10000x128xf32, #tpu.memory_space<hbm>> -> memref<80x128xf32, #tpu.memory_space<hbm>>
      %dma_wait3A_85 = arith.constant 0 : i32
      %dma_wait3A_86 = arith.constant 0 : i32
      %dma_wait3A_87 = tpu.memref_slice %arg2[%dma_wait3A_85, %dma_wait3A_86] : memref<10000x128xf32, #tpu.memory_space<hbm>> -> memref<80x128xf32, #tpu.memory_space<hbm>>
      tpu.wait_dma2 semaphore(%arg13 : memref<!tpu.dma_semaphore, #tpu.memory_space<semaphore_mem>>) src(%dma_wait3A_87 : memref<80x128xf32, #tpu.memory_space<hbm>>) dst(%arg8 : memref<80x128xf32, #tpu.memory_space<vmem>>)
      %run_scoped3A = arith.constant 1 : i32
      %run_scoped3A_88 = arith.constant 0 : i32
      "tpu.region"() ({
        %run_scoped3A_343 = tpu.sem_alloc : memref<!tpu.dma_semaphore, #tpu.memory_space<semaphore_mem>>
        %dma_start3A_344 = arith.constant 0 : i32
        %dma_start3A_345 = tpu.memref_slice %arg6[%run_scoped3A, %run_scoped3A_88, %dma_start3A_344] : memref<2x8x80xi32, #tpu.memory_space<vmem>> -> memref<1x1x80xi32, #tpu.memory_space<vmem>>
        %dma_start3A_346 = tpu.memref_squeeze %dma_start3A_345 : memref<1x1x80xi32, #tpu.memory_space<vmem>> -> memref<80xi32, #tpu.memory_space<vmem>>
        %dma_start3A_347 = arith.constant 0 : i32
        %dma_start3A_348 = arith.constant 0 : i32
        %dma_start3A_349 = tpu.memref_slice %arg12[%dma_start3A_347, %dma_start3A_348] : memref<10112x128xf32, #tpu.memory_space<vmem_shared>> -> memref<10112x128xf32, #tpu.memory_space<vmem_shared>>
        tpu.enqueue_indirect_dma source(%arg8 : memref<80x128xf32, #tpu.memory_space<vmem>>) target(%dma_start3A_349 : memref<10112x128xf32, #tpu.memory_space<vmem_shared>>) offsets(%dma_start3A_346 : memref<80xi32, #tpu.memory_space<vmem>>) semaphore(%run_scoped3A_343 : memref<!tpu.dma_semaphore, #tpu.memory_space<semaphore_mem>>) {add = true}
        %dma_wait3A_350 = arith.constant 0 : i32
        %dma_wait3A_351 = tpu.memref_slice %arg6[%run_scoped3A, %run_scoped3A_88, %dma_wait3A_350] : memref<2x8x80xi32, #tpu.memory_space<vmem>> -> memref<1x1x80xi32, #tpu.memory_space<vmem>>
        %dma_wait3A_352 = tpu.memref_squeeze %dma_wait3A_351 : memref<1x1x80xi32, #tpu.memory_space<vmem>> -> memref<80xi32, #tpu.memory_space<vmem>>
        %dma_wait3A_353 = arith.constant 0 : i32
        %dma_wait3A_354 = arith.constant 0 : i32
        %dma_wait3A_355 = tpu.memref_slice %arg12[%dma_wait3A_353, %dma_wait3A_354] : memref<10112x128xf32, #tpu.memory_space<vmem_shared>> -> memref<10112x128xf32, #tpu.memory_space<vmem_shared>>
        tpu.wait_indirect_dma semaphore(%run_scoped3A_343 : memref<!tpu.dma_semaphore, #tpu.memory_space<semaphore_mem>>) src(%arg8 : memref<80x128xf32, #tpu.memory_space<vmem>>) dst(%dma_wait3A_355 : memref<10112x128xf32, #tpu.memory_space<vmem_shared>>)
        tpu.yield
      }) : () -> ()
      %dma_start3A_89 = arith.constant 0 : i32
      %dma_start3A_90 = arith.constant 4 : i32
      %dma_start3A_91 = arith.constant 0 : i32
      %dma_start3A_92 = tpu.memref_slice %arg6[%dma_start3A_89, %dma_start3A_90, %dma_start3A_91] : memref<2x8x80xi32, #tpu.memory_space<vmem>> -> memref<1x1x80xi32, #tpu.memory_space<vmem>>
      %dma_start3A_93 = tpu.memref_squeeze %dma_start3A_92 : memref<1x1x80xi32, #tpu.memory_space<vmem>> -> memref<80xi32, #tpu.memory_space<vmem>>
      %dma_start3A_94 = arith.constant 0 : i32
      %dma_start3A_95 = arith.constant 0 : i32
      %dma_start3A_96 = tpu.memref_slice %arg2[%dma_start3A_94, %dma_start3A_95] : memref<10000x128xf32, #tpu.memory_space<hbm>> -> memref<10000x128xf32, #tpu.memory_space<hbm>>
      tpu.enqueue_indirect_dma source(%dma_start3A_96 : memref<10000x128xf32, #tpu.memory_space<hbm>>) target(%arg8 : memref<80x128xf32, #tpu.memory_space<vmem>>) offsets(%dma_start3A_93 : memref<80xi32, #tpu.memory_space<vmem>>) semaphore(%arg13 : memref<!tpu.dma_semaphore, #tpu.memory_space<semaphore_mem>>)
      %dma_wait3A_97 = arith.constant 0 : i32
      %dma_wait3A_98 = arith.constant 0 : i32
      %dma_wait3A_99 = tpu.memref_slice %arg2[%dma_wait3A_97, %dma_wait3A_98] : memref<10000x128xf32, #tpu.memory_space<hbm>> -> memref<80x128xf32, #tpu.memory_space<hbm>>
      %dma_wait3A_100 = arith.constant 0 : i32
      %dma_wait3A_101 = arith.constant 0 : i32
      %dma_wait3A_102 = tpu.memref_slice %arg2[%dma_wait3A_100, %dma_wait3A_101] : memref<10000x128xf32, #tpu.memory_space<hbm>> -> memref<80x128xf32, #tpu.memory_space<hbm>>
      tpu.wait_dma2 semaphore(%arg14 : memref<!tpu.dma_semaphore, #tpu.memory_space<semaphore_mem>>) src(%dma_wait3A_102 : memref<80x128xf32, #tpu.memory_space<hbm>>) dst(%arg9 : memref<80x128xf32, #tpu.memory_space<vmem>>)
      %run_scoped3A_103 = arith.constant 1 : i32
      %run_scoped3A_104 = arith.constant 1 : i32
      "tpu.region"() ({
        %run_scoped3A_343 = tpu.sem_alloc : memref<!tpu.dma_semaphore, #tpu.memory_space<semaphore_mem>>
        %dma_start3A_344 = arith.constant 0 : i32
        %dma_start3A_345 = tpu.memref_slice %arg6[%run_scoped3A_103, %run_scoped3A_104, %dma_start3A_344] : memref<2x8x80xi32, #tpu.memory_space<vmem>> -> memref<1x1x80xi32, #tpu.memory_space<vmem>>
        %dma_start3A_346 = tpu.memref_squeeze %dma_start3A_345 : memref<1x1x80xi32, #tpu.memory_space<vmem>> -> memref<80xi32, #tpu.memory_space<vmem>>
        %dma_start3A_347 = arith.constant 0 : i32
        %dma_start3A_348 = arith.constant 0 : i32
        %dma_start3A_349 = tpu.memref_slice %arg12[%dma_start3A_347, %dma_start3A_348] : memref<10112x128xf32, #tpu.memory_space<vmem_shared>> -> memref<10112x128xf32, #tpu.memory_space<vmem_shared>>
        tpu.enqueue_indirect_dma source(%arg9 : memref<80x128xf32, #tpu.memory_space<vmem>>) target(%dma_start3A_349 : memref<10112x128xf32, #tpu.memory_space<vmem_shared>>) offsets(%dma_start3A_346 : memref<80xi32, #tpu.memory_space<vmem>>) semaphore(%run_scoped3A_343 : memref<!tpu.dma_semaphore, #tpu.memory_space<semaphore_mem>>) {add = true}
        %dma_wait3A_350 = arith.constant 0 : i32
        %dma_wait3A_351 = tpu.memref_slice %arg6[%run_scoped3A_103, %run_scoped3A_104, %dma_wait3A_350] : memref<2x8x80xi32, #tpu.memory_space<vmem>> -> memref<1x1x80xi32, #tpu.memory_space<vmem>>
        %dma_wait3A_352 = tpu.memref_squeeze %dma_wait3A_351 : memref<1x1x80xi32, #tpu.memory_space<vmem>> -> memref<80xi32, #tpu.memory_space<vmem>>
        %dma_wait3A_353 = arith.constant 0 : i32
        %dma_wait3A_354 = arith.constant 0 : i32
        %dma_wait3A_355 = tpu.memref_slice %arg12[%dma_wait3A_353, %dma_wait3A_354] : memref<10112x128xf32, #tpu.memory_space<vmem_shared>> -> memref<10112x128xf32, #tpu.memory_space<vmem_shared>>
        tpu.wait_indirect_dma semaphore(%run_scoped3A_343 : memref<!tpu.dma_semaphore, #tpu.memory_space<semaphore_mem>>) src(%arg9 : memref<80x128xf32, #tpu.memory_space<vmem>>) dst(%dma_wait3A_355 : memref<10112x128xf32, #tpu.memory_space<vmem_shared>>)
        tpu.yield
      }) : () -> ()
      %dma_start3A_105 = arith.constant 0 : i32
      %dma_start3A_106 = arith.constant 5 : i32
      %dma_start3A_107 = arith.constant 0 : i32
      %dma_start3A_108 = tpu.memref_slice %arg6[%dma_start3A_105, %dma_start3A_106, %dma_start3A_107] : memref<2x8x80xi32, #tpu.memory_space<vmem>> -> memref<1x1x80xi32, #tpu.memory_space<vmem>>
      %dma_start3A_109 = tpu.memref_squeeze %dma_start3A_108 : memref<1x1x80xi32, #tpu.memory_space<vmem>> -> memref<80xi32, #tpu.memory_space<vmem>>
      %dma_start3A_110 = arith.constant 0 : i32
      %dma_start3A_111 = arith.constant 0 : i32
      %dma_start3A_112 = tpu.memref_slice %arg2[%dma_start3A_110, %dma_start3A_111] : memref<10000x128xf32, #tpu.memory_space<hbm>> -> memref<10000x128xf32, #tpu.memory_space<hbm>>
      tpu.enqueue_indirect_dma source(%dma_start3A_112 : memref<10000x128xf32, #tpu.memory_space<hbm>>) target(%arg9 : memref<80x128xf32, #tpu.memory_space<vmem>>) offsets(%dma_start3A_109 : memref<80xi32, #tpu.memory_space<vmem>>) semaphore(%arg14 : memref<!tpu.dma_semaphore, #tpu.memory_space<semaphore_mem>>)
      %dma_wait3A_113 = arith.constant 0 : i32
      %dma_wait3A_114 = arith.constant 0 : i32
      %dma_wait3A_115 = tpu.memref_slice %arg2[%dma_wait3A_113, %dma_wait3A_114] : memref<10000x128xf32, #tpu.memory_space<hbm>> -> memref<80x128xf32, #tpu.memory_space<hbm>>
      %dma_wait3A_116 = arith.constant 0 : i32
      %dma_wait3A_117 = arith.constant 0 : i32
      %dma_wait3A_118 = tpu.memref_slice %arg2[%dma_wait3A_116, %dma_wait3A_117] : memref<10000x128xf32, #tpu.memory_space<hbm>> -> memref<80x128xf32, #tpu.memory_space<hbm>>
      tpu.wait_dma2 semaphore(%arg15 : memref<!tpu.dma_semaphore, #tpu.memory_space<semaphore_mem>>) src(%dma_wait3A_118 : memref<80x128xf32, #tpu.memory_space<hbm>>) dst(%arg10 : memref<80x128xf32, #tpu.memory_space<vmem>>)
      %run_scoped3A_119 = arith.constant 1 : i32
      %run_scoped3A_120 = arith.constant 2 : i32
      "tpu.region"() ({
        %run_scoped3A_343 = tpu.sem_alloc : memref<!tpu.dma_semaphore, #tpu.memory_space<semaphore_mem>>
        %dma_start3A_344 = arith.constant 0 : i32
        %dma_start3A_345 = tpu.memref_slice %arg6[%run_scoped3A_119, %run_scoped3A_120, %dma_start3A_344] : memref<2x8x80xi32, #tpu.memory_space<vmem>> -> memref<1x1x80xi32, #tpu.memory_space<vmem>>
        %dma_start3A_346 = tpu.memref_squeeze %dma_start3A_345 : memref<1x1x80xi32, #tpu.memory_space<vmem>> -> memref<80xi32, #tpu.memory_space<vmem>>
        %dma_start3A_347 = arith.constant 0 : i32
        %dma_start3A_348 = arith.constant 0 : i32
        %dma_start3A_349 = tpu.memref_slice %arg12[%dma_start3A_347, %dma_start3A_348] : memref<10112x128xf32, #tpu.memory_space<vmem_shared>> -> memref<10112x128xf32, #tpu.memory_space<vmem_shared>>
        tpu.enqueue_indirect_dma source(%arg10 : memref<80x128xf32, #tpu.memory_space<vmem>>) target(%dma_start3A_349 : memref<10112x128xf32, #tpu.memory_space<vmem_shared>>) offsets(%dma_start3A_346 : memref<80xi32, #tpu.memory_space<vmem>>) semaphore(%run_scoped3A_343 : memref<!tpu.dma_semaphore, #tpu.memory_space<semaphore_mem>>) {add = true}
        %dma_wait3A_350 = arith.constant 0 : i32
        %dma_wait3A_351 = tpu.memref_slice %arg6[%run_scoped3A_119, %run_scoped3A_120, %dma_wait3A_350] : memref<2x8x80xi32, #tpu.memory_space<vmem>> -> memref<1x1x80xi32, #tpu.memory_space<vmem>>
        %dma_wait3A_352 = tpu.memref_squeeze %dma_wait3A_351 : memref<1x1x80xi32, #tpu.memory_space<vmem>> -> memref<80xi32, #tpu.memory_space<vmem>>
        %dma_wait3A_353 = arith.constant 0 : i32
        %dma_wait3A_354 = arith.constant 0 : i32
        %dma_wait3A_355 = tpu.memref_slice %arg12[%dma_wait3A_353, %dma_wait3A_354] : memref<10112x128xf32, #tpu.memory_space<vmem_shared>> -> memref<10112x128xf32, #tpu.memory_space<vmem_shared>>
        tpu.wait_indirect_dma semaphore(%run_scoped3A_343 : memref<!tpu.dma_semaphore, #tpu.memory_space<semaphore_mem>>) src(%arg10 : memref<80x128xf32, #tpu.memory_space<vmem>>) dst(%dma_wait3A_355 : memref<10112x128xf32, #tpu.memory_space<vmem_shared>>)
        tpu.yield
      }) : () -> ()
      %dma_start3A_121 = arith.constant 0 : i32
      %dma_start3A_122 = arith.constant 6 : i32
      %dma_start3A_123 = arith.constant 0 : i32
      %dma_start3A_124 = tpu.memref_slice %arg6[%dma_start3A_121, %dma_start3A_122, %dma_start3A_123] : memref<2x8x80xi32, #tpu.memory_space<vmem>> -> memref<1x1x80xi32, #tpu.memory_space<vmem>>
      %dma_start3A_125 = tpu.memref_squeeze %dma_start3A_124 : memref<1x1x80xi32, #tpu.memory_space<vmem>> -> memref<80xi32, #tpu.memory_space<vmem>>
      %dma_start3A_126 = arith.constant 0 : i32
      %dma_start3A_127 = arith.constant 0 : i32
      %dma_start3A_128 = tpu.memref_slice %arg2[%dma_start3A_126, %dma_start3A_127] : memref<10000x128xf32, #tpu.memory_space<hbm>> -> memref<10000x128xf32, #tpu.memory_space<hbm>>
      tpu.enqueue_indirect_dma source(%dma_start3A_128 : memref<10000x128xf32, #tpu.memory_space<hbm>>) target(%arg10 : memref<80x128xf32, #tpu.memory_space<vmem>>) offsets(%dma_start3A_125 : memref<80xi32, #tpu.memory_space<vmem>>) semaphore(%arg15 : memref<!tpu.dma_semaphore, #tpu.memory_space<semaphore_mem>>)
      %dma_wait3A_129 = arith.constant 0 : i32
      %dma_wait3A_130 = arith.constant 0 : i32
      %dma_wait3A_131 = tpu.memref_slice %arg2[%dma_wait3A_129, %dma_wait3A_130] : memref<10000x128xf32, #tpu.memory_space<hbm>> -> memref<80x128xf32, #tpu.memory_space<hbm>>
      %dma_wait3A_132 = arith.constant 0 : i32
      %dma_wait3A_133 = arith.constant 0 : i32
      %dma_wait3A_134 = tpu.memref_slice %arg2[%dma_wait3A_132, %dma_wait3A_133] : memref<10000x128xf32, #tpu.memory_space<hbm>> -> memref<80x128xf32, #tpu.memory_space<hbm>>
      tpu.wait_dma2 semaphore(%arg16 : memref<!tpu.dma_semaphore, #tpu.memory_space<semaphore_mem>>) src(%dma_wait3A_134 : memref<80x128xf32, #tpu.memory_space<hbm>>) dst(%arg11 : memref<80x128xf32, #tpu.memory_space<vmem>>)
      %run_scoped3A_135 = arith.constant 1 : i32
      %run_scoped3A_136 = arith.constant 3 : i32
      "tpu.region"() ({
        %run_scoped3A_343 = tpu.sem_alloc : memref<!tpu.dma_semaphore, #tpu.memory_space<semaphore_mem>>
        %dma_start3A_344 = arith.constant 0 : i32
        %dma_start3A_345 = tpu.memref_slice %arg6[%run_scoped3A_135, %run_scoped3A_136, %dma_start3A_344] : memref<2x8x80xi32, #tpu.memory_space<vmem>> -> memref<1x1x80xi32, #tpu.memory_space<vmem>>
        %dma_start3A_346 = tpu.memref_squeeze %dma_start3A_345 : memref<1x1x80xi32, #tpu.memory_space<vmem>> -> memref<80xi32, #tpu.memory_space<vmem>>
        %dma_start3A_347 = arith.constant 0 : i32
        %dma_start3A_348 = arith.constant 0 : i32
        %dma_start3A_349 = tpu.memref_slice %arg12[%dma_start3A_347, %dma_start3A_348] : memref<10112x128xf32, #tpu.memory_space<vmem_shared>> -> memref<10112x128xf32, #tpu.memory_space<vmem_shared>>
        tpu.enqueue_indirect_dma source(%arg11 : memref<80x128xf32, #tpu.memory_space<vmem>>) target(%dma_start3A_349 : memref<10112x128xf32, #tpu.memory_space<vmem_shared>>) offsets(%dma_start3A_346 : memref<80xi32, #tpu.memory_space<vmem>>) semaphore(%run_scoped3A_343 : memref<!tpu.dma_semaphore, #tpu.memory_space<semaphore_mem>>) {add = true}
        %dma_wait3A_350 = arith.constant 0 : i32
        %dma_wait3A_351 = tpu.memref_slice %arg6[%run_scoped3A_135, %run_scoped3A_136, %dma_wait3A_350] : memref<2x8x80xi32, #tpu.memory_space<vmem>> -> memref<1x1x80xi32, #tpu.memory_space<vmem>>
        %dma_wait3A_352 = tpu.memref_squeeze %dma_wait3A_351 : memref<1x1x80xi32, #tpu.memory_space<vmem>> -> memref<80xi32, #tpu.memory_space<vmem>>
        %dma_wait3A_353 = arith.constant 0 : i32
        %dma_wait3A_354 = arith.constant 0 : i32
        %dma_wait3A_355 = tpu.memref_slice %arg12[%dma_wait3A_353, %dma_wait3A_354] : memref<10112x128xf32, #tpu.memory_space<vmem_shared>> -> memref<10112x128xf32, #tpu.memory_space<vmem_shared>>
        tpu.wait_indirect_dma semaphore(%run_scoped3A_343 : memref<!tpu.dma_semaphore, #tpu.memory_space<semaphore_mem>>) src(%arg11 : memref<80x128xf32, #tpu.memory_space<vmem>>) dst(%dma_wait3A_355 : memref<10112x128xf32, #tpu.memory_space<vmem_shared>>)
        tpu.yield
      }) : () -> ()
      %dma_start3A_137 = arith.constant 0 : i32
      %dma_start3A_138 = arith.constant 7 : i32
      %dma_start3A_139 = arith.constant 0 : i32
      %dma_start3A_140 = tpu.memref_slice %arg6[%dma_start3A_137, %dma_start3A_138, %dma_start3A_139] : memref<2x8x80xi32, #tpu.memory_space<vmem>> -> memref<1x1x80xi32, #tpu.memory_space<vmem>>
      %dma_start3A_141 = tpu.memref_squeeze %dma_start3A_140 : memref<1x1x80xi32, #tpu.memory_space<vmem>> -> memref<80xi32, #tpu.memory_space<vmem>>
      %dma_start3A_142 = arith.constant 0 : i32
      %dma_start3A_143 = arith.constant 0 : i32
      %dma_start3A_144 = tpu.memref_slice %arg2[%dma_start3A_142, %dma_start3A_143] : memref<10000x128xf32, #tpu.memory_space<hbm>> -> memref<10000x128xf32, #tpu.memory_space<hbm>>
      tpu.enqueue_indirect_dma source(%dma_start3A_144 : memref<10000x128xf32, #tpu.memory_space<hbm>>) target(%arg11 : memref<80x128xf32, #tpu.memory_space<vmem>>) offsets(%dma_start3A_141 : memref<80xi32, #tpu.memory_space<vmem>>) semaphore(%arg16 : memref<!tpu.dma_semaphore, #tpu.memory_space<semaphore_mem>>)
      %dma_wait3A_145 = arith.constant 0 : i32
      %dma_wait3A_146 = arith.constant 0 : i32
      %dma_wait3A_147 = tpu.memref_slice %arg2[%dma_wait3A_145, %dma_wait3A_146] : memref<10000x128xf32, #tpu.memory_space<hbm>> -> memref<80x128xf32, #tpu.memory_space<hbm>>
      %dma_wait3A_148 = arith.constant 0 : i32
      %dma_wait3A_149 = arith.constant 0 : i32
      %dma_wait3A_150 = tpu.memref_slice %arg2[%dma_wait3A_148, %dma_wait3A_149] : memref<10000x128xf32, #tpu.memory_space<hbm>> -> memref<80x128xf32, #tpu.memory_space<hbm>>
      tpu.wait_dma2 semaphore(%arg13 : memref<!tpu.dma_semaphore, #tpu.memory_space<semaphore_mem>>) src(%dma_wait3A_150 : memref<80x128xf32, #tpu.memory_space<hbm>>) dst(%arg8 : memref<80x128xf32, #tpu.memory_space<vmem>>)
      %run_scoped3A_151 = arith.constant 1 : i32
      %run_scoped3A_152 = arith.constant 4 : i32
      "tpu.region"() ({
        %run_scoped3A_343 = tpu.sem_alloc : memref<!tpu.dma_semaphore, #tpu.memory_space<semaphore_mem>>
        %dma_start3A_344 = arith.constant 0 : i32
        %dma_start3A_345 = tpu.memref_slice %arg6[%run_scoped3A_151, %run_scoped3A_152, %dma_start3A_344] : memref<2x8x80xi32, #tpu.memory_space<vmem>> -> memref<1x1x80xi32, #tpu.memory_space<vmem>>
        %dma_start3A_346 = tpu.memref_squeeze %dma_start3A_345 : memref<1x1x80xi32, #tpu.memory_space<vmem>> -> memref<80xi32, #tpu.memory_space<vmem>>
        %dma_start3A_347 = arith.constant 0 : i32
        %dma_start3A_348 = arith.constant 0 : i32
        %dma_start3A_349 = tpu.memref_slice %arg12[%dma_start3A_347, %dma_start3A_348] : memref<10112x128xf32, #tpu.memory_space<vmem_shared>> -> memref<10112x128xf32, #tpu.memory_space<vmem_shared>>
        tpu.enqueue_indirect_dma source(%arg8 : memref<80x128xf32, #tpu.memory_space<vmem>>) target(%dma_start3A_349 : memref<10112x128xf32, #tpu.memory_space<vmem_shared>>) offsets(%dma_start3A_346 : memref<80xi32, #tpu.memory_space<vmem>>) semaphore(%run_scoped3A_343 : memref<!tpu.dma_semaphore, #tpu.memory_space<semaphore_mem>>) {add = true}
        %dma_wait3A_350 = arith.constant 0 : i32
        %dma_wait3A_351 = tpu.memref_slice %arg6[%run_scoped3A_151, %run_scoped3A_152, %dma_wait3A_350] : memref<2x8x80xi32, #tpu.memory_space<vmem>> -> memref<1x1x80xi32, #tpu.memory_space<vmem>>
        %dma_wait3A_352 = tpu.memref_squeeze %dma_wait3A_351 : memref<1x1x80xi32, #tpu.memory_space<vmem>> -> memref<80xi32, #tpu.memory_space<vmem>>
        %dma_wait3A_353 = arith.constant 0 : i32
        %dma_wait3A_354 = arith.constant 0 : i32
        %dma_wait3A_355 = tpu.memref_slice %arg12[%dma_wait3A_353, %dma_wait3A_354] : memref<10112x128xf32, #tpu.memory_space<vmem_shared>> -> memref<10112x128xf32, #tpu.memory_space<vmem_shared>>
        tpu.wait_indirect_dma semaphore(%run_scoped3A_343 : memref<!tpu.dma_semaphore, #tpu.memory_space<semaphore_mem>>) src(%arg8 : memref<80x128xf32, #tpu.memory_space<vmem>>) dst(%dma_wait3A_355 : memref<10112x128xf32, #tpu.memory_space<vmem_shared>>)
        tpu.yield
      }) : () -> ()
      %dma_wait3A_153 = arith.constant 0 : i32
      %dma_wait3A_154 = arith.constant 0 : i32
      %dma_wait3A_155 = arith.constant 0 : i32
      %dma_wait3A_156 = arith.constant 0 : i32
      %dma_wait3A_157 = tpu.memref_slice %arg3[%add3A, %dma_wait3A_153, %dma_wait3A_154, %dma_wait3A_155, %dma_wait3A_156] : memref<32x16x2x8x80xi32, #tpu.memory_space<hbm>> -> memref<1x1x2x8x80xi32, #tpu.memory_space<hbm>>
      %dma_wait3A_158 = tpu.memref_squeeze %dma_wait3A_157 : memref<1x1x2x8x80xi32, #tpu.memory_space<hbm>> -> memref<2x8x80xi32, #tpu.memory_space<hbm>>
      %dma_wait3A_159 = arith.constant 0 : i32
      %dma_wait3A_160 = arith.constant 0 : i32
      %dma_wait3A_161 = arith.constant 0 : i32
      %dma_wait3A_162 = tpu.memref_slice %arg3[%add3A, %dma_wait3A_153, %dma_wait3A_159, %dma_wait3A_160, %dma_wait3A_161] : memref<32x16x2x8x80xi32, #tpu.memory_space<hbm>> -> memref<1x1x2x8x80xi32, #tpu.memory_space<hbm>>
      %dma_wait3A_163 = tpu.memref_squeeze %dma_wait3A_162 : memref<1x1x2x8x80xi32, #tpu.memory_space<hbm>> -> memref<2x8x80xi32, #tpu.memory_space<hbm>>
      tpu.wait_dma2 semaphore(%arg18 : memref<!tpu.dma_semaphore, #tpu.memory_space<semaphore_mem>>) src(%dma_wait3A_163 : memref<2x8x80xi32, #tpu.memory_space<hbm>>) dst(%arg7 : memref<2x8x80xi32, #tpu.memory_space<vmem>>)
      %dma_start3A_164 = arith.constant 0 : i32
      %dma_start3A_165 = arith.constant 0 : i32
      %dma_start3A_166 = arith.constant 0 : i32
      %dma_start3A_167 = tpu.memref_slice %arg7[%dma_start3A_164, %dma_start3A_165, %dma_start3A_166] : memref<2x8x80xi32, #tpu.memory_space<vmem>> -> memref<1x1x80xi32, #tpu.memory_space<vmem>>
      %dma_start3A_168 = tpu.memref_squeeze %dma_start3A_167 : memref<1x1x80xi32, #tpu.memory_space<vmem>> -> memref<80xi32, #tpu.memory_space<vmem>>
      %dma_start3A_169 = arith.constant 0 : i32
      %dma_start3A_170 = arith.constant 0 : i32
      %dma_start3A_171 = tpu.memref_slice %arg2[%dma_start3A_169, %dma_start3A_170] : memref<10000x128xf32, #tpu.memory_space<hbm>> -> memref<10000x128xf32, #tpu.memory_space<hbm>>
      tpu.enqueue_indirect_dma source(%dma_start3A_171 : memref<10000x128xf32, #tpu.memory_space<hbm>>) target(%arg8 : memref<80x128xf32, #tpu.memory_space<vmem>>) offsets(%dma_start3A_168 : memref<80xi32, #tpu.memory_space<vmem>>) semaphore(%arg13 : memref<!tpu.dma_semaphore, #tpu.memory_space<semaphore_mem>>)
      %dma_wait3A_172 = arith.constant 0 : i32
      %dma_wait3A_173 = arith.constant 0 : i32
      %dma_wait3A_174 = tpu.memref_slice %arg2[%dma_wait3A_172, %dma_wait3A_173] : memref<10000x128xf32, #tpu.memory_space<hbm>> -> memref<80x128xf32, #tpu.memory_space<hbm>>
      %dma_wait3A_175 = arith.constant 0 : i32
      %dma_wait3A_176 = arith.constant 0 : i32
      %dma_wait3A_177 = tpu.memref_slice %arg2[%dma_wait3A_175, %dma_wait3A_176] : memref<10000x128xf32, #tpu.memory_space<hbm>> -> memref<80x128xf32, #tpu.memory_space<hbm>>
      tpu.wait_dma2 semaphore(%arg14 : memref<!tpu.dma_semaphore, #tpu.memory_space<semaphore_mem>>) src(%dma_wait3A_177 : memref<80x128xf32, #tpu.memory_space<hbm>>) dst(%arg9 : memref<80x128xf32, #tpu.memory_space<vmem>>)
      %run_scoped3A_178 = arith.constant 1 : i32
      %run_scoped3A_179 = arith.constant 5 : i32
      "tpu.region"() ({
        %run_scoped3A_343 = tpu.sem_alloc : memref<!tpu.dma_semaphore, #tpu.memory_space<semaphore_mem>>
        %dma_start3A_344 = arith.constant 0 : i32
        %dma_start3A_345 = tpu.memref_slice %arg6[%run_scoped3A_178, %run_scoped3A_179, %dma_start3A_344] : memref<2x8x80xi32, #tpu.memory_space<vmem>> -> memref<1x1x80xi32, #tpu.memory_space<vmem>>
        %dma_start3A_346 = tpu.memref_squeeze %dma_start3A_345 : memref<1x1x80xi32, #tpu.memory_space<vmem>> -> memref<80xi32, #tpu.memory_space<vmem>>
        %dma_start3A_347 = arith.constant 0 : i32
        %dma_start3A_348 = arith.constant 0 : i32
        %dma_start3A_349 = tpu.memref_slice %arg12[%dma_start3A_347, %dma_start3A_348] : memref<10112x128xf32, #tpu.memory_space<vmem_shared>> -> memref<10112x128xf32, #tpu.memory_space<vmem_shared>>
        tpu.enqueue_indirect_dma source(%arg9 : memref<80x128xf32, #tpu.memory_space<vmem>>) target(%dma_start3A_349 : memref<10112x128xf32, #tpu.memory_space<vmem_shared>>) offsets(%dma_start3A_346 : memref<80xi32, #tpu.memory_space<vmem>>) semaphore(%run_scoped3A_343 : memref<!tpu.dma_semaphore, #tpu.memory_space<semaphore_mem>>) {add = true}
        %dma_wait3A_350 = arith.constant 0 : i32
        %dma_wait3A_351 = tpu.memref_slice %arg6[%run_scoped3A_178, %run_scoped3A_179, %dma_wait3A_350] : memref<2x8x80xi32, #tpu.memory_space<vmem>> -> memref<1x1x80xi32, #tpu.memory_space<vmem>>
        %dma_wait3A_352 = tpu.memref_squeeze %dma_wait3A_351 : memref<1x1x80xi32, #tpu.memory_space<vmem>> -> memref<80xi32, #tpu.memory_space<vmem>>
        %dma_wait3A_353 = arith.constant 0 : i32
        %dma_wait3A_354 = arith.constant 0 : i32
        %dma_wait3A_355 = tpu.memref_slice %arg12[%dma_wait3A_353, %dma_wait3A_354] : memref<10112x128xf32, #tpu.memory_space<vmem_shared>> -> memref<10112x128xf32, #tpu.memory_space<vmem_shared>>
        tpu.wait_indirect_dma semaphore(%run_scoped3A_343 : memref<!tpu.dma_semaphore, #tpu.memory_space<semaphore_mem>>) src(%arg9 : memref<80x128xf32, #tpu.memory_space<vmem>>) dst(%dma_wait3A_355 : memref<10112x128xf32, #tpu.memory_space<vmem_shared>>)
        tpu.yield
      }) : () -> ()
      %dma_start3A_180 = arith.constant 0 : i32
      %dma_start3A_181 = arith.constant 1 : i32
      %dma_start3A_182 = arith.constant 0 : i32
      %dma_start3A_183 = tpu.memref_slice %arg7[%dma_start3A_180, %dma_start3A_181, %dma_start3A_182] : memref<2x8x80xi32, #tpu.memory_space<vmem>> -> memref<1x1x80xi32, #tpu.memory_space<vmem>>
      %dma_start3A_184 = tpu.memref_squeeze %dma_start3A_183 : memref<1x1x80xi32, #tpu.memory_space<vmem>> -> memref<80xi32, #tpu.memory_space<vmem>>
      %dma_start3A_185 = arith.constant 0 : i32
      %dma_start3A_186 = arith.constant 0 : i32
      %dma_start3A_187 = tpu.memref_slice %arg2[%dma_start3A_185, %dma_start3A_186] : memref<10000x128xf32, #tpu.memory_space<hbm>> -> memref<10000x128xf32, #tpu.memory_space<hbm>>
      tpu.enqueue_indirect_dma source(%dma_start3A_187 : memref<10000x128xf32, #tpu.memory_space<hbm>>) target(%arg9 : memref<80x128xf32, #tpu.memory_space<vmem>>) offsets(%dma_start3A_184 : memref<80xi32, #tpu.memory_space<vmem>>) semaphore(%arg14 : memref<!tpu.dma_semaphore, #tpu.memory_space<semaphore_mem>>)
      %dma_wait3A_188 = arith.constant 0 : i32
      %dma_wait3A_189 = arith.constant 0 : i32
      %dma_wait3A_190 = tpu.memref_slice %arg2[%dma_wait3A_188, %dma_wait3A_189] : memref<10000x128xf32, #tpu.memory_space<hbm>> -> memref<80x128xf32, #tpu.memory_space<hbm>>
      %dma_wait3A_191 = arith.constant 0 : i32
      %dma_wait3A_192 = arith.constant 0 : i32
      %dma_wait3A_193 = tpu.memref_slice %arg2[%dma_wait3A_191, %dma_wait3A_192] : memref<10000x128xf32, #tpu.memory_space<hbm>> -> memref<80x128xf32, #tpu.memory_space<hbm>>
      tpu.wait_dma2 semaphore(%arg15 : memref<!tpu.dma_semaphore, #tpu.memory_space<semaphore_mem>>) src(%dma_wait3A_193 : memref<80x128xf32, #tpu.memory_space<hbm>>) dst(%arg10 : memref<80x128xf32, #tpu.memory_space<vmem>>)
      %run_scoped3A_194 = arith.constant 1 : i32
      %run_scoped3A_195 = arith.constant 6 : i32
      "tpu.region"() ({
        %run_scoped3A_343 = tpu.sem_alloc : memref<!tpu.dma_semaphore, #tpu.memory_space<semaphore_mem>>
        %dma_start3A_344 = arith.constant 0 : i32
        %dma_start3A_345 = tpu.memref_slice %arg6[%run_scoped3A_194, %run_scoped3A_195, %dma_start3A_344] : memref<2x8x80xi32, #tpu.memory_space<vmem>> -> memref<1x1x80xi32, #tpu.memory_space<vmem>>
        %dma_start3A_346 = tpu.memref_squeeze %dma_start3A_345 : memref<1x1x80xi32, #tpu.memory_space<vmem>> -> memref<80xi32, #tpu.memory_space<vmem>>
        %dma_start3A_347 = arith.constant 0 : i32
        %dma_start3A_348 = arith.constant 0 : i32
        %dma_start3A_349 = tpu.memref_slice %arg12[%dma_start3A_347, %dma_start3A_348] : memref<10112x128xf32, #tpu.memory_space<vmem_shared>> -> memref<10112x128xf32, #tpu.memory_space<vmem_shared>>
        tpu.enqueue_indirect_dma source(%arg10 : memref<80x128xf32, #tpu.memory_space<vmem>>) target(%dma_start3A_349 : memref<10112x128xf32, #tpu.memory_space<vmem_shared>>) offsets(%dma_start3A_346 : memref<80xi32, #tpu.memory_space<vmem>>) semaphore(%run_scoped3A_343 : memref<!tpu.dma_semaphore, #tpu.memory_space<semaphore_mem>>) {add = true}
        %dma_wait3A_350 = arith.constant 0 : i32
        %dma_wait3A_351 = tpu.memref_slice %arg6[%run_scoped3A_194, %run_scoped3A_195, %dma_wait3A_350] : memref<2x8x80xi32, #tpu.memory_space<vmem>> -> memref<1x1x80xi32, #tpu.memory_space<vmem>>
        %dma_wait3A_352 = tpu.memref_squeeze %dma_wait3A_351 : memref<1x1x80xi32, #tpu.memory_space<vmem>> -> memref<80xi32, #tpu.memory_space<vmem>>
        %dma_wait3A_353 = arith.constant 0 : i32
        %dma_wait3A_354 = arith.constant 0 : i32
        %dma_wait3A_355 = tpu.memref_slice %arg12[%dma_wait3A_353, %dma_wait3A_354] : memref<10112x128xf32, #tpu.memory_space<vmem_shared>> -> memref<10112x128xf32, #tpu.memory_space<vmem_shared>>
        tpu.wait_indirect_dma semaphore(%run_scoped3A_343 : memref<!tpu.dma_semaphore, #tpu.memory_space<semaphore_mem>>) src(%arg10 : memref<80x128xf32, #tpu.memory_space<vmem>>) dst(%dma_wait3A_355 : memref<10112x128xf32, #tpu.memory_space<vmem_shared>>)
        tpu.yield
      }) : () -> ()
      %dma_start3A_196 = arith.constant 0 : i32
      %dma_start3A_197 = arith.constant 2 : i32
      %dma_start3A_198 = arith.constant 0 : i32
      %dma_start3A_199 = tpu.memref_slice %arg7[%dma_start3A_196, %dma_start3A_197, %dma_start3A_198] : memref<2x8x80xi32, #tpu.memory_space<vmem>> -> memref<1x1x80xi32, #tpu.memory_space<vmem>>
      %dma_start3A_200 = tpu.memref_squeeze %dma_start3A_199 : memref<1x1x80xi32, #tpu.memory_space<vmem>> -> memref<80xi32, #tpu.memory_space<vmem>>
      %dma_start3A_201 = arith.constant 0 : i32
      %dma_start3A_202 = arith.constant 0 : i32
      %dma_start3A_203 = tpu.memref_slice %arg2[%dma_start3A_201, %dma_start3A_202] : memref<10000x128xf32, #tpu.memory_space<hbm>> -> memref<10000x128xf32, #tpu.memory_space<hbm>>
      tpu.enqueue_indirect_dma source(%dma_start3A_203 : memref<10000x128xf32, #tpu.memory_space<hbm>>) target(%arg10 : memref<80x128xf32, #tpu.memory_space<vmem>>) offsets(%dma_start3A_200 : memref<80xi32, #tpu.memory_space<vmem>>) semaphore(%arg15 : memref<!tpu.dma_semaphore, #tpu.memory_space<semaphore_mem>>)
      %dma_wait3A_204 = arith.constant 0 : i32
      %dma_wait3A_205 = arith.constant 0 : i32
      %dma_wait3A_206 = tpu.memref_slice %arg2[%dma_wait3A_204, %dma_wait3A_205] : memref<10000x128xf32, #tpu.memory_space<hbm>> -> memref<80x128xf32, #tpu.memory_space<hbm>>
      %dma_wait3A_207 = arith.constant 0 : i32
      %dma_wait3A_208 = arith.constant 0 : i32
      %dma_wait3A_209 = tpu.memref_slice %arg2[%dma_wait3A_207, %dma_wait3A_208] : memref<10000x128xf32, #tpu.memory_space<hbm>> -> memref<80x128xf32, #tpu.memory_space<hbm>>
      tpu.wait_dma2 semaphore(%arg16 : memref<!tpu.dma_semaphore, #tpu.memory_space<semaphore_mem>>) src(%dma_wait3A_209 : memref<80x128xf32, #tpu.memory_space<hbm>>) dst(%arg11 : memref<80x128xf32, #tpu.memory_space<vmem>>)
      %run_scoped3A_210 = arith.constant 1 : i32
      %run_scoped3A_211 = arith.constant 7 : i32
      "tpu.region"() ({
        %run_scoped3A_343 = tpu.sem_alloc : memref<!tpu.dma_semaphore, #tpu.memory_space<semaphore_mem>>
        %dma_start3A_344 = arith.constant 0 : i32
        %dma_start3A_345 = tpu.memref_slice %arg6[%run_scoped3A_210, %run_scoped3A_211, %dma_start3A_344] : memref<2x8x80xi32, #tpu.memory_space<vmem>> -> memref<1x1x80xi32, #tpu.memory_space<vmem>>
        %dma_start3A_346 = tpu.memref_squeeze %dma_start3A_345 : memref<1x1x80xi32, #tpu.memory_space<vmem>> -> memref<80xi32, #tpu.memory_space<vmem>>
        %dma_start3A_347 = arith.constant 0 : i32
        %dma_start3A_348 = arith.constant 0 : i32
        %dma_start3A_349 = tpu.memref_slice %arg12[%dma_start3A_347, %dma_start3A_348] : memref<10112x128xf32, #tpu.memory_space<vmem_shared>> -> memref<10112x128xf32, #tpu.memory_space<vmem_shared>>
        tpu.enqueue_indirect_dma source(%arg11 : memref<80x128xf32, #tpu.memory_space<vmem>>) target(%dma_start3A_349 : memref<10112x128xf32, #tpu.memory_space<vmem_shared>>) offsets(%dma_start3A_346 : memref<80xi32, #tpu.memory_space<vmem>>) semaphore(%run_scoped3A_343 : memref<!tpu.dma_semaphore, #tpu.memory_space<semaphore_mem>>) {add = true}
        %dma_wait3A_350 = arith.constant 0 : i32
        %dma_wait3A_351 = tpu.memref_slice %arg6[%run_scoped3A_210, %run_scoped3A_211, %dma_wait3A_350] : memref<2x8x80xi32, #tpu.memory_space<vmem>> -> memref<1x1x80xi32, #tpu.memory_space<vmem>>
        %dma_wait3A_352 = tpu.memref_squeeze %dma_wait3A_351 : memref<1x1x80xi32, #tpu.memory_space<vmem>> -> memref<80xi32, #tpu.memory_space<vmem>>
        %dma_wait3A_353 = arith.constant 0 : i32
        %dma_wait3A_354 = arith.constant 0 : i32
        %dma_wait3A_355 = tpu.memref_slice %arg12[%dma_wait3A_353, %dma_wait3A_354] : memref<10112x128xf32, #tpu.memory_space<vmem_shared>> -> memref<10112x128xf32, #tpu.memory_space<vmem_shared>>
        tpu.wait_indirect_dma semaphore(%run_scoped3A_343 : memref<!tpu.dma_semaphore, #tpu.memory_space<semaphore_mem>>) src(%arg11 : memref<80x128xf32, #tpu.memory_space<vmem>>) dst(%dma_wait3A_355 : memref<10112x128xf32, #tpu.memory_space<vmem_shared>>)
        tpu.yield
      }) : () -> ()
      %dma_start3A_212 = arith.constant 0 : i32
      %dma_start3A_213 = arith.constant 3 : i32
      %dma_start3A_214 = arith.constant 0 : i32
      %dma_start3A_215 = tpu.memref_slice %arg7[%dma_start3A_212, %dma_start3A_213, %dma_start3A_214] : memref<2x8x80xi32, #tpu.memory_space<vmem>> -> memref<1x1x80xi32, #tpu.memory_space<vmem>>
      %dma_start3A_216 = tpu.memref_squeeze %dma_start3A_215 : memref<1x1x80xi32, #tpu.memory_space<vmem>> -> memref<80xi32, #tpu.memory_space<vmem>>
      %dma_start3A_217 = arith.constant 0 : i32
      %dma_start3A_218 = arith.constant 0 : i32
      %dma_start3A_219 = tpu.memref_slice %arg2[%dma_start3A_217, %dma_start3A_218] : memref<10000x128xf32, #tpu.memory_space<hbm>> -> memref<10000x128xf32, #tpu.memory_space<hbm>>
      tpu.enqueue_indirect_dma source(%dma_start3A_219 : memref<10000x128xf32, #tpu.memory_space<hbm>>) target(%arg11 : memref<80x128xf32, #tpu.memory_space<vmem>>) offsets(%dma_start3A_216 : memref<80xi32, #tpu.memory_space<vmem>>) semaphore(%arg16 : memref<!tpu.dma_semaphore, #tpu.memory_space<semaphore_mem>>)
      %lt3A = arith.constant 7 : i32
      %lt3A_220 = arith.cmpi slt, %scan3A_76, %lt3A : i32
      %convert_element_type3A = arith.extui %lt3A_220 : i1 to i32
      %cond3A = arith.constant 0 : i32
      %cond3A_221 = arith.cmpi ne, %convert_element_type3A, %cond3A : i32
      scf.if %cond3A_221 {
        %dma_start3A_343 = arith.constant 0 : i32
        %dma_start3A_344 = arith.constant 0 : i32
        %dma_start3A_345 = arith.constant 0 : i32
        %dma_start3A_346 = tpu.memref_slice %arg3[%add3A, %min3A_81, %dma_start3A_343, %dma_start3A_344, %dma_start3A_345] : memref<32x16x2x8x80xi32, #tpu.memory_space<hbm>> -> memref<1x1x2x8x80xi32, #tpu.memory_space<hbm>>
        %dma_start3A_347 = tpu.memref_squeeze %dma_start3A_346 : memref<1x1x2x8x80xi32, #tpu.memory_space<hbm>> -> memref<2x8x80xi32, #tpu.memory_space<hbm>>
        %dma_start3A_348 = arith.constant 0 : i32
        %dma_start3A_349 = arith.constant 0 : i32
        %dma_start3A_350 = arith.constant 0 : i32
        %dma_start3A_351 = tpu.memref_slice %arg3[%add3A, %min3A_81, %dma_start3A_348, %dma_start3A_349, %dma_start3A_350] : memref<32x16x2x8x80xi32, #tpu.memory_space<hbm>> -> memref<1x1x2x8x80xi32, #tpu.memory_space<hbm>>
        %dma_start3A_352 = tpu.memref_squeeze %dma_start3A_351 : memref<1x1x2x8x80xi32, #tpu.memory_space<hbm>> -> memref<2x8x80xi32, #tpu.memory_space<hbm>>
        tpu.enqueue_dma source(%dma_start3A_352 : memref<2x8x80xi32, #tpu.memory_space<hbm>>) target(%arg6 : memref<2x8x80xi32, #tpu.memory_space<vmem>>) target_semaphore(%arg17 : memref<!tpu.dma_semaphore, #tpu.memory_space<semaphore_mem>>)
      } else {
      }
      %dma_wait3A_222 = arith.constant 0 : i32
      %dma_wait3A_223 = arith.constant 0 : i32
      %dma_wait3A_224 = tpu.memref_slice %arg2[%dma_wait3A_222, %dma_wait3A_223] : memref<10000x128xf32, #tpu.memory_space<hbm>> -> memref<80x128xf32, #tpu.memory_space<hbm>>
      %dma_wait3A_225 = arith.constant 0 : i32
      %dma_wait3A_226 = arith.constant 0 : i32
      %dma_wait3A_227 = tpu.memref_slice %arg2[%dma_wait3A_225, %dma_wait3A_226] : memref<10000x128xf32, #tpu.memory_space<hbm>> -> memref<80x128xf32, #tpu.memory_space<hbm>>
      tpu.wait_dma2 semaphore(%arg13 : memref<!tpu.dma_semaphore, #tpu.memory_space<semaphore_mem>>) src(%dma_wait3A_227 : memref<80x128xf32, #tpu.memory_space<hbm>>) dst(%arg8 : memref<80x128xf32, #tpu.memory_space<vmem>>)
      %run_scoped3A_228 = arith.constant 1 : i32
      %run_scoped3A_229 = arith.constant 0 : i32
      "tpu.region"() ({
        %run_scoped3A_343 = tpu.sem_alloc : memref<!tpu.dma_semaphore, #tpu.memory_space<semaphore_mem>>
        %dma_start3A_344 = arith.constant 0 : i32
        %dma_start3A_345 = tpu.memref_slice %arg7[%run_scoped3A_228, %run_scoped3A_229, %dma_start3A_344] : memref<2x8x80xi32, #tpu.memory_space<vmem>> -> memref<1x1x80xi32, #tpu.memory_space<vmem>>
        %dma_start3A_346 = tpu.memref_squeeze %dma_start3A_345 : memref<1x1x80xi32, #tpu.memory_space<vmem>> -> memref<80xi32, #tpu.memory_space<vmem>>
        %dma_start3A_347 = arith.constant 0 : i32
        %dma_start3A_348 = arith.constant 0 : i32
        %dma_start3A_349 = tpu.memref_slice %arg12[%dma_start3A_347, %dma_start3A_348] : memref<10112x128xf32, #tpu.memory_space<vmem_shared>> -> memref<10112x128xf32, #tpu.memory_space<vmem_shared>>
        tpu.enqueue_indirect_dma source(%arg8 : memref<80x128xf32, #tpu.memory_space<vmem>>) target(%dma_start3A_349 : memref<10112x128xf32, #tpu.memory_space<vmem_shared>>) offsets(%dma_start3A_346 : memref<80xi32, #tpu.memory_space<vmem>>) semaphore(%run_scoped3A_343 : memref<!tpu.dma_semaphore, #tpu.memory_space<semaphore_mem>>) {add = true}
        %dma_wait3A_350 = arith.constant 0 : i32
        %dma_wait3A_351 = tpu.memref_slice %arg7[%run_scoped3A_228, %run_scoped3A_229, %dma_wait3A_350] : memref<2x8x80xi32, #tpu.memory_space<vmem>> -> memref<1x1x80xi32, #tpu.memory_space<vmem>>
        %dma_wait3A_352 = tpu.memref_squeeze %dma_wait3A_351 : memref<1x1x80xi32, #tpu.memory_space<vmem>> -> memref<80xi32, #tpu.memory_space<vmem>>
        %dma_wait3A_353 = arith.constant 0 : i32
        %dma_wait3A_354 = arith.constant 0 : i32
        %dma_wait3A_355 = tpu.memref_slice %arg12[%dma_wait3A_353, %dma_wait3A_354] : memref<10112x128xf32, #tpu.memory_space<vmem_shared>> -> memref<10112x128xf32, #tpu.memory_space<vmem_shared>>
        tpu.wait_indirect_dma semaphore(%run_scoped3A_343 : memref<!tpu.dma_semaphore, #tpu.memory_space<semaphore_mem>>) src(%arg8 : memref<80x128xf32, #tpu.memory_space<vmem>>) dst(%dma_wait3A_355 : memref<10112x128xf32, #tpu.memory_space<vmem_shared>>)
        tpu.yield
      }) : () -> ()
      %dma_start3A_230 = arith.constant 0 : i32
      %dma_start3A_231 = arith.constant 4 : i32
      %dma_start3A_232 = arith.constant 0 : i32
      %dma_start3A_233 = tpu.memref_slice %arg7[%dma_start3A_230, %dma_start3A_231, %dma_start3A_232] : memref<2x8x80xi32, #tpu.memory_space<vmem>> -> memref<1x1x80xi32, #tpu.memory_space<vmem>>
      %dma_start3A_234 = tpu.memref_squeeze %dma_start3A_233 : memref<1x1x80xi32, #tpu.memory_space<vmem>> -> memref<80xi32, #tpu.memory_space<vmem>>
      %dma_start3A_235 = arith.constant 0 : i32
      %dma_start3A_236 = arith.constant 0 : i32
      %dma_start3A_237 = tpu.memref_slice %arg2[%dma_start3A_235, %dma_start3A_236] : memref<10000x128xf32, #tpu.memory_space<hbm>> -> memref<10000x128xf32, #tpu.memory_space<hbm>>
      tpu.enqueue_indirect_dma source(%dma_start3A_237 : memref<10000x128xf32, #tpu.memory_space<hbm>>) target(%arg8 : memref<80x128xf32, #tpu.memory_space<vmem>>) offsets(%dma_start3A_234 : memref<80xi32, #tpu.memory_space<vmem>>) semaphore(%arg13 : memref<!tpu.dma_semaphore, #tpu.memory_space<semaphore_mem>>)
      %dma_wait3A_238 = arith.constant 0 : i32
      %dma_wait3A_239 = arith.constant 0 : i32
      %dma_wait3A_240 = tpu.memref_slice %arg2[%dma_wait3A_238, %dma_wait3A_239] : memref<10000x128xf32, #tpu.memory_space<hbm>> -> memref<80x128xf32, #tpu.memory_space<hbm>>
      %dma_wait3A_241 = arith.constant 0 : i32
      %dma_wait3A_242 = arith.constant 0 : i32
      %dma_wait3A_243 = tpu.memref_slice %arg2[%dma_wait3A_241, %dma_wait3A_242] : memref<10000x128xf32, #tpu.memory_space<hbm>> -> memref<80x128xf32, #tpu.memory_space<hbm>>
      tpu.wait_dma2 semaphore(%arg14 : memref<!tpu.dma_semaphore, #tpu.memory_space<semaphore_mem>>) src(%dma_wait3A_243 : memref<80x128xf32, #tpu.memory_space<hbm>>) dst(%arg9 : memref<80x128xf32, #tpu.memory_space<vmem>>)
      %run_scoped3A_244 = arith.constant 1 : i32
      %run_scoped3A_245 = arith.constant 1 : i32
      "tpu.region"() ({
        %run_scoped3A_343 = tpu.sem_alloc : memref<!tpu.dma_semaphore, #tpu.memory_space<semaphore_mem>>
        %dma_start3A_344 = arith.constant 0 : i32
        %dma_start3A_345 = tpu.memref_slice %arg7[%run_scoped3A_244, %run_scoped3A_245, %dma_start3A_344] : memref<2x8x80xi32, #tpu.memory_space<vmem>> -> memref<1x1x80xi32, #tpu.memory_space<vmem>>
        %dma_start3A_346 = tpu.memref_squeeze %dma_start3A_345 : memref<1x1x80xi32, #tpu.memory_space<vmem>> -> memref<80xi32, #tpu.memory_space<vmem>>
        %dma_start3A_347 = arith.constant 0 : i32
        %dma_start3A_348 = arith.constant 0 : i32
        %dma_start3A_349 = tpu.memref_slice %arg12[%dma_start3A_347, %dma_start3A_348] : memref<10112x128xf32, #tpu.memory_space<vmem_shared>> -> memref<10112x128xf32, #tpu.memory_space<vmem_shared>>
        tpu.enqueue_indirect_dma source(%arg9 : memref<80x128xf32, #tpu.memory_space<vmem>>) target(%dma_start3A_349 : memref<10112x128xf32, #tpu.memory_space<vmem_shared>>) offsets(%dma_start3A_346 : memref<80xi32, #tpu.memory_space<vmem>>) semaphore(%run_scoped3A_343 : memref<!tpu.dma_semaphore, #tpu.memory_space<semaphore_mem>>) {add = true}
        %dma_wait3A_350 = arith.constant 0 : i32
        %dma_wait3A_351 = tpu.memref_slice %arg7[%run_scoped3A_244, %run_scoped3A_245, %dma_wait3A_350] : memref<2x8x80xi32, #tpu.memory_space<vmem>> -> memref<1x1x80xi32, #tpu.memory_space<vmem>>
        %dma_wait3A_352 = tpu.memref_squeeze %dma_wait3A_351 : memref<1x1x80xi32, #tpu.memory_space<vmem>> -> memref<80xi32, #tpu.memory_space<vmem>>
        %dma_wait3A_353 = arith.constant 0 : i32
        %dma_wait3A_354 = arith.constant 0 : i32
        %dma_wait3A_355 = tpu.memref_slice %arg12[%dma_wait3A_353, %dma_wait3A_354] : memref<10112x128xf32, #tpu.memory_space<vmem_shared>> -> memref<10112x128xf32, #tpu.memory_space<vmem_shared>>
        tpu.wait_indirect_dma semaphore(%run_scoped3A_343 : memref<!tpu.dma_semaphore, #tpu.memory_space<semaphore_mem>>) src(%arg9 : memref<80x128xf32, #tpu.memory_space<vmem>>) dst(%dma_wait3A_355 : memref<10112x128xf32, #tpu.memory_space<vmem_shared>>)
        tpu.yield
      }) : () -> ()
      %dma_start3A_246 = arith.constant 0 : i32
      %dma_start3A_247 = arith.constant 5 : i32
      %dma_start3A_248 = arith.constant 0 : i32
      %dma_start3A_249 = tpu.memref_slice %arg7[%dma_start3A_246, %dma_start3A_247, %dma_start3A_248] : memref<2x8x80xi32, #tpu.memory_space<vmem>> -> memref<1x1x80xi32, #tpu.memory_space<vmem>>
      %dma_start3A_250 = tpu.memref_squeeze %dma_start3A_249 : memref<1x1x80xi32, #tpu.memory_space<vmem>> -> memref<80xi32, #tpu.memory_space<vmem>>
      %dma_start3A_251 = arith.constant 0 : i32
      %dma_start3A_252 = arith.constant 0 : i32
      %dma_start3A_253 = tpu.memref_slice %arg2[%dma_start3A_251, %dma_start3A_252] : memref<10000x128xf32, #tpu.memory_space<hbm>> -> memref<10000x128xf32, #tpu.memory_space<hbm>>
      tpu.enqueue_indirect_dma source(%dma_start3A_253 : memref<10000x128xf32, #tpu.memory_space<hbm>>) target(%arg9 : memref<80x128xf32, #tpu.memory_space<vmem>>) offsets(%dma_start3A_250 : memref<80xi32, #tpu.memory_space<vmem>>) semaphore(%arg14 : memref<!tpu.dma_semaphore, #tpu.memory_space<semaphore_mem>>)
      %dma_wait3A_254 = arith.constant 0 : i32
      %dma_wait3A_255 = arith.constant 0 : i32
      %dma_wait3A_256 = tpu.memref_slice %arg2[%dma_wait3A_254, %dma_wait3A_255] : memref<10000x128xf32, #tpu.memory_space<hbm>> -> memref<80x128xf32, #tpu.memory_space<hbm>>
      %dma_wait3A_257 = arith.constant 0 : i32
      %dma_wait3A_258 = arith.constant 0 : i32
      %dma_wait3A_259 = tpu.memref_slice %arg2[%dma_wait3A_257, %dma_wait3A_258] : memref<10000x128xf32, #tpu.memory_space<hbm>> -> memref<80x128xf32, #tpu.memory_space<hbm>>
      tpu.wait_dma2 semaphore(%arg15 : memref<!tpu.dma_semaphore, #tpu.memory_space<semaphore_mem>>) src(%dma_wait3A_259 : memref<80x128xf32, #tpu.memory_space<hbm>>) dst(%arg10 : memref<80x128xf32, #tpu.memory_space<vmem>>)
      %run_scoped3A_260 = arith.constant 1 : i32
      %run_scoped3A_261 = arith.constant 2 : i32
      "tpu.region"() ({
        %run_scoped3A_343 = tpu.sem_alloc : memref<!tpu.dma_semaphore, #tpu.memory_space<semaphore_mem>>
        %dma_start3A_344 = arith.constant 0 : i32
        %dma_start3A_345 = tpu.memref_slice %arg7[%run_scoped3A_260, %run_scoped3A_261, %dma_start3A_344] : memref<2x8x80xi32, #tpu.memory_space<vmem>> -> memref<1x1x80xi32, #tpu.memory_space<vmem>>
        %dma_start3A_346 = tpu.memref_squeeze %dma_start3A_345 : memref<1x1x80xi32, #tpu.memory_space<vmem>> -> memref<80xi32, #tpu.memory_space<vmem>>
        %dma_start3A_347 = arith.constant 0 : i32
        %dma_start3A_348 = arith.constant 0 : i32
        %dma_start3A_349 = tpu.memref_slice %arg12[%dma_start3A_347, %dma_start3A_348] : memref<10112x128xf32, #tpu.memory_space<vmem_shared>> -> memref<10112x128xf32, #tpu.memory_space<vmem_shared>>
        tpu.enqueue_indirect_dma source(%arg10 : memref<80x128xf32, #tpu.memory_space<vmem>>) target(%dma_start3A_349 : memref<10112x128xf32, #tpu.memory_space<vmem_shared>>) offsets(%dma_start3A_346 : memref<80xi32, #tpu.memory_space<vmem>>) semaphore(%run_scoped3A_343 : memref<!tpu.dma_semaphore, #tpu.memory_space<semaphore_mem>>) {add = true}
        %dma_wait3A_350 = arith.constant 0 : i32
        %dma_wait3A_351 = tpu.memref_slice %arg7[%run_scoped3A_260, %run_scoped3A_261, %dma_wait3A_350] : memref<2x8x80xi32, #tpu.memory_space<vmem>> -> memref<1x1x80xi32, #tpu.memory_space<vmem>>
        %dma_wait3A_352 = tpu.memref_squeeze %dma_wait3A_351 : memref<1x1x80xi32, #tpu.memory_space<vmem>> -> memref<80xi32, #tpu.memory_space<vmem>>
        %dma_wait3A_353 = arith.constant 0 : i32
        %dma_wait3A_354 = arith.constant 0 : i32
        %dma_wait3A_355 = tpu.memref_slice %arg12[%dma_wait3A_353, %dma_wait3A_354] : memref<10112x128xf32, #tpu.memory_space<vmem_shared>> -> memref<10112x128xf32, #tpu.memory_space<vmem_shared>>
        tpu.wait_indirect_dma semaphore(%run_scoped3A_343 : memref<!tpu.dma_semaphore, #tpu.memory_space<semaphore_mem>>) src(%arg10 : memref<80x128xf32, #tpu.memory_space<vmem>>) dst(%dma_wait3A_355 : memref<10112x128xf32, #tpu.memory_space<vmem_shared>>)
        tpu.yield
      }) : () -> ()
      %dma_start3A_262 = arith.constant 0 : i32
      %dma_start3A_263 = arith.constant 6 : i32
      %dma_start3A_264 = arith.constant 0 : i32
      %dma_start3A_265 = tpu.memref_slice %arg7[%dma_start3A_262, %dma_start3A_263, %dma_start3A_264] : memref<2x8x80xi32, #tpu.memory_space<vmem>> -> memref<1x1x80xi32, #tpu.memory_space<vmem>>
      %dma_start3A_266 = tpu.memref_squeeze %dma_start3A_265 : memref<1x1x80xi32, #tpu.memory_space<vmem>> -> memref<80xi32, #tpu.memory_space<vmem>>
      %dma_start3A_267 = arith.constant 0 : i32
      %dma_start3A_268 = arith.constant 0 : i32
      %dma_start3A_269 = tpu.memref_slice %arg2[%dma_start3A_267, %dma_start3A_268] : memref<10000x128xf32, #tpu.memory_space<hbm>> -> memref<10000x128xf32, #tpu.memory_space<hbm>>
      tpu.enqueue_indirect_dma source(%dma_start3A_269 : memref<10000x128xf32, #tpu.memory_space<hbm>>) target(%arg10 : memref<80x128xf32, #tpu.memory_space<vmem>>) offsets(%dma_start3A_266 : memref<80xi32, #tpu.memory_space<vmem>>) semaphore(%arg15 : memref<!tpu.dma_semaphore, #tpu.memory_space<semaphore_mem>>)
      %dma_wait3A_270 = arith.constant 0 : i32
      %dma_wait3A_271 = arith.constant 0 : i32
      %dma_wait3A_272 = tpu.memref_slice %arg2[%dma_wait3A_270, %dma_wait3A_271] : memref<10000x128xf32, #tpu.memory_space<hbm>> -> memref<80x128xf32, #tpu.memory_space<hbm>>
      %dma_wait3A_273 = arith.constant 0 : i32
      %dma_wait3A_274 = arith.constant 0 : i32
      %dma_wait3A_275 = tpu.memref_slice %arg2[%dma_wait3A_273, %dma_wait3A_274] : memref<10000x128xf32, #tpu.memory_space<hbm>> -> memref<80x128xf32, #tpu.memory_space<hbm>>
      tpu.wait_dma2 semaphore(%arg16 : memref<!tpu.dma_semaphore, #tpu.memory_space<semaphore_mem>>) src(%dma_wait3A_275 : memref<80x128xf32, #tpu.memory_space<hbm>>) dst(%arg11 : memref<80x128xf32, #tpu.memory_space<vmem>>)
      %run_scoped3A_276 = arith.constant 1 : i32
      %run_scoped3A_277 = arith.constant 3 : i32
      "tpu.region"() ({
        %run_scoped3A_343 = tpu.sem_alloc : memref<!tpu.dma_semaphore, #tpu.memory_space<semaphore_mem>>
        %dma_start3A_344 = arith.constant 0 : i32
        %dma_start3A_345 = tpu.memref_slice %arg7[%run_scoped3A_276, %run_scoped3A_277, %dma_start3A_344] : memref<2x8x80xi32, #tpu.memory_space<vmem>> -> memref<1x1x80xi32, #tpu.memory_space<vmem>>
        %dma_start3A_346 = tpu.memref_squeeze %dma_start3A_345 : memref<1x1x80xi32, #tpu.memory_space<vmem>> -> memref<80xi32, #tpu.memory_space<vmem>>
        %dma_start3A_347 = arith.constant 0 : i32
        %dma_start3A_348 = arith.constant 0 : i32
        %dma_start3A_349 = tpu.memref_slice %arg12[%dma_start3A_347, %dma_start3A_348] : memref<10112x128xf32, #tpu.memory_space<vmem_shared>> -> memref<10112x128xf32, #tpu.memory_space<vmem_shared>>
        tpu.enqueue_indirect_dma source(%arg11 : memref<80x128xf32, #tpu.memory_space<vmem>>) target(%dma_start3A_349 : memref<10112x128xf32, #tpu.memory_space<vmem_shared>>) offsets(%dma_start3A_346 : memref<80xi32, #tpu.memory_space<vmem>>) semaphore(%run_scoped3A_343 : memref<!tpu.dma_semaphore, #tpu.memory_space<semaphore_mem>>) {add = true}
        %dma_wait3A_350 = arith.constant 0 : i32
        %dma_wait3A_351 = tpu.memref_slice %arg7[%run_scoped3A_276, %run_scoped3A_277, %dma_wait3A_350] : memref<2x8x80xi32, #tpu.memory_space<vmem>> -> memref<1x1x80xi32, #tpu.memory_space<vmem>>
        %dma_wait3A_352 = tpu.memref_squeeze %dma_wait3A_351 : memref<1x1x80xi32, #tpu.memory_space<vmem>> -> memref<80xi32, #tpu.memory_space<vmem>>
        %dma_wait3A_353 = arith.constant 0 : i32
        %dma_wait3A_354 = arith.constant 0 : i32
        %dma_wait3A_355 = tpu.memref_slice %arg12[%dma_wait3A_353, %dma_wait3A_354] : memref<10112x128xf32, #tpu.memory_space<vmem_shared>> -> memref<10112x128xf32, #tpu.memory_space<vmem_shared>>
        tpu.wait_indirect_dma semaphore(%run_scoped3A_343 : memref<!tpu.dma_semaphore, #tpu.memory_space<semaphore_mem>>) src(%arg11 : memref<80x128xf32, #tpu.memory_space<vmem>>) dst(%dma_wait3A_355 : memref<10112x128xf32, #tpu.memory_space<vmem_shared>>)
        tpu.yield
      }) : () -> ()
      %dma_start3A_278 = arith.constant 0 : i32
      %dma_start3A_279 = arith.constant 7 : i32
      %dma_start3A_280 = arith.constant 0 : i32
      %dma_start3A_281 = tpu.memref_slice %arg7[%dma_start3A_278, %dma_start3A_279, %dma_start3A_280] : memref<2x8x80xi32, #tpu.memory_space<vmem>> -> memref<1x1x80xi32, #tpu.memory_space<vmem>>
      %dma_start3A_282 = tpu.memref_squeeze %dma_start3A_281 : memref<1x1x80xi32, #tpu.memory_space<vmem>> -> memref<80xi32, #tpu.memory_space<vmem>>
      %dma_start3A_283 = arith.constant 0 : i32
      %dma_start3A_284 = arith.constant 0 : i32
      %dma_start3A_285 = tpu.memref_slice %arg2[%dma_start3A_283, %dma_start3A_284] : memref<10000x128xf32, #tpu.memory_space<hbm>> -> memref<10000x128xf32, #tpu.memory_space<hbm>>
      tpu.enqueue_indirect_dma source(%dma_start3A_285 : memref<10000x128xf32, #tpu.memory_space<hbm>>) target(%arg11 : memref<80x128xf32, #tpu.memory_space<vmem>>) offsets(%dma_start3A_282 : memref<80xi32, #tpu.memory_space<vmem>>) semaphore(%arg16 : memref<!tpu.dma_semaphore, #tpu.memory_space<semaphore_mem>>)
      %dma_wait3A_286 = arith.constant 0 : i32
      %dma_wait3A_287 = arith.constant 0 : i32
      %dma_wait3A_288 = tpu.memref_slice %arg2[%dma_wait3A_286, %dma_wait3A_287] : memref<10000x128xf32, #tpu.memory_space<hbm>> -> memref<80x128xf32, #tpu.memory_space<hbm>>
      %dma_wait3A_289 = arith.constant 0 : i32
      %dma_wait3A_290 = arith.constant 0 : i32
      %dma_wait3A_291 = tpu.memref_slice %arg2[%dma_wait3A_289, %dma_wait3A_290] : memref<10000x128xf32, #tpu.memory_space<hbm>> -> memref<80x128xf32, #tpu.memory_space<hbm>>
      tpu.wait_dma2 semaphore(%arg13 : memref<!tpu.dma_semaphore, #tpu.memory_space<semaphore_mem>>) src(%dma_wait3A_291 : memref<80x128xf32, #tpu.memory_space<hbm>>) dst(%arg8 : memref<80x128xf32, #tpu.memory_space<vmem>>)
      %run_scoped3A_292 = arith.constant 1 : i32
      %run_scoped3A_293 = arith.constant 4 : i32
      "tpu.region"() ({
        %run_scoped3A_343 = tpu.sem_alloc : memref<!tpu.dma_semaphore, #tpu.memory_space<semaphore_mem>>
        %dma_start3A_344 = arith.constant 0 : i32
        %dma_start3A_345 = tpu.memref_slice %arg7[%run_scoped3A_292, %run_scoped3A_293, %dma_start3A_344] : memref<2x8x80xi32, #tpu.memory_space<vmem>> -> memref<1x1x80xi32, #tpu.memory_space<vmem>>
        %dma_start3A_346 = tpu.memref_squeeze %dma_start3A_345 : memref<1x1x80xi32, #tpu.memory_space<vmem>> -> memref<80xi32, #tpu.memory_space<vmem>>
        %dma_start3A_347 = arith.constant 0 : i32
        %dma_start3A_348 = arith.constant 0 : i32
        %dma_start3A_349 = tpu.memref_slice %arg12[%dma_start3A_347, %dma_start3A_348] : memref<10112x128xf32, #tpu.memory_space<vmem_shared>> -> memref<10112x128xf32, #tpu.memory_space<vmem_shared>>
        tpu.enqueue_indirect_dma source(%arg8 : memref<80x128xf32, #tpu.memory_space<vmem>>) target(%dma_start3A_349 : memref<10112x128xf32, #tpu.memory_space<vmem_shared>>) offsets(%dma_start3A_346 : memref<80xi32, #tpu.memory_space<vmem>>) semaphore(%run_scoped3A_343 : memref<!tpu.dma_semaphore, #tpu.memory_space<semaphore_mem>>) {add = true}
        %dma_wait3A_350 = arith.constant 0 : i32
        %dma_wait3A_351 = tpu.memref_slice %arg7[%run_scoped3A_292, %run_scoped3A_293, %dma_wait3A_350] : memref<2x8x80xi32, #tpu.memory_space<vmem>> -> memref<1x1x80xi32, #tpu.memory_space<vmem>>
        %dma_wait3A_352 = tpu.memref_squeeze %dma_wait3A_351 : memref<1x1x80xi32, #tpu.memory_space<vmem>> -> memref<80xi32, #tpu.memory_space<vmem>>
        %dma_wait3A_353 = arith.constant 0 : i32
        %dma_wait3A_354 = arith.constant 0 : i32
        %dma_wait3A_355 = tpu.memref_slice %arg12[%dma_wait3A_353, %dma_wait3A_354] : memref<10112x128xf32, #tpu.memory_space<vmem_shared>> -> memref<10112x128xf32, #tpu.memory_space<vmem_shared>>
        tpu.wait_indirect_dma semaphore(%run_scoped3A_343 : memref<!tpu.dma_semaphore, #tpu.memory_space<semaphore_mem>>) src(%arg8 : memref<80x128xf32, #tpu.memory_space<vmem>>) dst(%dma_wait3A_355 : memref<10112x128xf32, #tpu.memory_space<vmem_shared>>)
        tpu.yield
      }) : () -> ()
      %lt3A_294 = arith.constant 7 : i32
      %lt3A_295 = arith.cmpi slt, %scan3A_76, %lt3A_294 : i32
      %convert_element_type3A_296 = arith.extui %lt3A_295 : i1 to i32
      %cond3A_297 = arith.constant 0 : i32
      %cond3A_298 = arith.cmpi ne, %convert_element_type3A_296, %cond3A_297 : i32
      scf.if %cond3A_298 {
        %dma_wait3A_343 = arith.constant 0 : i32
        %dma_wait3A_344 = arith.constant 0 : i32
        %dma_wait3A_345 = arith.constant 0 : i32
        %dma_wait3A_346 = arith.constant 0 : i32
        %dma_wait3A_347 = tpu.memref_slice %arg3[%add3A, %dma_wait3A_343, %dma_wait3A_344, %dma_wait3A_345, %dma_wait3A_346] : memref<32x16x2x8x80xi32, #tpu.memory_space<hbm>> -> memref<1x1x2x8x80xi32, #tpu.memory_space<hbm>>
        %dma_wait3A_348 = tpu.memref_squeeze %dma_wait3A_347 : memref<1x1x2x8x80xi32, #tpu.memory_space<hbm>> -> memref<2x8x80xi32, #tpu.memory_space<hbm>>
        %dma_wait3A_349 = arith.constant 0 : i32
        %dma_wait3A_350 = arith.constant 0 : i32
        %dma_wait3A_351 = arith.constant 0 : i32
        %dma_wait3A_352 = tpu.memref_slice %arg3[%add3A, %dma_wait3A_343, %dma_wait3A_349, %dma_wait3A_350, %dma_wait3A_351] : memref<32x16x2x8x80xi32, #tpu.memory_space<hbm>> -> memref<1x1x2x8x80xi32, #tpu.memory_space<hbm>>
        %dma_wait3A_353 = tpu.memref_squeeze %dma_wait3A_352 : memref<1x1x2x8x80xi32, #tpu.memory_space<hbm>> -> memref<2x8x80xi32, #tpu.memory_space<hbm>>
        tpu.wait_dma2 semaphore(%arg17 : memref<!tpu.dma_semaphore, #tpu.memory_space<semaphore_mem>>) src(%dma_wait3A_353 : memref<2x8x80xi32, #tpu.memory_space<hbm>>) dst(%arg6 : memref<2x8x80xi32, #tpu.memory_space<vmem>>)
        %dma_start3A_354 = arith.constant 0 : i32
        %dma_start3A_355 = arith.constant 0 : i32
        %dma_start3A_356 = arith.constant 0 : i32
        %dma_start3A_357 = tpu.memref_slice %arg6[%dma_start3A_354, %dma_start3A_355, %dma_start3A_356] : memref<2x8x80xi32, #tpu.memory_space<vmem>> -> memref<1x1x80xi32, #tpu.memory_space<vmem>>
        %dma_start3A_358 = tpu.memref_squeeze %dma_start3A_357 : memref<1x1x80xi32, #tpu.memory_space<vmem>> -> memref<80xi32, #tpu.memory_space<vmem>>
        %dma_start3A_359 = arith.constant 0 : i32
        %dma_start3A_360 = arith.constant 0 : i32
        %dma_start3A_361 = tpu.memref_slice %arg2[%dma_start3A_359, %dma_start3A_360] : memref<10000x128xf32, #tpu.memory_space<hbm>> -> memref<10000x128xf32, #tpu.memory_space<hbm>>
        tpu.enqueue_indirect_dma source(%dma_start3A_361 : memref<10000x128xf32, #tpu.memory_space<hbm>>) target(%arg8 : memref<80x128xf32, #tpu.memory_space<vmem>>) offsets(%dma_start3A_358 : memref<80xi32, #tpu.memory_space<vmem>>) semaphore(%arg13 : memref<!tpu.dma_semaphore, #tpu.memory_space<semaphore_mem>>)
      } else {
      }
      %dma_wait3A_299 = arith.constant 0 : i32
      %dma_wait3A_300 = arith.constant 0 : i32
      %dma_wait3A_301 = tpu.memref_slice %arg2[%dma_wait3A_299, %dma_wait3A_300] : memref<10000x128xf32, #tpu.memory_space<hbm>> -> memref<80x128xf32, #tpu.memory_space<hbm>>
      %dma_wait3A_302 = arith.constant 0 : i32
      %dma_wait3A_303 = arith.constant 0 : i32
      %dma_wait3A_304 = tpu.memref_slice %arg2[%dma_wait3A_302, %dma_wait3A_303] : memref<10000x128xf32, #tpu.memory_space<hbm>> -> memref<80x128xf32, #tpu.memory_space<hbm>>
      tpu.wait_dma2 semaphore(%arg14 : memref<!tpu.dma_semaphore, #tpu.memory_space<semaphore_mem>>) src(%dma_wait3A_304 : memref<80x128xf32, #tpu.memory_space<hbm>>) dst(%arg9 : memref<80x128xf32, #tpu.memory_space<vmem>>)
      %run_scoped3A_305 = arith.constant 1 : i32
      %run_scoped3A_306 = arith.constant 5 : i32
      "tpu.region"() ({
        %run_scoped3A_343 = tpu.sem_alloc : memref<!tpu.dma_semaphore, #tpu.memory_space<semaphore_mem>>
        %dma_start3A_344 = arith.constant 0 : i32
        %dma_start3A_345 = tpu.memref_slice %arg7[%run_scoped3A_305, %run_scoped3A_306, %dma_start3A_344] : memref<2x8x80xi32, #tpu.memory_space<vmem>> -> memref<1x1x80xi32, #tpu.memory_space<vmem>>
        %dma_start3A_346 = tpu.memref_squeeze %dma_start3A_345 : memref<1x1x80xi32, #tpu.memory_space<vmem>> -> memref<80xi32, #tpu.memory_space<vmem>>
        %dma_start3A_347 = arith.constant 0 : i32
        %dma_start3A_348 = arith.constant 0 : i32
        %dma_start3A_349 = tpu.memref_slice %arg12[%dma_start3A_347, %dma_start3A_348] : memref<10112x128xf32, #tpu.memory_space<vmem_shared>> -> memref<10112x128xf32, #tpu.memory_space<vmem_shared>>
        tpu.enqueue_indirect_dma source(%arg9 : memref<80x128xf32, #tpu.memory_space<vmem>>) target(%dma_start3A_349 : memref<10112x128xf32, #tpu.memory_space<vmem_shared>>) offsets(%dma_start3A_346 : memref<80xi32, #tpu.memory_space<vmem>>) semaphore(%run_scoped3A_343 : memref<!tpu.dma_semaphore, #tpu.memory_space<semaphore_mem>>) {add = true}
        %dma_wait3A_350 = arith.constant 0 : i32
        %dma_wait3A_351 = tpu.memref_slice %arg7[%run_scoped3A_305, %run_scoped3A_306, %dma_wait3A_350] : memref<2x8x80xi32, #tpu.memory_space<vmem>> -> memref<1x1x80xi32, #tpu.memory_space<vmem>>
        %dma_wait3A_352 = tpu.memref_squeeze %dma_wait3A_351 : memref<1x1x80xi32, #tpu.memory_space<vmem>> -> memref<80xi32, #tpu.memory_space<vmem>>
        %dma_wait3A_353 = arith.constant 0 : i32
        %dma_wait3A_354 = arith.constant 0 : i32
        %dma_wait3A_355 = tpu.memref_slice %arg12[%dma_wait3A_353, %dma_wait3A_354] : memref<10112x128xf32, #tpu.memory_space<vmem_shared>> -> memref<10112x128xf32, #tpu.memory_space<vmem_shared>>
        tpu.wait_indirect_dma semaphore(%run_scoped3A_343 : memref<!tpu.dma_semaphore, #tpu.memory_space<semaphore_mem>>) src(%arg9 : memref<80x128xf32, #tpu.memory_space<vmem>>) dst(%dma_wait3A_355 : memref<10112x128xf32, #tpu.memory_space<vmem_shared>>)
        tpu.yield
      }) : () -> ()
      %lt3A_307 = arith.constant 7 : i32
      %lt3A_308 = arith.cmpi slt, %scan3A_76, %lt3A_307 : i32
      %convert_element_type3A_309 = arith.extui %lt3A_308 : i1 to i32
      %cond3A_310 = arith.constant 0 : i32
      %cond3A_311 = arith.cmpi ne, %convert_element_type3A_309, %cond3A_310 : i32
      scf.if %cond3A_311 {
        %dma_start3A_343 = arith.constant 0 : i32
        %dma_start3A_344 = arith.constant 1 : i32
        %dma_start3A_345 = arith.constant 0 : i32
        %dma_start3A_346 = tpu.memref_slice %arg6[%dma_start3A_343, %dma_start3A_344, %dma_start3A_345] : memref<2x8x80xi32, #tpu.memory_space<vmem>> -> memref<1x1x80xi32, #tpu.memory_space<vmem>>
        %dma_start3A_347 = tpu.memref_squeeze %dma_start3A_346 : memref<1x1x80xi32, #tpu.memory_space<vmem>> -> memref<80xi32, #tpu.memory_space<vmem>>
        %dma_start3A_348 = arith.constant 0 : i32
        %dma_start3A_349 = arith.constant 0 : i32
        %dma_start3A_350 = tpu.memref_slice %arg2[%dma_start3A_348, %dma_start3A_349] : memref<10000x128xf32, #tpu.memory_space<hbm>> -> memref<10000x128xf32, #tpu.memory_space<hbm>>
        tpu.enqueue_indirect_dma source(%dma_start3A_350 : memref<10000x128xf32, #tpu.memory_space<hbm>>) target(%arg9 : memref<80x128xf32, #tpu.memory_space<vmem>>) offsets(%dma_start3A_347 : memref<80xi32, #tpu.memory_space<vmem>>) semaphore(%arg14 : memref<!tpu.dma_semaphore, #tpu.memory_space<semaphore_mem>>)
      } else {
      }
      %dma_wait3A_312 = arith.constant 0 : i32
      %dma_wait3A_313 = arith.constant 0 : i32
      %dma_wait3A_314 = tpu.memref_slice %arg2[%dma_wait3A_312, %dma_wait3A_313] : memref<10000x128xf32, #tpu.memory_space<hbm>> -> memref<80x128xf32, #tpu.memory_space<hbm>>
      %dma_wait3A_315 = arith.constant 0 : i32
      %dma_wait3A_316 = arith.constant 0 : i32
      %dma_wait3A_317 = tpu.memref_slice %arg2[%dma_wait3A_315, %dma_wait3A_316] : memref<10000x128xf32, #tpu.memory_space<hbm>> -> memref<80x128xf32, #tpu.memory_space<hbm>>
      tpu.wait_dma2 semaphore(%arg15 : memref<!tpu.dma_semaphore, #tpu.memory_space<semaphore_mem>>) src(%dma_wait3A_317 : memref<80x128xf32, #tpu.memory_space<hbm>>) dst(%arg10 : memref<80x128xf32, #tpu.memory_space<vmem>>)
      %run_scoped3A_318 = arith.constant 1 : i32
      %run_scoped3A_319 = arith.constant 6 : i32
      "tpu.region"() ({
        %run_scoped3A_343 = tpu.sem_alloc : memref<!tpu.dma_semaphore, #tpu.memory_space<semaphore_mem>>
        %dma_start3A_344 = arith.constant 0 : i32
        %dma_start3A_345 = tpu.memref_slice %arg7[%run_scoped3A_318, %run_scoped3A_319, %dma_start3A_344] : memref<2x8x80xi32, #tpu.memory_space<vmem>> -> memref<1x1x80xi32, #tpu.memory_space<vmem>>
        %dma_start3A_346 = tpu.memref_squeeze %dma_start3A_345 : memref<1x1x80xi32, #tpu.memory_space<vmem>> -> memref<80xi32, #tpu.memory_space<vmem>>
        %dma_start3A_347 = arith.constant 0 : i32
        %dma_start3A_348 = arith.constant 0 : i32
        %dma_start3A_349 = tpu.memref_slice %arg12[%dma_start3A_347, %dma_start3A_348] : memref<10112x128xf32, #tpu.memory_space<vmem_shared>> -> memref<10112x128xf32, #tpu.memory_space<vmem_shared>>
        tpu.enqueue_indirect_dma source(%arg10 : memref<80x128xf32, #tpu.memory_space<vmem>>) target(%dma_start3A_349 : memref<10112x128xf32, #tpu.memory_space<vmem_shared>>) offsets(%dma_start3A_346 : memref<80xi32, #tpu.memory_space<vmem>>) semaphore(%run_scoped3A_343 : memref<!tpu.dma_semaphore, #tpu.memory_space<semaphore_mem>>) {add = true}
        %dma_wait3A_350 = arith.constant 0 : i32
        %dma_wait3A_351 = tpu.memref_slice %arg7[%run_scoped3A_318, %run_scoped3A_319, %dma_wait3A_350] : memref<2x8x80xi32, #tpu.memory_space<vmem>> -> memref<1x1x80xi32, #tpu.memory_space<vmem>>
        %dma_wait3A_352 = tpu.memref_squeeze %dma_wait3A_351 : memref<1x1x80xi32, #tpu.memory_space<vmem>> -> memref<80xi32, #tpu.memory_space<vmem>>
        %dma_wait3A_353 = arith.constant 0 : i32
        %dma_wait3A_354 = arith.constant 0 : i32
        %dma_wait3A_355 = tpu.memref_slice %arg12[%dma_wait3A_353, %dma_wait3A_354] : memref<10112x128xf32, #tpu.memory_space<vmem_shared>> -> memref<10112x128xf32, #tpu.memory_space<vmem_shared>>
        tpu.wait_indirect_dma semaphore(%run_scoped3A_343 : memref<!tpu.dma_semaphore, #tpu.memory_space<semaphore_mem>>) src(%arg10 : memref<80x128xf32, #tpu.memory_space<vmem>>) dst(%dma_wait3A_355 : memref<10112x128xf32, #tpu.memory_space<vmem_shared>>)
        tpu.yield
      }) : () -> ()
      %lt3A_320 = arith.constant 7 : i32
      %lt3A_321 = arith.cmpi slt, %scan3A_76, %lt3A_320 : i32
      %convert_element_type3A_322 = arith.extui %lt3A_321 : i1 to i32
      %cond3A_323 = arith.constant 0 : i32
      %cond3A_324 = arith.cmpi ne, %convert_element_type3A_322, %cond3A_323 : i32
      scf.if %cond3A_324 {
        %dma_start3A_343 = arith.constant 0 : i32
        %dma_start3A_344 = arith.constant 2 : i32
        %dma_start3A_345 = arith.constant 0 : i32
        %dma_start3A_346 = tpu.memref_slice %arg6[%dma_start3A_343, %dma_start3A_344, %dma_start3A_345] : memref<2x8x80xi32, #tpu.memory_space<vmem>> -> memref<1x1x80xi32, #tpu.memory_space<vmem>>
        %dma_start3A_347 = tpu.memref_squeeze %dma_start3A_346 : memref<1x1x80xi32, #tpu.memory_space<vmem>> -> memref<80xi32, #tpu.memory_space<vmem>>
        %dma_start3A_348 = arith.constant 0 : i32
        %dma_start3A_349 = arith.constant 0 : i32
        %dma_start3A_350 = tpu.memref_slice %arg2[%dma_start3A_348, %dma_start3A_349] : memref<10000x128xf32, #tpu.memory_space<hbm>> -> memref<10000x128xf32, #tpu.memory_space<hbm>>
        tpu.enqueue_indirect_dma source(%dma_start3A_350 : memref<10000x128xf32, #tpu.memory_space<hbm>>) target(%arg10 : memref<80x128xf32, #tpu.memory_space<vmem>>) offsets(%dma_start3A_347 : memref<80xi32, #tpu.memory_space<vmem>>) semaphore(%arg15 : memref<!tpu.dma_semaphore, #tpu.memory_space<semaphore_mem>>)
      } else {
      }
      %dma_wait3A_325 = arith.constant 0 : i32
      %dma_wait3A_326 = arith.constant 0 : i32
      %dma_wait3A_327 = tpu.memref_slice %arg2[%dma_wait3A_325, %dma_wait3A_326] : memref<10000x128xf32, #tpu.memory_space<hbm>> -> memref<80x128xf32, #tpu.memory_space<hbm>>
      %dma_wait3A_328 = arith.constant 0 : i32
      %dma_wait3A_329 = arith.constant 0 : i32
      %dma_wait3A_330 = tpu.memref_slice %arg2[%dma_wait3A_328, %dma_wait3A_329] : memref<10000x128xf32, #tpu.memory_space<hbm>> -> memref<80x128xf32, #tpu.memory_space<hbm>>
      tpu.wait_dma2 semaphore(%arg16 : memref<!tpu.dma_semaphore, #tpu.memory_space<semaphore_mem>>) src(%dma_wait3A_330 : memref<80x128xf32, #tpu.memory_space<hbm>>) dst(%arg11 : memref<80x128xf32, #tpu.memory_space<vmem>>)
      %run_scoped3A_331 = arith.constant 1 : i32
      %run_scoped3A_332 = arith.constant 7 : i32
      "tpu.region"() ({
        %run_scoped3A_343 = tpu.sem_alloc : memref<!tpu.dma_semaphore, #tpu.memory_space<semaphore_mem>>
        %dma_start3A_344 = arith.constant 0 : i32
        %dma_start3A_345 = tpu.memref_slice %arg7[%run_scoped3A_331, %run_scoped3A_332, %dma_start3A_344] : memref<2x8x80xi32, #tpu.memory_space<vmem>> -> memref<1x1x80xi32, #tpu.memory_space<vmem>>
        %dma_start3A_346 = tpu.memref_squeeze %dma_start3A_345 : memref<1x1x80xi32, #tpu.memory_space<vmem>> -> memref<80xi32, #tpu.memory_space<vmem>>
        %dma_start3A_347 = arith.constant 0 : i32
        %dma_start3A_348 = arith.constant 0 : i32
        %dma_start3A_349 = tpu.memref_slice %arg12[%dma_start3A_347, %dma_start3A_348] : memref<10112x128xf32, #tpu.memory_space<vmem_shared>> -> memref<10112x128xf32, #tpu.memory_space<vmem_shared>>
        tpu.enqueue_indirect_dma source(%arg11 : memref<80x128xf32, #tpu.memory_space<vmem>>) target(%dma_start3A_349 : memref<10112x128xf32, #tpu.memory_space<vmem_shared>>) offsets(%dma_start3A_346 : memref<80xi32, #tpu.memory_space<vmem>>) semaphore(%run_scoped3A_343 : memref<!tpu.dma_semaphore, #tpu.memory_space<semaphore_mem>>) {add = true}
        %dma_wait3A_350 = arith.constant 0 : i32
        %dma_wait3A_351 = tpu.memref_slice %arg7[%run_scoped3A_331, %run_scoped3A_332, %dma_wait3A_350] : memref<2x8x80xi32, #tpu.memory_space<vmem>> -> memref<1x1x80xi32, #tpu.memory_space<vmem>>
        %dma_wait3A_352 = tpu.memref_squeeze %dma_wait3A_351 : memref<1x1x80xi32, #tpu.memory_space<vmem>> -> memref<80xi32, #tpu.memory_space<vmem>>
        %dma_wait3A_353 = arith.constant 0 : i32
        %dma_wait3A_354 = arith.constant 0 : i32
        %dma_wait3A_355 = tpu.memref_slice %arg12[%dma_wait3A_353, %dma_wait3A_354] : memref<10112x128xf32, #tpu.memory_space<vmem_shared>> -> memref<10112x128xf32, #tpu.memory_space<vmem_shared>>
        tpu.wait_indirect_dma semaphore(%run_scoped3A_343 : memref<!tpu.dma_semaphore, #tpu.memory_space<semaphore_mem>>) src(%arg11 : memref<80x128xf32, #tpu.memory_space<vmem>>) dst(%dma_wait3A_355 : memref<10112x128xf32, #tpu.memory_space<vmem_shared>>)
        tpu.yield
      }) : () -> ()
      %lt3A_333 = arith.constant 7 : i32
      %lt3A_334 = arith.cmpi slt, %scan3A_76, %lt3A_333 : i32
      %convert_element_type3A_335 = arith.extui %lt3A_334 : i1 to i32
      %cond3A_336 = arith.constant 0 : i32
      %cond3A_337 = arith.cmpi ne, %convert_element_type3A_335, %cond3A_336 : i32
      scf.if %cond3A_337 {
        %dma_start3A_343 = arith.constant 0 : i32
        %dma_start3A_344 = arith.constant 3 : i32
        %dma_start3A_345 = arith.constant 0 : i32
        %dma_start3A_346 = tpu.memref_slice %arg6[%dma_start3A_343, %dma_start3A_344, %dma_start3A_345] : memref<2x8x80xi32, #tpu.memory_space<vmem>> -> memref<1x1x80xi32, #tpu.memory_space<vmem>>
        %dma_start3A_347 = tpu.memref_squeeze %dma_start3A_346 : memref<1x1x80xi32, #tpu.memory_space<vmem>> -> memref<80xi32, #tpu.memory_space<vmem>>
        %dma_start3A_348 = arith.constant 0 : i32
        %dma_start3A_349 = arith.constant 0 : i32
        %dma_start3A_350 = tpu.memref_slice %arg2[%dma_start3A_348, %dma_start3A_349] : memref<10000x128xf32, #tpu.memory_space<hbm>> -> memref<10000x128xf32, #tpu.memory_space<hbm>>
        tpu.enqueue_indirect_dma source(%dma_start3A_350 : memref<10000x128xf32, #tpu.memory_space<hbm>>) target(%arg11 : memref<80x128xf32, #tpu.memory_space<vmem>>) offsets(%dma_start3A_347 : memref<80xi32, #tpu.memory_space<vmem>>) semaphore(%arg16 : memref<!tpu.dma_semaphore, #tpu.memory_space<semaphore_mem>>)
      } else {
      }
      %lt3A_338 = arith.constant 7 : i32
      %lt3A_339 = arith.cmpi slt, %scan3A_76, %lt3A_338 : i32
      %convert_element_type3A_340 = arith.extui %lt3A_339 : i1 to i32
      %cond3A_341 = arith.constant 0 : i32
      %cond3A_342 = arith.cmpi ne, %convert_element_type3A_340, %cond3A_341 : i32
      scf.if %cond3A_342 {
        %add3A_343 = arith.constant 1 : i32
        %add3A_344 = arith.addi %min3A_81, %add3A_343 : i32
        %dma_start3A_345 = arith.constant 0 : i32
        %dma_start3A_346 = arith.constant 0 : i32
        %dma_start3A_347 = arith.constant 0 : i32
        %dma_start3A_348 = tpu.memref_slice %arg3[%add3A, %add3A_344, %dma_start3A_345, %dma_start3A_346, %dma_start3A_347] : memref<32x16x2x8x80xi32, #tpu.memory_space<hbm>> -> memref<1x1x2x8x80xi32, #tpu.memory_space<hbm>>
        %dma_start3A_349 = tpu.memref_squeeze %dma_start3A_348 : memref<1x1x2x8x80xi32, #tpu.memory_space<hbm>> -> memref<2x8x80xi32, #tpu.memory_space<hbm>>
        %dma_start3A_350 = arith.constant 0 : i32
        %dma_start3A_351 = arith.constant 0 : i32
        %dma_start3A_352 = arith.constant 0 : i32
        %dma_start3A_353 = tpu.memref_slice %arg3[%add3A, %add3A_344, %dma_start3A_350, %dma_start3A_351, %dma_start3A_352] : memref<32x16x2x8x80xi32, #tpu.memory_space<hbm>> -> memref<1x1x2x8x80xi32, #tpu.memory_space<hbm>>
        %dma_start3A_354 = tpu.memref_squeeze %dma_start3A_353 : memref<1x1x2x8x80xi32, #tpu.memory_space<hbm>> -> memref<2x8x80xi32, #tpu.memory_space<hbm>>
        tpu.enqueue_dma source(%dma_start3A_354 : memref<2x8x80xi32, #tpu.memory_space<hbm>>) target(%arg7 : memref<2x8x80xi32, #tpu.memory_space<vmem>>) target_semaphore(%arg18 : memref<!tpu.dma_semaphore, #tpu.memory_space<semaphore_mem>>)
      } else {
      }
    }
    %scan3A_70 = arith.constant 8 : i32
    %barrier3A_71 = arith.constant 0 : index
    tpu.barrier barrier_id(%barrier3A_71)
    %mul3A_72 = arith.constant 632 : i32
    %mul3A_73 = arith.muli %arg1, %mul3A_72 : i32
    %mul3A_74 = arith.constant 632 : i32
    %mul3A_75 = arith.muli %arg1, %mul3A_74 : i32
    "tpu.region"() ({
      %run_scoped3A = tpu.sem_alloc : memref<!tpu.dma_semaphore, #tpu.memory_space<semaphore_mem>>
      %dma_start3A_76 = arith.constant 0 : i32
      %dma_start3A_77 = tpu.memref_slice %arg5[%arg0, %mul3A_75, %dma_start3A_76] : memref<2x10112x128xf32, #tpu.memory_space<hbm>> -> memref<1x632x128xf32, #tpu.memory_space<hbm>>
      %dma_start3A_78 = tpu.memref_squeeze %dma_start3A_77 : memref<1x632x128xf32, #tpu.memory_space<hbm>> -> memref<632x128xf32, #tpu.memory_space<hbm>>
      %dma_start3A_79 = arith.constant 0 : i32
      %dma_start3A_80 = tpu.memref_slice %arg12[%mul3A_73, %dma_start3A_79] : memref<10112x128xf32, #tpu.memory_space<vmem_shared>> -> memref<632x128xf32, #tpu.memory_space<vmem_shared>>
      tpu.enqueue_dma source(%dma_start3A_80 : memref<632x128xf32, #tpu.memory_space<vmem_shared>>) target(%dma_start3A_78 : memref<632x128xf32, #tpu.memory_space<hbm>>) target_semaphore(%run_scoped3A : memref<!tpu.dma_semaphore, #tpu.memory_space<semaphore_mem>>)
      %dma_wait3A_81 = arith.constant 0 : i32
      %dma_wait3A_82 = tpu.memref_slice %arg5[%arg0, %mul3A_75, %dma_wait3A_81] : memref<2x10112x128xf32, #tpu.memory_space<hbm>> -> memref<1x632x128xf32, #tpu.memory_space<hbm>>
      %dma_wait3A_83 = tpu.memref_squeeze %dma_wait3A_82 : memref<1x632x128xf32, #tpu.memory_space<hbm>> -> memref<632x128xf32, #tpu.memory_space<hbm>>
      %dma_wait3A_84 = arith.constant 0 : i32
      %dma_wait3A_85 = tpu.memref_slice %arg12[%mul3A_73, %dma_wait3A_84] : memref<10112x128xf32, #tpu.memory_space<vmem_shared>> -> memref<632x128xf32, #tpu.memory_space<vmem_shared>>
      tpu.wait_dma2 semaphore(%run_scoped3A : memref<!tpu.dma_semaphore, #tpu.memory_space<semaphore_mem>>) src(%dma_wait3A_85 : memref<632x128xf32, #tpu.memory_space<vmem_shared>>) dst(%dma_wait3A_83 : memref<632x128xf32, #tpu.memory_space<hbm>>)
      tpu.yield
    }) : () -> ()
    return
  }
}

module attributes {stable_mosaic.version = 14 : i64} {
  func.func @_layer0_body(%arg0: memref<10000x128xf32, #tpu.memory_space<vmem>>, %arg1: memref<2x10112x128xf32, #tpu.memory_space<vmem>>, %arg2: memref<1x10000xi32, #tpu.memory_space<vmem>>, %arg3: memref<128x128xf32, #tpu.memory_space<vmem>>, %arg4: memref<1x128xf32, #tpu.memory_space<vmem>>, %arg5: memref<128x128xf32, #tpu.memory_space<vmem>>, %arg6: memref<1x128xf32, #tpu.memory_space<vmem>>, %arg7: memref<1x128xf32, #tpu.memory_space<vmem>>, %arg8: memref<1x128xf32, #tpu.memory_space<vmem>>, %arg9: memref<10000x128xf32, #tpu.memory_space<vmem>>, %arg10: memref<10000x16xf32, #tpu.memory_space<vmem>>, %arg11: memref<64x128xf32, #tpu.memory_space<vmem>>) attributes {dimension_semantics = [], scalar_prefetch = 0 : i64, scratch_operands = 0 : i64, tpu.core_type = #tpu.core_type<tc>} {
    %get3A = arith.constant 0 : index
    %get3A_0 = arith.constant 0 : index
    %get3A_1 = vector.load %arg0[%get3A, %get3A_0] : memref<10000x128xf32, #tpu.memory_space<vmem>>, vector<10000x128xf32>
    %get3A_2 = arith.constant 0 : index
    %get3A_3 = arith.constant 0 : index
    %get3A_4 = arith.constant 0 : index
    %get3A_5 = vector.load %arg1[%get3A_2, %get3A_3, %get3A_4] : memref<2x10112x128xf32, #tpu.memory_space<vmem>>, vector<1x10000x128xf32>
    %get3A_6 = vector.shape_cast %get3A_5 : vector<1x10000x128xf32> to vector<10000x128xf32>
    %add3A = arith.addf %get3A_1, %get3A_6 : vector<10000x128xf32>
    %get3A_7 = arith.constant 1 : index
    %get3A_8 = arith.constant 0 : index
    %get3A_9 = arith.constant 0 : index
    %get3A_10 = vector.load %arg1[%get3A_7, %get3A_8, %get3A_9] : memref<2x10112x128xf32, #tpu.memory_space<vmem>>, vector<1x10000x128xf32>
    %get3A_11 = vector.shape_cast %get3A_10 : vector<1x10000x128xf32> to vector<10000x128xf32>
    %add3A_12 = arith.addf %add3A, %get3A_11 : vector<10000x128xf32>
    %get3A_13 = arith.constant 0 : index
    %get3A_14 = arith.constant 0 : index
    %get3A_15 = vector.load %arg3[%get3A_13, %get3A_14] : memref<128x128xf32, #tpu.memory_space<vmem>>, vector<128x128xf32>
    %dot_general3A = arith.constant dense<0.000000e+00> : vector<10000x128xf32>
    %dot_general3A_16 = tpu.matmul %add3A_12, %get3A_15, %dot_general3A {dimension_numbers = #tpu.dot_dimension_numbers<[1], [0], [0], [1], [0, 0, 1, 1], [], []>, transpose_lhs_hint = false} : vector<10000x128xf32>, vector<128x128xf32>, vector<10000x128xf32> -> vector<10000x128xf32>
    %get3A_17 = arith.constant 0 : index
    %get3A_18 = arith.constant 0 : index
    %get3A_19 = vector.load %arg4[%get3A_17, %get3A_18] : memref<1x128xf32, #tpu.memory_space<vmem>>, vector<1x128xf32>
    %add3A_20 = vector.broadcast %get3A_19 : vector<1x128xf32> to vector<10000x128xf32>
    %add3A_21 = arith.addf %dot_general3A_16, %add3A_20 : vector<10000x128xf32>
    %max3A = arith.constant 0.000000e+00 : f32
    %max3A_22 = vector.broadcast %max3A : f32 to vector<10000x128xf32>
    %max3A_23 = arith.maximumf %add3A_21, %max3A_22 : vector<10000x128xf32>
    %get3A_24 = arith.constant 0 : index
    %get3A_25 = arith.constant 0 : index
    %get3A_26 = vector.load %arg5[%get3A_24, %get3A_25] : memref<128x128xf32, #tpu.memory_space<vmem>>, vector<128x128xf32>
    %get3A_27 = arith.constant 0 : index
    %get3A_28 = arith.constant 0 : index
    %get3A_29 = vector.load %arg6[%get3A_27, %get3A_28] : memref<1x128xf32, #tpu.memory_space<vmem>>, vector<1x128xf32>
    %get3A_30 = arith.constant 0 : index
    %get3A_31 = arith.constant 0 : index
    %get3A_32 = vector.load %arg7[%get3A_30, %get3A_31] : memref<1x128xf32, #tpu.memory_space<vmem>>, vector<1x128xf32>
    %get3A_33 = arith.constant 0 : index
    %get3A_34 = arith.constant 0 : index
    %get3A_35 = vector.load %arg8[%get3A_33, %get3A_34] : memref<1x128xf32, #tpu.memory_space<vmem>>, vector<1x128xf32>
    %dot_general3A_36 = arith.constant dense<0.000000e+00> : vector<10000x128xf32>
    %dot_general3A_37 = tpu.matmul %max3A_23, %get3A_26, %dot_general3A_36 {dimension_numbers = #tpu.dot_dimension_numbers<[1], [0], [0], [1], [0, 0, 1, 1], [], []>, transpose_lhs_hint = false} : vector<10000x128xf32>, vector<128x128xf32>, vector<10000x128xf32> -> vector<10000x128xf32>
    %add3A_38 = vector.broadcast %get3A_29 : vector<1x128xf32> to vector<10000x128xf32>
    %add3A_39 = arith.addf %dot_general3A_37, %add3A_38 : vector<10000x128xf32>
    %reduce_sum3A = arith.constant dense<0.000000e+00> : vector<128xf32>
    %reduce_sum3A_40 = vector.multi_reduction <add>, %add3A_39, %reduce_sum3A [0] : vector<10000x128xf32> to vector<128xf32>
    %broadcast_in_dim3A = vector.shape_cast %reduce_sum3A_40 : vector<128xf32> to vector<1x128xf32>
    %div3A = arith.constant 1.000000e+04 : f32
    %div3A_41 = vector.broadcast %div3A : f32 to vector<1x128xf32>
    %div3A_42 = arith.divf %broadcast_in_dim3A, %div3A_41 : vector<1x128xf32>
    %sub3A = vector.broadcast %div3A_42 : vector<1x128xf32> to vector<10000x128xf32>
    %sub3A_43 = arith.subf %add3A_39, %sub3A : vector<10000x128xf32>
    %mul3A = arith.mulf %sub3A_43, %sub3A_43 : vector<10000x128xf32>
    %reduce_sum3A_44 = arith.constant dense<0.000000e+00> : vector<128xf32>
    %reduce_sum3A_45 = vector.multi_reduction <add>, %mul3A, %reduce_sum3A_44 [0] : vector<10000x128xf32> to vector<128xf32>
    %broadcast_in_dim3A_46 = vector.shape_cast %reduce_sum3A_45 : vector<128xf32> to vector<1x128xf32>
    %div3A_47 = arith.constant 1.000000e+04 : f32
    %div3A_48 = vector.broadcast %div3A_47 : f32 to vector<1x128xf32>
    %div3A_49 = arith.divf %broadcast_in_dim3A_46, %div3A_48 : vector<1x128xf32>
    %add3A_50 = arith.constant 9.99999974E-6 : f32
    %add3A_51 = vector.broadcast %add3A_50 : f32 to vector<1x128xf32>
    %add3A_52 = arith.addf %div3A_49, %add3A_51 : vector<1x128xf32>
    %rsqrt3A = math.rsqrt %add3A_52 : vector<1x128xf32>
    %mul3A_53 = vector.broadcast %rsqrt3A : vector<1x128xf32> to vector<10000x128xf32>
    %mul3A_54 = arith.mulf %sub3A_43, %mul3A_53 : vector<10000x128xf32>
    %mul3A_55 = vector.broadcast %get3A_32 : vector<1x128xf32> to vector<10000x128xf32>
    %mul3A_56 = arith.mulf %mul3A_54, %mul3A_55 : vector<10000x128xf32>
    %add3A_57 = vector.broadcast %get3A_35 : vector<1x128xf32> to vector<10000x128xf32>
    %add3A_58 = arith.addf %mul3A_56, %add3A_57 : vector<10000x128xf32>
    %max3A_59 = arith.constant 0.000000e+00 : f32
    %max3A_60 = vector.broadcast %max3A_59 : f32 to vector<10000x128xf32>
    %max3A_61 = arith.maximumf %add3A_58, %max3A_60 : vector<10000x128xf32>
    %swap3A = arith.constant 0 : index
    %swap3A_62 = arith.constant 0 : index
    %swap3A_63 = vector.load %arg9[%swap3A, %swap3A_62] : memref<10000x128xf32, #tpu.memory_space<vmem>>, vector<10000x128xf32>
    tpu.vector_store %arg9[%swap3A, %swap3A_62], %max3A_61 {strides = array<i32>} : memref<10000x128xf32, #tpu.memory_space<vmem>>, vector<10000x128xf32>,
    %slice3A = vector.extract_strided_slice %add3A_12 {offsets = [0, 0], sizes = [10000, 16], strides = [1, 1]} : vector<10000x128xf32> to vector<10000x16xf32>
    %swap3A_64 = arith.constant 0 : index
    %swap3A_65 = arith.constant 0 : index
    %swap3A_66 = vector.load %arg10[%swap3A_64, %swap3A_65] : memref<10000x16xf32, #tpu.memory_space<vmem>>, vector<10000x16xf32>
    tpu.vector_store %arg10[%swap3A_64, %swap3A_65], %slice3A {strides = array<i32>} : memref<10000x16xf32, #tpu.memory_space<vmem>>, vector<10000x16xf32>,
    %get3A_67 = arith.constant 0 : index
    %get3A_68 = arith.constant 0 : index
    %get3A_69 = vector.load %arg2[%get3A_67, %get3A_68] : memref<1x10000xi32, #tpu.memory_space<vmem>>, vector<1x10000xi32>
    %iota3A = tpu.iota {dimensions = array<i32: 0>} : vector<64x10000xi32>
    %eq3A = vector.broadcast %get3A_69 : vector<1x10000xi32> to vector<64x10000xi32>
    %eq3A_70 = arith.cmpi eq, %iota3A, %eq3A : vector<64x10000xi32>
    %convert_element_type3A = arith.extui %eq3A_70 : vector<64x10000xi1> to vector<64x10000xi32>
    %convert_element_type3A_71 = arith.sitofp %convert_element_type3A : vector<64x10000xi32> to vector<64x10000xf32>
    %dot_general3A_72 = arith.constant dense<0.000000e+00> : vector<64x128xf32>
    %dot_general3A_73 = tpu.matmul %convert_element_type3A_71, %max3A_61, %dot_general3A_72 {dimension_numbers = #tpu.dot_dimension_numbers<[1], [0], [0], [1], [0, 0, 1, 1], [], []>, precision = #tpu.contract_precision<fp32>, transpose_lhs_hint = false} : vector<64x10000xf32>, vector<10000x128xf32>, vector<64x128xf32> -> vector<64x128xf32>
    %swap3A_74 = arith.constant 0 : index
    %swap3A_75 = arith.constant 0 : index
    %swap3A_76 = vector.load %arg11[%swap3A_74, %swap3A_75] : memref<64x128xf32, #tpu.memory_space<vmem>>, vector<64x128xf32>
    tpu.vector_store %arg11[%swap3A_74, %swap3A_75], %dot_general3A_73 {strides = array<i32>} : memref<64x128xf32, #tpu.memory_space<vmem>>, vector<64x128xf32>,
    return
  }
}

module attributes {stable_mosaic.version = 14 : i64} {
  func.func @_layer_body(%arg0: memref<10000x16xf32, #tpu.memory_space<vmem>>, %arg1: memref<10000x128xf32, #tpu.memory_space<vmem>>, %arg2: memref<2x10112x128xf32, #tpu.memory_space<vmem>>, %arg3: memref<1x10000xi32, #tpu.memory_space<vmem>>, %arg4: memref<16x128xf32, #tpu.memory_space<vmem>>, %arg5: memref<128x128xf32, #tpu.memory_space<vmem>>, %arg6: memref<1x128xf32, #tpu.memory_space<vmem>>, %arg7: memref<128x128xf32, #tpu.memory_space<vmem>>, %arg8: memref<1x128xf32, #tpu.memory_space<vmem>>, %arg9: memref<1x128xf32, #tpu.memory_space<vmem>>, %arg10: memref<1x128xf32, #tpu.memory_space<vmem>>, %arg11: memref<10000x128xf32, #tpu.memory_space<vmem>>, %arg12: memref<64x128xf32, #tpu.memory_space<vmem>>) attributes {dimension_semantics = [], scalar_prefetch = 0 : i64, scratch_operands = 0 : i64, tpu.core_type = #tpu.core_type<tc>} {
    %get3A = arith.constant 0 : index
    %get3A_0 = arith.constant 0 : index
    %get3A_1 = vector.load %arg1[%get3A, %get3A_0] : memref<10000x128xf32, #tpu.memory_space<vmem>>, vector<10000x128xf32>
    %get3A_2 = arith.constant 0 : index
    %get3A_3 = arith.constant 0 : index
    %get3A_4 = arith.constant 0 : index
    %get3A_5 = vector.load %arg2[%get3A_2, %get3A_3, %get3A_4] : memref<2x10112x128xf32, #tpu.memory_space<vmem>>, vector<1x10000x128xf32>
    %get3A_6 = vector.shape_cast %get3A_5 : vector<1x10000x128xf32> to vector<10000x128xf32>
    %add3A = arith.addf %get3A_1, %get3A_6 : vector<10000x128xf32>
    %get3A_7 = arith.constant 1 : index
    %get3A_8 = arith.constant 0 : index
    %get3A_9 = arith.constant 0 : index
    %get3A_10 = vector.load %arg2[%get3A_7, %get3A_8, %get3A_9] : memref<2x10112x128xf32, #tpu.memory_space<vmem>>, vector<1x10000x128xf32>
    %get3A_11 = vector.shape_cast %get3A_10 : vector<1x10000x128xf32> to vector<10000x128xf32>
    %add3A_12 = arith.addf %add3A, %get3A_11 : vector<10000x128xf32>
    %get3A_13 = arith.constant 0 : index
    %get3A_14 = arith.constant 0 : index
    %get3A_15 = vector.load %arg0[%get3A_13, %get3A_14] : memref<10000x16xf32, #tpu.memory_space<vmem>>, vector<10000x16xf32>
    %get3A_16 = arith.constant 0 : index
    %get3A_17 = arith.constant 0 : index
    %get3A_18 = vector.load %arg4[%get3A_16, %get3A_17] : memref<16x128xf32, #tpu.memory_space<vmem>>, vector<16x128xf32>
    %dot_general3A = arith.constant dense<0.000000e+00> : vector<10000x128xf32>
    %dot_general3A_19 = tpu.matmul %get3A_15, %get3A_18, %dot_general3A {dimension_numbers = #tpu.dot_dimension_numbers<[1], [0], [0], [1], [0, 0, 1, 1], [], []>, transpose_lhs_hint = false} : vector<10000x16xf32>, vector<16x128xf32>, vector<10000x128xf32> -> vector<10000x128xf32>
    %get3A_20 = arith.constant 0 : index
    %get3A_21 = arith.constant 0 : index
    %get3A_22 = vector.load %arg5[%get3A_20, %get3A_21] : memref<128x128xf32, #tpu.memory_space<vmem>>, vector<128x128xf32>
    %dot_general3A_23 = arith.constant dense<0.000000e+00> : vector<10000x128xf32>
    %dot_general3A_24 = tpu.matmul %add3A_12, %get3A_22, %dot_general3A_23 {dimension_numbers = #tpu.dot_dimension_numbers<[1], [0], [0], [1], [0, 0, 1, 1], [], []>, transpose_lhs_hint = false} : vector<10000x128xf32>, vector<128x128xf32>, vector<10000x128xf32> -> vector<10000x128xf32>
    %add3A_25 = arith.addf %dot_general3A_19, %dot_general3A_24 : vector<10000x128xf32>
    %get3A_26 = arith.constant 0 : index
    %get3A_27 = arith.constant 0 : index
    %get3A_28 = vector.load %arg6[%get3A_26, %get3A_27] : memref<1x128xf32, #tpu.memory_space<vmem>>, vector<1x128xf32>
    %add3A_29 = vector.broadcast %get3A_28 : vector<1x128xf32> to vector<10000x128xf32>
    %add3A_30 = arith.addf %add3A_25, %add3A_29 : vector<10000x128xf32>
    %max3A = arith.constant 0.000000e+00 : f32
    %max3A_31 = vector.broadcast %max3A : f32 to vector<10000x128xf32>
    %max3A_32 = arith.maximumf %add3A_30, %max3A_31 : vector<10000x128xf32>
    %get3A_33 = arith.constant 0 : index
    %get3A_34 = arith.constant 0 : index
    %get3A_35 = vector.load %arg7[%get3A_33, %get3A_34] : memref<128x128xf32, #tpu.memory_space<vmem>>, vector<128x128xf32>
    %get3A_36 = arith.constant 0 : index
    %get3A_37 = arith.constant 0 : index
    %get3A_38 = vector.load %arg8[%get3A_36, %get3A_37] : memref<1x128xf32, #tpu.memory_space<vmem>>, vector<1x128xf32>
    %get3A_39 = arith.constant 0 : index
    %get3A_40 = arith.constant 0 : index
    %get3A_41 = vector.load %arg9[%get3A_39, %get3A_40] : memref<1x128xf32, #tpu.memory_space<vmem>>, vector<1x128xf32>
    %get3A_42 = arith.constant 0 : index
    %get3A_43 = arith.constant 0 : index
    %get3A_44 = vector.load %arg10[%get3A_42, %get3A_43] : memref<1x128xf32, #tpu.memory_space<vmem>>, vector<1x128xf32>
    %dot_general3A_45 = arith.constant dense<0.000000e+00> : vector<10000x128xf32>
    %dot_general3A_46 = tpu.matmul %max3A_32, %get3A_35, %dot_general3A_45 {dimension_numbers = #tpu.dot_dimension_numbers<[1], [0], [0], [1], [0, 0, 1, 1], [], []>, transpose_lhs_hint = false} : vector<10000x128xf32>, vector<128x128xf32>, vector<10000x128xf32> -> vector<10000x128xf32>
    %add3A_47 = vector.broadcast %get3A_38 : vector<1x128xf32> to vector<10000x128xf32>
    %add3A_48 = arith.addf %dot_general3A_46, %add3A_47 : vector<10000x128xf32>
    %reduce_sum3A = arith.constant dense<0.000000e+00> : vector<128xf32>
    %reduce_sum3A_49 = vector.multi_reduction <add>, %add3A_48, %reduce_sum3A [0] : vector<10000x128xf32> to vector<128xf32>
    %broadcast_in_dim3A = vector.shape_cast %reduce_sum3A_49 : vector<128xf32> to vector<1x128xf32>
    %div3A = arith.constant 1.000000e+04 : f32
    %div3A_50 = vector.broadcast %div3A : f32 to vector<1x128xf32>
    %div3A_51 = arith.divf %broadcast_in_dim3A, %div3A_50 : vector<1x128xf32>
    %sub3A = vector.broadcast %div3A_51 : vector<1x128xf32> to vector<10000x128xf32>
    %sub3A_52 = arith.subf %add3A_48, %sub3A : vector<10000x128xf32>
    %mul3A = arith.mulf %sub3A_52, %sub3A_52 : vector<10000x128xf32>
    %reduce_sum3A_53 = arith.constant dense<0.000000e+00> : vector<128xf32>
    %reduce_sum3A_54 = vector.multi_reduction <add>, %mul3A, %reduce_sum3A_53 [0] : vector<10000x128xf32> to vector<128xf32>
    %broadcast_in_dim3A_55 = vector.shape_cast %reduce_sum3A_54 : vector<128xf32> to vector<1x128xf32>
    %div3A_56 = arith.constant 1.000000e+04 : f32
    %div3A_57 = vector.broadcast %div3A_56 : f32 to vector<1x128xf32>
    %div3A_58 = arith.divf %broadcast_in_dim3A_55, %div3A_57 : vector<1x128xf32>
    %add3A_59 = arith.constant 9.99999974E-6 : f32
    %add3A_60 = vector.broadcast %add3A_59 : f32 to vector<1x128xf32>
    %add3A_61 = arith.addf %div3A_58, %add3A_60 : vector<1x128xf32>
    %rsqrt3A = math.rsqrt %add3A_61 : vector<1x128xf32>
    %mul3A_62 = vector.broadcast %rsqrt3A : vector<1x128xf32> to vector<10000x128xf32>
    %mul3A_63 = arith.mulf %sub3A_52, %mul3A_62 : vector<10000x128xf32>
    %mul3A_64 = vector.broadcast %get3A_41 : vector<1x128xf32> to vector<10000x128xf32>
    %mul3A_65 = arith.mulf %mul3A_63, %mul3A_64 : vector<10000x128xf32>
    %add3A_66 = vector.broadcast %get3A_44 : vector<1x128xf32> to vector<10000x128xf32>
    %add3A_67 = arith.addf %mul3A_65, %add3A_66 : vector<10000x128xf32>
    %max3A_68 = arith.constant 0.000000e+00 : f32
    %max3A_69 = vector.broadcast %max3A_68 : f32 to vector<10000x128xf32>
    %max3A_70 = arith.maximumf %add3A_67, %max3A_69 : vector<10000x128xf32>
    %swap3A = arith.constant 0 : index
    %swap3A_71 = arith.constant 0 : index
    %swap3A_72 = vector.load %arg11[%swap3A, %swap3A_71] : memref<10000x128xf32, #tpu.memory_space<vmem>>, vector<10000x128xf32>
    tpu.vector_store %arg11[%swap3A, %swap3A_71], %max3A_70 {strides = array<i32>} : memref<10000x128xf32, #tpu.memory_space<vmem>>, vector<10000x128xf32>,
    %get3A_73 = arith.constant 0 : index
    %get3A_74 = arith.constant 0 : index
    %get3A_75 = vector.load %arg3[%get3A_73, %get3A_74] : memref<1x10000xi32, #tpu.memory_space<vmem>>, vector<1x10000xi32>
    %iota3A = tpu.iota {dimensions = array<i32: 0>} : vector<64x10000xi32>
    %eq3A = vector.broadcast %get3A_75 : vector<1x10000xi32> to vector<64x10000xi32>
    %eq3A_76 = arith.cmpi eq, %iota3A, %eq3A : vector<64x10000xi32>
    %convert_element_type3A = arith.extui %eq3A_76 : vector<64x10000xi1> to vector<64x10000xi32>
    %convert_element_type3A_77 = arith.sitofp %convert_element_type3A : vector<64x10000xi32> to vector<64x10000xf32>
    %dot_general3A_78 = arith.constant dense<0.000000e+00> : vector<64x128xf32>
    %dot_general3A_79 = tpu.matmul %convert_element_type3A_77, %max3A_70, %dot_general3A_78 {dimension_numbers = #tpu.dot_dimension_numbers<[1], [0], [0], [1], [0, 0, 1, 1], [], []>, precision = #tpu.contract_precision<fp32>, transpose_lhs_hint = false} : vector<64x10000xf32>, vector<10000x128xf32>, vector<64x128xf32> -> vector<64x128xf32>
    %swap3A_80 = arith.constant 0 : index
    %swap3A_81 = arith.constant 0 : index
    %swap3A_82 = vector.load %arg12[%swap3A_80, %swap3A_81] : memref<64x128xf32, #tpu.memory_space<vmem>>, vector<64x128xf32>
    tpu.vector_store %arg12[%swap3A_80, %swap3A_81], %dot_general3A_79 {strides = array<i32>} : memref<64x128xf32, #tpu.memory_space<vmem>>, vector<64x128xf32>,
    return
  }
}

</mosaic_0001>

<sc_bundles>
// kernel: kernel.11.cloned.1.call-start
scs
__scs_entry_jumppad:
0x0: {  	(pc) =	sbr.rel $0x88, $3  }
0x1: {  	(tag) =	ssettag $0x0;
	lr =	simm.s32 $0x1  }
0x2: {  	[smem:$0x3F8C] =	sst lr;
	_ =	strace $0xD0000000  }
0x3: {  	_ = 	snop  }
0x4: {  	_ = 	snop  }
0x5: {  	_ = 	snop  }
0x6: {  	_ = 	snop  }
0x7: {  	_ = 	snop  }
__scs_overlays_trampoline_lowered:
0x8: {  	[smem:$0x3F9B] =	sst s0  }
0x9: {  	[smem:$0x3F9C] =	sst s1  }
0xa: {  	[smem:$0x3F9D] =	sst s2  }
0xb: {  	[smem:$0x3F9E] =	sst s3  }
0xc: {  	[smem:$0x3F9F] =	sst s4  }
0xd: {  	[smem:$0x3FA0] =	sst s5  }
0xe: {  	[smem:$0x3FA1] =	sst s6  }
0xf: {  	[smem:$0x3FA2] =	sst s7  }
0x10: {  	[smem:$0x3FA3] =	sst s8  }
0x11: {  	[smem:$0x3FA4] =	sst s9;
	s0 =	simm.s32 @!p0 $0x0  }
0x12: {  	s1 =	sld [smem:$0x3F8A];
	s0 =	simm.s32 @p0 $0x1  }
0x13: {  	[smem:$0x3FA5] =	sst s0;
	s0 =	simm.s32 @!p1 $0x0  }
0x14: {  	s2 =	sld [smem:$0x3F89];
	s0 =	simm.s32 @p1 $0x1  }
0x15: {  	[smem:$0x3FA6] =	sst s0;
	s0 =	simm.s32 @!p2 $0x0  }
0x16: {  	s3 =	sld [smem:$0x3FDB];
	s0 =	simm.s32 @p2 $0x1  }
0x17: {  	s4 =	simm.s32 $0x1BF5;
	[smem:$0x3FA8] =	sst s0  }
0x18: {  	s0 =	sld [smem:$0x3F8B];
	_ =	swait.ge [sflag:s4], $0x0  }
0x19: {  	s7 =	sld [smem:$0x3F8C]  }
0x1a: {  	s8 =	sadd.s32 $0xFFFFE003, lr  }
0x1b: {  	s9 =	sadd.s32 $0xFFFFFEF7, lr;
	s5 =	simm.s32 $0xFFFFFFFF;
	p2 =	slt.u32 s8, $0xFFFFF086  }
0x1c: {  	p1 =	slt.u32 s9, $0xF7A;
	s5 =	simm.s32 @!p2 $0x0  }
0x1d: {  	s5 =	simm.s32 @p1 $0x1;
	p0 =	seq.s32 s7, s2  }
0x1e: {  	s7 =	smul.u32 @!p0 $0xF7A, s2;
	p2 =	seq.s32 @!p0 s5, $0x0  }
0x1f: {  	s9 =	smul.u32 $0xF7A, s1;
	s8 =	simm.s32 @!p0 $0x1BF5;
	p2 =	por !p2, p0  }
0x20: {  	[sflag:s8] =	ssyncset.s32 @!p0 $0xFFFFF086;
	s6 =	sadd.s32 @!p0 s3, s7;
	s7 =	simm.s32 @!p0 $0x108  }
0x21: {  	s3 =	sadd.s32 s3, s9;
	s6 =	sadd.s32 @!p0 $0x88, s6;
	s7 =	simm.s32 @p2 $0x1082  }
0x22: {  	[simem:s7], [sflag:s8] =	dma.local @!p0 [hbm:s6], $0xF7A  }
0x23: {  	s9 =	sor.u32 $0xD0000000, s2;
	s6 =	simm.s32 $0x108;
	_ =	swait.ge @!p0 [sflag:s8], $0x0  }
0x24: {  	s3 =	sadd.s32 $0x88, s3;
	s6 =	simm.s32 @!p1 $0x1082;
	[sflag:s4] =	ssyncset.s32 $0xFFFFF086  }
0x25: {  	[simem:s6], [sflag:s4] =	dma.local [hbm:s3], $0xF7A  }
0x26: {  	[smem:$0x3F8C] =	sst s1;
	(tag) =	ssettag s2;
	_ =	strace s9  }
0x27: {  	s1 =	sld [smem:$0x3F9C]  }
0x28: {  	s2 =	sld [smem:$0x3F9D]  }
0x29: {  	s4 =	sld [smem:$0x3F9F]  }
0x2a: {  	p0 =	seq.s32 s5, $0x0;
	s5 =	sld [smem:$0x3FA0]  }
0x2b: {  	s6 =	sld [smem:$0x3FA1]  }
0x2c: {  	s7 =	sld [smem:$0x3FA2]  }
0x2d: {  	s3 =	simm.s32 $0x108;
	s8 =	sld [smem:$0x3FA3]  }
0x2e: {  	s3 =	simm.s32 @!p0 $0x1082;
	s9 =	sld [smem:$0x3FA4]  }
0x2f: {  	lr =	sadd.s32 s0, s3;
	s0 =	sld [smem:$0x3F9B]  }
0x30: {  	s3 =	sld [smem:$0x3F9E]  }
0x31: {  	[smem:$0x3FA7] =	sst s10  }
0x32: {  	s10 =	sld [smem:$0x3FA5];
	_ =	sdelay $0x3  }
0x33: {  	p0 =	seq.s32 s10, $0x1;
	s10 =	sld [smem:$0x3FA7];
	_ =	sdelay $0x3  }
0x34: {  	[smem:$0x3FA7] =	sst s10  }
0x35: {  	s10 =	sld [smem:$0x3FA6];
	_ =	sdelay $0x3  }
0x36: {  	p1 =	seq.s32 s10, $0x1;
	s10 =	sld [smem:$0x3FA7];
	_ =	sdelay $0x3  }
0x37: {  	[smem:$0x3FA7] =	sst s10  }
0x38: {  	s10 =	sld [smem:$0x3FA8]  }
0x39: {  	_ = 	snop;
	(pc) =	sbr.ind lr, $3  }
0x3a: {  	_ = 	snop  }
0x3b: {  	_ = 	snop  }
0x3c: {  	p2 =	seq.s32 s10, $0x1;
	s10 =	sld [smem:$0x3FA7]  }
0x3d: {  	_ =	shalt  }
0x3e: {  	_ =	shalt  }
0x3f: {  	_ =	shalt  }
0x40: {  	_ =	shalt  }
0x41: {  	_ =	shalt  }
0x42: {  	_ =	shalt  }
0x43: {  	_ =	shalt  }
0x44: {  	_ =	shalt  }
0x45: {  	_ =	shalt  }
0x46: {  	_ =	shalt  }
0x47: {  	_ =	shalt  }
0x48: {  	_ =	shalt  }
0x49: {  	_ =	shalt  }
0x4a: {  	_ =	shalt  }
0x4b: {  	_ =	shalt  }
0x4c: {  	_ =	shalt  }
0x4d: {  	_ =	shalt  }
0x4e: {  	_ =	shalt  }
0x4f: {  	_ =	shalt  }
0x50: {  	_ =	shalt  }
0x51: {  	_ =	shalt  }
0x52: {  	_ =	shalt  }
0x53: {  	_ =	shalt  }
0x54: {  	_ =	shalt  }
0x55: {  	_ =	shalt  }
0x56: {  	_ =	shalt  }
0x57: {  	_ =	shalt  }
0x58: {  	_ =	shalt  }
0x59: {  	_ =	shalt  }
0x5a: {  	_ =	shalt  }
0x5b: {  	_ =	shalt  }
0x5c: {  	_ =	shalt  }
0x5d: {  	_ =	shalt  }
0x5e: {  	_ =	shalt  }
0x5f: {  	_ =	shalt  }
0x60: {  	_ =	shalt  }
0x61: {  	_ =	shalt  }
0x62: {  	_ =	shalt  }
0x63: {  	_ =	shalt  }
0x64: {  	_ =	shalt  }
0x65: {  	_ =	shalt  }
0x66: {  	_ =	shalt  }
0x67: {  	_ =	shalt  }
0x68: {  	_ =	shalt  }
0x69: {  	_ =	shalt  }
0x6a: {  	_ =	shalt  }
0x6b: {  	_ =	shalt  }
0x6c: {  	_ =	shalt  }
0x6d: {  	_ =	shalt  }
0x6e: {  	_ =	shalt  }
0x6f: {  	_ =	shalt  }
0x70: {  	_ =	shalt  }
0x71: {  	_ =	shalt  }
0x72: {  	_ =	shalt  }
0x73: {  	_ =	shalt  }
0x74: {  	_ =	shalt  }
0x75: {  	_ =	shalt  }
0x76: {  	_ =	shalt  }
0x77: {  	_ =	shalt  }
0x78: {  	_ =	shalt  }
0x79: {  	_ =	shalt  }
0x7a: {  	_ =	shalt  }
0x7b: {  	_ =	shalt  }
0x7c: {  	_ =	shalt  }
0x7d: {  	_ =	shalt  }
0x7e: {  	_ =	shalt  }
0x7f: {  	_ =	shalt  }
0x80: {  	_ =	shalt  }
0x81: {  	_ =	shalt  }
0x82: {  	_ =	shalt  }
0x83: {  	_ =	shalt  }
0x84: {  	_ =	shalt  }
0x85: {  	_ =	shalt  }
0x86: {  	_ =	shalt  }
0x87: {  	_ =	shalt  }
.Lfunc_end0:
.L_simem_size_0:
called_computation.1_lowered:
.L_overlay_start_0:
0x88: {  	s2 =	sld [smem:$0x3FD9]  }
0x89: {  	s3 =	sld [smem:$0x3FFE];
	_ =	sdelay $0x1  }
0x8a: {  	s1 =	srdreg.scid  }
0x8b: {  	s0 =	sand.u32 $0x1, s1  }
0x8c: {  	s14 =	sshll.u32 s0, $0xA;
	s2 =	sadd.s32 s3, s2  }
0x8d: {  	s2 =	sadd.s32 s2, s14  }
0x8e: {  	[smem:$0x3FB3] =	sst s2  }
0x8f: {  	_ = 	snop  }
0x90: {  	s2 =	sld [smem:$0x3FD0];
	_ =	sdelay $0x2  }
0x91: {  	s15 =	simm.s32 $0xA;
	s4 =	simm.s32 $0x10  }
0x92: {  	[smem:s4], [sflag:s15] =	dma.local [hbm:s2], $0x1  }
0x93: {  	_ =	swait.eq [sflag:s15], $0x1  }
0x94: {  	[sflag:s15] =	ssyncset.done $0x0  }
0x95: {  	[sflag:s15] =	ssyncadd.s32 $0xFFFFFFFF  }
0x96: {  	s16 =	sld [smem:$0x10];
	(tm) =	ssettm $0x1  }
0x97: {  	s17 =	sld [smem:$0x3FFB];
	_ =	sdelay $0x3  }
0x98: {  	_ =	strace s17  }
0x99: {  	s3 =	sld [smem:$0x3FFC];
	_ =	sdelay $0x3  }
0x9a: {  	_ =	strace s3  }
0x9b: {  	s3 =	sld [smem:$0x3FFD];
	_ =	sdelay $0x3  }
0x9c: {  	_ =	strace s3  }
0x9d: {  	_ =	strace $0x8FFFFFFF  }
0x9e: {  	s18 =	sld [smem:$0x3FDB];
	_ =	sdelay $0x1  }
0x9f: {  	s19 =	simm.s32 $_scs_section_size  }
0xa0: {  	s5 =	simm.s32 $_size__tile_overlayer_lowered;
	s6 =	simm.s32 $_tile_overlayer_lowered  }
0xa1: {  	s22 =	simm.s32 $0x1BFF;
	s21 =	sshll.u32 s6, $0x1;
	s3 =	sadd.s32 s19, s18  }
0xa2: {  	s7 =	simm.s32 $0x0;
	s20 =	sshll.u32 s5, $0x1;
	s5 =	sadd.s32 s21, s3  }
0xa3: {  	[timem:s7], [sflag:s22] =	dma.local [hbm:s5], s20  }
0xa4: {  	_ =	swait.ge [sflag:s22], s20  }
0xa5: {  	s4 =	ssub.s32 $0x0, s20;
	[sflag:s22] =	ssyncset.done $0x0  }
0xa6: {  	[sflag:s22] =	ssyncadd.s32 s4;
	_ =	sdelay $0x1  }
0xa7: {  	s23 =	simm.s32 $0x1B8B  }
0xa8: {  	_ =	swait.ge [sflag:s23], $0x1  }
0xa9: {  	[sflag:s23] =	ssyncset.done $0x0  }
0xaa: {  	s25 =	simm.s32 $0x1B8E;
	s24 =	sld [smem:$0x3FFE];
	[sflag:s23] =	ssyncadd.s32 $0xFFFFFFFF  }
0xab: {  	s26 =	simm.s32 $execute0_lowered;
	[smem:$0x3FD2] =	sst s25  }
0xac: {  	s5 =	sshll.u32 s26, $0x1;
	_ =	strace $0x80000049;
	[dreg:$0x1] =	wrdreg $0xFFFFFFFF  }
0xad: {  	s28 =	simm.s32 $_size_execute0_lowered;
	s3 =	sadd.s32 s3, s5;
	[dreg:$0x0] =	wrdreg $0x0  }
0xae: {  	s5 =	sshll.u32 s28, $0x1;
	[dreg:$0x2] =	wrdreg s3  }
0xaf: {  	[dreg:$0x3] =	wrdreg s5  }
0xb0: {  	[dreg:$0x4] =	wrdreg $0xC0  }
0xb1: {  	_ =	task [dreg:s7], $0x5FFFF  }
0xb2: {  	[dreg:$0x1] =	wrdreg $0xFFFFFFFF  }
0xb3: {  	[dreg:$0x0] =	wrdreg $0x60  }
0xb4: {  	[dreg:$0x2] =	wrdreg s24  }
0xb5: {  	[dreg:$0x3] =	wrdreg s16  }
0xb6: {  	[dreg:$0x4] =	wrdreg $0xB0000  }
0xb7: {  	[dreg:$0x5] =	wrdreg $0x9  }
0xb8: {  	_ =	task.clear_ibuf [dreg:s7], $0x6FFFF;
	_ =	strace $0x90000049  }
0xb9: {  	s29 =	simm.s32 $0x9;
	_ =	strace $0x8000004B  }
0xba: {  	_ =	swait.ge [sflag:s29], $0x1  }
0xbb: {  	[sflag:s29] =	ssyncadd.s32 $0xFFFFFFFF  }
0xbc: {  	_ =	strace $0x9000004B  }
0xbd: {  	_ =	sfence  }
0xbe: {  	s30 =	sld [smem:$0x0];
	_ =	sdelay $0x2  }
0xbf: {  	s31 =	sshll.u32 s1, $0xD;
	s1 =	sshrl.u32 s1, $0x2  }
0xc0: {  	s3 =	sand.u32 $0x4000, s31;
	s1 =	sadd.s32 s1, s30  }
0xc1: {  	s0 =	sor.u32 s3, s0;
	s1 =	sshll.u32 s1, $0x11  }
0xc2: {  	s0 =	sor.u32 s1, s0  }
0xc3: {  	s0 =	sadd.s32 $0x8F2B, s0  }
0xc4: {  	[sflag:s0] =	ssyncadd.remote.s32 $0x1  }
0xc5: {  	_ =	sfence.sel $0xFFFF  }
0xc6: {  	[dreg:$0x0] =	wrdreg $0xFFFFFFFF;
	(pc) =	sbr.abs _section_cstart, $3  }
0xc7: {  	[dreg:$0x1] =	wrdreg $0xFFFFFFFF  }
0xc8: {  	_ =	task.clear_ibuf [dreg:s7], $0x2FFFF;
	_ =	strace $0x9FFFFFFF  }
0xc9: {  	(tm) =	ssettm $0x7FFFFFFF  }
tec
execute0_lowered:
.L_overlay_start_1:
0x0: {  	(tag) =	ssettag $0x1  }
0x1: {  	s0 =	rddreg [dreg:$0x0]  }
0x2: {  	s2 =	rddreg [dreg:$0x1]  }
0x3: {  	s1 =	rddreg [dreg:$0x2];
	s3 =	simm.s32 $0x0;
	s25 =	srdreg.scid  }
0x4: {  	s11 =	stileid.u32;
	s15 =	simm.s32 $0x7;
	s17 =	simm.s32 $0x50  }
0x5: {  	s18 =	simm.s32 $0x1000;
	s20 =	simm.s32 $0x3800;
	s22 =	simm.s32 $0x6000  }
0x6: {  	s24 =	simm.s32 $0x8800;
	s30 =	simm.s32 $0x2;
	s16 =	simm.s32 $0x6  }
0x7: {  	s12 =	simm.s32 $0xB00;
	s13 =	simm.s32 $0xD80;
	s14 =	simm.s32 $0xF00  }
0x8: {  	s23 =	simm.s32 $0x0;
	[smem:$0x7FF] =	sst s3;
	s4 =	sadd.s32 $0x26C00, s0  }
0x9: {  	s3 =	sand.u32 $0x1, s25;
	s6 =	smul.u32 $0x4F000, s11;
	s5 =	sadd.s32 $0x4400, s0  }
0xa: {  	s0 =	sadd.s32 $0x24400, s0;
	s9 =	sshll.u32 s11, $0xF;
	s10 =	smul.u32 $0x13C00, s11  }
0xb: {  	s28 =	sshll.u32 s11, $0x6;
	s25 =	simm.s32 $0x800;
	_ =	strace $0x8000004A  }
0xc: {  	[dreg:$0x4] =	wrdreg s0;
	s26 =	ssub.s32 $0x2, s3;
	s8 =	smul.u32 $0x13C000, s3  }
0xd: {  	s3 =	sshll.u32 s3, $0x13;
	s19 =	sor.u32 $0x1C07, s28;
	s7 =	sshrl.u32 s26, $0x1  }
0xe: {  	s6 =	sshrl.u32 s6, $0x2;
	[dreg:$0x5] =	wrdreg s19;
	s0 =	ssub.s32 s26, s7  }
0xf: {  	s6 =	sadd.s32 s6, s1;
	s7 =	sor.u32 s9, s3;
	s8 =	sadd.s32 s10, s8  }
0x10: {  	s26 =	simm.s32 $0x1;
	s10 =	simm.s32 $0x4;
	s3 =	simm.s32 $0xF80  }
0x11: {  	s9 =	sshrl.u32 s7, $0x3;
	s29 =	sshrl.u32 s8, $0x3;
	s0 =	smax.u32 s0, $0x1  }
.Ltmp0:
0x12: {  	s21 =	sshrl.u32 s6, $0x3;
	[dreg:$0x9] =	wrdreg s0;
	(pc) =	sbr.rel .LBB2_1-.Ltmp0, $4  }
0x13: {  	s11 =	sor.u32 $0x800, s7;
	s9 =	sadd.s32 s5, s9;
	[dreg:$0xa] =	wrdreg s21  }
0x14: {  	s6 =	simm.s32 $0xD00;
	s2 =	sadd.s32 s2, s29;
	[dreg:$0x6] =	wrdreg s9  }
0x15: {  	s8 =	simm.s32 $0xE00;
	s31 =	sadd.s32 $0x100, s9;
	[dreg:$0x8] =	wrdreg s2  }
0x16: {  	s2 =	simm.s32 $0x3;
	s9 =	simm.s32 $0xB80;
	[dreg:$0x7] =	wrdreg s31  }
.LBB2_4:
0x17: {  	_ =	swait.ge [sflag:s10], $0x2800  }
0x18: {  	[sflag:s10] =	ssyncset.done $0x0  }
0x19: {  	[sflag:s10] =	ssyncadd.s32 $0xFFFFD800  }
0x1a: {  	[spmem:s1] =	stream.indirect.scatter.add.f32 [tilespmem:s24], [sflag:$0x7], $0x80, s3, s17, $0xb8;
	[tilespmem:$0x1EC00] =	vst v63  }
0x1b: {  	_ =	swait.ge [sflag:s15], $0x2800  }
0x1c: {  	[sflag:s15] =	ssyncset.done $0x0  }
0x1d: {  	[sflag:s15] =	ssyncadd.s32 $0xFFFFD800  }
0x1e: {  	[bflag:$0x0] =	sbarrier.arrive $0xFFFF  }
0x1f: {  	s19 =	rddreg [dreg:$0x5]  }
0x20: {  	s0 =	rddreg [dreg:$0x8]  }
0x21: {  	s21 =	rddreg [dreg:$0xa]  }
0x22: {  	[hbm:s0], [sflag:s19] =	dma.local [spmem:s21], $0x2780  }
0x23: {  	_ =	swait.ge [sflag:s15], $0x2780  }
0x24: {  	s23 =	rddreg [dreg:$0xb]  }
0x25: {  	s31 =	rddreg [dreg:$0x9];
	s23 =	sadd.s32 $0x1, s23  }
0x26: {  	p0 =	sne.s32 s23, s31  }
.Ltmp1:
0x27: {  	_ = 	snop;
	(pc) =	sbr.rel @!p0 .LBB2_5-.Ltmp1, $3  }
0x28: {  	_ =	sdelay $0x1  }
0x29: {  	[sflag:s15] =	ssyncset.done $0x0  }
0x2a: {  	[sflag:s15] =	ssyncadd.s32 $0xFFFFD880  }
.LBB2_1:
0x2b: {  	[dreg:$0xb] =	wrdreg s23  }
0x2c: {  	s0 =	rddreg [dreg:$0x4]  }
0x2d: {  	[spmem:s21], [sflag:s19] =	dma.local [hbm:s0], $0x2780  }
0x2e: {  	_ =	swait.ge [sflag:s15], $0x2780  }
0x2f: {  	[sflag:s15] =	ssyncset.done $0x0  }
0x30: {  	[sflag:s15] =	ssyncadd.s32 $0xFFFFD880  }
0x31: {  	[bflag:$0x0] =	sbarrier.arrive $0xFFFF  }
0x32: {  	s0 =	simm.s32 $0x0;
	s21 =	simm.s32 $0x5;
	s31 =	rddreg [dreg:$0x6]  }
0x33: {  	[tilespmem:s0], [sflag:$0x5] =	stream.linear.gather [hbm4b:s31+s0], $0x800, $0x38;
	[tilespmem:$0x1EC00] =	vst v63  }
0x34: {  	_ =	swait.ge [sflag:s21], $0x800  }
0x35: {  	[sflag:s21] =	ssyncset.done $0x0  }
0x36: {  	[sflag:s21] =	ssyncadd.s32 $0xFFFFF800  }
0x37: {  	[tilespmem:s18], [sflag:$0x1] =	stream.indirect.gather [hbm4b:s4+s17], $0x80, s0, s17, $0xb8;
	[tilespmem:$0x1EC00] =	vst v63  }
0x38: {  	s23 =	simm.s32 $0x80  }
0x39: {  	[tilespmem:s20], [sflag:$0x2] =	stream.indirect.gather [hbm4b:s4+s17], $0x80, s23, s17, $0xb8;
	[tilespmem:$0x1EC00] =	vst v63  }
0x3a: {  	s28 =	simm.s32 $0x100  }
0x3b: {  	[tilespmem:s22], [sflag:$0x3] =	stream.indirect.gather [hbm4b:s4+s17], $0x80, s28, s17, $0xb8;
	[tilespmem:$0x1EC00] =	vst v63  }
0x3c: {  	s29 =	simm.s32 $0x180  }
0x3d: {  	[tilespmem:s24], [sflag:$0x4] =	stream.indirect.gather [hbm4b:s4+s17], $0x80, s29, s17, $0xb8;
	[tilespmem:$0x1EC00] =	vst v63  }
0x3e: {  	s19 =	simm.s32 $0x0;
	s31 =	rddreg [dreg:$0x7];
	s21 =	simm.s32 $0x0  }
0x3f: {  	[tilespmem:s25], [sflag:$0x6] =	stream.linear.gather [hbm4b:s31+s0], $0x800, $0x38;
	[tilespmem:$0x1EC00] =	vst v63  }
.LBB2_2:
0x40: {  	_ =	swait.ge [sflag:s26], $0x2800  }
0x41: {  	[sflag:s26] =	ssyncset.done $0x0  }
0x42: {  	s0 =	simm.s32 $0x400;
	[sflag:s26] =	ssyncadd.s32 $0xFFFFD800  }
0x43: {  	[spmem:s1] =	stream.indirect.scatter.add.f32 [tilespmem:s18], [sflag:$0x7], $0x80, s0, s17, $0xb8;
	[tilespmem:$0x1EC00] =	vst v63  }
0x44: {  	_ =	swait.ge [sflag:s15], $0x2800  }
0x45: {  	[sflag:s15] =	ssyncset.done $0x0  }
0x46: {  	s29 =	simm.s32 $0x200;
	[sflag:s15] =	ssyncadd.s32 $0xFFFFD800  }
0x47: {  	[tilespmem:s18], [sflag:$0x1] =	stream.indirect.gather [hbm4b:s4+s17], $0x80, s29, s17, $0xb8;
	[tilespmem:$0x1EC00] =	vst v63  }
0x48: {  	_ =	swait.ge [sflag:s30], $0x2800  }
0x49: {  	[sflag:s30] =	ssyncset.done $0x0  }
0x4a: {  	s31 =	simm.s32 $0x480;
	[sflag:s30] =	ssyncadd.s32 $0xFFFFD800  }
0x4b: {  	[spmem:s1] =	stream.indirect.scatter.add.f32 [tilespmem:s20], [sflag:$0x7], $0x80, s31, s17, $0xb8;
	[tilespmem:$0x1EC00] =	vst v63  }
0x4c: {  	_ =	swait.ge [sflag:s15], $0x2800  }
0x4d: {  	[sflag:s15] =	ssyncset.done $0x0  }
0x4e: {  	s23 =	simm.s32 $0x280;
	[sflag:s15] =	ssyncadd.s32 $0xFFFFD800  }
0x4f: {  	[tilespmem:s20], [sflag:$0x2] =	stream.indirect.gather [hbm4b:s4+s17], $0x80, s23, s17, $0xb8;
	[tilespmem:$0x1EC00] =	vst v63  }
0x50: {  	_ =	swait.ge [sflag:s2], $0x2800  }
0x51: {  	[sflag:s2] =	ssyncset.done $0x0  }
0x52: {  	s28 =	simm.s32 $0x500;
	[sflag:s2] =	ssyncadd.s32 $0xFFFFD800  }
0x53: {  	[spmem:s1] =	stream.indirect.scatter.add.f32 [tilespmem:s22], [sflag:$0x7], $0x80, s28, s17, $0xb8;
	[tilespmem:$0x1EC00] =	vst v63  }
0x54: {  	_ =	swait.ge [sflag:s15], $0x2800  }
0x55: {  	[sflag:s15] =	ssyncset.done $0x0  }
0x56: {  	s29 =	simm.s32 $0x300;
	[sflag:s15] =	ssyncadd.s32 $0xFFFFD800  }
0x57: {  	[tilespmem:s22], [sflag:$0x3] =	stream.indirect.gather [hbm4b:s4+s17], $0x80, s29, s17, $0xb8;
	[tilespmem:$0x1EC00] =	vst v63  }
0x58: {  	_ =	swait.ge [sflag:s10], $0x2800  }
0x59: {  	[sflag:s10] =	ssyncset.done $0x0  }
0x5a: {  	s31 =	simm.s32 $0x580;
	[sflag:s10] =	ssyncadd.s32 $0xFFFFD800  }
0x5b: {  	[spmem:s1] =	stream.indirect.scatter.add.f32 [tilespmem:s24], [sflag:$0x7], $0x80, s31, s17, $0xb8;
	[tilespmem:$0x1EC00] =	vst v63  }
0x5c: {  	_ =	swait.ge [sflag:s15], $0x2800  }
0x5d: {  	[sflag:s15] =	ssyncset.done $0x0  }
0x5e: {  	s23 =	simm.s32 $0x380;
	[sflag:s15] =	ssyncadd.s32 $0xFFFFD800  }
0x5f: {  	[tilespmem:s24], [sflag:$0x4] =	stream.indirect.gather [hbm4b:s4+s17], $0x80, s23, s17, $0xb8;
	[tilespmem:$0x1EC00] =	vst v63  }
0x60: {  	_ =	swait.ge [sflag:s26], $0x2800  }
0x61: {  	[sflag:s26] =	ssyncset.done $0x0  }
0x62: {  	s28 =	simm.s32 $0x600;
	[sflag:s26] =	ssyncadd.s32 $0xFFFFD800  }
0x63: {  	[spmem:s1] =	stream.indirect.scatter.add.f32 [tilespmem:s18], [sflag:$0x7], $0x80, s28, s17, $0xb8;
	[tilespmem:$0x1EC00] =	vst v63  }
0x64: {  	_ =	swait.ge [sflag:s15], $0x2800  }
0x65: {  	[sflag:s15] =	ssyncset.done $0x0  }
0x66: {  	[sflag:s15] =	ssyncadd.s32 $0xFFFFD800  }
0x67: {  	_ =	swait.ge [sflag:s16], $0x800  }
0x68: {  	[sflag:s16] =	ssyncset.done $0x0  }
0x69: {  	[sflag:s16] =	ssyncadd.s32 $0xFFFFF800  }
0x6a: {  	[tilespmem:s18], [sflag:$0x1] =	stream.indirect.gather [hbm4b:s4+s17], $0x80, s25, s17, $0xb8;
	[tilespmem:$0x1EC00] =	vst v63  }
0x6b: {  	_ =	swait.ge [sflag:s30], $0x2800  }
0x6c: {  	[sflag:s30] =	ssyncset.done $0x0  }
0x6d: {  	s29 =	simm.s32 $0x680;
	[sflag:s30] =	ssyncadd.s32 $0xFFFFD800  }
0x6e: {  	[spmem:s1] =	stream.indirect.scatter.add.f32 [tilespmem:s20], [sflag:$0x7], $0x80, s29, s17, $0xb8;
	[tilespmem:$0x1EC00] =	vst v63  }
0x6f: {  	_ =	swait.ge [sflag:s15], $0x2800  }
0x70: {  	[sflag:s15] =	ssyncset.done $0x0  }
0x71: {  	s31 =	simm.s32 $0x880;
	[sflag:s15] =	ssyncadd.s32 $0xFFFFD800  }
0x72: {  	[tilespmem:s20], [sflag:$0x2] =	stream.indirect.gather [hbm4b:s4+s17], $0x80, s31, s17, $0xb8;
	[tilespmem:$0x1EC00] =	vst v63  }
0x73: {  	_ =	swait.ge [sflag:s2], $0x2800  }
0x74: {  	[sflag:s2] =	ssyncset.done $0x0  }
0x75: {  	s23 =	simm.s32 $0x700;
	[sflag:s2] =	ssyncadd.s32 $0xFFFFD800  }
0x76: {  	[spmem:s1] =	stream.indirect.scatter.add.f32 [tilespmem:s22], [sflag:$0x7], $0x80, s23, s17, $0xb8;
	[tilespmem:$0x1EC00] =	vst v63  }
0x77: {  	_ =	swait.ge [sflag:s15], $0x2800  }
0x78: {  	[sflag:s15] =	ssyncset.done $0x0  }
0x79: {  	s28 =	simm.s32 $0x900;
	[sflag:s15] =	ssyncadd.s32 $0xFFFFD800  }
0x7a: {  	[tilespmem:s22], [sflag:$0x3] =	stream.indirect.gather [hbm4b:s4+s17], $0x80, s28, s17, $0xb8;
	[tilespmem:$0x1EC00] =	vst v63  }
0x7b: {  	_ =	swait.ge [sflag:s10], $0x2800  }
0x7c: {  	p0 =	seq.s32 s21, $0xE;
	s23 =	smin.u32 s21, $0xD;
	[sflag:s10] =	ssyncset.done $0x0  }
0x7d: {  	s29 =	simm.s32 $0x780;
	s23 =	sadd.s32 $0x2, s23;
	[sflag:s10] =	ssyncadd.s32 $0xFFFFD800  }
0x7e: {  	[spmem:s1] =	stream.indirect.scatter.add.f32 [tilespmem:s24], [sflag:$0x7], $0x80, s29, s17, $0xb8;
	[tilespmem:$0x1EC00] =	vst v63  }
0x7f: {  	s28 =	sshll.u32 @!p0 s23, $0xB;
	_ =	swait.ge [sflag:s15], $0x2800  }
0x80: {  	s28 =	sadd.s32 @!p0 s7, s28;
	[sflag:s15] =	ssyncset.done $0x0  }
0x81: {  	s31 =	simm.s32 $0x980;
	s28 =	sshrl.u32 @!p0 s28, $0x3;
	[sflag:s15] =	ssyncadd.s32 $0xFFFFD800  }
0x82: {  	[tilespmem:s24], [sflag:$0x4] =	stream.indirect.gather [hbm4b:s4+s17], $0x80, s31, s17, $0xb8;
	[tilespmem:$0x1EC00] =	vst v63  }
0x83: {  	s28 =	sadd.s32 @!p0 s5, s28;
	s29 =	simm.s32 @!p0 $0x0  }
0x84: {  	[tilespmem:s29], [sflag:$0x5] =	stream.linear.gather @!p0 [hbm4b:s28+s29], $0x800, $0x38;
	[tilespmem:$0x1EC00] =	vst v63  }
0x85: {  	_ =	swait.ge [sflag:s26], $0x2800  }
0x86: {  	[sflag:s26] =	ssyncset.done $0x0  }
0x87: {  	s28 =	simm.s32 $0xC00;
	[sflag:s26] =	ssyncadd.s32 $0xFFFFD800  }
0x88: {  	[spmem:s1] =	stream.indirect.scatter.add.f32 [tilespmem:s18], [sflag:$0x7], $0x80, s28, s17, $0xb8;
	[tilespmem:$0x1EC00] =	vst v63  }
0x89: {  	_ =	swait.ge [sflag:s15], $0x2800  }
0x8a: {  	[sflag:s15] =	ssyncset.done $0x0  }
0x8b: {  	s31 =	simm.s32 $0xA00;
	[sflag:s15] =	ssyncadd.s32 $0xFFFFD800  }
0x8c: {  	[tilespmem:s18], [sflag:$0x1] =	stream.indirect.gather [hbm4b:s4+s17], $0x80, s31, s17, $0xb8;
	[tilespmem:$0x1EC00] =	vst v63  }
0x8d: {  	_ =	swait.ge [sflag:s30], $0x2800  }
0x8e: {  	[sflag:s30] =	ssyncset.done $0x0  }
0x8f: {  	s28 =	simm.s32 $0xC80;
	[sflag:s30] =	ssyncadd.s32 $0xFFFFD800  }
0x90: {  	[spmem:s1] =	stream.indirect.scatter.add.f32 [tilespmem:s20], [sflag:$0x7], $0x80, s28, s17, $0xb8;
	[tilespmem:$0x1EC00] =	vst v63  }
0x91: {  	_ =	swait.ge [sflag:s15], $0x2800  }
0x92: {  	[sflag:s15] =	ssyncset.done $0x0  }
0x93: {  	s31 =	simm.s32 $0xA80;
	[sflag:s15] =	ssyncadd.s32 $0xFFFFD800  }
0x94: {  	[tilespmem:s20], [sflag:$0x2] =	stream.indirect.gather [hbm4b:s4+s17], $0x80, s31, s17, $0xb8;
	[tilespmem:$0x1EC00] =	vst v63  }
0x95: {  	_ =	swait.ge [sflag:s2], $0x2800  }
0x96: {  	[sflag:s2] =	ssyncset.done $0x0  }
0x97: {  	[sflag:s2] =	ssyncadd.s32 $0xFFFFD800  }
0x98: {  	[spmem:s1] =	stream.indirect.scatter.add.f32 [tilespmem:s22], [sflag:$0x7], $0x80, s6, s17, $0xb8;
	[tilespmem:$0x1EC00] =	vst v63  }
0x99: {  	_ =	swait.ge [sflag:s15], $0x2800  }
0x9a: {  	[sflag:s15] =	ssyncset.done $0x0  }
0x9b: {  	[sflag:s15] =	ssyncadd.s32 $0xFFFFD800  }
0x9c: {  	[tilespmem:s22], [sflag:$0x3] =	stream.indirect.gather [hbm4b:s4+s17], $0x80, s12, s17, $0xb8;
	[tilespmem:$0x1EC00] =	vst v63  }
0x9d: {  	_ =	swait.ge [sflag:s10], $0x2800  }
0x9e: {  	[sflag:s10] =	ssyncset.done $0x0  }
0x9f: {  	[sflag:s10] =	ssyncadd.s32 $0xFFFFD800  }
0xa0: {  	[spmem:s1] =	stream.indirect.scatter.add.f32 [tilespmem:s24], [sflag:$0x7], $0x80, s13, s17, $0xb8;
	[tilespmem:$0x1EC00] =	vst v63  }
0xa1: {  	_ =	swait.ge [sflag:s15], $0x2800  }
0xa2: {  	[sflag:s15] =	ssyncset.done $0x0  }
0xa3: {  	[sflag:s15] =	ssyncadd.s32 $0xFFFFD800  }
0xa4: {  	[tilespmem:s24], [sflag:$0x4] =	stream.indirect.gather [hbm4b:s4+s17], $0x80, s9, s17, $0xb8;
	[tilespmem:$0x1EC00] =	vst v63  }
0xa5: {  	_ =	swait.ge [sflag:s26], $0x2800  }
0xa6: {  	[sflag:s26] =	ssyncset.done $0x0  }
0xa7: {  	[sflag:s26] =	ssyncadd.s32 $0xFFFFD800  }
0xa8: {  	[spmem:s1] =	stream.indirect.scatter.add.f32 [tilespmem:s18], [sflag:$0x7], $0x80, s8, s17, $0xb8;
	[tilespmem:$0x1EC00] =	vst v63  }
0xa9: {  	_ =	swait.ge [sflag:s15], $0x2800  }
0xaa: {  	[sflag:s15] =	ssyncset.done $0x0  }
0xab: {  	s28 =	simm.s32 @p0 $0x2;
	[sflag:s15] =	ssyncadd.s32 $0xFFFFD800  }
0xac: {  	_ =	swait.ge @p0 [sflag:s28], $0x2800  }
0xad: {  	s0 =	simm.s32 @p0 $0x3800;
	[sflag:s28] =	ssyncset.done @p0 $0x0  }
0xae: {  	s31 =	simm.s32 @p0 $0xE80;
	[sflag:s28] =	ssyncadd.s32 @p0 $0xFFFFD800;
	s28 =	simm.s32 @p0 $0x50  }
0xaf: {  	[spmem:s1] =	stream.indirect.scatter.add.f32 @p0 [tilespmem:s0], [sflag:$0x7], $0x80, s31, s28, $0xb8;
	[tilespmem:$0x1EC00] =	vst v63  }
0xb0: {  	s0 =	simm.s32 @p0 $0x7  }
0xb1: {  	_ =	swait.ge @p0 [sflag:s0], $0x2800  }
0xb2: {  	[sflag:s0] =	ssyncset.done @p0 $0x0  }
0xb3: {  	[sflag:s0] =	ssyncadd.s32 @p0 $0xFFFFD800;
	s0 =	simm.s32 @!p0 $0x5  }
0xb4: {  	_ =	swait.ge @!p0 [sflag:s0], $0x800  }
0xb5: {  	[sflag:s0] =	ssyncset.done @!p0 $0x0  }
0xb6: {  	s28 =	simm.s32 @!p0 $0x1000;
	[sflag:s0] =	ssyncadd.s32 @!p0 $0xFFFFF800;
	s0 =	simm.s32 @!p0 $0x50  }
0xb7: {  	[tilespmem:s28], [sflag:$0x1] =	stream.indirect.gather @!p0 [hbm4b:s4+s0], $0x80, s29, s0, $0xb8;
	[tilespmem:$0x1EC00] =	vst v63  }
0xb8: {  	s28 =	simm.s32 @!p0 $0x2  }
0xb9: {  	_ =	swait.ge @!p0 [sflag:s28], $0x2800  }
0xba: {  	[sflag:s28] =	ssyncset.done @!p0 $0x0  }
0xbb: {  	s29 =	simm.s32 @!p0 $0x3800;
	[sflag:s28] =	ssyncadd.s32 @!p0 $0xFFFFD800;
	s28 =	simm.s32 @!p0 $0xE80  }
0xbc: {  	[spmem:s1] =	stream.indirect.scatter.add.f32 @!p0 [tilespmem:s29], [sflag:$0x7], $0x80, s28, s0, $0xb8;
	[tilespmem:$0x1EC00] =	vst v63  }
0xbd: {  	s28 =	simm.s32 @!p0 $0x7  }
0xbe: {  	_ =	swait.ge @!p0 [sflag:s28], $0x2800  }
0xbf: {  	[sflag:s28] =	ssyncset.done @!p0 $0x0  }
0xc0: {  	[sflag:s28] =	ssyncadd.s32 @!p0 $0xFFFFD800;
	s28 =	simm.s32 @!p0 $0x80  }
0xc1: {  	[tilespmem:s29], [sflag:$0x2] =	stream.indirect.gather @!p0 [hbm4b:s4+s0], $0x80, s28, s0, $0xb8;
	[tilespmem:$0x1EC00] =	vst v63  }
0xc2: {  	_ =	swait.ge [sflag:s2], $0x2800  }
0xc3: {  	[sflag:s2] =	ssyncset.done $0x0  }
.Ltmp2:
0xc4: {  	[sflag:s2] =	ssyncadd.s32 $0xFFFFD800;
	(pc) =	sbr.rel @p0 .LBB2_4-.Ltmp2, $4  }
0xc5: {  	[spmem:s1] =	stream.indirect.scatter.add.f32 [tilespmem:s22], [sflag:$0x7], $0x80, s14, s17, $0xb8;
	[tilespmem:$0x1EC00] =	vst v63  }
0xc6: {  	_ =	swait.ge [sflag:s15], $0x2800  }
0xc7: {  	[sflag:s15] =	ssyncset.done $0x0  }
0xc8: {  	[sflag:s15] =	ssyncadd.s32 $0xFFFFD800  }
0xc9: {  	s0 =	simm.s32 $0x100  }
0xca: {  	[tilespmem:s22], [sflag:$0x3] =	stream.indirect.gather [hbm4b:s4+s17], $0x80, s0, s17, $0xb8;
	[tilespmem:$0x1EC00] =	vst v63  }
0xcb: {  	_ =	swait.ge [sflag:s10], $0x2800  }
0xcc: {  	[sflag:s10] =	ssyncset.done $0x0  }
0xcd: {  	[sflag:s10] =	ssyncadd.s32 $0xFFFFD800  }
0xce: {  	[spmem:s1] =	stream.indirect.scatter.add.f32 [tilespmem:s24], [sflag:$0x7], $0x80, s3, s17, $0xb8;
	[tilespmem:$0x1EC00] =	vst v63  }
0xcf: {  	s31 =	sshll.u32 s23, $0xB;
	_ =	swait.ge [sflag:s15], $0x2800  }
.Ltmp3:
0xd0: {  	s0 =	sadd.s32 s31, s11;
	[sflag:s15] =	ssyncset.done $0x0;
	(pc) =	sbr.rel .LBB2_2-.Ltmp3, $4  }
0xd1: {  	s29 =	simm.s32 $0x180;
	s0 =	sshrl.u32 s0, $0x3;
	[sflag:s15] =	ssyncadd.s32 $0xFFFFD800  }
0xd2: {  	[tilespmem:s24], [sflag:$0x4] =	stream.indirect.gather [hbm4b:s4+s17], $0x80, s29, s17, $0xb8;
	[tilespmem:$0x1EC00] =	vst v63  }
0xd3: {  	s21 =	sadd.s32 $0x2, s21;
	s0 =	sadd.s32 s5, s0  }
0xd4: {  	[tilespmem:s25], [sflag:$0x6] =	stream.linear.gather [hbm4b:s0+s19], $0x800, $0x38;
	[tilespmem:$0x1EC00] =	vst v63  }
.LBB2_5:
0xd5: {  	_ =	sfence.sel $0x180000  }
0xd6: {  	[bflag:$0x0] =	sbarrier.arrive $0xFFFF  }
0xd7: {  	_ =	strace $0x9000004A  }
0xd8: {  	s0 =	stileid.u32;
	[bflag:$0x2] =	sbarrier.arrive $0xFFFF  }
0xd9: {  	p0 =	sne.s32 s0, $0x0;
	s0 =	rddreg [dreg:$0x3]  }
0xda: {  	s0 =	sadd.s32 @!p0 $0x100000, s0  }
0xdb: {  	[sflag:s0] =	ssyncadd.tile.s32 @!p0 $0x1;
	_ =	shalt  }
.Lfunc_end2:
_tile_overlayer_lowered:
.L_overlay_start_2:
0xdc: {  	(tag) =	ssettag $0x2  }
0xdd: {  	s0 =	rddreg [dreg:$0x0];
	s2 =	stileid.u32  }
0xde: {  	s1 =	rddreg [dreg:$0x1];
	p0 =	sne.s32 s2, $0x0  }
0xdf: {  	s3 =	rddreg [dreg:$0x2];
	[bflag:$0x3] =	sbarrier.arrive $0xFFFF;
	s2 =	simm.s32 @!p0 $0x1C07  }
0xe0: {  	[timem:s3], [sflag:s2] =	dma.local @!p0 [hbm:s0], s1  }
0xe1: {  	s0 =	simm.s32 @!p0 $0x7  }
0xe2: {  	_ =	swait.ge @!p0 [sflag:s0], s1  }
0xe3: {  	s1 =	ssub.s32 @!p0 $0x0, s1;
	[sflag:s0] =	ssyncset.done @!p0 $0x0  }
0xe4: {  	[sflag:s0] =	ssyncadd.s32 @!p0 s1  }
0xe5: {  	[bflag:$0x3] =	sbarrier.arrive $0xFFFF  }
0xe6: {  	_ =	shalt  }

// kernel: kernel.14.cloned.1.call-start
scs
__scs_entry_jumppad:
0x0: {  	(pc) =	sbr.rel $0x88, $3  }
0x1: {  	(tag) =	ssettag $0x0;
	lr =	simm.s32 $0x1  }
0x2: {  	[smem:$0x3F8C] =	sst lr;
	_ =	strace $0xD0000000  }
0x3: {  	_ = 	snop  }
0x4: {  	_ = 	snop  }
0x5: {  	_ = 	snop  }
0x6: {  	_ = 	snop  }
0x7: {  	_ = 	snop  }
__scs_overlays_trampoline_lowered:
0x8: {  	[smem:$0x3F9B] =	sst s0  }
0x9: {  	[smem:$0x3F9C] =	sst s1  }
0xa: {  	[smem:$0x3F9D] =	sst s2  }
0xb: {  	[smem:$0x3F9E] =	sst s3  }
0xc: {  	[smem:$0x3F9F] =	sst s4  }
0xd: {  	[smem:$0x3FA0] =	sst s5  }
0xe: {  	[smem:$0x3FA1] =	sst s6  }
0xf: {  	[smem:$0x3FA2] =	sst s7  }
0x10: {  	[smem:$0x3FA3] =	sst s8  }
0x11: {  	[smem:$0x3FA4] =	sst s9;
	s0 =	simm.s32 @!p0 $0x0  }
0x12: {  	s1 =	sld [smem:$0x3F8A];
	s0 =	simm.s32 @p0 $0x1  }
0x13: {  	[smem:$0x3FA5] =	sst s0;
	s0 =	simm.s32 @!p1 $0x0  }
0x14: {  	s2 =	sld [smem:$0x3F89];
	s0 =	simm.s32 @p1 $0x1  }
0x15: {  	[smem:$0x3FA6] =	sst s0;
	s0 =	simm.s32 @!p2 $0x0  }
0x16: {  	s3 =	sld [smem:$0x3FDB];
	s0 =	simm.s32 @p2 $0x1  }
0x17: {  	s4 =	simm.s32 $0x1BF5;
	[smem:$0x3FA8] =	sst s0  }
0x18: {  	s0 =	sld [smem:$0x3F8B];
	_ =	swait.ge [sflag:s4], $0x0  }
0x19: {  	s7 =	sld [smem:$0x3F8C]  }
0x1a: {  	s8 =	sadd.s32 $0xFFFFE003, lr  }
0x1b: {  	s9 =	sadd.s32 $0xFFFFFEF7, lr;
	s5 =	simm.s32 $0xFFFFFFFF;
	p2 =	slt.u32 s8, $0xFFFFF086  }
0x1c: {  	p1 =	slt.u32 s9, $0xF7A;
	s5 =	simm.s32 @!p2 $0x0  }
0x1d: {  	s5 =	simm.s32 @p1 $0x1;
	p0 =	seq.s32 s7, s2  }
0x1e: {  	s7 =	smul.u32 @!p0 $0xF7A, s2;
	p2 =	seq.s32 @!p0 s5, $0x0  }
0x1f: {  	s9 =	smul.u32 $0xF7A, s1;
	s8 =	simm.s32 @!p0 $0x1BF5;
	p2 =	por !p2, p0  }
0x20: {  	[sflag:s8] =	ssyncset.s32 @!p0 $0xFFFFF086;
	s6 =	sadd.s32 @!p0 s3, s7;
	s7 =	simm.s32 @!p0 $0x108  }
0x21: {  	s3 =	sadd.s32 s3, s9;
	s6 =	sadd.s32 @!p0 $0x88, s6;
	s7 =	simm.s32 @p2 $0x1082  }
0x22: {  	[simem:s7], [sflag:s8] =	dma.local @!p0 [hbm:s6], $0xF7A  }
0x23: {  	s9 =	sor.u32 $0xD0000000, s2;
	s6 =	simm.s32 $0x108;
	_ =	swait.ge @!p0 [sflag:s8], $0x0  }
0x24: {  	s3 =	sadd.s32 $0x88, s3;
	s6 =	simm.s32 @!p1 $0x1082;
	[sflag:s4] =	ssyncset.s32 $0xFFFFF086  }
0x25: {  	[simem:s6], [sflag:s4] =	dma.local [hbm:s3], $0xF7A  }
0x26: {  	[smem:$0x3F8C] =	sst s1;
	(tag) =	ssettag s2;
	_ =	strace s9  }
0x27: {  	s1 =	sld [smem:$0x3F9C]  }
0x28: {  	s2 =	sld [smem:$0x3F9D]  }
0x29: {  	s4 =	sld [smem:$0x3F9F]  }
0x2a: {  	p0 =	seq.s32 s5, $0x0;
	s5 =	sld [smem:$0x3FA0]  }
0x2b: {  	s6 =	sld [smem:$0x3FA1]  }
0x2c: {  	s7 =	sld [smem:$0x3FA2]  }
0x2d: {  	s3 =	simm.s32 $0x108;
	s8 =	sld [smem:$0x3FA3]  }
0x2e: {  	s3 =	simm.s32 @!p0 $0x1082;
	s9 =	sld [smem:$0x3FA4]  }
0x2f: {  	lr =	sadd.s32 s0, s3;
	s0 =	sld [smem:$0x3F9B]  }
0x30: {  	s3 =	sld [smem:$0x3F9E]  }
0x31: {  	[smem:$0x3FA7] =	sst s10  }
0x32: {  	s10 =	sld [smem:$0x3FA5];
	_ =	sdelay $0x3  }
0x33: {  	p0 =	seq.s32 s10, $0x1;
	s10 =	sld [smem:$0x3FA7];
	_ =	sdelay $0x3  }
0x34: {  	[smem:$0x3FA7] =	sst s10  }
0x35: {  	s10 =	sld [smem:$0x3FA6];
	_ =	sdelay $0x3  }
0x36: {  	p1 =	seq.s32 s10, $0x1;
	s10 =	sld [smem:$0x3FA7];
	_ =	sdelay $0x3  }
0x37: {  	[smem:$0x3FA7] =	sst s10  }
0x38: {  	s10 =	sld [smem:$0x3FA8]  }
0x39: {  	_ = 	snop;
	(pc) =	sbr.ind lr, $3  }
0x3a: {  	_ = 	snop  }
0x3b: {  	_ = 	snop  }
0x3c: {  	p2 =	seq.s32 s10, $0x1;
	s10 =	sld [smem:$0x3FA7]  }
0x3d: {  	_ =	shalt  }
0x3e: {  	_ =	shalt  }
0x3f: {  	_ =	shalt  }
0x40: {  	_ =	shalt  }
0x41: {  	_ =	shalt  }
0x42: {  	_ =	shalt  }
0x43: {  	_ =	shalt  }
0x44: {  	_ =	shalt  }
0x45: {  	_ =	shalt  }
0x46: {  	_ =	shalt  }
0x47: {  	_ =	shalt  }
0x48: {  	_ =	shalt  }
0x49: {  	_ =	shalt  }
0x4a: {  	_ =	shalt  }
0x4b: {  	_ =	shalt  }
0x4c: {  	_ =	shalt  }
0x4d: {  	_ =	shalt  }
0x4e: {  	_ =	shalt  }
0x4f: {  	_ =	shalt  }
0x50: {  	_ =	shalt  }
0x51: {  	_ =	shalt  }
0x52: {  	_ =	shalt  }
0x53: {  	_ =	shalt  }
0x54: {  	_ =	shalt  }
0x55: {  	_ =	shalt  }
0x56: {  	_ =	shalt  }
0x57: {  	_ =	shalt  }
0x58: {  	_ =	shalt  }
0x59: {  	_ =	shalt  }
0x5a: {  	_ =	shalt  }
0x5b: {  	_ =	shalt  }
0x5c: {  	_ =	shalt  }
0x5d: {  	_ =	shalt  }
0x5e: {  	_ =	shalt  }
0x5f: {  	_ =	shalt  }
0x60: {  	_ =	shalt  }
0x61: {  	_ =	shalt  }
0x62: {  	_ =	shalt  }
0x63: {  	_ =	shalt  }
0x64: {  	_ =	shalt  }
0x65: {  	_ =	shalt  }
0x66: {  	_ =	shalt  }
0x67: {  	_ =	shalt  }
0x68: {  	_ =	shalt  }
0x69: {  	_ =	shalt  }
0x6a: {  	_ =	shalt  }
0x6b: {  	_ =	shalt  }
0x6c: {  	_ =	shalt  }
0x6d: {  	_ =	shalt  }
0x6e: {  	_ =	shalt  }
0x6f: {  	_ =	shalt  }
0x70: {  	_ =	shalt  }
0x71: {  	_ =	shalt  }
0x72: {  	_ =	shalt  }
0x73: {  	_ =	shalt  }
0x74: {  	_ =	shalt  }
0x75: {  	_ =	shalt  }
0x76: {  	_ =	shalt  }
0x77: {  	_ =	shalt  }
0x78: {  	_ =	shalt  }
0x79: {  	_ =	shalt  }
0x7a: {  	_ =	shalt  }
0x7b: {  	_ =	shalt  }
0x7c: {  	_ =	shalt  }
0x7d: {  	_ =	shalt  }
0x7e: {  	_ =	shalt  }
0x7f: {  	_ =	shalt  }
0x80: {  	_ =	shalt  }
0x81: {  	_ =	shalt  }
0x82: {  	_ =	shalt  }
0x83: {  	_ =	shalt  }
0x84: {  	_ =	shalt  }
0x85: {  	_ =	shalt  }
0x86: {  	_ =	shalt  }
0x87: {  	_ =	shalt  }
.Lfunc_end0:
.L_simem_size_0:
called_computation.2_lowered:
.L_overlay_start_0:
0x88: {  	s2 =	sld [smem:$0x3FD9]  }
0x89: {  	s3 =	sld [smem:$0x3FFE];
	_ =	sdelay $0x1  }
0x8a: {  	s1 =	srdreg.scid  }
0x8b: {  	s0 =	sand.u32 $0x1, s1  }
0x8c: {  	s14 =	sshll.u32 s0, $0xA;
	s2 =	sadd.s32 s3, s2  }
0x8d: {  	s2 =	sadd.s32 s2, s14  }
0x8e: {  	[smem:$0x3FB3] =	sst s2  }
0x8f: {  	_ = 	snop  }
0x90: {  	s2 =	sld [smem:$0x3FD0];
	_ =	sdelay $0x2  }
0x91: {  	s15 =	simm.s32 $0xA;
	s4 =	simm.s32 $0x10  }
0x92: {  	[smem:s4], [sflag:s15] =	dma.local [hbm:s2], $0x1  }
0x93: {  	_ =	swait.eq [sflag:s15], $0x1  }
0x94: {  	[sflag:s15] =	ssyncset.done $0x0  }
0x95: {  	[sflag:s15] =	ssyncadd.s32 $0xFFFFFFFF  }
0x96: {  	s16 =	sld [smem:$0x10];
	(tm) =	ssettm $0x1  }
0x97: {  	s17 =	sld [smem:$0x3FFB];
	_ =	sdelay $0x3  }
0x98: {  	_ =	strace s17  }
0x99: {  	s3 =	sld [smem:$0x3FFC];
	_ =	sdelay $0x3  }
0x9a: {  	_ =	strace s3  }
0x9b: {  	s3 =	sld [smem:$0x3FFD];
	_ =	sdelay $0x3  }
0x9c: {  	_ =	strace s3  }
0x9d: {  	_ =	strace $0x8FFFFFFF  }
0x9e: {  	s18 =	sld [smem:$0x3FDB];
	_ =	sdelay $0x1  }
0x9f: {  	s19 =	simm.s32 $_scs_section_size  }
0xa0: {  	s5 =	simm.s32 $_size__tile_overlayer_lowered;
	s6 =	simm.s32 $_tile_overlayer_lowered  }
0xa1: {  	s22 =	simm.s32 $0x1BFF;
	s21 =	sshll.u32 s6, $0x1;
	s3 =	sadd.s32 s19, s18  }
0xa2: {  	s7 =	simm.s32 $0x0;
	s20 =	sshll.u32 s5, $0x1;
	s5 =	sadd.s32 s21, s3  }
0xa3: {  	[timem:s7], [sflag:s22] =	dma.local [hbm:s5], s20  }
0xa4: {  	_ =	swait.ge [sflag:s22], s20  }
0xa5: {  	s4 =	ssub.s32 $0x0, s20;
	[sflag:s22] =	ssyncset.done $0x0  }
0xa6: {  	[sflag:s22] =	ssyncadd.s32 s4;
	_ =	sdelay $0x1  }
0xa7: {  	s23 =	simm.s32 $0x1B8B  }
0xa8: {  	_ =	swait.ge [sflag:s23], $0x1  }
0xa9: {  	[sflag:s23] =	ssyncset.done $0x0  }
0xaa: {  	s25 =	simm.s32 $0x1B8E;
	s24 =	sld [smem:$0x3FFE];
	[sflag:s23] =	ssyncadd.s32 $0xFFFFFFFF  }
0xab: {  	s26 =	simm.s32 $execute0_lowered;
	[smem:$0x3FD2] =	sst s25  }
0xac: {  	s5 =	sshll.u32 s26, $0x1;
	_ =	strace $0x8000004C;
	[dreg:$0x1] =	wrdreg $0xFFFFFFFF  }
0xad: {  	s28 =	simm.s32 $_size_execute0_lowered;
	s3 =	sadd.s32 s3, s5;
	[dreg:$0x0] =	wrdreg $0x0  }
0xae: {  	s5 =	sshll.u32 s28, $0x1;
	[dreg:$0x2] =	wrdreg s3  }
0xaf: {  	[dreg:$0x3] =	wrdreg s5  }
0xb0: {  	[dreg:$0x4] =	wrdreg $0xC0  }
0xb1: {  	_ =	task [dreg:s7], $0x5FFFF  }
0xb2: {  	[dreg:$0x1] =	wrdreg $0xFFFFFFFF  }
0xb3: {  	[dreg:$0x0] =	wrdreg $0x60  }
0xb4: {  	[dreg:$0x2] =	wrdreg s24  }
0xb5: {  	[dreg:$0x3] =	wrdreg s16  }
0xb6: {  	[dreg:$0x4] =	wrdreg $0xB0000  }
0xb7: {  	[dreg:$0x5] =	wrdreg $0x9  }
0xb8: {  	_ =	task.clear_ibuf [dreg:s7], $0x6FFFF;
	_ =	strace $0x9000004C  }
0xb9: {  	s29 =	simm.s32 $0x9;
	_ =	strace $0x8000004E  }
0xba: {  	_ =	swait.ge [sflag:s29], $0x1  }
0xbb: {  	[sflag:s29] =	ssyncadd.s32 $0xFFFFFFFF  }
0xbc: {  	_ =	strace $0x9000004E  }
0xbd: {  	_ =	sfence  }
0xbe: {  	s30 =	sld [smem:$0x0];
	_ =	sdelay $0x2  }
0xbf: {  	s31 =	sshll.u32 s1, $0xD;
	s1 =	sshrl.u32 s1, $0x2  }
0xc0: {  	s3 =	sand.u32 $0x4000, s31;
	s1 =	sadd.s32 s1, s30  }
0xc1: {  	s0 =	sor.u32 s3, s0;
	s1 =	sshll.u32 s1, $0x11  }
0xc2: {  	s0 =	sor.u32 s1, s0  }
0xc3: {  	s0 =	sadd.s32 $0x8F2B, s0  }
0xc4: {  	[sflag:s0] =	ssyncadd.remote.s32 $0x1  }
0xc5: {  	_ =	sfence.sel $0xFFFF  }
0xc6: {  	[dreg:$0x0] =	wrdreg $0xFFFFFFFF;
	(pc) =	sbr.abs _section_cstart, $3  }
0xc7: {  	[dreg:$0x1] =	wrdreg $0xFFFFFFFF  }
0xc8: {  	_ =	task.clear_ibuf [dreg:s7], $0x2FFFF;
	_ =	strace $0x9FFFFFFF  }
0xc9: {  	(tm) =	ssettm $0x7FFFFFFF  }
tec
execute0_lowered:
.L_overlay_start_1:
0x0: {  	(tag) =	ssettag $0x1  }
0x1: {  	s0 =	rddreg [dreg:$0x0]  }
0x2: {  	s2 =	rddreg [dreg:$0x1]  }
0x3: {  	s1 =	rddreg [dreg:$0x2];
	s3 =	simm.s32 $0x0;
	s25 =	srdreg.scid  }
0x4: {  	s11 =	stileid.u32;
	s15 =	simm.s32 $0x7;
	s17 =	simm.s32 $0x50  }
0x5: {  	s18 =	simm.s32 $0x1000;
	s20 =	simm.s32 $0x3800;
	s22 =	simm.s32 $0x6000  }
0x6: {  	s24 =	simm.s32 $0x8800;
	s30 =	simm.s32 $0x2;
	s16 =	simm.s32 $0x6  }
0x7: {  	s12 =	simm.s32 $0xB00;
	s13 =	simm.s32 $0xD80;
	s14 =	simm.s32 $0xF00  }
0x8: {  	s23 =	simm.s32 $0x0;
	[smem:$0x7FF] =	sst s3;
	s4 =	sadd.s32 $0x26C00, s0  }
0x9: {  	s3 =	sand.u32 $0x1, s25;
	s6 =	smul.u32 $0x4F000, s11;
	s5 =	sadd.s32 $0x4400, s0  }
0xa: {  	s0 =	sadd.s32 $0x24400, s0;
	s9 =	sshll.u32 s11, $0xF;
	s10 =	smul.u32 $0x13C00, s11  }
0xb: {  	s28 =	sshll.u32 s11, $0x6;
	s25 =	simm.s32 $0x800;
	_ =	strace $0x8000004D  }
0xc: {  	[dreg:$0x4] =	wrdreg s0;
	s26 =	ssub.s32 $0x2, s3;
	s8 =	smul.u32 $0x13C000, s3  }
0xd: {  	s3 =	sshll.u32 s3, $0x13;
	s19 =	sor.u32 $0x1C07, s28;
	s7 =	sshrl.u32 s26, $0x1  }
0xe: {  	s6 =	sshrl.u32 s6, $0x2;
	[dreg:$0x5] =	wrdreg s19;
	s0 =	ssub.s32 s26, s7  }
0xf: {  	s6 =	sadd.s32 s6, s1;
	s7 =	sor.u32 s9, s3;
	s8 =	sadd.s32 s10, s8  }
0x10: {  	s26 =	simm.s32 $0x1;
	s10 =	simm.s32 $0x4;
	s3 =	simm.s32 $0xF80  }
0x11: {  	s9 =	sshrl.u32 s7, $0x3;
	s29 =	sshrl.u32 s8, $0x3;
	s0 =	smax.u32 s0, $0x1  }
.Ltmp0:
0x12: {  	s21 =	sshrl.u32 s6, $0x3;
	[dreg:$0x9] =	wrdreg s0;
	(pc) =	sbr.rel .LBB2_1-.Ltmp0, $4  }
0x13: {  	s11 =	sor.u32 $0x800, s7;
	s9 =	sadd.s32 s5, s9;
	[dreg:$0xa] =	wrdreg s21  }
0x14: {  	s6 =	simm.s32 $0xD00;
	s2 =	sadd.s32 s2, s29;
	[dreg:$0x6] =	wrdreg s9  }
0x15: {  	s8 =	simm.s32 $0xE00;
	s31 =	sadd.s32 $0x100, s9;
	[dreg:$0x8] =	wrdreg s2  }
0x16: {  	s2 =	simm.s32 $0x3;
	s9 =	simm.s32 $0xB80;
	[dreg:$0x7] =	wrdreg s31  }
.LBB2_4:
0x17: {  	_ =	swait.ge [sflag:s10], $0x2800  }
0x18: {  	[sflag:s10] =	ssyncset.done $0x0  }
0x19: {  	[sflag:s10] =	ssyncadd.s32 $0xFFFFD800  }
0x1a: {  	[spmem:s1] =	stream.indirect.scatter.add.f32 [tilespmem:s24], [sflag:$0x7], $0x80, s3, s17, $0xb8;
	[tilespmem:$0x1EC00] =	vst v63  }
0x1b: {  	_ =	swait.ge [sflag:s15], $0x2800  }
0x1c: {  	[sflag:s15] =	ssyncset.done $0x0  }
0x1d: {  	[sflag:s15] =	ssyncadd.s32 $0xFFFFD800  }
0x1e: {  	[bflag:$0x0] =	sbarrier.arrive $0xFFFF  }
0x1f: {  	s19 =	rddreg [dreg:$0x5]  }
0x20: {  	s0 =	rddreg [dreg:$0x8]  }
0x21: {  	s21 =	rddreg [dreg:$0xa]  }
0x22: {  	[hbm:s0], [sflag:s19] =	dma.local [spmem:s21], $0x2780  }
0x23: {  	_ =	swait.ge [sflag:s15], $0x2780  }
0x24: {  	s23 =	rddreg [dreg:$0xb]  }
0x25: {  	s31 =	rddreg [dreg:$0x9];
	s23 =	sadd.s32 $0x1, s23  }
0x26: {  	p0 =	sne.s32 s23, s31  }
.Ltmp1:
0x27: {  	_ = 	snop;
	(pc) =	sbr.rel @!p0 .LBB2_5-.Ltmp1, $3  }
0x28: {  	_ =	sdelay $0x1  }
0x29: {  	[sflag:s15] =	ssyncset.done $0x0  }
0x2a: {  	[sflag:s15] =	ssyncadd.s32 $0xFFFFD880  }
.LBB2_1:
0x2b: {  	[dreg:$0xb] =	wrdreg s23  }
0x2c: {  	s0 =	rddreg [dreg:$0x4]  }
0x2d: {  	[spmem:s21], [sflag:s19] =	dma.local [hbm:s0], $0x2780  }
0x2e: {  	_ =	swait.ge [sflag:s15], $0x2780  }
0x2f: {  	[sflag:s15] =	ssyncset.done $0x0  }
0x30: {  	[sflag:s15] =	ssyncadd.s32 $0xFFFFD880  }
0x31: {  	[bflag:$0x0] =	sbarrier.arrive $0xFFFF  }
0x32: {  	s0 =	simm.s32 $0x0;
	s21 =	simm.s32 $0x5;
	s31 =	rddreg [dreg:$0x6]  }
0x33: {  	[tilespmem:s0], [sflag:$0x5] =	stream.linear.gather [hbm4b:s31+s0], $0x800, $0x38;
	[tilespmem:$0x1EC00] =	vst v63  }
0x34: {  	_ =	swait.ge [sflag:s21], $0x800  }
0x35: {  	[sflag:s21] =	ssyncset.done $0x0  }
0x36: {  	[sflag:s21] =	ssyncadd.s32 $0xFFFFF800  }
0x37: {  	[tilespmem:s18], [sflag:$0x1] =	stream.indirect.gather [hbm4b:s4+s17], $0x80, s0, s17, $0xb8;
	[tilespmem:$0x1EC00] =	vst v63  }
0x38: {  	s23 =	simm.s32 $0x80  }
0x39: {  	[tilespmem:s20], [sflag:$0x2] =	stream.indirect.gather [hbm4b:s4+s17], $0x80, s23, s17, $0xb8;
	[tilespmem:$0x1EC00] =	vst v63  }
0x3a: {  	s28 =	simm.s32 $0x100  }
0x3b: {  	[tilespmem:s22], [sflag:$0x3] =	stream.indirect.gather [hbm4b:s4+s17], $0x80, s28, s17, $0xb8;
	[tilespmem:$0x1EC00] =	vst v63  }
0x3c: {  	s29 =	simm.s32 $0x180  }
0x3d: {  	[tilespmem:s24], [sflag:$0x4] =	stream.indirect.gather [hbm4b:s4+s17], $0x80, s29, s17, $0xb8;
	[tilespmem:$0x1EC00] =	vst v63  }
0x3e: {  	s19 =	simm.s32 $0x0;
	s31 =	rddreg [dreg:$0x7];
	s21 =	simm.s32 $0x0  }
0x3f: {  	[tilespmem:s25], [sflag:$0x6] =	stream.linear.gather [hbm4b:s31+s0], $0x800, $0x38;
	[tilespmem:$0x1EC00] =	vst v63  }
.LBB2_2:
0x40: {  	_ =	swait.ge [sflag:s26], $0x2800  }
0x41: {  	[sflag:s26] =	ssyncset.done $0x0  }
0x42: {  	s0 =	simm.s32 $0x400;
	[sflag:s26] =	ssyncadd.s32 $0xFFFFD800  }
0x43: {  	[spmem:s1] =	stream.indirect.scatter.add.f32 [tilespmem:s18], [sflag:$0x7], $0x80, s0, s17, $0xb8;
	[tilespmem:$0x1EC00] =	vst v63  }
0x44: {  	_ =	swait.ge [sflag:s15], $0x2800  }
0x45: {  	[sflag:s15] =	ssyncset.done $0x0  }
0x46: {  	s29 =	simm.s32 $0x200;
	[sflag:s15] =	ssyncadd.s32 $0xFFFFD800  }
0x47: {  	[tilespmem:s18], [sflag:$0x1] =	stream.indirect.gather [hbm4b:s4+s17], $0x80, s29, s17, $0xb8;
	[tilespmem:$0x1EC00] =	vst v63  }
0x48: {  	_ =	swait.ge [sflag:s30], $0x2800  }
0x49: {  	[sflag:s30] =	ssyncset.done $0x0  }
0x4a: {  	s31 =	simm.s32 $0x480;
	[sflag:s30] =	ssyncadd.s32 $0xFFFFD800  }
0x4b: {  	[spmem:s1] =	stream.indirect.scatter.add.f32 [tilespmem:s20], [sflag:$0x7], $0x80, s31, s17, $0xb8;
	[tilespmem:$0x1EC00] =	vst v63  }
0x4c: {  	_ =	swait.ge [sflag:s15], $0x2800  }
0x4d: {  	[sflag:s15] =	ssyncset.done $0x0  }
0x4e: {  	s23 =	simm.s32 $0x280;
	[sflag:s15] =	ssyncadd.s32 $0xFFFFD800  }
0x4f: {  	[tilespmem:s20], [sflag:$0x2] =	stream.indirect.gather [hbm4b:s4+s17], $0x80, s23, s17, $0xb8;
	[tilespmem:$0x1EC00] =	vst v63  }
0x50: {  	_ =	swait.ge [sflag:s2], $0x2800  }
0x51: {  	[sflag:s2] =	ssyncset.done $0x0  }
0x52: {  	s28 =	simm.s32 $0x500;
	[sflag:s2] =	ssyncadd.s32 $0xFFFFD800  }
0x53: {  	[spmem:s1] =	stream.indirect.scatter.add.f32 [tilespmem:s22], [sflag:$0x7], $0x80, s28, s17, $0xb8;
	[tilespmem:$0x1EC00] =	vst v63  }
0x54: {  	_ =	swait.ge [sflag:s15], $0x2800  }
0x55: {  	[sflag:s15] =	ssyncset.done $0x0  }
0x56: {  	s29 =	simm.s32 $0x300;
	[sflag:s15] =	ssyncadd.s32 $0xFFFFD800  }
0x57: {  	[tilespmem:s22], [sflag:$0x3] =	stream.indirect.gather [hbm4b:s4+s17], $0x80, s29, s17, $0xb8;
	[tilespmem:$0x1EC00] =	vst v63  }
0x58: {  	_ =	swait.ge [sflag:s10], $0x2800  }
0x59: {  	[sflag:s10] =	ssyncset.done $0x0  }
0x5a: {  	s31 =	simm.s32 $0x580;
	[sflag:s10] =	ssyncadd.s32 $0xFFFFD800  }
0x5b: {  	[spmem:s1] =	stream.indirect.scatter.add.f32 [tilespmem:s24], [sflag:$0x7], $0x80, s31, s17, $0xb8;
	[tilespmem:$0x1EC00] =	vst v63  }
0x5c: {  	_ =	swait.ge [sflag:s15], $0x2800  }
0x5d: {  	[sflag:s15] =	ssyncset.done $0x0  }
0x5e: {  	s23 =	simm.s32 $0x380;
	[sflag:s15] =	ssyncadd.s32 $0xFFFFD800  }
0x5f: {  	[tilespmem:s24], [sflag:$0x4] =	stream.indirect.gather [hbm4b:s4+s17], $0x80, s23, s17, $0xb8;
	[tilespmem:$0x1EC00] =	vst v63  }
0x60: {  	_ =	swait.ge [sflag:s26], $0x2800  }
0x61: {  	[sflag:s26] =	ssyncset.done $0x0  }
0x62: {  	s28 =	simm.s32 $0x600;
	[sflag:s26] =	ssyncadd.s32 $0xFFFFD800  }
0x63: {  	[spmem:s1] =	stream.indirect.scatter.add.f32 [tilespmem:s18], [sflag:$0x7], $0x80, s28, s17, $0xb8;
	[tilespmem:$0x1EC00] =	vst v63  }
0x64: {  	_ =	swait.ge [sflag:s15], $0x2800  }
0x65: {  	[sflag:s15] =	ssyncset.done $0x0  }
0x66: {  	[sflag:s15] =	ssyncadd.s32 $0xFFFFD800  }
0x67: {  	_ =	swait.ge [sflag:s16], $0x800  }
0x68: {  	[sflag:s16] =	ssyncset.done $0x0  }
0x69: {  	[sflag:s16] =	ssyncadd.s32 $0xFFFFF800  }
0x6a: {  	[tilespmem:s18], [sflag:$0x1] =	stream.indirect.gather [hbm4b:s4+s17], $0x80, s25, s17, $0xb8;
	[tilespmem:$0x1EC00] =	vst v63  }
0x6b: {  	_ =	swait.ge [sflag:s30], $0x2800  }
0x6c: {  	[sflag:s30] =	ssyncset.done $0x0  }
0x6d: {  	s29 =	simm.s32 $0x680;
	[sflag:s30] =	ssyncadd.s32 $0xFFFFD800  }
0x6e: {  	[spmem:s1] =	stream.indirect.scatter.add.f32 [tilespmem:s20], [sflag:$0x7], $0x80, s29, s17, $0xb8;
	[tilespmem:$0x1EC00] =	vst v63  }
0x6f: {  	_ =	swait.ge [sflag:s15], $0x2800  }
0x70: {  	[sflag:s15] =	ssyncset.done $0x0  }
0x71: {  	s31 =	simm.s32 $0x880;
	[sflag:s15] =	ssyncadd.s32 $0xFFFFD800  }
0x72: {  	[tilespmem:s20], [sflag:$0x2] =	stream.indirect.gather [hbm4b:s4+s17], $0x80, s31, s17, $0xb8;
	[tilespmem:$0x1EC00] =	vst v63  }
0x73: {  	_ =	swait.ge [sflag:s2], $0x2800  }
0x74: {  	[sflag:s2] =	ssyncset.done $0x0  }
0x75: {  	s23 =	simm.s32 $0x700;
	[sflag:s2] =	ssyncadd.s32 $0xFFFFD800  }
0x76: {  	[spmem:s1] =	stream.indirect.scatter.add.f32 [tilespmem:s22], [sflag:$0x7], $0x80, s23, s17, $0xb8;
	[tilespmem:$0x1EC00] =	vst v63  }
0x77: {  	_ =	swait.ge [sflag:s15], $0x2800  }
0x78: {  	[sflag:s15] =	ssyncset.done $0x0  }
0x79: {  	s28 =	simm.s32 $0x900;
	[sflag:s15] =	ssyncadd.s32 $0xFFFFD800  }
0x7a: {  	[tilespmem:s22], [sflag:$0x3] =	stream.indirect.gather [hbm4b:s4+s17], $0x80, s28, s17, $0xb8;
	[tilespmem:$0x1EC00] =	vst v63  }
0x7b: {  	_ =	swait.ge [sflag:s10], $0x2800  }
0x7c: {  	p0 =	seq.s32 s21, $0xE;
	s23 =	smin.u32 s21, $0xD;
	[sflag:s10] =	ssyncset.done $0x0  }
0x7d: {  	s29 =	simm.s32 $0x780;
	s23 =	sadd.s32 $0x2, s23;
	[sflag:s10] =	ssyncadd.s32 $0xFFFFD800  }
0x7e: {  	[spmem:s1] =	stream.indirect.scatter.add.f32 [tilespmem:s24], [sflag:$0x7], $0x80, s29, s17, $0xb8;
	[tilespmem:$0x1EC00] =	vst v63  }
0x7f: {  	s28 =	sshll.u32 @!p0 s23, $0xB;
	_ =	swait.ge [sflag:s15], $0x2800  }
0x80: {  	s28 =	sadd.s32 @!p0 s7, s28;
	[sflag:s15] =	ssyncset.done $0x0  }
0x81: {  	s31 =	simm.s32 $0x980;
	s28 =	sshrl.u32 @!p0 s28, $0x3;
	[sflag:s15] =	ssyncadd.s32 $0xFFFFD800  }
0x82: {  	[tilespmem:s24], [sflag:$0x4] =	stream.indirect.gather [hbm4b:s4+s17], $0x80, s31, s17, $0xb8;
	[tilespmem:$0x1EC00] =	vst v63  }
0x83: {  	s28 =	sadd.s32 @!p0 s5, s28;
	s29 =	simm.s32 @!p0 $0x0  }
0x84: {  	[tilespmem:s29], [sflag:$0x5] =	stream.linear.gather @!p0 [hbm4b:s28+s29], $0x800, $0x38;
	[tilespmem:$0x1EC00] =	vst v63  }
0x85: {  	_ =	swait.ge [sflag:s26], $0x2800  }
0x86: {  	[sflag:s26] =	ssyncset.done $0x0  }
0x87: {  	s28 =	simm.s32 $0xC00;
	[sflag:s26] =	ssyncadd.s32 $0xFFFFD800  }
0x88: {  	[spmem:s1] =	stream.indirect.scatter.add.f32 [tilespmem:s18], [sflag:$0x7], $0x80, s28, s17, $0xb8;
	[tilespmem:$0x1EC00] =	vst v63  }
0x89: {  	_ =	swait.ge [sflag:s15], $0x2800  }
0x8a: {  	[sflag:s15] =	ssyncset.done $0x0  }
0x8b: {  	s31 =	simm.s32 $0xA00;
	[sflag:s15] =	ssyncadd.s32 $0xFFFFD800  }
0x8c: {  	[tilespmem:s18], [sflag:$0x1] =	stream.indirect.gather [hbm4b:s4+s17], $0x80, s31, s17, $0xb8;
	[tilespmem:$0x1EC00] =	vst v63  }
0x8d: {  	_ =	swait.ge [sflag:s30], $0x2800  }
0x8e: {  	[sflag:s30] =	ssyncset.done $0x0  }
0x8f: {  	s28 =	simm.s32 $0xC80;
	[sflag:s30] =	ssyncadd.s32 $0xFFFFD800  }
0x90: {  	[spmem:s1] =	stream.indirect.scatter.add.f32 [tilespmem:s20], [sflag:$0x7], $0x80, s28, s17, $0xb8;
	[tilespmem:$0x1EC00] =	vst v63  }
0x91: {  	_ =	swait.ge [sflag:s15], $0x2800  }
0x92: {  	[sflag:s15] =	ssyncset.done $0x0  }
0x93: {  	s31 =	simm.s32 $0xA80;
	[sflag:s15] =	ssyncadd.s32 $0xFFFFD800  }
0x94: {  	[tilespmem:s20], [sflag:$0x2] =	stream.indirect.gather [hbm4b:s4+s17], $0x80, s31, s17, $0xb8;
	[tilespmem:$0x1EC00] =	vst v63  }
0x95: {  	_ =	swait.ge [sflag:s2], $0x2800  }
0x96: {  	[sflag:s2] =	ssyncset.done $0x0  }
0x97: {  	[sflag:s2] =	ssyncadd.s32 $0xFFFFD800  }
0x98: {  	[spmem:s1] =	stream.indirect.scatter.add.f32 [tilespmem:s22], [sflag:$0x7], $0x80, s6, s17, $0xb8;
	[tilespmem:$0x1EC00] =	vst v63  }
0x99: {  	_ =	swait.ge [sflag:s15], $0x2800  }
0x9a: {  	[sflag:s15] =	ssyncset.done $0x0  }
0x9b: {  	[sflag:s15] =	ssyncadd.s32 $0xFFFFD800  }
0x9c: {  	[tilespmem:s22], [sflag:$0x3] =	stream.indirect.gather [hbm4b:s4+s17], $0x80, s12, s17, $0xb8;
	[tilespmem:$0x1EC00] =	vst v63  }
0x9d: {  	_ =	swait.ge [sflag:s10], $0x2800  }
0x9e: {  	[sflag:s10] =	ssyncset.done $0x0  }
0x9f: {  	[sflag:s10] =	ssyncadd.s32 $0xFFFFD800  }
0xa0: {  	[spmem:s1] =	stream.indirect.scatter.add.f32 [tilespmem:s24], [sflag:$0x7], $0x80, s13, s17, $0xb8;
	[tilespmem:$0x1EC00] =	vst v63  }
0xa1: {  	_ =	swait.ge [sflag:s15], $0x2800  }
0xa2: {  	[sflag:s15] =	ssyncset.done $0x0  }
0xa3: {  	[sflag:s15] =	ssyncadd.s32 $0xFFFFD800  }
0xa4: {  	[tilespmem:s24], [sflag:$0x4] =	stream.indirect.gather [hbm4b:s4+s17], $0x80, s9, s17, $0xb8;
	[tilespmem:$0x1EC00] =	vst v63  }
0xa5: {  	_ =	swait.ge [sflag:s26], $0x2800  }
0xa6: {  	[sflag:s26] =	ssyncset.done $0x0  }
0xa7: {  	[sflag:s26] =	ssyncadd.s32 $0xFFFFD800  }
0xa8: {  	[spmem:s1] =	stream.indirect.scatter.add.f32 [tilespmem:s18], [sflag:$0x7], $0x80, s8, s17, $0xb8;
	[tilespmem:$0x1EC00] =	vst v63  }
0xa9: {  	_ =	swait.ge [sflag:s15], $0x2800  }
0xaa: {  	[sflag:s15] =	ssyncset.done $0x0  }
0xab: {  	s28 =	simm.s32 @p0 $0x2;
	[sflag:s15] =	ssyncadd.s32 $0xFFFFD800  }
0xac: {  	_ =	swait.ge @p0 [sflag:s28], $0x2800  }
0xad: {  	s0 =	simm.s32 @p0 $0x3800;
	[sflag:s28] =	ssyncset.done @p0 $0x0  }
0xae: {  	s31 =	simm.s32 @p0 $0xE80;
	[sflag:s28] =	ssyncadd.s32 @p0 $0xFFFFD800;
	s28 =	simm.s32 @p0 $0x50  }
0xaf: {  	[spmem:s1] =	stream.indirect.scatter.add.f32 @p0 [tilespmem:s0], [sflag:$0x7], $0x80, s31, s28, $0xb8;
	[tilespmem:$0x1EC00] =	vst v63  }
0xb0: {  	s0 =	simm.s32 @p0 $0x7  }
0xb1: {  	_ =	swait.ge @p0 [sflag:s0], $0x2800  }
0xb2: {  	[sflag:s0] =	ssyncset.done @p0 $0x0  }
0xb3: {  	[sflag:s0] =	ssyncadd.s32 @p0 $0xFFFFD800;
	s0 =	simm.s32 @!p0 $0x5  }
0xb4: {  	_ =	swait.ge @!p0 [sflag:s0], $0x800  }
0xb5: {  	[sflag:s0] =	ssyncset.done @!p0 $0x0  }
0xb6: {  	s28 =	simm.s32 @!p0 $0x1000;
	[sflag:s0] =	ssyncadd.s32 @!p0 $0xFFFFF800;
	s0 =	simm.s32 @!p0 $0x50  }
0xb7: {  	[tilespmem:s28], [sflag:$0x1] =	stream.indirect.gather @!p0 [hbm4b:s4+s0], $0x80, s29, s0, $0xb8;
	[tilespmem:$0x1EC00] =	vst v63  }
0xb8: {  	s28 =	simm.s32 @!p0 $0x2  }
0xb9: {  	_ =	swait.ge @!p0 [sflag:s28], $0x2800  }
0xba: {  	[sflag:s28] =	ssyncset.done @!p0 $0x0  }
0xbb: {  	s29 =	simm.s32 @!p0 $0x3800;
	[sflag:s28] =	ssyncadd.s32 @!p0 $0xFFFFD800;
	s28 =	simm.s32 @!p0 $0xE80  }
0xbc: {  	[spmem:s1] =	stream.indirect.scatter.add.f32 @!p0 [tilespmem:s29], [sflag:$0x7], $0x80, s28, s0, $0xb8;
	[tilespmem:$0x1EC00] =	vst v63  }
0xbd: {  	s28 =	simm.s32 @!p0 $0x7  }
0xbe: {  	_ =	swait.ge @!p0 [sflag:s28], $0x2800  }
0xbf: {  	[sflag:s28] =	ssyncset.done @!p0 $0x0  }
0xc0: {  	[sflag:s28] =	ssyncadd.s32 @!p0 $0xFFFFD800;
	s28 =	simm.s32 @!p0 $0x80  }
0xc1: {  	[tilespmem:s29], [sflag:$0x2] =	stream.indirect.gather @!p0 [hbm4b:s4+s0], $0x80, s28, s0, $0xb8;
	[tilespmem:$0x1EC00] =	vst v63  }
0xc2: {  	_ =	swait.ge [sflag:s2], $0x2800  }
0xc3: {  	[sflag:s2] =	ssyncset.done $0x0  }
.Ltmp2:
0xc4: {  	[sflag:s2] =	ssyncadd.s32 $0xFFFFD800;
	(pc) =	sbr.rel @p0 .LBB2_4-.Ltmp2, $4  }
0xc5: {  	[spmem:s1] =	stream.indirect.scatter.add.f32 [tilespmem:s22], [sflag:$0x7], $0x80, s14, s17, $0xb8;
	[tilespmem:$0x1EC00] =	vst v63  }
0xc6: {  	_ =	swait.ge [sflag:s15], $0x2800  }
0xc7: {  	[sflag:s15] =	ssyncset.done $0x0  }
0xc8: {  	[sflag:s15] =	ssyncadd.s32 $0xFFFFD800  }
0xc9: {  	s0 =	simm.s32 $0x100  }
0xca: {  	[tilespmem:s22], [sflag:$0x3] =	stream.indirect.gather [hbm4b:s4+s17], $0x80, s0, s17, $0xb8;
	[tilespmem:$0x1EC00] =	vst v63  }
0xcb: {  	_ =	swait.ge [sflag:s10], $0x2800  }
0xcc: {  	[sflag:s10] =	ssyncset.done $0x0  }
0xcd: {  	[sflag:s10] =	ssyncadd.s32 $0xFFFFD800  }
0xce: {  	[spmem:s1] =	stream.indirect.scatter.add.f32 [tilespmem:s24], [sflag:$0x7], $0x80, s3, s17, $0xb8;
	[tilespmem:$0x1EC00] =	vst v63  }
0xcf: {  	s31 =	sshll.u32 s23, $0xB;
	_ =	swait.ge [sflag:s15], $0x2800  }
.Ltmp3:
0xd0: {  	s0 =	sadd.s32 s31, s11;
	[sflag:s15] =	ssyncset.done $0x0;
	(pc) =	sbr.rel .LBB2_2-.Ltmp3, $4  }
0xd1: {  	s29 =	simm.s32 $0x180;
	s0 =	sshrl.u32 s0, $0x3;
	[sflag:s15] =	ssyncadd.s32 $0xFFFFD800  }
0xd2: {  	[tilespmem:s24], [sflag:$0x4] =	stream.indirect.gather [hbm4b:s4+s17], $0x80, s29, s17, $0xb8;
	[tilespmem:$0x1EC00] =	vst v63  }
0xd3: {  	s21 =	sadd.s32 $0x2, s21;
	s0 =	sadd.s32 s5, s0  }
0xd4: {  	[tilespmem:s25], [sflag:$0x6] =	stream.linear.gather [hbm4b:s0+s19], $0x800, $0x38;
	[tilespmem:$0x1EC00] =	vst v63  }
.LBB2_5:
0xd5: {  	_ =	sfence.sel $0x180000  }
0xd6: {  	[bflag:$0x0] =	sbarrier.arrive $0xFFFF  }
0xd7: {  	_ =	strace $0x9000004D  }
0xd8: {  	s0 =	stileid.u32;
	[bflag:$0x2] =	sbarrier.arrive $0xFFFF  }
0xd9: {  	p0 =	sne.s32 s0, $0x0;
	s0 =	rddreg [dreg:$0x3]  }
0xda: {  	s0 =	sadd.s32 @!p0 $0x100000, s0  }
0xdb: {  	[sflag:s0] =	ssyncadd.tile.s32 @!p0 $0x1;
	_ =	shalt  }
.Lfunc_end2:
_tile_overlayer_lowered:
.L_overlay_start_2:
0xdc: {  	(tag) =	ssettag $0x2  }
0xdd: {  	s0 =	rddreg [dreg:$0x0];
	s2 =	stileid.u32  }
0xde: {  	s1 =	rddreg [dreg:$0x1];
	p0 =	sne.s32 s2, $0x0  }
0xdf: {  	s3 =	rddreg [dreg:$0x2];
	[bflag:$0x3] =	sbarrier.arrive $0xFFFF;
	s2 =	simm.s32 @!p0 $0x1C07  }
0xe0: {  	[timem:s3], [sflag:s2] =	dma.local @!p0 [hbm:s0], s1  }
0xe1: {  	s0 =	simm.s32 @!p0 $0x7  }
0xe2: {  	_ =	swait.ge @!p0 [sflag:s0], s1  }
0xe3: {  	s1 =	ssub.s32 @!p0 $0x0, s1;
	[sflag:s0] =	ssyncset.done @!p0 $0x0  }
0xe4: {  	[sflag:s0] =	ssyncadd.s32 @!p0 s1  }
0xe5: {  	[bflag:$0x3] =	sbarrier.arrive $0xFFFF  }
0xe6: {  	_ =	shalt  }

// kernel: kernel.8.cloned.1.call-start
scs
__scs_entry_jumppad:
0x0: {  	(pc) =	sbr.rel $0x88, $3  }
0x1: {  	(tag) =	ssettag $0x0;
	lr =	simm.s32 $0x1  }
0x2: {  	[smem:$0x3F8C] =	sst lr;
	_ =	strace $0xD0000000  }
0x3: {  	_ = 	snop  }
0x4: {  	_ = 	snop  }
0x5: {  	_ = 	snop  }
0x6: {  	_ = 	snop  }
0x7: {  	_ = 	snop  }
__scs_overlays_trampoline_lowered:
0x8: {  	[smem:$0x3F9B] =	sst s0  }
0x9: {  	[smem:$0x3F9C] =	sst s1  }
0xa: {  	[smem:$0x3F9D] =	sst s2  }
0xb: {  	[smem:$0x3F9E] =	sst s3  }
0xc: {  	[smem:$0x3F9F] =	sst s4  }
0xd: {  	[smem:$0x3FA0] =	sst s5  }
0xe: {  	[smem:$0x3FA1] =	sst s6  }
0xf: {  	[smem:$0x3FA2] =	sst s7  }
0x10: {  	[smem:$0x3FA3] =	sst s8  }
0x11: {  	[smem:$0x3FA4] =	sst s9;
	s0 =	simm.s32 @!p0 $0x0  }
0x12: {  	s1 =	sld [smem:$0x3F8A];
	s0 =	simm.s32 @p0 $0x1  }
0x13: {  	[smem:$0x3FA5] =	sst s0;
	s0 =	simm.s32 @!p1 $0x0  }
0x14: {  	s2 =	sld [smem:$0x3F89];
	s0 =	simm.s32 @p1 $0x1  }
0x15: {  	[smem:$0x3FA6] =	sst s0;
	s0 =	simm.s32 @!p2 $0x0  }
0x16: {  	s3 =	sld [smem:$0x3FDB];
	s0 =	simm.s32 @p2 $0x1  }
0x17: {  	s4 =	simm.s32 $0x1BF5;
	[smem:$0x3FA8] =	sst s0  }
0x18: {  	s0 =	sld [smem:$0x3F8B];
	_ =	swait.ge [sflag:s4], $0x0  }
0x19: {  	s7 =	sld [smem:$0x3F8C]  }
0x1a: {  	s8 =	sadd.s32 $0xFFFFE003, lr  }
0x1b: {  	s9 =	sadd.s32 $0xFFFFFEF7, lr;
	s5 =	simm.s32 $0xFFFFFFFF;
	p2 =	slt.u32 s8, $0xFFFFF086  }
0x1c: {  	p1 =	slt.u32 s9, $0xF7A;
	s5 =	simm.s32 @!p2 $0x0  }
0x1d: {  	s5 =	simm.s32 @p1 $0x1;
	p0 =	seq.s32 s7, s2  }
0x1e: {  	s7 =	smul.u32 @!p0 $0xF7A, s2;
	p2 =	seq.s32 @!p0 s5, $0x0  }
0x1f: {  	s9 =	smul.u32 $0xF7A, s1;
	s8 =	simm.s32 @!p0 $0x1BF5;
	p2 =	por !p2, p0  }
0x20: {  	[sflag:s8] =	ssyncset.s32 @!p0 $0xFFFFF086;
	s6 =	sadd.s32 @!p0 s3, s7;
	s7 =	simm.s32 @!p0 $0x108  }
0x21: {  	s3 =	sadd.s32 s3, s9;
	s6 =	sadd.s32 @!p0 $0x88, s6;
	s7 =	simm.s32 @p2 $0x1082  }
0x22: {  	[simem:s7], [sflag:s8] =	dma.local @!p0 [hbm:s6], $0xF7A  }
0x23: {  	s9 =	sor.u32 $0xD0000000, s2;
	s6 =	simm.s32 $0x108;
	_ =	swait.ge @!p0 [sflag:s8], $0x0  }
0x24: {  	s3 =	sadd.s32 $0x88, s3;
	s6 =	simm.s32 @!p1 $0x1082;
	[sflag:s4] =	ssyncset.s32 $0xFFFFF086  }
0x25: {  	[simem:s6], [sflag:s4] =	dma.local [hbm:s3], $0xF7A  }
0x26: {  	[smem:$0x3F8C] =	sst s1;
	(tag) =	ssettag s2;
	_ =	strace s9  }
0x27: {  	s1 =	sld [smem:$0x3F9C]  }
0x28: {  	s2 =	sld [smem:$0x3F9D]  }
0x29: {  	s4 =	sld [smem:$0x3F9F]  }
0x2a: {  	p0 =	seq.s32 s5, $0x0;
	s5 =	sld [smem:$0x3FA0]  }
0x2b: {  	s6 =	sld [smem:$0x3FA1]  }
0x2c: {  	s7 =	sld [smem:$0x3FA2]  }
0x2d: {  	s3 =	simm.s32 $0x108;
	s8 =	sld [smem:$0x3FA3]  }
0x2e: {  	s3 =	simm.s32 @!p0 $0x1082;
	s9 =	sld [smem:$0x3FA4]  }
0x2f: {  	lr =	sadd.s32 s0, s3;
	s0 =	sld [smem:$0x3F9B]  }
0x30: {  	s3 =	sld [smem:$0x3F9E]  }
0x31: {  	[smem:$0x3FA7] =	sst s10  }
0x32: {  	s10 =	sld [smem:$0x3FA5];
	_ =	sdelay $0x3  }
0x33: {  	p0 =	seq.s32 s10, $0x1;
	s10 =	sld [smem:$0x3FA7];
	_ =	sdelay $0x3  }
0x34: {  	[smem:$0x3FA7] =	sst s10  }
0x35: {  	s10 =	sld [smem:$0x3FA6];
	_ =	sdelay $0x3  }
0x36: {  	p1 =	seq.s32 s10, $0x1;
	s10 =	sld [smem:$0x3FA7];
	_ =	sdelay $0x3  }
0x37: {  	[smem:$0x3FA7] =	sst s10  }
0x38: {  	s10 =	sld [smem:$0x3FA8]  }
0x39: {  	_ = 	snop;
	(pc) =	sbr.ind lr, $3  }
0x3a: {  	_ = 	snop  }
0x3b: {  	_ = 	snop  }
0x3c: {  	p2 =	seq.s32 s10, $0x1;
	s10 =	sld [smem:$0x3FA7]  }
0x3d: {  	_ =	shalt  }
0x3e: {  	_ =	shalt  }
0x3f: {  	_ =	shalt  }
0x40: {  	_ =	shalt  }
0x41: {  	_ =	shalt  }
0x42: {  	_ =	shalt  }
0x43: {  	_ =	shalt  }
0x44: {  	_ =	shalt  }
0x45: {  	_ =	shalt  }
0x46: {  	_ =	shalt  }
0x47: {  	_ =	shalt  }
0x48: {  	_ =	shalt  }
0x49: {  	_ =	shalt  }
0x4a: {  	_ =	shalt  }
0x4b: {  	_ =	shalt  }
0x4c: {  	_ =	shalt  }
0x4d: {  	_ =	shalt  }
0x4e: {  	_ =	shalt  }
0x4f: {  	_ =	shalt  }
0x50: {  	_ =	shalt  }
0x51: {  	_ =	shalt  }
0x52: {  	_ =	shalt  }
0x53: {  	_ =	shalt  }
0x54: {  	_ =	shalt  }
0x55: {  	_ =	shalt  }
0x56: {  	_ =	shalt  }
0x57: {  	_ =	shalt  }
0x58: {  	_ =	shalt  }
0x59: {  	_ =	shalt  }
0x5a: {  	_ =	shalt  }
0x5b: {  	_ =	shalt  }
0x5c: {  	_ =	shalt  }
0x5d: {  	_ =	shalt  }
0x5e: {  	_ =	shalt  }
0x5f: {  	_ =	shalt  }
0x60: {  	_ =	shalt  }
0x61: {  	_ =	shalt  }
0x62: {  	_ =	shalt  }
0x63: {  	_ =	shalt  }
0x64: {  	_ =	shalt  }
0x65: {  	_ =	shalt  }
0x66: {  	_ =	shalt  }
0x67: {  	_ =	shalt  }
0x68: {  	_ =	shalt  }
0x69: {  	_ =	shalt  }
0x6a: {  	_ =	shalt  }
0x6b: {  	_ =	shalt  }
0x6c: {  	_ =	shalt  }
0x6d: {  	_ =	shalt  }
0x6e: {  	_ =	shalt  }
0x6f: {  	_ =	shalt  }
0x70: {  	_ =	shalt  }
0x71: {  	_ =	shalt  }
0x72: {  	_ =	shalt  }
0x73: {  	_ =	shalt  }
0x74: {  	_ =	shalt  }
0x75: {  	_ =	shalt  }
0x76: {  	_ =	shalt  }
0x77: {  	_ =	shalt  }
0x78: {  	_ =	shalt  }
0x79: {  	_ =	shalt  }
0x7a: {  	_ =	shalt  }
0x7b: {  	_ =	shalt  }
0x7c: {  	_ =	shalt  }
0x7d: {  	_ =	shalt  }
0x7e: {  	_ =	shalt  }
0x7f: {  	_ =	shalt  }
0x80: {  	_ =	shalt  }
0x81: {  	_ =	shalt  }
0x82: {  	_ =	shalt  }
0x83: {  	_ =	shalt  }
0x84: {  	_ =	shalt  }
0x85: {  	_ =	shalt  }
0x86: {  	_ =	shalt  }
0x87: {  	_ =	shalt  }
.Lfunc_end0:
.L_simem_size_0:
called_computation_lowered:
.L_overlay_start_0:
0x88: {  	s2 =	sld [smem:$0x3FD9]  }
0x89: {  	s3 =	sld [smem:$0x3FFE];
	_ =	sdelay $0x1  }
0x8a: {  	s1 =	srdreg.scid  }
0x8b: {  	s0 =	sand.u32 $0x1, s1  }
0x8c: {  	s14 =	sshll.u32 s0, $0xA;
	s2 =	sadd.s32 s3, s2  }
0x8d: {  	s2 =	sadd.s32 s2, s14  }
0x8e: {  	[smem:$0x3FB3] =	sst s2  }
0x8f: {  	_ = 	snop  }
0x90: {  	s2 =	sld [smem:$0x3FD0];
	_ =	sdelay $0x2  }
0x91: {  	s4 =	simm.s32 $0xA;
	s5 =	simm.s32 $0x10;
	s15 =	sld [smem:$0x3FC9]  }
0x92: {  	[smem:s5], [sflag:s4] =	dma.local [hbm:s2], $0x1  }
0x93: {  	_ =	swait.eq [sflag:s4], $0x1  }
0x94: {  	[sflag:s4] =	ssyncset.done $0x0  }
0x95: {  	[sflag:s4] =	ssyncadd.s32 $0xFFFFFFFF  }
0x96: {  	s16 =	sld [smem:$0x10];
	(tm) =	ssettm $0x1  }
0x97: {  	s17 =	sld [smem:$0x3FFB];
	_ =	sdelay $0x3  }
0x98: {  	_ =	strace s17  }
0x99: {  	s4 =	sld [smem:$0x3FFC];
	_ =	sdelay $0x3  }
0x9a: {  	_ =	strace s4  }
0x9b: {  	s4 =	sld [smem:$0x3FFD];
	_ =	sdelay $0x3  }
0x9c: {  	_ =	strace s4  }
0x9d: {  	_ =	strace $0x8FFFFFFF  }
0x9e: {  	s18 =	sld [smem:$0x3FDB];
	_ =	sdelay $0x1  }
0x9f: {  	s19 =	simm.s32 $_scs_section_size  }
0xa0: {  	s6 =	simm.s32 $_size__tile_overlayer_lowered;
	s7 =	simm.s32 $_tile_overlayer_lowered  }
0xa1: {  	s22 =	simm.s32 $0x1BFF;
	s21 =	sshll.u32 s7, $0x1;
	s4 =	sadd.s32 s19, s18  }
0xa2: {  	s8 =	simm.s32 $0x0;
	s20 =	sshll.u32 s6, $0x1;
	s6 =	sadd.s32 s21, s4  }
0xa3: {  	[timem:s8], [sflag:s22] =	dma.local [hbm:s6], s20  }
0xa4: {  	_ =	swait.ge [sflag:s22], s20  }
0xa5: {  	s5 =	ssub.s32 $0x0, s20;
	[sflag:s22] =	ssyncset.done $0x0  }
0xa6: {  	[sflag:s22] =	ssyncadd.s32 s5;
	_ =	sdelay $0x1  }
0xa7: {  	s23 =	simm.s32 $0x1B8B  }
0xa8: {  	_ =	swait.ge [sflag:s23], $0x1  }
0xa9: {  	[sflag:s23] =	ssyncset.done $0x0  }
0xaa: {  	s25 =	simm.s32 $0x1B8E;
	s24 =	sld [smem:$0x3FFE];
	[sflag:s23] =	ssyncadd.s32 $0xFFFFFFFF  }
0xab: {  	s26 =	simm.s32 $execute0_lowered;
	[smem:$0x3FD2] =	sst s25  }
0xac: {  	s6 =	sshll.u32 s26, $0x1;
	_ =	strace $0x80000046;
	[dreg:$0x1] =	wrdreg $0xFFFFFFFF  }
0xad: {  	s28 =	simm.s32 $_size_execute0_lowered;
	s4 =	sadd.s32 s4, s6;
	[dreg:$0x0] =	wrdreg $0x0  }
0xae: {  	s6 =	sshll.u32 s28, $0x1;
	[dreg:$0x2] =	wrdreg s4  }
0xaf: {  	[dreg:$0x3] =	wrdreg s6  }
0xb0: {  	[dreg:$0x4] =	wrdreg $0xC0  }
0xb1: {  	_ =	task [dreg:s8], $0x5FFFF  }
0xb2: {  	[dreg:$0x1] =	wrdreg $0xFFFFFFFF  }
0xb3: {  	[dreg:$0x0] =	wrdreg $0x60  }
0xb4: {  	[dreg:$0x2] =	wrdreg s15  }
0xb5: {  	[dreg:$0x3] =	wrdreg s24  }
0xb6: {  	[dreg:$0x4] =	wrdreg s16  }
0xb7: {  	[dreg:$0x5] =	wrdreg $0xB0000  }
0xb8: {  	[dreg:$0x6] =	wrdreg $0x9  }
0xb9: {  	_ =	task.clear_ibuf [dreg:s8], $0x7FFFF;
	_ =	strace $0x90000046  }
0xba: {  	s29 =	simm.s32 $0x9;
	_ =	strace $0x80000048  }
0xbb: {  	_ =	swait.ge [sflag:s29], $0x1  }
0xbc: {  	[sflag:s29] =	ssyncadd.s32 $0xFFFFFFFF  }
0xbd: {  	_ =	strace $0x90000048  }
0xbe: {  	_ =	sfence  }
0xbf: {  	s30 =	sld [smem:$0x0];
	_ =	sdelay $0x2  }
0xc0: {  	s31 =	sshll.u32 s1, $0xD;
	s1 =	sshrl.u32 s1, $0x2  }
0xc1: {  	s3 =	sand.u32 $0x4000, s31;
	s1 =	sadd.s32 s1, s30  }
0xc2: {  	s0 =	sor.u32 s3, s0;
	s1 =	sshll.u32 s1, $0x11  }
0xc3: {  	s0 =	sor.u32 s1, s0  }
0xc4: {  	s0 =	sadd.s32 $0x8F2B, s0  }
0xc5: {  	[sflag:s0] =	ssyncadd.remote.s32 $0x1  }
0xc6: {  	_ =	sfence.sel $0xFFFF  }
0xc7: {  	[dreg:$0x0] =	wrdreg $0xFFFFFFFF;
	(pc) =	sbr.abs _section_cstart, $3  }
0xc8: {  	[dreg:$0x1] =	wrdreg $0xFFFFFFFF  }
0xc9: {  	_ =	task.clear_ibuf [dreg:s8], $0x2FFFF;
	_ =	strace $0x9FFFFFFF  }
0xca: {  	(tm) =	ssettm $0x7FFFFFFF  }
0xcb: {  	_ =	shalt  }
tec
execute0_lowered:
.L_overlay_start_1:
0x0: {  	(tag) =	ssettag $0x1  }
0x1: {  	s1 =	rddreg [dreg:$0x0]  }
0x2: {  	s0 =	rddreg [dreg:$0x1]  }
0x3: {  	s3 =	rddreg [dreg:$0x2]  }
0x4: {  	s2 =	rddreg [dreg:$0x3];
	s4 =	simm.s32 $0x0  }
0x5: {  	s25 =	srdreg.scid;
	s11 =	stileid.u32;
	s15 =	simm.s32 $0x7  }
0x6: {  	s17 =	simm.s32 $0x50;
	s18 =	simm.s32 $0x1000;
	s20 =	simm.s32 $0x3800  }
0x7: {  	s22 =	simm.s32 $0x6000;
	s24 =	simm.s32 $0x8800;
	s30 =	simm.s32 $0x2  }
0x8: {  	s16 =	simm.s32 $0x6;
	s12 =	simm.s32 $0xB00;
	s13 =	simm.s32 $0xD80  }
0x9: {  	s14 =	simm.s32 $0xF00;
	s23 =	simm.s32 $0x0;
	[smem:$0x7FF] =	sst s4  }
0xa: {  	s4 =	sand.u32 $0x1, s25;
	s6 =	smul.u32 $0x4F000, s11;
	s5 =	sadd.s32 $0x4400, s0  }
0xb: {  	s0 =	sadd.s32 $0x24400, s0;
	s9 =	sshll.u32 s11, $0xF;
	s10 =	smul.u32 $0x13C00, s11  }
0xc: {  	s28 =	sshll.u32 s11, $0x6;
	s25 =	simm.s32 $0x800;
	_ =	strace $0x80000047  }
0xd: {  	[dreg:$0x5] =	wrdreg s0;
	s26 =	ssub.s32 $0x2, s4;
	s8 =	smul.u32 $0x13C000, s4  }
0xe: {  	s4 =	sshll.u32 s4, $0x13;
	s19 =	sor.u32 $0x1C07, s28;
	s7 =	sshrl.u32 s26, $0x1  }
0xf: {  	s6 =	sshrl.u32 s6, $0x2;
	[dreg:$0x6] =	wrdreg s19;
	s0 =	ssub.s32 s26, s7  }
0x10: {  	s6 =	sadd.s32 s6, s2;
	s7 =	sor.u32 s9, s4;
	s8 =	sadd.s32 s10, s8  }
0x11: {  	s26 =	simm.s32 $0x1;
	s10 =	simm.s32 $0x4;
	s4 =	simm.s32 $0xF80  }
0x12: {  	s9 =	sshrl.u32 s7, $0x3;
	s29 =	sshrl.u32 s8, $0x3;
	s0 =	smax.u32 s0, $0x1  }
.Ltmp0:
0x13: {  	s21 =	sshrl.u32 s6, $0x3;
	[dreg:$0xa] =	wrdreg s0;
	(pc) =	sbr.rel .LBB2_1-.Ltmp0, $4  }
0x14: {  	s11 =	sor.u32 $0x800, s7;
	s9 =	sadd.s32 s5, s9;
	[dreg:$0xb] =	wrdreg s21  }
0x15: {  	s6 =	simm.s32 $0xD00;
	s3 =	sadd.s32 s3, s29;
	[dreg:$0x7] =	wrdreg s9  }
0x16: {  	s8 =	simm.s32 $0xE00;
	s31 =	sadd.s32 $0x100, s9;
	[dreg:$0x9] =	wrdreg s3  }
0x17: {  	s3 =	simm.s32 $0x3;
	s9 =	simm.s32 $0xB80;
	[dreg:$0x8] =	wrdreg s31  }
.LBB2_4:
0x18: {  	_ =	swait.ge [sflag:s10], $0x2800  }
0x19: {  	[sflag:s10] =	ssyncset.done $0x0  }
0x1a: {  	[sflag:s10] =	ssyncadd.s32 $0xFFFFD800  }
0x1b: {  	[spmem:s2] =	stream.indirect.scatter.add.f32 [tilespmem:s24], [sflag:$0x7], $0x80, s4, s17, $0xb8;
	[tilespmem:$0x1EC00] =	vst v63  }
0x1c: {  	_ =	swait.ge [sflag:s15], $0x2800  }
0x1d: {  	[sflag:s15] =	ssyncset.done $0x0  }
0x1e: {  	[sflag:s15] =	ssyncadd.s32 $0xFFFFD800  }
0x1f: {  	[bflag:$0x0] =	sbarrier.arrive $0xFFFF  }
0x20: {  	s19 =	rddreg [dreg:$0x6]  }
0x21: {  	s0 =	rddreg [dreg:$0x9]  }
0x22: {  	s21 =	rddreg [dreg:$0xb]  }
0x23: {  	[hbm:s0], [sflag:s19] =	dma.local [spmem:s21], $0x2780  }
0x24: {  	_ =	swait.ge [sflag:s15], $0x2780  }
0x25: {  	s23 =	rddreg [dreg:$0xc]  }
0x26: {  	s31 =	rddreg [dreg:$0xa];
	s23 =	sadd.s32 $0x1, s23  }
0x27: {  	p0 =	sne.s32 s23, s31  }
.Ltmp1:
0x28: {  	_ = 	snop;
	(pc) =	sbr.rel @!p0 .LBB2_5-.Ltmp1, $3  }
0x29: {  	_ =	sdelay $0x1  }
0x2a: {  	[sflag:s15] =	ssyncset.done $0x0  }
0x2b: {  	[sflag:s15] =	ssyncadd.s32 $0xFFFFD880  }
.LBB2_1:
0x2c: {  	[dreg:$0xc] =	wrdreg s23  }
0x2d: {  	s0 =	rddreg [dreg:$0x5]  }
0x2e: {  	[spmem:s21], [sflag:s19] =	dma.local [hbm:s0], $0x2780  }
0x2f: {  	_ =	swait.ge [sflag:s15], $0x2780  }
0x30: {  	[sflag:s15] =	ssyncset.done $0x0  }
0x31: {  	[sflag:s15] =	ssyncadd.s32 $0xFFFFD880  }
0x32: {  	[bflag:$0x0] =	sbarrier.arrive $0xFFFF  }
0x33: {  	s0 =	simm.s32 $0x0;
	s21 =	simm.s32 $0x5;
	s31 =	rddreg [dreg:$0x7]  }
0x34: {  	[tilespmem:s0], [sflag:$0x5] =	stream.linear.gather [hbm4b:s31+s0], $0x800, $0x38;
	[tilespmem:$0x1EC00] =	vst v63  }
0x35: {  	_ =	swait.ge [sflag:s21], $0x800  }
0x36: {  	[sflag:s21] =	ssyncset.done $0x0  }
0x37: {  	[sflag:s21] =	ssyncadd.s32 $0xFFFFF800  }
0x38: {  	[tilespmem:s18], [sflag:$0x1] =	stream.indirect.gather [hbm4b:s1+s17], $0x80, s0, s17, $0xb8;
	[tilespmem:$0x1EC00] =	vst v63  }
0x39: {  	s23 =	simm.s32 $0x80  }
0x3a: {  	[tilespmem:s20], [sflag:$0x2] =	stream.indirect.gather [hbm4b:s1+s17], $0x80, s23, s17, $0xb8;
	[tilespmem:$0x1EC00] =	vst v63  }
0x3b: {  	s28 =	simm.s32 $0x100  }
0x3c: {  	[tilespmem:s22], [sflag:$0x3] =	stream.indirect.gather [hbm4b:s1+s17], $0x80, s28, s17, $0xb8;
	[tilespmem:$0x1EC00] =	vst v63  }
0x3d: {  	s29 =	simm.s32 $0x180  }
0x3e: {  	[tilespmem:s24], [sflag:$0x4] =	stream.indirect.gather [hbm4b:s1+s17], $0x80, s29, s17, $0xb8;
	[tilespmem:$0x1EC00] =	vst v63  }
0x3f: {  	s19 =	simm.s32 $0x0;
	s31 =	rddreg [dreg:$0x8];
	s21 =	simm.s32 $0x0  }
0x40: {  	[tilespmem:s25], [sflag:$0x6] =	stream.linear.gather [hbm4b:s31+s0], $0x800, $0x38;
	[tilespmem:$0x1EC00] =	vst v63  }
.LBB2_2:
0x41: {  	_ =	swait.ge [sflag:s26], $0x2800  }
0x42: {  	[sflag:s26] =	ssyncset.done $0x0  }
0x43: {  	s0 =	simm.s32 $0x400;
	[sflag:s26] =	ssyncadd.s32 $0xFFFFD800  }
0x44: {  	[spmem:s2] =	stream.indirect.scatter.add.f32 [tilespmem:s18], [sflag:$0x7], $0x80, s0, s17, $0xb8;
	[tilespmem:$0x1EC00] =	vst v63  }
0x45: {  	_ =	swait.ge [sflag:s15], $0x2800  }
0x46: {  	[sflag:s15] =	ssyncset.done $0x0  }
0x47: {  	s29 =	simm.s32 $0x200;
	[sflag:s15] =	ssyncadd.s32 $0xFFFFD800  }
0x48: {  	[tilespmem:s18], [sflag:$0x1] =	stream.indirect.gather [hbm4b:s1+s17], $0x80, s29, s17, $0xb8;
	[tilespmem:$0x1EC00] =	vst v63  }
0x49: {  	_ =	swait.ge [sflag:s30], $0x2800  }
0x4a: {  	[sflag:s30] =	ssyncset.done $0x0  }
0x4b: {  	s31 =	simm.s32 $0x480;
	[sflag:s30] =	ssyncadd.s32 $0xFFFFD800  }
0x4c: {  	[spmem:s2] =	stream.indirect.scatter.add.f32 [tilespmem:s20], [sflag:$0x7], $0x80, s31, s17, $0xb8;
	[tilespmem:$0x1EC00] =	vst v63  }
0x4d: {  	_ =	swait.ge [sflag:s15], $0x2800  }
0x4e: {  	[sflag:s15] =	ssyncset.done $0x0  }
0x4f: {  	s23 =	simm.s32 $0x280;
	[sflag:s15] =	ssyncadd.s32 $0xFFFFD800  }
0x50: {  	[tilespmem:s20], [sflag:$0x2] =	stream.indirect.gather [hbm4b:s1+s17], $0x80, s23, s17, $0xb8;
	[tilespmem:$0x1EC00] =	vst v63  }
0x51: {  	_ =	swait.ge [sflag:s3], $0x2800  }
0x52: {  	[sflag:s3] =	ssyncset.done $0x0  }
0x53: {  	s28 =	simm.s32 $0x500;
	[sflag:s3] =	ssyncadd.s32 $0xFFFFD800  }
0x54: {  	[spmem:s2] =	stream.indirect.scatter.add.f32 [tilespmem:s22], [sflag:$0x7], $0x80, s28, s17, $0xb8;
	[tilespmem:$0x1EC00] =	vst v63  }
0x55: {  	_ =	swait.ge [sflag:s15], $0x2800  }
0x56: {  	[sflag:s15] =	ssyncset.done $0x0  }
0x57: {  	s29 =	simm.s32 $0x300;
	[sflag:s15] =	ssyncadd.s32 $0xFFFFD800  }
0x58: {  	[tilespmem:s22], [sflag:$0x3] =	stream.indirect.gather [hbm4b:s1+s17], $0x80, s29, s17, $0xb8;
	[tilespmem:$0x1EC00] =	vst v63  }
0x59: {  	_ =	swait.ge [sflag:s10], $0x2800  }
0x5a: {  	[sflag:s10] =	ssyncset.done $0x0  }
0x5b: {  	s31 =	simm.s32 $0x580;
	[sflag:s10] =	ssyncadd.s32 $0xFFFFD800  }
0x5c: {  	[spmem:s2] =	stream.indirect.scatter.add.f32 [tilespmem:s24], [sflag:$0x7], $0x80, s31, s17, $0xb8;
	[tilespmem:$0x1EC00] =	vst v63  }
0x5d: {  	_ =	swait.ge [sflag:s15], $0x2800  }
0x5e: {  	[sflag:s15] =	ssyncset.done $0x0  }
0x5f: {  	s23 =	simm.s32 $0x380;
	[sflag:s15] =	ssyncadd.s32 $0xFFFFD800  }
0x60: {  	[tilespmem:s24], [sflag:$0x4] =	stream.indirect.gather [hbm4b:s1+s17], $0x80, s23, s17, $0xb8;
	[tilespmem:$0x1EC00] =	vst v63  }
0x61: {  	_ =	swait.ge [sflag:s26], $0x2800  }
0x62: {  	[sflag:s26] =	ssyncset.done $0x0  }
0x63: {  	s28 =	simm.s32 $0x600;
	[sflag:s26] =	ssyncadd.s32 $0xFFFFD800  }
0x64: {  	[spmem:s2] =	stream.indirect.scatter.add.f32 [tilespmem:s18], [sflag:$0x7], $0x80, s28, s17, $0xb8;
	[tilespmem:$0x1EC00] =	vst v63  }
0x65: {  	_ =	swait.ge [sflag:s15], $0x2800  }
0x66: {  	[sflag:s15] =	ssyncset.done $0x0  }
0x67: {  	[sflag:s15] =	ssyncadd.s32 $0xFFFFD800  }
0x68: {  	_ =	swait.ge [sflag:s16], $0x800  }
0x69: {  	[sflag:s16] =	ssyncset.done $0x0  }
0x6a: {  	[sflag:s16] =	ssyncadd.s32 $0xFFFFF800  }
0x6b: {  	[tilespmem:s18], [sflag:$0x1] =	stream.indirect.gather [hbm4b:s1+s17], $0x80, s25, s17, $0xb8;
	[tilespmem:$0x1EC00] =	vst v63  }
0x6c: {  	_ =	swait.ge [sflag:s30], $0x2800  }
0x6d: {  	[sflag:s30] =	ssyncset.done $0x0  }
0x6e: {  	s29 =	simm.s32 $0x680;
	[sflag:s30] =	ssyncadd.s32 $0xFFFFD800  }
0x6f: {  	[spmem:s2] =	stream.indirect.scatter.add.f32 [tilespmem:s20], [sflag:$0x7], $0x80, s29, s17, $0xb8;
	[tilespmem:$0x1EC00] =	vst v63  }
0x70: {  	_ =	swait.ge [sflag:s15], $0x2800  }
0x71: {  	[sflag:s15] =	ssyncset.done $0x0  }
0x72: {  	s31 =	simm.s32 $0x880;
	[sflag:s15] =	ssyncadd.s32 $0xFFFFD800  }
0x73: {  	[tilespmem:s20], [sflag:$0x2] =	stream.indirect.gather [hbm4b:s1+s17], $0x80, s31, s17, $0xb8;
	[tilespmem:$0x1EC00] =	vst v63  }
0x74: {  	_ =	swait.ge [sflag:s3], $0x2800  }
0x75: {  	[sflag:s3] =	ssyncset.done $0x0  }
0x76: {  	s23 =	simm.s32 $0x700;
	[sflag:s3] =	ssyncadd.s32 $0xFFFFD800  }
0x77: {  	[spmem:s2] =	stream.indirect.scatter.add.f32 [tilespmem:s22], [sflag:$0x7], $0x80, s23, s17, $0xb8;
	[tilespmem:$0x1EC00] =	vst v63  }
0x78: {  	_ =	swait.ge [sflag:s15], $0x2800  }
0x79: {  	[sflag:s15] =	ssyncset.done $0x0  }
0x7a: {  	s28 =	simm.s32 $0x900;
	[sflag:s15] =	ssyncadd.s32 $0xFFFFD800  }
0x7b: {  	[tilespmem:s22], [sflag:$0x3] =	stream.indirect.gather [hbm4b:s1+s17], $0x80, s28, s17, $0xb8;
	[tilespmem:$0x1EC00] =	vst v63  }
0x7c: {  	_ =	swait.ge [sflag:s10], $0x2800  }
0x7d: {  	p0 =	seq.s32 s21, $0xE;
	s23 =	smin.u32 s21, $0xD;
	[sflag:s10] =	ssyncset.done $0x0  }
0x7e: {  	s29 =	simm.s32 $0x780;
	s23 =	sadd.s32 $0x2, s23;
	[sflag:s10] =	ssyncadd.s32 $0xFFFFD800  }
0x7f: {  	[spmem:s2] =	stream.indirect.scatter.add.f32 [tilespmem:s24], [sflag:$0x7], $0x80, s29, s17, $0xb8;
	[tilespmem:$0x1EC00] =	vst v63  }
0x80: {  	s28 =	sshll.u32 @!p0 s23, $0xB;
	_ =	swait.ge [sflag:s15], $0x2800  }
0x81: {  	s28 =	sadd.s32 @!p0 s7, s28;
	[sflag:s15] =	ssyncset.done $0x0  }
0x82: {  	s31 =	simm.s32 $0x980;
	s28 =	sshrl.u32 @!p0 s28, $0x3;
	[sflag:s15] =	ssyncadd.s32 $0xFFFFD800  }
0x83: {  	[tilespmem:s24], [sflag:$0x4] =	stream.indirect.gather [hbm4b:s1+s17], $0x80, s31, s17, $0xb8;
	[tilespmem:$0x1EC00] =	vst v63  }
0x84: {  	s28 =	sadd.s32 @!p0 s5, s28;
	s29 =	simm.s32 @!p0 $0x0  }
0x85: {  	[tilespmem:s29], [sflag:$0x5] =	stream.linear.gather @!p0 [hbm4b:s28+s29], $0x800, $0x38;
	[tilespmem:$0x1EC00] =	vst v63  }
0x86: {  	_ =	swait.ge [sflag:s26], $0x2800  }
0x87: {  	[sflag:s26] =	ssyncset.done $0x0  }
0x88: {  	s28 =	simm.s32 $0xC00;
	[sflag:s26] =	ssyncadd.s32 $0xFFFFD800  }
0x89: {  	[spmem:s2] =	stream.indirect.scatter.add.f32 [tilespmem:s18], [sflag:$0x7], $0x80, s28, s17, $0xb8;
	[tilespmem:$0x1EC00] =	vst v63  }
0x8a: {  	_ =	swait.ge [sflag:s15], $0x2800  }
0x8b: {  	[sflag:s15] =	ssyncset.done $0x0  }
0x8c: {  	s31 =	simm.s32 $0xA00;
	[sflag:s15] =	ssyncadd.s32 $0xFFFFD800  }
0x8d: {  	[tilespmem:s18], [sflag:$0x1] =	stream.indirect.gather [hbm4b:s1+s17], $0x80, s31, s17, $0xb8;
	[tilespmem:$0x1EC00] =	vst v63  }
0x8e: {  	_ =	swait.ge [sflag:s30], $0x2800  }
0x8f: {  	[sflag:s30] =	ssyncset.done $0x0  }
0x90: {  	s28 =	simm.s32 $0xC80;
	[sflag:s30] =	ssyncadd.s32 $0xFFFFD800  }
0x91: {  	[spmem:s2] =	stream.indirect.scatter.add.f32 [tilespmem:s20], [sflag:$0x7], $0x80, s28, s17, $0xb8;
	[tilespmem:$0x1EC00] =	vst v63  }
0x92: {  	_ =	swait.ge [sflag:s15], $0x2800  }
0x93: {  	[sflag:s15] =	ssyncset.done $0x0  }
0x94: {  	s31 =	simm.s32 $0xA80;
	[sflag:s15] =	ssyncadd.s32 $0xFFFFD800  }
0x95: {  	[tilespmem:s20], [sflag:$0x2] =	stream.indirect.gather [hbm4b:s1+s17], $0x80, s31, s17, $0xb8;
	[tilespmem:$0x1EC00] =	vst v63  }
0x96: {  	_ =	swait.ge [sflag:s3], $0x2800  }
0x97: {  	[sflag:s3] =	ssyncset.done $0x0  }
0x98: {  	[sflag:s3] =	ssyncadd.s32 $0xFFFFD800  }
0x99: {  	[spmem:s2] =	stream.indirect.scatter.add.f32 [tilespmem:s22], [sflag:$0x7], $0x80, s6, s17, $0xb8;
	[tilespmem:$0x1EC00] =	vst v63  }
0x9a: {  	_ =	swait.ge [sflag:s15], $0x2800  }
0x9b: {  	[sflag:s15] =	ssyncset.done $0x0  }
0x9c: {  	[sflag:s15] =	ssyncadd.s32 $0xFFFFD800  }
0x9d: {  	[tilespmem:s22], [sflag:$0x3] =	stream.indirect.gather [hbm4b:s1+s17], $0x80, s12, s17, $0xb8;
	[tilespmem:$0x1EC00] =	vst v63  }
0x9e: {  	_ =	swait.ge [sflag:s10], $0x2800  }
0x9f: {  	[sflag:s10] =	ssyncset.done $0x0  }
0xa0: {  	[sflag:s10] =	ssyncadd.s32 $0xFFFFD800  }
0xa1: {  	[spmem:s2] =	stream.indirect.scatter.add.f32 [tilespmem:s24], [sflag:$0x7], $0x80, s13, s17, $0xb8;
	[tilespmem:$0x1EC00] =	vst v63  }
0xa2: {  	_ =	swait.ge [sflag:s15], $0x2800  }
0xa3: {  	[sflag:s15] =	ssyncset.done $0x0  }
0xa4: {  	[sflag:s15] =	ssyncadd.s32 $0xFFFFD800  }
0xa5: {  	[tilespmem:s24], [sflag:$0x4] =	stream.indirect.gather [hbm4b:s1+s17], $0x80, s9, s17, $0xb8;
	[tilespmem:$0x1EC00] =	vst v63  }
0xa6: {  	_ =	swait.ge [sflag:s26], $0x2800  }
0xa7: {  	[sflag:s26] =	ssyncset.done $0x0  }
0xa8: {  	[sflag:s26] =	ssyncadd.s32 $0xFFFFD800  }
0xa9: {  	[spmem:s2] =	stream.indirect.scatter.add.f32 [tilespmem:s18], [sflag:$0x7], $0x80, s8, s17, $0xb8;
	[tilespmem:$0x1EC00] =	vst v63  }
0xaa: {  	_ =	swait.ge [sflag:s15], $0x2800  }
0xab: {  	[sflag:s15] =	ssyncset.done $0x0  }
0xac: {  	s28 =	simm.s32 @p0 $0x2;
	[sflag:s15] =	ssyncadd.s32 $0xFFFFD800  }
0xad: {  	_ =	swait.ge @p0 [sflag:s28], $0x2800  }
0xae: {  	s0 =	simm.s32 @p0 $0x3800;
	[sflag:s28] =	ssyncset.done @p0 $0x0  }
0xaf: {  	s31 =	simm.s32 @p0 $0xE80;
	[sflag:s28] =	ssyncadd.s32 @p0 $0xFFFFD800;
	s28 =	simm.s32 @p0 $0x50  }
0xb0: {  	[spmem:s2] =	stream.indirect.scatter.add.f32 @p0 [tilespmem:s0], [sflag:$0x7], $0x80, s31, s28, $0xb8;
	[tilespmem:$0x1EC00] =	vst v63  }
0xb1: {  	s0 =	simm.s32 @p0 $0x7  }
0xb2: {  	_ =	swait.ge @p0 [sflag:s0], $0x2800  }
0xb3: {  	[sflag:s0] =	ssyncset.done @p0 $0x0  }
0xb4: {  	[sflag:s0] =	ssyncadd.s32 @p0 $0xFFFFD800;
	s0 =	simm.s32 @!p0 $0x5  }
0xb5: {  	_ =	swait.ge @!p0 [sflag:s0], $0x800  }
0xb6: {  	[sflag:s0] =	ssyncset.done @!p0 $0x0  }
0xb7: {  	s28 =	simm.s32 @!p0 $0x1000;
	[sflag:s0] =	ssyncadd.s32 @!p0 $0xFFFFF800;
	s0 =	simm.s32 @!p0 $0x50  }
0xb8: {  	[tilespmem:s28], [sflag:$0x1] =	stream.indirect.gather @!p0 [hbm4b:s1+s0], $0x80, s29, s0, $0xb8;
	[tilespmem:$0x1EC00] =	vst v63  }
0xb9: {  	s28 =	simm.s32 @!p0 $0x2  }
0xba: {  	_ =	swait.ge @!p0 [sflag:s28], $0x2800  }
0xbb: {  	[sflag:s28] =	ssyncset.done @!p0 $0x0  }
0xbc: {  	s29 =	simm.s32 @!p0 $0x3800;
	[sflag:s28] =	ssyncadd.s32 @!p0 $0xFFFFD800;
	s28 =	simm.s32 @!p0 $0xE80  }
0xbd: {  	[spmem:s2] =	stream.indirect.scatter.add.f32 @!p0 [tilespmem:s29], [sflag:$0x7], $0x80, s28, s0, $0xb8;
	[tilespmem:$0x1EC00] =	vst v63  }
0xbe: {  	s28 =	simm.s32 @!p0 $0x7  }
0xbf: {  	_ =	swait.ge @!p0 [sflag:s28], $0x2800  }
0xc0: {  	[sflag:s28] =	ssyncset.done @!p0 $0x0  }
0xc1: {  	[sflag:s28] =	ssyncadd.s32 @!p0 $0xFFFFD800;
	s28 =	simm.s32 @!p0 $0x80  }
0xc2: {  	[tilespmem:s29], [sflag:$0x2] =	stream.indirect.gather @!p0 [hbm4b:s1+s0], $0x80, s28, s0, $0xb8;
	[tilespmem:$0x1EC00] =	vst v63  }
0xc3: {  	_ =	swait.ge [sflag:s3], $0x2800  }
0xc4: {  	[sflag:s3] =	ssyncset.done $0x0  }
.Ltmp2:
0xc5: {  	[sflag:s3] =	ssyncadd.s32 $0xFFFFD800;
	(pc) =	sbr.rel @p0 .LBB2_4-.Ltmp2, $4  }
0xc6: {  	[spmem:s2] =	stream.indirect.scatter.add.f32 [tilespmem:s22], [sflag:$0x7], $0x80, s14, s17, $0xb8;
	[tilespmem:$0x1EC00] =	vst v63  }
0xc7: {  	_ =	swait.ge [sflag:s15], $0x2800  }
0xc8: {  	[sflag:s15] =	ssyncset.done $0x0  }
0xc9: {  	[sflag:s15] =	ssyncadd.s32 $0xFFFFD800  }
0xca: {  	s0 =	simm.s32 $0x100  }
0xcb: {  	[tilespmem:s22], [sflag:$0x3] =	stream.indirect.gather [hbm4b:s1+s17], $0x80, s0, s17, $0xb8;
	[tilespmem:$0x1EC00] =	vst v63  }
0xcc: {  	_ =	swait.ge [sflag:s10], $0x2800  }
0xcd: {  	[sflag:s10] =	ssyncset.done $0x0  }
0xce: {  	[sflag:s10] =	ssyncadd.s32 $0xFFFFD800  }
0xcf: {  	[spmem:s2] =	stream.indirect.scatter.add.f32 [tilespmem:s24], [sflag:$0x7], $0x80, s4, s17, $0xb8;
	[tilespmem:$0x1EC00] =	vst v63  }
0xd0: {  	s31 =	sshll.u32 s23, $0xB;
	_ =	swait.ge [sflag:s15], $0x2800  }
.Ltmp3:
0xd1: {  	s0 =	sadd.s32 s31, s11;
	[sflag:s15] =	ssyncset.done $0x0;
	(pc) =	sbr.rel .LBB2_2-.Ltmp3, $4  }
0xd2: {  	s29 =	simm.s32 $0x180;
	s0 =	sshrl.u32 s0, $0x3;
	[sflag:s15] =	ssyncadd.s32 $0xFFFFD800  }
0xd3: {  	[tilespmem:s24], [sflag:$0x4] =	stream.indirect.gather [hbm4b:s1+s17], $0x80, s29, s17, $0xb8;
	[tilespmem:$0x1EC00] =	vst v63  }
0xd4: {  	s21 =	sadd.s32 $0x2, s21;
	s0 =	sadd.s32 s5, s0  }
0xd5: {  	[tilespmem:s25], [sflag:$0x6] =	stream.linear.gather [hbm4b:s0+s19], $0x800, $0x38;
	[tilespmem:$0x1EC00] =	vst v63  }
.LBB2_5:
0xd6: {  	_ =	sfence.sel $0x180000  }
0xd7: {  	[bflag:$0x0] =	sbarrier.arrive $0xFFFF  }
0xd8: {  	_ =	strace $0x90000047  }
0xd9: {  	s0 =	stileid.u32;
	[bflag:$0x2] =	sbarrier.arrive $0xFFFF  }
0xda: {  	p0 =	sne.s32 s0, $0x0;
	s0 =	rddreg [dreg:$0x4]  }
0xdb: {  	s0 =	sadd.s32 @!p0 $0x100000, s0  }
0xdc: {  	[sflag:s0] =	ssyncadd.tile.s32 @!p0 $0x1;
	_ =	shalt  }
.Lfunc_end2:
_tile_overlayer_lowered:
.L_overlay_start_2:
0xdd: {  	(tag) =	ssettag $0x2  }
0xde: {  	s0 =	rddreg [dreg:$0x0];
	s2 =	stileid.u32  }
0xdf: {  	s1 =	rddreg [dreg:$0x1];
	p0 =	sne.s32 s2, $0x0  }
0xe0: {  	s3 =	rddreg [dreg:$0x2];
	[bflag:$0x3] =	sbarrier.arrive $0xFFFF;
	s2 =	simm.s32 @!p0 $0x1C07  }
0xe1: {  	[timem:s3], [sflag:s2] =	dma.local @!p0 [hbm:s0], s1  }
0xe2: {  	s0 =	simm.s32 @!p0 $0x7  }
0xe3: {  	_ =	swait.ge @!p0 [sflag:s0], s1  }
0xe4: {  	s1 =	ssub.s32 @!p0 $0x0, s1;
	[sflag:s0] =	ssyncset.done @!p0 $0x0  }
0xe5: {  	[sflag:s0] =	ssyncadd.s32 @!p0 s1  }
0xe6: {  	[bflag:$0x3] =	sbarrier.arrive $0xFFFF  }
0xe7: {  	_ =	shalt  }

</sc_bundles>
